<compile_context>
chip_gen: v7x
topology: tpu7x:2x2x1
jax: 0.10.2.dev20260603
libtpu: 0.0.44.dev20260713+nightly
codegen_flags: <defaults>
</compile_context>

<pallas_src>
import functools

import jax
import jax.numpy as jnp
from jax import lax
from jax.experimental import pallas as pl
from jax.experimental.pallas import tpu as pltpu
from jax.experimental.pallas import tpu_sc as plsc

N_NODES = 10000
N_EDGES = 320000
D = 128
R = 144
NEG = 0.2
NC, NS = 2, 16
NW = NC * NS
EPT = N_EDGES // NW
B = 40
NCHUNK = EPT // B
RPT = N_NODES // NS
ZR = 125


def _sc_pass(x_l, x_r, ei, att_flat):
    mesh = plsc.VectorSubcoreMesh(core_axis_name="c", subcore_axis_name="s",
                                  num_cores=NC, num_subcores=NS)

    @functools.partial(
        pl.kernel,
        out_type=jax.ShapeDtypeStruct((NC, N_NODES, R), jnp.float32),
        mesh=mesh,
        compiler_params=pltpu.CompilerParams(use_tc_tiling_on_sc=False,
                                             needs_layout_passes=False),
        scratch_types=[
            pltpu.VMEM((2, B), jnp.int32),
            pltpu.VMEM((2, B), jnp.int32),
            pltpu.VMEM((B, D), jnp.float32),
            pltpu.VMEM((B, D), jnp.float32),
            pltpu.VMEM((B, D), jnp.float32),
            pltpu.VMEM((B, D), jnp.float32),
            pltpu.VMEM((B, R), jnp.float32),
            pltpu.VMEM((B, R), jnp.float32),
            pltpu.VMEM((B,), jnp.int32),
            pltpu.VMEM((B,), jnp.int32),
            pltpu.VMEM((D,), jnp.float32),
            pltpu.VMEM_SHARED((N_NODES, R), jnp.float32),
            pltpu.SemaphoreType.DMA,
            pltpu.SemaphoreType.DMA,
            pltpu.SemaphoreType.DMA,
            pltpu.SemaphoreType.DMA,
            pltpu.SemaphoreType.DMA,
            pltpu.SemaphoreType.DMA,
            pltpu.SemaphoreType.DMA,
            pltpu.SemaphoreType.DMA,
        ],
    )
    def body(xl_hbm, xr_hbm, ei_hbm, att_hbm, out_hbm,
             idxA, idxB, xiA, xjA, xiB, xjB, uA, uB,
             dscA, dscB, att_v, acc_sh,
             semIA, semIB, semA0, semA1, semB0, semB1, semSA, semSB):
        c = lax.axis_index("c")
        s = lax.axis_index("s")
        wid = c * NS + s
        ebase = wid * EPT

        pltpu.sync_copy(att_hbm, att_v)

        def zrow(r, carry):
            for k in range(R // 16):
                uA[r, pl.ds(k * 16, 16)] = jnp.zeros((16,), jnp.float32)
            return carry
        lax.fori_loop(0, B, zrow, 0)
        row0 = s * RPT
        for z in range(RPT // B):
            pltpu.sync_copy(uA, acc_sh.at[pl.ds(row0 + z * B, B)])
        rem = RPT - (RPT // B) * B
        if rem:
            pltpu.sync_copy(uA.at[pl.ds(0, rem)],
                            acc_sh.at[pl.ds(row0 + (RPT // B) * B, rem)])
        plsc.subcore_barrier()

        atts = [att_v[pl.ds(k * 16, 16)] for k in range(D // 16)]
        lanes = lax.iota(jnp.int32, 16)
        is_lane0 = lanes == 0

        def fetch_idx(ci, idx_v, semI):
            base = ebase + ci * B
            pltpu.async_copy(ei_hbm.at[:, pl.ds(base, B)], idx_v, semI)

        def wait_idx(ci, idx_v, semI):
            base = ebase + ci * B
            pltpu.make_async_copy(ei_hbm.at[:, pl.ds(base, B)], idx_v,
                                  semI).wait()

        H1 = 24
        H2 = B - H1

        def start_gathers(idx_v, xi_v, xj_v, sem0, sem1):
            pltpu.async_copy(xl_hbm.at[idx_v.at[0, pl.ds(0, H1)]],
                             xi_v.at[pl.ds(0, H1)], sem0)
            pltpu.async_copy(xr_hbm.at[idx_v.at[1, pl.ds(0, H1)]],
                             xj_v.at[pl.ds(0, H1)], sem1)
            pltpu.async_copy(xl_hbm.at[idx_v.at[0, pl.ds(H1, H2)]],
                             xi_v.at[pl.ds(H1, H2)], sem0)
            pltpu.async_copy(xr_hbm.at[idx_v.at[1, pl.ds(H1, H2)]],
                             xj_v.at[pl.ds(H1, H2)], sem1)

        def wait_gathers(idx_v, xi_v, xj_v, sem0, sem1):
            pltpu.make_async_copy(xl_hbm.at[idx_v.at[0, pl.ds(0, H1)]],
                                  xi_v.at[pl.ds(0, H1)], sem0).wait()
            pltpu.make_async_copy(xr_hbm.at[idx_v.at[1, pl.ds(0, H1)]],
                                  xj_v.at[pl.ds(0, H1)], sem1).wait()
            pltpu.make_async_copy(xl_hbm.at[idx_v.at[0, pl.ds(H1, H2)]],
                                  xi_v.at[pl.ds(H1, H2)], sem0).wait()
            pltpu.make_async_copy(xr_hbm.at[idx_v.at[1, pl.ds(H1, H2)]],
                                  xj_v.at[pl.ds(H1, H2)], sem1).wait()

        def compute(xi_v, xj_v, u_v):
            def edge(e, ecarry):
                acc = jnp.zeros((16,), jnp.float32)
                xik = []
                for k in range(D // 16):
                    xi = xi_v[e, pl.ds(k * 16, 16)]
                    xj = xj_v[e, pl.ds(k * 16, 16)]
                    v = xi + xj
                    lr = jnp.maximum(v, NEG * v)
                    acc = acc + lr * atts[k]
                    xik.append(xi)
                p = jnp.exp(jnp.broadcast_to(jnp.sum(acc), (16,)))
                for k in range(D // 16):
                    u_v[e, pl.ds(k * 16, 16)] = p * xik[k]
                u_v[e, pl.ds(D, 16)] = jnp.where(is_lane0, p, 0.0)
                return ecarry
            lax.fori_loop(0, B, edge, 0, unroll=2)

        bufA = (idxA, xiA, xjA, uA, dscA, semIA, semA0, semA1, semSA)
        bufB = (idxB, xiB, xjB, uB, dscB, semIB, semB0, semB1, semSB)

        def wait_scatter(u_v, dsc_v, semS):
            pltpu.make_async_copy(u_v, acc_sh.at[dsc_v], semS).wait()

        def run_chunk(ci, cur, nxt, fetch2, gather1, first):
            idx_c, xi_c, xj_c, u_c, dsc_c, sI_c, s0_c, s1_c, sS_c = cur
            idx_n, xi_n, xj_n, u_n, dsc_n, sI_n, s0_n, s1_n, sS_n = nxt
            wait_gathers(idx_c, xi_c, xj_c, s0_c, s1_c)
            if not first:
                wait_scatter(u_c, dsc_c, sS_c)
            for t in (0, 16, B - 16):
                dsc_c[pl.ds(t, 16)] = idx_c[1, pl.ds(t, 16)]
            if fetch2:
                fetch_idx(ci + 2, idx_c, sI_c)
            if gather1:
                wait_idx(ci + 1, idx_n, sI_n)
                start_gathers(idx_n, xi_n, xj_n, s0_n, s1_n)
            compute(xi_c, xj_c, u_c)
            pltpu.async_copy(u_c, acc_sh.at[dsc_c], sS_c, add=True)

        fetch_idx(0, idxA, semIA)
        fetch_idx(1, idxB, semIB)
        wait_idx(0, idxA, semIA)
        start_gathers(idxA, xiA, xjA, semA0, semA1)

        run_chunk(0, bufA, bufB, True, True, True)
        run_chunk(1, bufB, bufA, True, True, True)

        def pair(k, carry):
            run_chunk(2 * k, bufA, bufB, True, True, False)
            run_chunk(2 * k + 1, bufB, bufA, True, True, False)
            return carry
        lax.fori_loop(1, NCHUNK // 2 - 1, pair, 0)
        run_chunk(NCHUNK - 2, bufA, bufB, False, True, False)
        run_chunk(NCHUNK - 1, bufB, bufA, False, False, False)
        wait_scatter(uA, dscA, semSA)
        wait_scatter(uB, dscB, semSB)

        plsc.subcore_barrier()
        for z in range(RPT // ZR):
            r0 = s * RPT + z * ZR
            pltpu.sync_copy(acc_sh.at[pl.ds(r0, ZR)],
                            out_hbm.at[c, pl.ds(r0, ZR)])

    return body(x_l, x_r, ei, att_flat)


def _tc_matmul(x, W_l, W_r):
    BM = 1000

    def mm(x_ref, wl_ref, wr_ref, xl_ref, xr_ref):
        xb = x_ref[...]
        xl_ref[...] = jnp.dot(xb, wl_ref[...], preferred_element_type=jnp.float32)
        xr_ref[...] = jnp.dot(xb, wr_ref[...], preferred_element_type=jnp.float32)

    return pl.pallas_call(
        mm,
        grid=(N_NODES // BM,),
        in_specs=[pl.BlockSpec((BM, D), lambda i: (i, 0)),
                  pl.BlockSpec((D, D), lambda i: (0, 0)),
                  pl.BlockSpec((D, D), lambda i: (0, 0))],
        out_specs=[pl.BlockSpec((BM, D), lambda i: (i, 0)),
                   pl.BlockSpec((BM, D), lambda i: (i, 0))],
        out_shape=[jax.ShapeDtypeStruct((N_NODES, D), jnp.float32)] * 2,
    )(x, W_l, W_r)


def _tc_finalize(partials, bias2d):
    BM = 1000

    def fin(p_ref, b_ref, o_ref):
        u = p_ref[0] + p_ref[1]
        denom = u[:, D:D + 1] + 1e-16
        o_ref[...] = u[:, :D] / denom + b_ref[...]

    return pl.pallas_call(
        fin,
        grid=(N_NODES // BM,),
        in_specs=[pl.BlockSpec((2, BM, R), lambda i: (0, i, 0)),
                  pl.BlockSpec((1, D), lambda i: (0, 0))],
        out_specs=pl.BlockSpec((BM, D), lambda i: (i, 0)),
        out_shape=jax.ShapeDtypeStruct((N_NODES, D), jnp.float32),
    )(partials, bias2d)


def kernel(x, edge_index, W_l, W_r, att, bias):
    ei = edge_index.astype(jnp.int32)
    x_l, x_r = _tc_matmul(x, W_l, W_r)
    partials = _sc_pass(x_l, x_r, ei, att.reshape(D))
    return _tc_finalize(partials, bias.reshape(1, D))

# --- scband reference (transcript-rebuilt; emitter-appended) ---
"""Pipeline reference for scband-gatv2-conv-56908316672629 (READ-ONLY COPY).

The authoritative reference and input builder live on the scoring server;
editing this copy changes nothing except your own understanding.
"""

import jax, jax.numpy as jnp
import numpy as np

N_NODES = 10000
N_EDGES = 320000
D_IN = 128
D_OUT = 128
HEADS = 1
NEG_SLOPE = 0.2


def setup_inputs(seed: int = 0) -> dict:
    key = jax.random.key(seed)
    k1, k2, k3, k4, k5 = jax.random.split(key, 5)
    x = jax.random.normal(k1, (N_NODES, D_IN), dtype=jnp.float32)
    edge_index = jax.random.randint(k2, (2, N_EDGES), 0, N_NODES).astype(jnp.int64)
    # GATv2Conv parameters (PyG defaults: heads=1, concat=True, share_weights=False, bias=True)
    W_l = jax.random.normal(k3, (D_IN, HEADS * D_OUT), dtype=jnp.float32) * 0.05  # lin_l (source nodes)
    W_r = jax.random.normal(k4, (D_IN, HEADS * D_OUT), dtype=jnp.float32) * 0.05  # lin_r (target nodes)
    att = jax.random.normal(k5, (HEADS, D_OUT), dtype=jnp.float32) * 0.05
    bias = jnp.zeros((HEADS * D_OUT,), dtype=jnp.float32)
    return {"x": x, "edge_index": edge_index, "W_l": W_l, "W_r": W_r, "att": att, "bias": bias}


def reference(x, edge_index, W_l, W_r, att, bias):
    N = x.shape[0]
    H = att.shape[0]
    d_out = att.shape[1]
    src = edge_index[0]
    dst = edge_index[1]
    # GATv2: x_l from lin_l used for source/messages, x_r from lin_r used for target
    x_l = (x @ W_l).reshape(N, H, d_out)
    x_r = (x @ W_r).reshape(N, H, d_out)
    x_j = jnp.take(x_l, src, axis=0)  # [E, H, d_out] source features (messages)
    x_i = jnp.take(x_r, dst, axis=0)  # [E, H, d_out] target features
    e = jax.nn.leaky_relu(x_i + x_j, negative_slope=NEG_SLOPE)
    logits = jnp.sum(e * att[None, :, :], axis=-1)  # [E, H]
    # segment softmax over edges grouped by destination node
    m = jax.ops.segment_max(logits, dst, num_segments=N)  # [N, H]
    m = jnp.where(jnp.isfinite(m), m, 0.0)
    ex = jnp.exp(logits - jnp.take(m, dst, axis=0))
    denom = jax.ops.segment_sum(ex, dst, num_segments=N)  # [N, H]
    alpha = ex / (jnp.take(denom, dst, axis=0) + 1e-16)  # [E, H]
    out = jax.ops.segment_sum(alpha[:, :, None] * x_j, dst, num_segments=N)  # [N, H, d_out]
    out = out.reshape(N, H * d_out) + bias
    return out

if __name__ == "__main__":
    import jax
    _d = setup_inputs()
    print(jax.jit(kernel)(*tuple(_d.values())))

</pallas_src>

<mosaic_0001>
#map = affine_map<(d0, d1) -> (0, 0)>
#map1 = affine_map<(d0, d1) -> (0)>
#map2 = affine_map<(d0, d1) -> (0, 0, 0)>
module attributes {stable_mosaic.version = 14 : i64} {
  func.func @body(%arg0: i32, %arg1: i32, %arg2: memref<10000x128xf32, #tpu.memory_space<hbm>>, %arg3: memref<10000x128xf32, #tpu.memory_space<hbm>>, %arg4: memref<2x320000xi32, #tpu.memory_space<hbm>>, %arg5: memref<128xf32, #tpu.memory_space<hbm>>, %arg6: memref<2x10000x144xf32, #tpu.memory_space<hbm>>, %arg7: memref<2x40xi32, #tpu.memory_space<vmem>>, %arg8: memref<2x40xi32, #tpu.memory_space<vmem>>, %arg9: memref<40x128xf32, #tpu.memory_space<vmem>>, %arg10: memref<40x128xf32, #tpu.memory_space<vmem>>, %arg11: memref<40x128xf32, #tpu.memory_space<vmem>>, %arg12: memref<40x128xf32, #tpu.memory_space<vmem>>, %arg13: memref<40x144xf32, #tpu.memory_space<vmem>>, %arg14: memref<40x144xf32, #tpu.memory_space<vmem>>, %arg15: memref<40xi32, #tpu.memory_space<vmem>>, %arg16: memref<40xi32, #tpu.memory_space<vmem>>, %arg17: memref<128xf32, #tpu.memory_space<vmem>>, %arg18: memref<10000x144xf32, #tpu.memory_space<vmem_shared>>, %arg19: memref<!tpu.dma_semaphore, #tpu.memory_space<semaphore_mem>>, %arg20: memref<!tpu.dma_semaphore, #tpu.memory_space<semaphore_mem>>, %arg21: memref<!tpu.dma_semaphore, #tpu.memory_space<semaphore_mem>>, %arg22: memref<!tpu.dma_semaphore, #tpu.memory_space<semaphore_mem>>, %arg23: memref<!tpu.dma_semaphore, #tpu.memory_space<semaphore_mem>>, %arg24: memref<!tpu.dma_semaphore, #tpu.memory_space<semaphore_mem>>, %arg25: memref<!tpu.dma_semaphore, #tpu.memory_space<semaphore_mem>>, %arg26: memref<!tpu.dma_semaphore, #tpu.memory_space<semaphore_mem>>) attributes {dimension_semantics = [#tpu.dimension_semantics<core_parallel>, #tpu.dimension_semantics<subcore_parallel>], iteration_bounds = array<i64: 2, 16>, scalar_prefetch = 0 : i64, scratch_operands = 20 : i64, tpu.core_type = #tpu.core_type<sc_vector_subcore>, window_params = [{transform_indices = #map}, {transform_indices = #map}, {transform_indices = #map}, {transform_indices = #map1}, {transform_indices = #map2}]} {
    %mul3A = arith.constant 16 : i32
    %mul3A_0 = arith.muli %arg0, %mul3A : i32
    %add3A = arith.addi %mul3A_0, %arg1 : i32
    %mul3A_1 = arith.constant 10000 : i32
    %mul3A_2 = arith.muli %add3A, %mul3A_1 : i32
    "tpu.region"() ({
      %run_scoped3A = tpu.sem_alloc : memref<!tpu.dma_semaphore, #tpu.memory_space<semaphore_mem>>
      tpu.enqueue_dma source(%arg5 : memref<128xf32, #tpu.memory_space<hbm>>) target(%arg17 : memref<128xf32, #tpu.memory_space<vmem>>) target_semaphore(%run_scoped3A : memref<!tpu.dma_semaphore, #tpu.memory_space<semaphore_mem>>)
      tpu.wait_dma2 semaphore(%run_scoped3A : memref<!tpu.dma_semaphore, #tpu.memory_space<semaphore_mem>>) src(%arg5 : memref<128xf32, #tpu.memory_space<hbm>>) dst(%arg17 : memref<128xf32, #tpu.memory_space<vmem>>)
      tpu.yield
    }) : () -> ()
    %scan3A = arith.constant 0 : i32
    %scan3A_3 = arith.constant 0 : i32
    %scan3A_4 = arith.constant 40 : i32
    %scan3A_5 = arith.addi %scan3A_3, %scan3A_4 : i32
    %scan3A_6 = arith.constant 1 : i32
    scf.for %scan3A_571 = %scan3A_3 to %scan3A_5 step %scan3A_6  : i32 {
      %broadcast_in_dim3A = arith.constant 0.000000e+00 : f32
      %broadcast_in_dim3A_572 = vector.broadcast %broadcast_in_dim3A : f32 to vector<16xf32>
      %swap3A_573 = arith.index_cast %scan3A_571 : i32 to index
      %swap3A_574 = arith.constant 0 : index
      %swap3A_575 = tpu.vector_load %arg13[%swap3A_573, %swap3A_574] {strides = array<i32>} : memref<40x144xf32, #tpu.memory_space<vmem>>, vector<16xf32>,
      tpu.vector_store %arg13[%swap3A_573, %swap3A_574], %broadcast_in_dim3A_572 {strides = array<i32>} : memref<40x144xf32, #tpu.memory_space<vmem>>, vector<16xf32>,
      %broadcast_in_dim3A_576 = arith.constant 0.000000e+00 : f32
      %broadcast_in_dim3A_577 = vector.broadcast %broadcast_in_dim3A_576 : f32 to vector<16xf32>
      %swap3A_578 = arith.index_cast %scan3A_571 : i32 to index
      %swap3A_579 = arith.constant 16 : index
      %swap3A_580 = tpu.vector_load %arg13[%swap3A_578, %swap3A_579] {strides = array<i32>} : memref<40x144xf32, #tpu.memory_space<vmem>>, vector<16xf32>,
      tpu.vector_store %arg13[%swap3A_578, %swap3A_579], %broadcast_in_dim3A_577 {strides = array<i32>} : memref<40x144xf32, #tpu.memory_space<vmem>>, vector<16xf32>,
      %broadcast_in_dim3A_581 = arith.constant 0.000000e+00 : f32
      %broadcast_in_dim3A_582 = vector.broadcast %broadcast_in_dim3A_581 : f32 to vector<16xf32>
      %swap3A_583 = arith.index_cast %scan3A_571 : i32 to index
      %swap3A_584 = arith.constant 32 : index
      %swap3A_585 = tpu.vector_load %arg13[%swap3A_583, %swap3A_584] {strides = array<i32>} : memref<40x144xf32, #tpu.memory_space<vmem>>, vector<16xf32>,
      tpu.vector_store %arg13[%swap3A_583, %swap3A_584], %broadcast_in_dim3A_582 {strides = array<i32>} : memref<40x144xf32, #tpu.memory_space<vmem>>, vector<16xf32>,
      %broadcast_in_dim3A_586 = arith.constant 0.000000e+00 : f32
      %broadcast_in_dim3A_587 = vector.broadcast %broadcast_in_dim3A_586 : f32 to vector<16xf32>
      %swap3A_588 = arith.index_cast %scan3A_571 : i32 to index
      %swap3A_589 = arith.constant 48 : index
      %swap3A_590 = tpu.vector_load %arg13[%swap3A_588, %swap3A_589] {strides = array<i32>} : memref<40x144xf32, #tpu.memory_space<vmem>>, vector<16xf32>,
      tpu.vector_store %arg13[%swap3A_588, %swap3A_589], %broadcast_in_dim3A_587 {strides = array<i32>} : memref<40x144xf32, #tpu.memory_space<vmem>>, vector<16xf32>,
      %broadcast_in_dim3A_591 = arith.constant 0.000000e+00 : f32
      %broadcast_in_dim3A_592 = vector.broadcast %broadcast_in_dim3A_591 : f32 to vector<16xf32>
      %swap3A_593 = arith.index_cast %scan3A_571 : i32 to index
      %swap3A_594 = arith.constant 64 : index
      %swap3A_595 = tpu.vector_load %arg13[%swap3A_593, %swap3A_594] {strides = array<i32>} : memref<40x144xf32, #tpu.memory_space<vmem>>, vector<16xf32>,
      tpu.vector_store %arg13[%swap3A_593, %swap3A_594], %broadcast_in_dim3A_592 {strides = array<i32>} : memref<40x144xf32, #tpu.memory_space<vmem>>, vector<16xf32>,
      %broadcast_in_dim3A_596 = arith.constant 0.000000e+00 : f32
      %broadcast_in_dim3A_597 = vector.broadcast %broadcast_in_dim3A_596 : f32 to vector<16xf32>
      %swap3A_598 = arith.index_cast %scan3A_571 : i32 to index
      %swap3A_599 = arith.constant 80 : index
      %swap3A_600 = tpu.vector_load %arg13[%swap3A_598, %swap3A_599] {strides = array<i32>} : memref<40x144xf32, #tpu.memory_space<vmem>>, vector<16xf32>,
      tpu.vector_store %arg13[%swap3A_598, %swap3A_599], %broadcast_in_dim3A_597 {strides = array<i32>} : memref<40x144xf32, #tpu.memory_space<vmem>>, vector<16xf32>,
      %broadcast_in_dim3A_601 = arith.constant 0.000000e+00 : f32
      %broadcast_in_dim3A_602 = vector.broadcast %broadcast_in_dim3A_601 : f32 to vector<16xf32>
      %swap3A_603 = arith.index_cast %scan3A_571 : i32 to index
      %swap3A_604 = arith.constant 96 : index
      %swap3A_605 = tpu.vector_load %arg13[%swap3A_603, %swap3A_604] {strides = array<i32>} : memref<40x144xf32, #tpu.memory_space<vmem>>, vector<16xf32>,
      tpu.vector_store %arg13[%swap3A_603, %swap3A_604], %broadcast_in_dim3A_602 {strides = array<i32>} : memref<40x144xf32, #tpu.memory_space<vmem>>, vector<16xf32>,
      %broadcast_in_dim3A_606 = arith.constant 0.000000e+00 : f32
      %broadcast_in_dim3A_607 = vector.broadcast %broadcast_in_dim3A_606 : f32 to vector<16xf32>
      %swap3A_608 = arith.index_cast %scan3A_571 : i32 to index
      %swap3A_609 = arith.constant 112 : index
      %swap3A_610 = tpu.vector_load %arg13[%swap3A_608, %swap3A_609] {strides = array<i32>} : memref<40x144xf32, #tpu.memory_space<vmem>>, vector<16xf32>,
      tpu.vector_store %arg13[%swap3A_608, %swap3A_609], %broadcast_in_dim3A_607 {strides = array<i32>} : memref<40x144xf32, #tpu.memory_space<vmem>>, vector<16xf32>,
      %broadcast_in_dim3A_611 = arith.constant 0.000000e+00 : f32
      %broadcast_in_dim3A_612 = vector.broadcast %broadcast_in_dim3A_611 : f32 to vector<16xf32>
      %swap3A_613 = arith.index_cast %scan3A_571 : i32 to index
      %swap3A_614 = arith.constant 128 : index
      %swap3A_615 = tpu.vector_load %arg13[%swap3A_613, %swap3A_614] {strides = array<i32>} : memref<40x144xf32, #tpu.memory_space<vmem>>, vector<16xf32>,
      tpu.vector_store %arg13[%swap3A_613, %swap3A_614], %broadcast_in_dim3A_612 {strides = array<i32>} : memref<40x144xf32, #tpu.memory_space<vmem>>, vector<16xf32>,
    }
    %scan3A_7 = arith.constant 40 : i32
    %mul3A_8 = arith.constant 625 : i32
    %mul3A_9 = arith.muli %arg1, %mul3A_8 : i32
    %add3A_10 = arith.constant 0 : i32
    %add3A_11 = arith.addi %mul3A_9, %add3A_10 : i32
    "tpu.region"() ({
      %run_scoped3A = tpu.sem_alloc : memref<!tpu.dma_semaphore, #tpu.memory_space<semaphore_mem>>
      %dma_start3A_571 = arith.constant 0 : i32
      %dma_start3A_572 = tpu.memref_slice %arg18[%add3A_11, %dma_start3A_571] : memref<10000x144xf32, #tpu.memory_space<vmem_shared>> -> memref<40x144xf32, #tpu.memory_space<vmem_shared>>
      %dma_start3A_573 = arith.constant 0 : i32
      %dma_start3A_574 = tpu.memref_slice %arg18[%add3A_11, %dma_start3A_573] : memref<10000x144xf32, #tpu.memory_space<vmem_shared>> -> memref<40x144xf32, #tpu.memory_space<vmem_shared>>
      tpu.enqueue_dma source(%arg13 : memref<40x144xf32, #tpu.memory_space<vmem>>) target(%dma_start3A_574 : memref<40x144xf32, #tpu.memory_space<vmem_shared>>) target_semaphore(%run_scoped3A : memref<!tpu.dma_semaphore, #tpu.memory_space<semaphore_mem>>)
      %dma_wait3A_575 = arith.constant 0 : i32
      %dma_wait3A_576 = tpu.memref_slice %arg18[%add3A_11, %dma_wait3A_575] : memref<10000x144xf32, #tpu.memory_space<vmem_shared>> -> memref<40x144xf32, #tpu.memory_space<vmem_shared>>
      %dma_wait3A_577 = arith.constant 0 : i32
      %dma_wait3A_578 = tpu.memref_slice %arg18[%add3A_11, %dma_wait3A_577] : memref<10000x144xf32, #tpu.memory_space<vmem_shared>> -> memref<40x144xf32, #tpu.memory_space<vmem_shared>>
      tpu.wait_dma2 semaphore(%run_scoped3A : memref<!tpu.dma_semaphore, #tpu.memory_space<semaphore_mem>>) src(%arg13 : memref<40x144xf32, #tpu.memory_space<vmem>>) dst(%dma_wait3A_578 : memref<40x144xf32, #tpu.memory_space<vmem_shared>>)
      tpu.yield
    }) : () -> ()
    %add3A_12 = arith.constant 40 : i32
    %add3A_13 = arith.addi %mul3A_9, %add3A_12 : i32
    "tpu.region"() ({
      %run_scoped3A = tpu.sem_alloc : memref<!tpu.dma_semaphore, #tpu.memory_space<semaphore_mem>>
      %dma_start3A_571 = arith.constant 0 : i32
      %dma_start3A_572 = tpu.memref_slice %arg18[%add3A_13, %dma_start3A_571] : memref<10000x144xf32, #tpu.memory_space<vmem_shared>> -> memref<40x144xf32, #tpu.memory_space<vmem_shared>>
      %dma_start3A_573 = arith.constant 0 : i32
      %dma_start3A_574 = tpu.memref_slice %arg18[%add3A_13, %dma_start3A_573] : memref<10000x144xf32, #tpu.memory_space<vmem_shared>> -> memref<40x144xf32, #tpu.memory_space<vmem_shared>>
      tpu.enqueue_dma source(%arg13 : memref<40x144xf32, #tpu.memory_space<vmem>>) target(%dma_start3A_574 : memref<40x144xf32, #tpu.memory_space<vmem_shared>>) target_semaphore(%run_scoped3A : memref<!tpu.dma_semaphore, #tpu.memory_space<semaphore_mem>>)
      %dma_wait3A_575 = arith.constant 0 : i32
      %dma_wait3A_576 = tpu.memref_slice %arg18[%add3A_13, %dma_wait3A_575] : memref<10000x144xf32, #tpu.memory_space<vmem_shared>> -> memref<40x144xf32, #tpu.memory_space<vmem_shared>>
      %dma_wait3A_577 = arith.constant 0 : i32
      %dma_wait3A_578 = tpu.memref_slice %arg18[%add3A_13, %dma_wait3A_577] : memref<10000x144xf32, #tpu.memory_space<vmem_shared>> -> memref<40x144xf32, #tpu.memory_space<vmem_shared>>
      tpu.wait_dma2 semaphore(%run_scoped3A : memref<!tpu.dma_semaphore, #tpu.memory_space<semaphore_mem>>) src(%arg13 : memref<40x144xf32, #tpu.memory_space<vmem>>) dst(%dma_wait3A_578 : memref<40x144xf32, #tpu.memory_space<vmem_shared>>)
      tpu.yield
    }) : () -> ()
    %add3A_14 = arith.constant 80 : i32
    %add3A_15 = arith.addi %mul3A_9, %add3A_14 : i32
    "tpu.region"() ({
      %run_scoped3A = tpu.sem_alloc : memref<!tpu.dma_semaphore, #tpu.memory_space<semaphore_mem>>
      %dma_start3A_571 = arith.constant 0 : i32
      %dma_start3A_572 = tpu.memref_slice %arg18[%add3A_15, %dma_start3A_571] : memref<10000x144xf32, #tpu.memory_space<vmem_shared>> -> memref<40x144xf32, #tpu.memory_space<vmem_shared>>
      %dma_start3A_573 = arith.constant 0 : i32
      %dma_start3A_574 = tpu.memref_slice %arg18[%add3A_15, %dma_start3A_573] : memref<10000x144xf32, #tpu.memory_space<vmem_shared>> -> memref<40x144xf32, #tpu.memory_space<vmem_shared>>
      tpu.enqueue_dma source(%arg13 : memref<40x144xf32, #tpu.memory_space<vmem>>) target(%dma_start3A_574 : memref<40x144xf32, #tpu.memory_space<vmem_shared>>) target_semaphore(%run_scoped3A : memref<!tpu.dma_semaphore, #tpu.memory_space<semaphore_mem>>)
      %dma_wait3A_575 = arith.constant 0 : i32
      %dma_wait3A_576 = tpu.memref_slice %arg18[%add3A_15, %dma_wait3A_575] : memref<10000x144xf32, #tpu.memory_space<vmem_shared>> -> memref<40x144xf32, #tpu.memory_space<vmem_shared>>
      %dma_wait3A_577 = arith.constant 0 : i32
      %dma_wait3A_578 = tpu.memref_slice %arg18[%add3A_15, %dma_wait3A_577] : memref<10000x144xf32, #tpu.memory_space<vmem_shared>> -> memref<40x144xf32, #tpu.memory_space<vmem_shared>>
      tpu.wait_dma2 semaphore(%run_scoped3A : memref<!tpu.dma_semaphore, #tpu.memory_space<semaphore_mem>>) src(%arg13 : memref<40x144xf32, #tpu.memory_space<vmem>>) dst(%dma_wait3A_578 : memref<40x144xf32, #tpu.memory_space<vmem_shared>>)
      tpu.yield
    }) : () -> ()
    %add3A_16 = arith.constant 120 : i32
    %add3A_17 = arith.addi %mul3A_9, %add3A_16 : i32
    "tpu.region"() ({
      %run_scoped3A = tpu.sem_alloc : memref<!tpu.dma_semaphore, #tpu.memory_space<semaphore_mem>>
      %dma_start3A_571 = arith.constant 0 : i32
      %dma_start3A_572 = tpu.memref_slice %arg18[%add3A_17, %dma_start3A_571] : memref<10000x144xf32, #tpu.memory_space<vmem_shared>> -> memref<40x144xf32, #tpu.memory_space<vmem_shared>>
      %dma_start3A_573 = arith.constant 0 : i32
      %dma_start3A_574 = tpu.memref_slice %arg18[%add3A_17, %dma_start3A_573] : memref<10000x144xf32, #tpu.memory_space<vmem_shared>> -> memref<40x144xf32, #tpu.memory_space<vmem_shared>>
      tpu.enqueue_dma source(%arg13 : memref<40x144xf32, #tpu.memory_space<vmem>>) target(%dma_start3A_574 : memref<40x144xf32, #tpu.memory_space<vmem_shared>>) target_semaphore(%run_scoped3A : memref<!tpu.dma_semaphore, #tpu.memory_space<semaphore_mem>>)
      %dma_wait3A_575 = arith.constant 0 : i32
      %dma_wait3A_576 = tpu.memref_slice %arg18[%add3A_17, %dma_wait3A_575] : memref<10000x144xf32, #tpu.memory_space<vmem_shared>> -> memref<40x144xf32, #tpu.memory_space<vmem_shared>>
      %dma_wait3A_577 = arith.constant 0 : i32
      %dma_wait3A_578 = tpu.memref_slice %arg18[%add3A_17, %dma_wait3A_577] : memref<10000x144xf32, #tpu.memory_space<vmem_shared>> -> memref<40x144xf32, #tpu.memory_space<vmem_shared>>
      tpu.wait_dma2 semaphore(%run_scoped3A : memref<!tpu.dma_semaphore, #tpu.memory_space<semaphore_mem>>) src(%arg13 : memref<40x144xf32, #tpu.memory_space<vmem>>) dst(%dma_wait3A_578 : memref<40x144xf32, #tpu.memory_space<vmem_shared>>)
      tpu.yield
    }) : () -> ()
    %add3A_18 = arith.constant 160 : i32
    %add3A_19 = arith.addi %mul3A_9, %add3A_18 : i32
    "tpu.region"() ({
      %run_scoped3A = tpu.sem_alloc : memref<!tpu.dma_semaphore, #tpu.memory_space<semaphore_mem>>
      %dma_start3A_571 = arith.constant 0 : i32
      %dma_start3A_572 = tpu.memref_slice %arg18[%add3A_19, %dma_start3A_571] : memref<10000x144xf32, #tpu.memory_space<vmem_shared>> -> memref<40x144xf32, #tpu.memory_space<vmem_shared>>
      %dma_start3A_573 = arith.constant 0 : i32
      %dma_start3A_574 = tpu.memref_slice %arg18[%add3A_19, %dma_start3A_573] : memref<10000x144xf32, #tpu.memory_space<vmem_shared>> -> memref<40x144xf32, #tpu.memory_space<vmem_shared>>
      tpu.enqueue_dma source(%arg13 : memref<40x144xf32, #tpu.memory_space<vmem>>) target(%dma_start3A_574 : memref<40x144xf32, #tpu.memory_space<vmem_shared>>) target_semaphore(%run_scoped3A : memref<!tpu.dma_semaphore, #tpu.memory_space<semaphore_mem>>)
      %dma_wait3A_575 = arith.constant 0 : i32
      %dma_wait3A_576 = tpu.memref_slice %arg18[%add3A_19, %dma_wait3A_575] : memref<10000x144xf32, #tpu.memory_space<vmem_shared>> -> memref<40x144xf32, #tpu.memory_space<vmem_shared>>
      %dma_wait3A_577 = arith.constant 0 : i32
      %dma_wait3A_578 = tpu.memref_slice %arg18[%add3A_19, %dma_wait3A_577] : memref<10000x144xf32, #tpu.memory_space<vmem_shared>> -> memref<40x144xf32, #tpu.memory_space<vmem_shared>>
      tpu.wait_dma2 semaphore(%run_scoped3A : memref<!tpu.dma_semaphore, #tpu.memory_space<semaphore_mem>>) src(%arg13 : memref<40x144xf32, #tpu.memory_space<vmem>>) dst(%dma_wait3A_578 : memref<40x144xf32, #tpu.memory_space<vmem_shared>>)
      tpu.yield
    }) : () -> ()
    %add3A_20 = arith.constant 200 : i32
    %add3A_21 = arith.addi %mul3A_9, %add3A_20 : i32
    "tpu.region"() ({
      %run_scoped3A = tpu.sem_alloc : memref<!tpu.dma_semaphore, #tpu.memory_space<semaphore_mem>>
      %dma_start3A_571 = arith.constant 0 : i32
      %dma_start3A_572 = tpu.memref_slice %arg18[%add3A_21, %dma_start3A_571] : memref<10000x144xf32, #tpu.memory_space<vmem_shared>> -> memref<40x144xf32, #tpu.memory_space<vmem_shared>>
      %dma_start3A_573 = arith.constant 0 : i32
      %dma_start3A_574 = tpu.memref_slice %arg18[%add3A_21, %dma_start3A_573] : memref<10000x144xf32, #tpu.memory_space<vmem_shared>> -> memref<40x144xf32, #tpu.memory_space<vmem_shared>>
      tpu.enqueue_dma source(%arg13 : memref<40x144xf32, #tpu.memory_space<vmem>>) target(%dma_start3A_574 : memref<40x144xf32, #tpu.memory_space<vmem_shared>>) target_semaphore(%run_scoped3A : memref<!tpu.dma_semaphore, #tpu.memory_space<semaphore_mem>>)
      %dma_wait3A_575 = arith.constant 0 : i32
      %dma_wait3A_576 = tpu.memref_slice %arg18[%add3A_21, %dma_wait3A_575] : memref<10000x144xf32, #tpu.memory_space<vmem_shared>> -> memref<40x144xf32, #tpu.memory_space<vmem_shared>>
      %dma_wait3A_577 = arith.constant 0 : i32
      %dma_wait3A_578 = tpu.memref_slice %arg18[%add3A_21, %dma_wait3A_577] : memref<10000x144xf32, #tpu.memory_space<vmem_shared>> -> memref<40x144xf32, #tpu.memory_space<vmem_shared>>
      tpu.wait_dma2 semaphore(%run_scoped3A : memref<!tpu.dma_semaphore, #tpu.memory_space<semaphore_mem>>) src(%arg13 : memref<40x144xf32, #tpu.memory_space<vmem>>) dst(%dma_wait3A_578 : memref<40x144xf32, #tpu.memory_space<vmem_shared>>)
      tpu.yield
    }) : () -> ()
    %add3A_22 = arith.constant 240 : i32
    %add3A_23 = arith.addi %mul3A_9, %add3A_22 : i32
    "tpu.region"() ({
      %run_scoped3A = tpu.sem_alloc : memref<!tpu.dma_semaphore, #tpu.memory_space<semaphore_mem>>
      %dma_start3A_571 = arith.constant 0 : i32
      %dma_start3A_572 = tpu.memref_slice %arg18[%add3A_23, %dma_start3A_571] : memref<10000x144xf32, #tpu.memory_space<vmem_shared>> -> memref<40x144xf32, #tpu.memory_space<vmem_shared>>
      %dma_start3A_573 = arith.constant 0 : i32
      %dma_start3A_574 = tpu.memref_slice %arg18[%add3A_23, %dma_start3A_573] : memref<10000x144xf32, #tpu.memory_space<vmem_shared>> -> memref<40x144xf32, #tpu.memory_space<vmem_shared>>
      tpu.enqueue_dma source(%arg13 : memref<40x144xf32, #tpu.memory_space<vmem>>) target(%dma_start3A_574 : memref<40x144xf32, #tpu.memory_space<vmem_shared>>) target_semaphore(%run_scoped3A : memref<!tpu.dma_semaphore, #tpu.memory_space<semaphore_mem>>)
      %dma_wait3A_575 = arith.constant 0 : i32
      %dma_wait3A_576 = tpu.memref_slice %arg18[%add3A_23, %dma_wait3A_575] : memref<10000x144xf32, #tpu.memory_space<vmem_shared>> -> memref<40x144xf32, #tpu.memory_space<vmem_shared>>
      %dma_wait3A_577 = arith.constant 0 : i32
      %dma_wait3A_578 = tpu.memref_slice %arg18[%add3A_23, %dma_wait3A_577] : memref<10000x144xf32, #tpu.memory_space<vmem_shared>> -> memref<40x144xf32, #tpu.memory_space<vmem_shared>>
      tpu.wait_dma2 semaphore(%run_scoped3A : memref<!tpu.dma_semaphore, #tpu.memory_space<semaphore_mem>>) src(%arg13 : memref<40x144xf32, #tpu.memory_space<vmem>>) dst(%dma_wait3A_578 : memref<40x144xf32, #tpu.memory_space<vmem_shared>>)
      tpu.yield
    }) : () -> ()
    %add3A_24 = arith.constant 280 : i32
    %add3A_25 = arith.addi %mul3A_9, %add3A_24 : i32
    "tpu.region"() ({
      %run_scoped3A = tpu.sem_alloc : memref<!tpu.dma_semaphore, #tpu.memory_space<semaphore_mem>>
      %dma_start3A_571 = arith.constant 0 : i32
      %dma_start3A_572 = tpu.memref_slice %arg18[%add3A_25, %dma_start3A_571] : memref<10000x144xf32, #tpu.memory_space<vmem_shared>> -> memref<40x144xf32, #tpu.memory_space<vmem_shared>>
      %dma_start3A_573 = arith.constant 0 : i32
      %dma_start3A_574 = tpu.memref_slice %arg18[%add3A_25, %dma_start3A_573] : memref<10000x144xf32, #tpu.memory_space<vmem_shared>> -> memref<40x144xf32, #tpu.memory_space<vmem_shared>>
      tpu.enqueue_dma source(%arg13 : memref<40x144xf32, #tpu.memory_space<vmem>>) target(%dma_start3A_574 : memref<40x144xf32, #tpu.memory_space<vmem_shared>>) target_semaphore(%run_scoped3A : memref<!tpu.dma_semaphore, #tpu.memory_space<semaphore_mem>>)
      %dma_wait3A_575 = arith.constant 0 : i32
      %dma_wait3A_576 = tpu.memref_slice %arg18[%add3A_25, %dma_wait3A_575] : memref<10000x144xf32, #tpu.memory_space<vmem_shared>> -> memref<40x144xf32, #tpu.memory_space<vmem_shared>>
      %dma_wait3A_577 = arith.constant 0 : i32
      %dma_wait3A_578 = tpu.memref_slice %arg18[%add3A_25, %dma_wait3A_577] : memref<10000x144xf32, #tpu.memory_space<vmem_shared>> -> memref<40x144xf32, #tpu.memory_space<vmem_shared>>
      tpu.wait_dma2 semaphore(%run_scoped3A : memref<!tpu.dma_semaphore, #tpu.memory_space<semaphore_mem>>) src(%arg13 : memref<40x144xf32, #tpu.memory_space<vmem>>) dst(%dma_wait3A_578 : memref<40x144xf32, #tpu.memory_space<vmem_shared>>)
      tpu.yield
    }) : () -> ()
    %add3A_26 = arith.constant 320 : i32
    %add3A_27 = arith.addi %mul3A_9, %add3A_26 : i32
    "tpu.region"() ({
      %run_scoped3A = tpu.sem_alloc : memref<!tpu.dma_semaphore, #tpu.memory_space<semaphore_mem>>
      %dma_start3A_571 = arith.constant 0 : i32
      %dma_start3A_572 = tpu.memref_slice %arg18[%add3A_27, %dma_start3A_571] : memref<10000x144xf32, #tpu.memory_space<vmem_shared>> -> memref<40x144xf32, #tpu.memory_space<vmem_shared>>
      %dma_start3A_573 = arith.constant 0 : i32
      %dma_start3A_574 = tpu.memref_slice %arg18[%add3A_27, %dma_start3A_573] : memref<10000x144xf32, #tpu.memory_space<vmem_shared>> -> memref<40x144xf32, #tpu.memory_space<vmem_shared>>
      tpu.enqueue_dma source(%arg13 : memref<40x144xf32, #tpu.memory_space<vmem>>) target(%dma_start3A_574 : memref<40x144xf32, #tpu.memory_space<vmem_shared>>) target_semaphore(%run_scoped3A : memref<!tpu.dma_semaphore, #tpu.memory_space<semaphore_mem>>)
      %dma_wait3A_575 = arith.constant 0 : i32
      %dma_wait3A_576 = tpu.memref_slice %arg18[%add3A_27, %dma_wait3A_575] : memref<10000x144xf32, #tpu.memory_space<vmem_shared>> -> memref<40x144xf32, #tpu.memory_space<vmem_shared>>
      %dma_wait3A_577 = arith.constant 0 : i32
      %dma_wait3A_578 = tpu.memref_slice %arg18[%add3A_27, %dma_wait3A_577] : memref<10000x144xf32, #tpu.memory_space<vmem_shared>> -> memref<40x144xf32, #tpu.memory_space<vmem_shared>>
      tpu.wait_dma2 semaphore(%run_scoped3A : memref<!tpu.dma_semaphore, #tpu.memory_space<semaphore_mem>>) src(%arg13 : memref<40x144xf32, #tpu.memory_space<vmem>>) dst(%dma_wait3A_578 : memref<40x144xf32, #tpu.memory_space<vmem_shared>>)
      tpu.yield
    }) : () -> ()
    %add3A_28 = arith.constant 360 : i32
    %add3A_29 = arith.addi %mul3A_9, %add3A_28 : i32
    "tpu.region"() ({
      %run_scoped3A = tpu.sem_alloc : memref<!tpu.dma_semaphore, #tpu.memory_space<semaphore_mem>>
      %dma_start3A_571 = arith.constant 0 : i32
      %dma_start3A_572 = tpu.memref_slice %arg18[%add3A_29, %dma_start3A_571] : memref<10000x144xf32, #tpu.memory_space<vmem_shared>> -> memref<40x144xf32, #tpu.memory_space<vmem_shared>>
      %dma_start3A_573 = arith.constant 0 : i32
      %dma_start3A_574 = tpu.memref_slice %arg18[%add3A_29, %dma_start3A_573] : memref<10000x144xf32, #tpu.memory_space<vmem_shared>> -> memref<40x144xf32, #tpu.memory_space<vmem_shared>>
      tpu.enqueue_dma source(%arg13 : memref<40x144xf32, #tpu.memory_space<vmem>>) target(%dma_start3A_574 : memref<40x144xf32, #tpu.memory_space<vmem_shared>>) target_semaphore(%run_scoped3A : memref<!tpu.dma_semaphore, #tpu.memory_space<semaphore_mem>>)
      %dma_wait3A_575 = arith.constant 0 : i32
      %dma_wait3A_576 = tpu.memref_slice %arg18[%add3A_29, %dma_wait3A_575] : memref<10000x144xf32, #tpu.memory_space<vmem_shared>> -> memref<40x144xf32, #tpu.memory_space<vmem_shared>>
      %dma_wait3A_577 = arith.constant 0 : i32
      %dma_wait3A_578 = tpu.memref_slice %arg18[%add3A_29, %dma_wait3A_577] : memref<10000x144xf32, #tpu.memory_space<vmem_shared>> -> memref<40x144xf32, #tpu.memory_space<vmem_shared>>
      tpu.wait_dma2 semaphore(%run_scoped3A : memref<!tpu.dma_semaphore, #tpu.memory_space<semaphore_mem>>) src(%arg13 : memref<40x144xf32, #tpu.memory_space<vmem>>) dst(%dma_wait3A_578 : memref<40x144xf32, #tpu.memory_space<vmem_shared>>)
      tpu.yield
    }) : () -> ()
    %add3A_30 = arith.constant 400 : i32
    %add3A_31 = arith.addi %mul3A_9, %add3A_30 : i32
    "tpu.region"() ({
      %run_scoped3A = tpu.sem_alloc : memref<!tpu.dma_semaphore, #tpu.memory_space<semaphore_mem>>
      %dma_start3A_571 = arith.constant 0 : i32
      %dma_start3A_572 = tpu.memref_slice %arg18[%add3A_31, %dma_start3A_571] : memref<10000x144xf32, #tpu.memory_space<vmem_shared>> -> memref<40x144xf32, #tpu.memory_space<vmem_shared>>
      %dma_start3A_573 = arith.constant 0 : i32
      %dma_start3A_574 = tpu.memref_slice %arg18[%add3A_31, %dma_start3A_573] : memref<10000x144xf32, #tpu.memory_space<vmem_shared>> -> memref<40x144xf32, #tpu.memory_space<vmem_shared>>
      tpu.enqueue_dma source(%arg13 : memref<40x144xf32, #tpu.memory_space<vmem>>) target(%dma_start3A_574 : memref<40x144xf32, #tpu.memory_space<vmem_shared>>) target_semaphore(%run_scoped3A : memref<!tpu.dma_semaphore, #tpu.memory_space<semaphore_mem>>)
      %dma_wait3A_575 = arith.constant 0 : i32
      %dma_wait3A_576 = tpu.memref_slice %arg18[%add3A_31, %dma_wait3A_575] : memref<10000x144xf32, #tpu.memory_space<vmem_shared>> -> memref<40x144xf32, #tpu.memory_space<vmem_shared>>
      %dma_wait3A_577 = arith.constant 0 : i32
      %dma_wait3A_578 = tpu.memref_slice %arg18[%add3A_31, %dma_wait3A_577] : memref<10000x144xf32, #tpu.memory_space<vmem_shared>> -> memref<40x144xf32, #tpu.memory_space<vmem_shared>>
      tpu.wait_dma2 semaphore(%run_scoped3A : memref<!tpu.dma_semaphore, #tpu.memory_space<semaphore_mem>>) src(%arg13 : memref<40x144xf32, #tpu.memory_space<vmem>>) dst(%dma_wait3A_578 : memref<40x144xf32, #tpu.memory_space<vmem_shared>>)
      tpu.yield
    }) : () -> ()
    %add3A_32 = arith.constant 440 : i32
    %add3A_33 = arith.addi %mul3A_9, %add3A_32 : i32
    "tpu.region"() ({
      %run_scoped3A = tpu.sem_alloc : memref<!tpu.dma_semaphore, #tpu.memory_space<semaphore_mem>>
      %dma_start3A_571 = arith.constant 0 : i32
      %dma_start3A_572 = tpu.memref_slice %arg18[%add3A_33, %dma_start3A_571] : memref<10000x144xf32, #tpu.memory_space<vmem_shared>> -> memref<40x144xf32, #tpu.memory_space<vmem_shared>>
      %dma_start3A_573 = arith.constant 0 : i32
      %dma_start3A_574 = tpu.memref_slice %arg18[%add3A_33, %dma_start3A_573] : memref<10000x144xf32, #tpu.memory_space<vmem_shared>> -> memref<40x144xf32, #tpu.memory_space<vmem_shared>>
      tpu.enqueue_dma source(%arg13 : memref<40x144xf32, #tpu.memory_space<vmem>>) target(%dma_start3A_574 : memref<40x144xf32, #tpu.memory_space<vmem_shared>>) target_semaphore(%run_scoped3A : memref<!tpu.dma_semaphore, #tpu.memory_space<semaphore_mem>>)
      %dma_wait3A_575 = arith.constant 0 : i32
      %dma_wait3A_576 = tpu.memref_slice %arg18[%add3A_33, %dma_wait3A_575] : memref<10000x144xf32, #tpu.memory_space<vmem_shared>> -> memref<40x144xf32, #tpu.memory_space<vmem_shared>>
      %dma_wait3A_577 = arith.constant 0 : i32
      %dma_wait3A_578 = tpu.memref_slice %arg18[%add3A_33, %dma_wait3A_577] : memref<10000x144xf32, #tpu.memory_space<vmem_shared>> -> memref<40x144xf32, #tpu.memory_space<vmem_shared>>
      tpu.wait_dma2 semaphore(%run_scoped3A : memref<!tpu.dma_semaphore, #tpu.memory_space<semaphore_mem>>) src(%arg13 : memref<40x144xf32, #tpu.memory_space<vmem>>) dst(%dma_wait3A_578 : memref<40x144xf32, #tpu.memory_space<vmem_shared>>)
      tpu.yield
    }) : () -> ()
    %add3A_34 = arith.constant 480 : i32
    %add3A_35 = arith.addi %mul3A_9, %add3A_34 : i32
    "tpu.region"() ({
      %run_scoped3A = tpu.sem_alloc : memref<!tpu.dma_semaphore, #tpu.memory_space<semaphore_mem>>
      %dma_start3A_571 = arith.constant 0 : i32
      %dma_start3A_572 = tpu.memref_slice %arg18[%add3A_35, %dma_start3A_571] : memref<10000x144xf32, #tpu.memory_space<vmem_shared>> -> memref<40x144xf32, #tpu.memory_space<vmem_shared>>
      %dma_start3A_573 = arith.constant 0 : i32
      %dma_start3A_574 = tpu.memref_slice %arg18[%add3A_35, %dma_start3A_573] : memref<10000x144xf32, #tpu.memory_space<vmem_shared>> -> memref<40x144xf32, #tpu.memory_space<vmem_shared>>
      tpu.enqueue_dma source(%arg13 : memref<40x144xf32, #tpu.memory_space<vmem>>) target(%dma_start3A_574 : memref<40x144xf32, #tpu.memory_space<vmem_shared>>) target_semaphore(%run_scoped3A : memref<!tpu.dma_semaphore, #tpu.memory_space<semaphore_mem>>)
      %dma_wait3A_575 = arith.constant 0 : i32
      %dma_wait3A_576 = tpu.memref_slice %arg18[%add3A_35, %dma_wait3A_575] : memref<10000x144xf32, #tpu.memory_space<vmem_shared>> -> memref<40x144xf32, #tpu.memory_space<vmem_shared>>
      %dma_wait3A_577 = arith.constant 0 : i32
      %dma_wait3A_578 = tpu.memref_slice %arg18[%add3A_35, %dma_wait3A_577] : memref<10000x144xf32, #tpu.memory_space<vmem_shared>> -> memref<40x144xf32, #tpu.memory_space<vmem_shared>>
      tpu.wait_dma2 semaphore(%run_scoped3A : memref<!tpu.dma_semaphore, #tpu.memory_space<semaphore_mem>>) src(%arg13 : memref<40x144xf32, #tpu.memory_space<vmem>>) dst(%dma_wait3A_578 : memref<40x144xf32, #tpu.memory_space<vmem_shared>>)
      tpu.yield
    }) : () -> ()
    %add3A_36 = arith.constant 520 : i32
    %add3A_37 = arith.addi %mul3A_9, %add3A_36 : i32
    "tpu.region"() ({
      %run_scoped3A = tpu.sem_alloc : memref<!tpu.dma_semaphore, #tpu.memory_space<semaphore_mem>>
      %dma_start3A_571 = arith.constant 0 : i32
      %dma_start3A_572 = tpu.memref_slice %arg18[%add3A_37, %dma_start3A_571] : memref<10000x144xf32, #tpu.memory_space<vmem_shared>> -> memref<40x144xf32, #tpu.memory_space<vmem_shared>>
      %dma_start3A_573 = arith.constant 0 : i32
      %dma_start3A_574 = tpu.memref_slice %arg18[%add3A_37, %dma_start3A_573] : memref<10000x144xf32, #tpu.memory_space<vmem_shared>> -> memref<40x144xf32, #tpu.memory_space<vmem_shared>>
      tpu.enqueue_dma source(%arg13 : memref<40x144xf32, #tpu.memory_space<vmem>>) target(%dma_start3A_574 : memref<40x144xf32, #tpu.memory_space<vmem_shared>>) target_semaphore(%run_scoped3A : memref<!tpu.dma_semaphore, #tpu.memory_space<semaphore_mem>>)
      %dma_wait3A_575 = arith.constant 0 : i32
      %dma_wait3A_576 = tpu.memref_slice %arg18[%add3A_37, %dma_wait3A_575] : memref<10000x144xf32, #tpu.memory_space<vmem_shared>> -> memref<40x144xf32, #tpu.memory_space<vmem_shared>>
      %dma_wait3A_577 = arith.constant 0 : i32
      %dma_wait3A_578 = tpu.memref_slice %arg18[%add3A_37, %dma_wait3A_577] : memref<10000x144xf32, #tpu.memory_space<vmem_shared>> -> memref<40x144xf32, #tpu.memory_space<vmem_shared>>
      tpu.wait_dma2 semaphore(%run_scoped3A : memref<!tpu.dma_semaphore, #tpu.memory_space<semaphore_mem>>) src(%arg13 : memref<40x144xf32, #tpu.memory_space<vmem>>) dst(%dma_wait3A_578 : memref<40x144xf32, #tpu.memory_space<vmem_shared>>)
      tpu.yield
    }) : () -> ()
    %add3A_38 = arith.constant 560 : i32
    %add3A_39 = arith.addi %mul3A_9, %add3A_38 : i32
    "tpu.region"() ({
      %run_scoped3A = tpu.sem_alloc : memref<!tpu.dma_semaphore, #tpu.memory_space<semaphore_mem>>
      %dma_start3A_571 = arith.constant 0 : i32
      %dma_start3A_572 = tpu.memref_slice %arg18[%add3A_39, %dma_start3A_571] : memref<10000x144xf32, #tpu.memory_space<vmem_shared>> -> memref<40x144xf32, #tpu.memory_space<vmem_shared>>
      %dma_start3A_573 = arith.constant 0 : i32
      %dma_start3A_574 = tpu.memref_slice %arg18[%add3A_39, %dma_start3A_573] : memref<10000x144xf32, #tpu.memory_space<vmem_shared>> -> memref<40x144xf32, #tpu.memory_space<vmem_shared>>
      tpu.enqueue_dma source(%arg13 : memref<40x144xf32, #tpu.memory_space<vmem>>) target(%dma_start3A_574 : memref<40x144xf32, #tpu.memory_space<vmem_shared>>) target_semaphore(%run_scoped3A : memref<!tpu.dma_semaphore, #tpu.memory_space<semaphore_mem>>)
      %dma_wait3A_575 = arith.constant 0 : i32
      %dma_wait3A_576 = tpu.memref_slice %arg18[%add3A_39, %dma_wait3A_575] : memref<10000x144xf32, #tpu.memory_space<vmem_shared>> -> memref<40x144xf32, #tpu.memory_space<vmem_shared>>
      %dma_wait3A_577 = arith.constant 0 : i32
      %dma_wait3A_578 = tpu.memref_slice %arg18[%add3A_39, %dma_wait3A_577] : memref<10000x144xf32, #tpu.memory_space<vmem_shared>> -> memref<40x144xf32, #tpu.memory_space<vmem_shared>>
      tpu.wait_dma2 semaphore(%run_scoped3A : memref<!tpu.dma_semaphore, #tpu.memory_space<semaphore_mem>>) src(%arg13 : memref<40x144xf32, #tpu.memory_space<vmem>>) dst(%dma_wait3A_578 : memref<40x144xf32, #tpu.memory_space<vmem_shared>>)
      tpu.yield
    }) : () -> ()
    %add3A_40 = arith.constant 600 : i32
    %add3A_41 = arith.addi %mul3A_9, %add3A_40 : i32
    "tpu.region"() ({
      %run_scoped3A = tpu.sem_alloc : memref<!tpu.dma_semaphore, #tpu.memory_space<semaphore_mem>>
      %dma_start3A_571 = arith.constant 0 : i32
      %dma_start3A_572 = arith.constant 0 : i32
      %dma_start3A_573 = tpu.memref_slice %arg13[%dma_start3A_571, %dma_start3A_572] : memref<40x144xf32, #tpu.memory_space<vmem>> -> memref<25x144xf32, #tpu.memory_space<vmem>>
      %dma_start3A_574 = arith.constant 0 : i32
      %dma_start3A_575 = tpu.memref_slice %arg18[%add3A_41, %dma_start3A_574] : memref<10000x144xf32, #tpu.memory_space<vmem_shared>> -> memref<25x144xf32, #tpu.memory_space<vmem_shared>>
      %dma_start3A_576 = arith.constant 0 : i32
      %dma_start3A_577 = tpu.memref_slice %arg18[%add3A_41, %dma_start3A_576] : memref<10000x144xf32, #tpu.memory_space<vmem_shared>> -> memref<25x144xf32, #tpu.memory_space<vmem_shared>>
      %dma_start3A_578 = arith.constant 0 : i32
      %dma_start3A_579 = arith.constant 0 : i32
      %dma_start3A_580 = tpu.memref_slice %arg13[%dma_start3A_578, %dma_start3A_579] : memref<40x144xf32, #tpu.memory_space<vmem>> -> memref<25x144xf32, #tpu.memory_space<vmem>>
      tpu.enqueue_dma source(%dma_start3A_580 : memref<25x144xf32, #tpu.memory_space<vmem>>) target(%dma_start3A_577 : memref<25x144xf32, #tpu.memory_space<vmem_shared>>) target_semaphore(%run_scoped3A : memref<!tpu.dma_semaphore, #tpu.memory_space<semaphore_mem>>)
      %dma_wait3A_581 = arith.constant 0 : i32
      %dma_wait3A_582 = arith.constant 0 : i32
      %dma_wait3A_583 = tpu.memref_slice %arg13[%dma_wait3A_581, %dma_wait3A_582] : memref<40x144xf32, #tpu.memory_space<vmem>> -> memref<25x144xf32, #tpu.memory_space<vmem>>
      %dma_wait3A_584 = arith.constant 0 : i32
      %dma_wait3A_585 = tpu.memref_slice %arg18[%add3A_41, %dma_wait3A_584] : memref<10000x144xf32, #tpu.memory_space<vmem_shared>> -> memref<25x144xf32, #tpu.memory_space<vmem_shared>>
      %dma_wait3A_586 = arith.constant 0 : i32
      %dma_wait3A_587 = tpu.memref_slice %arg18[%add3A_41, %dma_wait3A_586] : memref<10000x144xf32, #tpu.memory_space<vmem_shared>> -> memref<25x144xf32, #tpu.memory_space<vmem_shared>>
      %dma_wait3A_588 = arith.constant 0 : i32
      %dma_wait3A_589 = arith.constant 0 : i32
      %dma_wait3A_590 = tpu.memref_slice %arg13[%dma_wait3A_588, %dma_wait3A_589] : memref<40x144xf32, #tpu.memory_space<vmem>> -> memref<25x144xf32, #tpu.memory_space<vmem>>
      tpu.wait_dma2 semaphore(%run_scoped3A : memref<!tpu.dma_semaphore, #tpu.memory_space<semaphore_mem>>) src(%dma_wait3A_590 : memref<25x144xf32, #tpu.memory_space<vmem>>) dst(%dma_wait3A_587 : memref<25x144xf32, #tpu.memory_space<vmem_shared>>)
      tpu.yield
    }) : () -> ()
    %barrier3A = arith.constant 0 : index
    tpu.barrier barrier_id(%barrier3A)
    %get3A = arith.constant 0 : index
    %get3A_42 = tpu.vector_load %arg17[%get3A] {strides = array<i32>} : memref<128xf32, #tpu.memory_space<vmem>>, vector<16xf32>,
    %get3A_43 = arith.constant 16 : index
    %get3A_44 = tpu.vector_load %arg17[%get3A_43] {strides = array<i32>} : memref<128xf32, #tpu.memory_space<vmem>>, vector<16xf32>,
    %get3A_45 = arith.constant 32 : index
    %get3A_46 = tpu.vector_load %arg17[%get3A_45] {strides = array<i32>} : memref<128xf32, #tpu.memory_space<vmem>>, vector<16xf32>,
    %get3A_47 = arith.constant 48 : index
    %get3A_48 = tpu.vector_load %arg17[%get3A_47] {strides = array<i32>} : memref<128xf32, #tpu.memory_space<vmem>>, vector<16xf32>,
    %get3A_49 = arith.constant 64 : index
    %get3A_50 = tpu.vector_load %arg17[%get3A_49] {strides = array<i32>} : memref<128xf32, #tpu.memory_space<vmem>>, vector<16xf32>,
    %get3A_51 = arith.constant 80 : index
    %get3A_52 = tpu.vector_load %arg17[%get3A_51] {strides = array<i32>} : memref<128xf32, #tpu.memory_space<vmem>>, vector<16xf32>,
    %get3A_53 = arith.constant 96 : index
    %get3A_54 = tpu.vector_load %arg17[%get3A_53] {strides = array<i32>} : memref<128xf32, #tpu.memory_space<vmem>>, vector<16xf32>,
    %get3A_55 = arith.constant 112 : index
    %get3A_56 = tpu.vector_load %arg17[%get3A_55] {strides = array<i32>} : memref<128xf32, #tpu.memory_space<vmem>>, vector<16xf32>,
    %iota3A = tpu.iota {dimensions = array<i32: 0>} : vector<16xi32>
    %eq3A = arith.constant 0 : i32
    %eq3A_57 = vector.broadcast %eq3A : i32 to vector<16xi32>
    %eq3A_58 = arith.cmpi eq, %iota3A, %eq3A_57 : vector<16xi32>
    %add3A_59 = arith.constant 0 : i32
    %add3A_60 = arith.addi %mul3A_2, %add3A_59 : i32
    %dma_start3A = arith.constant 0 : i32
    %dma_start3A_61 = tpu.memref_slice %arg4[%dma_start3A, %add3A_60] : memref<2x320000xi32, #tpu.memory_space<hbm>> -> memref<2x40xi32, #tpu.memory_space<hbm>>
    %dma_start3A_62 = arith.constant 0 : i32
    %dma_start3A_63 = tpu.memref_slice %arg4[%dma_start3A_62, %add3A_60] : memref<2x320000xi32, #tpu.memory_space<hbm>> -> memref<2x40xi32, #tpu.memory_space<hbm>>
    tpu.enqueue_dma source(%dma_start3A_63 : memref<2x40xi32, #tpu.memory_space<hbm>>) target(%arg7 : memref<2x40xi32, #tpu.memory_space<vmem>>) target_semaphore(%arg19 : memref<!tpu.dma_semaphore, #tpu.memory_space<semaphore_mem>>)
    %add3A_64 = arith.constant 40 : i32
    %add3A_65 = arith.addi %mul3A_2, %add3A_64 : i32
    %dma_start3A_66 = arith.constant 0 : i32
    %dma_start3A_67 = tpu.memref_slice %arg4[%dma_start3A_66, %add3A_65] : memref<2x320000xi32, #tpu.memory_space<hbm>> -> memref<2x40xi32, #tpu.memory_space<hbm>>
    %dma_start3A_68 = arith.constant 0 : i32
    %dma_start3A_69 = tpu.memref_slice %arg4[%dma_start3A_68, %add3A_65] : memref<2x320000xi32, #tpu.memory_space<hbm>> -> memref<2x40xi32, #tpu.memory_space<hbm>>
    tpu.enqueue_dma source(%dma_start3A_69 : memref<2x40xi32, #tpu.memory_space<hbm>>) target(%arg8 : memref<2x40xi32, #tpu.memory_space<vmem>>) target_semaphore(%arg20 : memref<!tpu.dma_semaphore, #tpu.memory_space<semaphore_mem>>)
    %add3A_70 = arith.constant 0 : i32
    %add3A_71 = arith.addi %mul3A_2, %add3A_70 : i32
    %dma_wait3A = arith.constant 0 : i32
    %dma_wait3A_72 = tpu.memref_slice %arg4[%dma_wait3A, %add3A_71] : memref<2x320000xi32, #tpu.memory_space<hbm>> -> memref<2x40xi32, #tpu.memory_space<hbm>>
    %dma_wait3A_73 = arith.constant 0 : i32
    %dma_wait3A_74 = tpu.memref_slice %arg4[%dma_wait3A_73, %add3A_71] : memref<2x320000xi32, #tpu.memory_space<hbm>> -> memref<2x40xi32, #tpu.memory_space<hbm>>
    tpu.wait_dma2 semaphore(%arg19 : memref<!tpu.dma_semaphore, #tpu.memory_space<semaphore_mem>>) src(%dma_wait3A_74 : memref<2x40xi32, #tpu.memory_space<hbm>>) dst(%arg7 : memref<2x40xi32, #tpu.memory_space<vmem>>)
    %dma_start3A_75 = arith.constant 0 : i32
    %dma_start3A_76 = arith.constant 0 : i32
    %dma_start3A_77 = arith.constant 0 : i32
    %dma_start3A_78 = tpu.memref_slice %arg9[%dma_start3A_76, %dma_start3A_77] : memref<40x128xf32, #tpu.memory_space<vmem>> -> memref<24x128xf32, #tpu.memory_space<vmem>>
    %dma_start3A_79 = arith.constant 0 : i32
    %dma_start3A_80 = tpu.memref_slice %arg7[%dma_start3A_75, %dma_start3A_79] : memref<2x40xi32, #tpu.memory_space<vmem>> -> memref<1x24xi32, #tpu.memory_space<vmem>>
    %dma_start3A_81 = tpu.memref_squeeze %dma_start3A_80 : memref<1x24xi32, #tpu.memory_space<vmem>> -> memref<24xi32, #tpu.memory_space<vmem>>
    %dma_start3A_82 = arith.constant 0 : i32
    %dma_start3A_83 = arith.constant 0 : i32
    %dma_start3A_84 = tpu.memref_slice %arg2[%dma_start3A_82, %dma_start3A_83] : memref<10000x128xf32, #tpu.memory_space<hbm>> -> memref<10000x128xf32, #tpu.memory_space<hbm>>
    tpu.enqueue_indirect_dma source(%dma_start3A_84 : memref<10000x128xf32, #tpu.memory_space<hbm>>) target(%dma_start3A_78 : memref<24x128xf32, #tpu.memory_space<vmem>>) offsets(%dma_start3A_81 : memref<24xi32, #tpu.memory_space<vmem>>) semaphore(%arg21 : memref<!tpu.dma_semaphore, #tpu.memory_space<semaphore_mem>>)
    %dma_start3A_85 = arith.constant 1 : i32
    %dma_start3A_86 = arith.constant 0 : i32
    %dma_start3A_87 = arith.constant 0 : i32
    %dma_start3A_88 = tpu.memref_slice %arg10[%dma_start3A_86, %dma_start3A_87] : memref<40x128xf32, #tpu.memory_space<vmem>> -> memref<24x128xf32, #tpu.memory_space<vmem>>
    %dma_start3A_89 = arith.constant 0 : i32
    %dma_start3A_90 = tpu.memref_slice %arg7[%dma_start3A_85, %dma_start3A_89] : memref<2x40xi32, #tpu.memory_space<vmem>> -> memref<1x24xi32, #tpu.memory_space<vmem>>
    %dma_start3A_91 = tpu.memref_squeeze %dma_start3A_90 : memref<1x24xi32, #tpu.memory_space<vmem>> -> memref<24xi32, #tpu.memory_space<vmem>>
    %dma_start3A_92 = arith.constant 0 : i32
    %dma_start3A_93 = arith.constant 0 : i32
    %dma_start3A_94 = tpu.memref_slice %arg3[%dma_start3A_92, %dma_start3A_93] : memref<10000x128xf32, #tpu.memory_space<hbm>> -> memref<10000x128xf32, #tpu.memory_space<hbm>>
    tpu.enqueue_indirect_dma source(%dma_start3A_94 : memref<10000x128xf32, #tpu.memory_space<hbm>>) target(%dma_start3A_88 : memref<24x128xf32, #tpu.memory_space<vmem>>) offsets(%dma_start3A_91 : memref<24xi32, #tpu.memory_space<vmem>>) semaphore(%arg22 : memref<!tpu.dma_semaphore, #tpu.memory_space<semaphore_mem>>)
    %dma_start3A_95 = arith.constant 0 : i32
    %dma_start3A_96 = arith.constant 24 : i32
    %dma_start3A_97 = arith.constant 0 : i32
    %dma_start3A_98 = tpu.memref_slice %arg9[%dma_start3A_96, %dma_start3A_97] : memref<40x128xf32, #tpu.memory_space<vmem>> -> memref<16x128xf32, #tpu.memory_space<vmem>>
    %dma_start3A_99 = arith.constant 24 : i32
    %dma_start3A_100 = tpu.memref_slice %arg7[%dma_start3A_95, %dma_start3A_99] : memref<2x40xi32, #tpu.memory_space<vmem>> -> memref<1x16xi32, #tpu.memory_space<vmem>>
    %dma_start3A_101 = tpu.memref_squeeze %dma_start3A_100 : memref<1x16xi32, #tpu.memory_space<vmem>> -> memref<16xi32, #tpu.memory_space<vmem>>
    %dma_start3A_102 = arith.constant 0 : i32
    %dma_start3A_103 = arith.constant 0 : i32
    %dma_start3A_104 = tpu.memref_slice %arg2[%dma_start3A_102, %dma_start3A_103] : memref<10000x128xf32, #tpu.memory_space<hbm>> -> memref<10000x128xf32, #tpu.memory_space<hbm>>
    tpu.enqueue_indirect_dma source(%dma_start3A_104 : memref<10000x128xf32, #tpu.memory_space<hbm>>) target(%dma_start3A_98 : memref<16x128xf32, #tpu.memory_space<vmem>>) offsets(%dma_start3A_101 : memref<16xi32, #tpu.memory_space<vmem>>) semaphore(%arg21 : memref<!tpu.dma_semaphore, #tpu.memory_space<semaphore_mem>>)
    %dma_start3A_105 = arith.constant 1 : i32
    %dma_start3A_106 = arith.constant 24 : i32
    %dma_start3A_107 = arith.constant 0 : i32
    %dma_start3A_108 = tpu.memref_slice %arg10[%dma_start3A_106, %dma_start3A_107] : memref<40x128xf32, #tpu.memory_space<vmem>> -> memref<16x128xf32, #tpu.memory_space<vmem>>
    %dma_start3A_109 = arith.constant 24 : i32
    %dma_start3A_110 = tpu.memref_slice %arg7[%dma_start3A_105, %dma_start3A_109] : memref<2x40xi32, #tpu.memory_space<vmem>> -> memref<1x16xi32, #tpu.memory_space<vmem>>
    %dma_start3A_111 = tpu.memref_squeeze %dma_start3A_110 : memref<1x16xi32, #tpu.memory_space<vmem>> -> memref<16xi32, #tpu.memory_space<vmem>>
    %dma_start3A_112 = arith.constant 0 : i32
    %dma_start3A_113 = arith.constant 0 : i32
    %dma_start3A_114 = tpu.memref_slice %arg3[%dma_start3A_112, %dma_start3A_113] : memref<10000x128xf32, #tpu.memory_space<hbm>> -> memref<10000x128xf32, #tpu.memory_space<hbm>>
    tpu.enqueue_indirect_dma source(%dma_start3A_114 : memref<10000x128xf32, #tpu.memory_space<hbm>>) target(%dma_start3A_108 : memref<16x128xf32, #tpu.memory_space<vmem>>) offsets(%dma_start3A_111 : memref<16xi32, #tpu.memory_space<vmem>>) semaphore(%arg22 : memref<!tpu.dma_semaphore, #tpu.memory_space<semaphore_mem>>)
    %dma_wait3A_115 = arith.constant 0 : i32
    %dma_wait3A_116 = arith.constant 0 : i32
    %dma_wait3A_117 = arith.constant 0 : i32
    %dma_wait3A_118 = tpu.memref_slice %arg9[%dma_wait3A_116, %dma_wait3A_117] : memref<40x128xf32, #tpu.memory_space<vmem>> -> memref<24x128xf32, #tpu.memory_space<vmem>>
    %dma_wait3A_119 = arith.constant 0 : i32
    %dma_wait3A_120 = tpu.memref_slice %arg7[%dma_wait3A_115, %dma_wait3A_119] : memref<2x40xi32, #tpu.memory_space<vmem>> -> memref<1x24xi32, #tpu.memory_space<vmem>>
    %dma_wait3A_121 = tpu.memref_squeeze %dma_wait3A_120 : memref<1x24xi32, #tpu.memory_space<vmem>> -> memref<24xi32, #tpu.memory_space<vmem>>
    %dma_wait3A_122 = arith.constant 0 : i32
    %dma_wait3A_123 = arith.constant 0 : i32
    %dma_wait3A_124 = tpu.memref_slice %arg2[%dma_wait3A_122, %dma_wait3A_123] : memref<10000x128xf32, #tpu.memory_space<hbm>> -> memref<10000x128xf32, #tpu.memory_space<hbm>>
    tpu.wait_indirect_dma semaphore(%arg21 : memref<!tpu.dma_semaphore, #tpu.memory_space<semaphore_mem>>) src(%dma_wait3A_124 : memref<10000x128xf32, #tpu.memory_space<hbm>>) dst(%dma_wait3A_118 : memref<24x128xf32, #tpu.memory_space<vmem>>)
    %dma_wait3A_125 = arith.constant 1 : i32
    %dma_wait3A_126 = arith.constant 0 : i32
    %dma_wait3A_127 = arith.constant 0 : i32
    %dma_wait3A_128 = tpu.memref_slice %arg10[%dma_wait3A_126, %dma_wait3A_127] : memref<40x128xf32, #tpu.memory_space<vmem>> -> memref<24x128xf32, #tpu.memory_space<vmem>>
    %dma_wait3A_129 = arith.constant 0 : i32
    %dma_wait3A_130 = tpu.memref_slice %arg7[%dma_wait3A_125, %dma_wait3A_129] : memref<2x40xi32, #tpu.memory_space<vmem>> -> memref<1x24xi32, #tpu.memory_space<vmem>>
    %dma_wait3A_131 = tpu.memref_squeeze %dma_wait3A_130 : memref<1x24xi32, #tpu.memory_space<vmem>> -> memref<24xi32, #tpu.memory_space<vmem>>
    %dma_wait3A_132 = arith.constant 0 : i32
    %dma_wait3A_133 = arith.constant 0 : i32
    %dma_wait3A_134 = tpu.memref_slice %arg3[%dma_wait3A_132, %dma_wait3A_133] : memref<10000x128xf32, #tpu.memory_space<hbm>> -> memref<10000x128xf32, #tpu.memory_space<hbm>>
    tpu.wait_indirect_dma semaphore(%arg22 : memref<!tpu.dma_semaphore, #tpu.memory_space<semaphore_mem>>) src(%dma_wait3A_134 : memref<10000x128xf32, #tpu.memory_space<hbm>>) dst(%dma_wait3A_128 : memref<24x128xf32, #tpu.memory_space<vmem>>)
    %dma_wait3A_135 = arith.constant 0 : i32
    %dma_wait3A_136 = arith.constant 24 : i32
    %dma_wait3A_137 = arith.constant 0 : i32
    %dma_wait3A_138 = tpu.memref_slice %arg9[%dma_wait3A_136, %dma_wait3A_137] : memref<40x128xf32, #tpu.memory_space<vmem>> -> memref<16x128xf32, #tpu.memory_space<vmem>>
    %dma_wait3A_139 = arith.constant 24 : i32
    %dma_wait3A_140 = tpu.memref_slice %arg7[%dma_wait3A_135, %dma_wait3A_139] : memref<2x40xi32, #tpu.memory_space<vmem>> -> memref<1x16xi32, #tpu.memory_space<vmem>>
    %dma_wait3A_141 = tpu.memref_squeeze %dma_wait3A_140 : memref<1x16xi32, #tpu.memory_space<vmem>> -> memref<16xi32, #tpu.memory_space<vmem>>
    %dma_wait3A_142 = arith.constant 0 : i32
    %dma_wait3A_143 = arith.constant 0 : i32
    %dma_wait3A_144 = tpu.memref_slice %arg2[%dma_wait3A_142, %dma_wait3A_143] : memref<10000x128xf32, #tpu.memory_space<hbm>> -> memref<10000x128xf32, #tpu.memory_space<hbm>>
    tpu.wait_indirect_dma semaphore(%arg21 : memref<!tpu.dma_semaphore, #tpu.memory_space<semaphore_mem>>) src(%dma_wait3A_144 : memref<10000x128xf32, #tpu.memory_space<hbm>>) dst(%dma_wait3A_138 : memref<16x128xf32, #tpu.memory_space<vmem>>)
    %dma_wait3A_145 = arith.constant 1 : i32
    %dma_wait3A_146 = arith.constant 24 : i32
    %dma_wait3A_147 = arith.constant 0 : i32
    %dma_wait3A_148 = tpu.memref_slice %arg10[%dma_wait3A_146, %dma_wait3A_147] : memref<40x128xf32, #tpu.memory_space<vmem>> -> memref<16x128xf32, #tpu.memory_space<vmem>>
    %dma_wait3A_149 = arith.constant 24 : i32
    %dma_wait3A_150 = tpu.memref_slice %arg7[%dma_wait3A_145, %dma_wait3A_149] : memref<2x40xi32, #tpu.memory_space<vmem>> -> memref<1x16xi32, #tpu.memory_space<vmem>>
    %dma_wait3A_151 = tpu.memref_squeeze %dma_wait3A_150 : memref<1x16xi32, #tpu.memory_space<vmem>> -> memref<16xi32, #tpu.memory_space<vmem>>
    %dma_wait3A_152 = arith.constant 0 : i32
    %dma_wait3A_153 = arith.constant 0 : i32
    %dma_wait3A_154 = tpu.memref_slice %arg3[%dma_wait3A_152, %dma_wait3A_153] : memref<10000x128xf32, #tpu.memory_space<hbm>> -> memref<10000x128xf32, #tpu.memory_space<hbm>>
    tpu.wait_indirect_dma semaphore(%arg22 : memref<!tpu.dma_semaphore, #tpu.memory_space<semaphore_mem>>) src(%dma_wait3A_154 : memref<10000x128xf32, #tpu.memory_space<hbm>>) dst(%dma_wait3A_148 : memref<16x128xf32, #tpu.memory_space<vmem>>)
    %get3A_155 = arith.constant 1 : i32
    %get3A_156 = arith.index_cast %get3A_155 : i32 to index
    %get3A_157 = arith.constant 0 : index
    %get3A_158 = tpu.vector_load %arg7[%get3A_156, %get3A_157] {strides = array<i32>} : memref<2x40xi32, #tpu.memory_space<vmem>>, vector<16xi32>,
    %swap3A = arith.constant 0 : index
    %swap3A_159 = tpu.vector_load %arg15[%swap3A] {strides = array<i32>} : memref<40xi32, #tpu.memory_space<vmem>>, vector<16xi32>,
    tpu.vector_store %arg15[%swap3A], %get3A_158 {strides = array<i32>} : memref<40xi32, #tpu.memory_space<vmem>>, vector<16xi32>,
    %get3A_160 = arith.constant 1 : i32
    %get3A_161 = arith.index_cast %get3A_160 : i32 to index
    %get3A_162 = arith.constant 16 : index
    %get3A_163 = tpu.vector_load %arg7[%get3A_161, %get3A_162] {strides = array<i32>} : memref<2x40xi32, #tpu.memory_space<vmem>>, vector<16xi32>,
    %swap3A_164 = arith.constant 16 : index
    %swap3A_165 = tpu.vector_load %arg15[%swap3A_164] {strides = array<i32>} : memref<40xi32, #tpu.memory_space<vmem>>, vector<16xi32>,
    tpu.vector_store %arg15[%swap3A_164], %get3A_163 {strides = array<i32>} : memref<40xi32, #tpu.memory_space<vmem>>, vector<16xi32>,
    %get3A_166 = arith.constant 1 : i32
    %get3A_167 = arith.index_cast %get3A_166 : i32 to index
    %get3A_168 = arith.constant 24 : index
    %get3A_169 = tpu.vector_load %arg7[%get3A_167, %get3A_168] {strides = array<i32>} : memref<2x40xi32, #tpu.memory_space<vmem>>, vector<16xi32>,
    %swap3A_170 = arith.constant 24 : index
    %swap3A_171 = tpu.vector_load %arg15[%swap3A_170] {strides = array<i32>} : memref<40xi32, #tpu.memory_space<vmem>>, vector<16xi32>,
    tpu.vector_store %arg15[%swap3A_170], %get3A_169 {strides = array<i32>} : memref<40xi32, #tpu.memory_space<vmem>>, vector<16xi32>,
    %add3A_172 = arith.constant 80 : i32
    %add3A_173 = arith.addi %mul3A_2, %add3A_172 : i32
    %dma_start3A_174 = arith.constant 0 : i32
    %dma_start3A_175 = tpu.memref_slice %arg4[%dma_start3A_174, %add3A_173] : memref<2x320000xi32, #tpu.memory_space<hbm>> -> memref<2x40xi32, #tpu.memory_space<hbm>>
    %dma_start3A_176 = arith.constant 0 : i32
    %dma_start3A_177 = tpu.memref_slice %arg4[%dma_start3A_176, %add3A_173] : memref<2x320000xi32, #tpu.memory_space<hbm>> -> memref<2x40xi32, #tpu.memory_space<hbm>>
    tpu.enqueue_dma source(%dma_start3A_177 : memref<2x40xi32, #tpu.memory_space<hbm>>) target(%arg7 : memref<2x40xi32, #tpu.memory_space<vmem>>) target_semaphore(%arg19 : memref<!tpu.dma_semaphore, #tpu.memory_space<semaphore_mem>>)
    %add3A_178 = arith.constant 40 : i32
    %add3A_179 = arith.addi %mul3A_2, %add3A_178 : i32
    %dma_wait3A_180 = arith.constant 0 : i32
    %dma_wait3A_181 = tpu.memref_slice %arg4[%dma_wait3A_180, %add3A_179] : memref<2x320000xi32, #tpu.memory_space<hbm>> -> memref<2x40xi32, #tpu.memory_space<hbm>>
    %dma_wait3A_182 = arith.constant 0 : i32
    %dma_wait3A_183 = tpu.memref_slice %arg4[%dma_wait3A_182, %add3A_179] : memref<2x320000xi32, #tpu.memory_space<hbm>> -> memref<2x40xi32, #tpu.memory_space<hbm>>
    tpu.wait_dma2 semaphore(%arg20 : memref<!tpu.dma_semaphore, #tpu.memory_space<semaphore_mem>>) src(%dma_wait3A_183 : memref<2x40xi32, #tpu.memory_space<hbm>>) dst(%arg8 : memref<2x40xi32, #tpu.memory_space<vmem>>)
    %dma_start3A_184 = arith.constant 0 : i32
    %dma_start3A_185 = arith.constant 0 : i32
    %dma_start3A_186 = arith.constant 0 : i32
    %dma_start3A_187 = tpu.memref_slice %arg11[%dma_start3A_185, %dma_start3A_186] : memref<40x128xf32, #tpu.memory_space<vmem>> -> memref<24x128xf32, #tpu.memory_space<vmem>>
    %dma_start3A_188 = arith.constant 0 : i32
    %dma_start3A_189 = tpu.memref_slice %arg8[%dma_start3A_184, %dma_start3A_188] : memref<2x40xi32, #tpu.memory_space<vmem>> -> memref<1x24xi32, #tpu.memory_space<vmem>>
    %dma_start3A_190 = tpu.memref_squeeze %dma_start3A_189 : memref<1x24xi32, #tpu.memory_space<vmem>> -> memref<24xi32, #tpu.memory_space<vmem>>
    %dma_start3A_191 = arith.constant 0 : i32
    %dma_start3A_192 = arith.constant 0 : i32
    %dma_start3A_193 = tpu.memref_slice %arg2[%dma_start3A_191, %dma_start3A_192] : memref<10000x128xf32, #tpu.memory_space<hbm>> -> memref<10000x128xf32, #tpu.memory_space<hbm>>
    tpu.enqueue_indirect_dma source(%dma_start3A_193 : memref<10000x128xf32, #tpu.memory_space<hbm>>) target(%dma_start3A_187 : memref<24x128xf32, #tpu.memory_space<vmem>>) offsets(%dma_start3A_190 : memref<24xi32, #tpu.memory_space<vmem>>) semaphore(%arg23 : memref<!tpu.dma_semaphore, #tpu.memory_space<semaphore_mem>>)
    %dma_start3A_194 = arith.constant 1 : i32
    %dma_start3A_195 = arith.constant 0 : i32
    %dma_start3A_196 = arith.constant 0 : i32
    %dma_start3A_197 = tpu.memref_slice %arg12[%dma_start3A_195, %dma_start3A_196] : memref<40x128xf32, #tpu.memory_space<vmem>> -> memref<24x128xf32, #tpu.memory_space<vmem>>
    %dma_start3A_198 = arith.constant 0 : i32
    %dma_start3A_199 = tpu.memref_slice %arg8[%dma_start3A_194, %dma_start3A_198] : memref<2x40xi32, #tpu.memory_space<vmem>> -> memref<1x24xi32, #tpu.memory_space<vmem>>
    %dma_start3A_200 = tpu.memref_squeeze %dma_start3A_199 : memref<1x24xi32, #tpu.memory_space<vmem>> -> memref<24xi32, #tpu.memory_space<vmem>>
    %dma_start3A_201 = arith.constant 0 : i32
    %dma_start3A_202 = arith.constant 0 : i32
    %dma_start3A_203 = tpu.memref_slice %arg3[%dma_start3A_201, %dma_start3A_202] : memref<10000x128xf32, #tpu.memory_space<hbm>> -> memref<10000x128xf32, #tpu.memory_space<hbm>>
    tpu.enqueue_indirect_dma source(%dma_start3A_203 : memref<10000x128xf32, #tpu.memory_space<hbm>>) target(%dma_start3A_197 : memref<24x128xf32, #tpu.memory_space<vmem>>) offsets(%dma_start3A_200 : memref<24xi32, #tpu.memory_space<vmem>>) semaphore(%arg24 : memref<!tpu.dma_semaphore, #tpu.memory_space<semaphore_mem>>)
    %dma_start3A_204 = arith.constant 0 : i32
    %dma_start3A_205 = arith.constant 24 : i32
    %dma_start3A_206 = arith.constant 0 : i32
    %dma_start3A_207 = tpu.memref_slice %arg11[%dma_start3A_205, %dma_start3A_206] : memref<40x128xf32, #tpu.memory_space<vmem>> -> memref<16x128xf32, #tpu.memory_space<vmem>>
    %dma_start3A_208 = arith.constant 24 : i32
    %dma_start3A_209 = tpu.memref_slice %arg8[%dma_start3A_204, %dma_start3A_208] : memref<2x40xi32, #tpu.memory_space<vmem>> -> memref<1x16xi32, #tpu.memory_space<vmem>>
    %dma_start3A_210 = tpu.memref_squeeze %dma_start3A_209 : memref<1x16xi32, #tpu.memory_space<vmem>> -> memref<16xi32, #tpu.memory_space<vmem>>
    %dma_start3A_211 = arith.constant 0 : i32
    %dma_start3A_212 = arith.constant 0 : i32
    %dma_start3A_213 = tpu.memref_slice %arg2[%dma_start3A_211, %dma_start3A_212] : memref<10000x128xf32, #tpu.memory_space<hbm>> -> memref<10000x128xf32, #tpu.memory_space<hbm>>
    tpu.enqueue_indirect_dma source(%dma_start3A_213 : memref<10000x128xf32, #tpu.memory_space<hbm>>) target(%dma_start3A_207 : memref<16x128xf32, #tpu.memory_space<vmem>>) offsets(%dma_start3A_210 : memref<16xi32, #tpu.memory_space<vmem>>) semaphore(%arg23 : memref<!tpu.dma_semaphore, #tpu.memory_space<semaphore_mem>>)
    %dma_start3A_214 = arith.constant 1 : i32
    %dma_start3A_215 = arith.constant 24 : i32
    %dma_start3A_216 = arith.constant 0 : i32
    %dma_start3A_217 = tpu.memref_slice %arg12[%dma_start3A_215, %dma_start3A_216] : memref<40x128xf32, #tpu.memory_space<vmem>> -> memref<16x128xf32, #tpu.memory_space<vmem>>
    %dma_start3A_218 = arith.constant 24 : i32
    %dma_start3A_219 = tpu.memref_slice %arg8[%dma_start3A_214, %dma_start3A_218] : memref<2x40xi32, #tpu.memory_space<vmem>> -> memref<1x16xi32, #tpu.memory_space<vmem>>
    %dma_start3A_220 = tpu.memref_squeeze %dma_start3A_219 : memref<1x16xi32, #tpu.memory_space<vmem>> -> memref<16xi32, #tpu.memory_space<vmem>>
    %dma_start3A_221 = arith.constant 0 : i32
    %dma_start3A_222 = arith.constant 0 : i32
    %dma_start3A_223 = tpu.memref_slice %arg3[%dma_start3A_221, %dma_start3A_222] : memref<10000x128xf32, #tpu.memory_space<hbm>> -> memref<10000x128xf32, #tpu.memory_space<hbm>>
    tpu.enqueue_indirect_dma source(%dma_start3A_223 : memref<10000x128xf32, #tpu.memory_space<hbm>>) target(%dma_start3A_217 : memref<16x128xf32, #tpu.memory_space<vmem>>) offsets(%dma_start3A_220 : memref<16xi32, #tpu.memory_space<vmem>>) semaphore(%arg24 : memref<!tpu.dma_semaphore, #tpu.memory_space<semaphore_mem>>)
    %scan3A_224 = arith.constant 0 : i32
    %scan3A_225 = arith.constant 0 : i32
    %scan3A_226 = arith.constant 40 : i32
    %scan3A_227 = arith.addi %scan3A_225, %scan3A_226 : i32
    %scan3A_228 = arith.constant 2 : i32
    scf.for %scan3A_571 = %scan3A_225 to %scan3A_227 step %scan3A_228  : i32 {
      %broadcast_in_dim3A = arith.constant 0.000000e+00 : f32
      %broadcast_in_dim3A_572 = vector.broadcast %broadcast_in_dim3A : f32 to vector<16xf32>
      %get3A_573 = arith.index_cast %scan3A_571 : i32 to index
      %get3A_574 = arith.constant 0 : index
      %get3A_575 = tpu.vector_load %arg9[%get3A_573, %get3A_574] {strides = array<i32>} : memref<40x128xf32, #tpu.memory_space<vmem>>, vector<16xf32>,
      %get3A_576 = arith.index_cast %scan3A_571 : i32 to index
      %get3A_577 = arith.constant 0 : index
      %get3A_578 = tpu.vector_load %arg10[%get3A_576, %get3A_577] {strides = array<i32>} : memref<40x128xf32, #tpu.memory_space<vmem>>, vector<16xf32>,
      %add3A_579 = arith.addf %get3A_575, %get3A_578 : vector<16xf32>
      %mul3A_580 = arith.constant 2.000000e-01 : f32
      %mul3A_581 = vector.broadcast %mul3A_580 : f32 to vector<16xf32>
      %mul3A_582 = arith.mulf %mul3A_581, %add3A_579 : vector<16xf32>
      %max3A = arith.maximumf %add3A_579, %mul3A_582 : vector<16xf32>
      %mul3A_583 = arith.mulf %max3A, %get3A_42 : vector<16xf32>
      %add3A_584 = arith.addf %broadcast_in_dim3A_572, %mul3A_583 : vector<16xf32>
      %get3A_585 = arith.index_cast %scan3A_571 : i32 to index
      %get3A_586 = arith.constant 16 : index
      %get3A_587 = tpu.vector_load %arg9[%get3A_585, %get3A_586] {strides = array<i32>} : memref<40x128xf32, #tpu.memory_space<vmem>>, vector<16xf32>,
      %get3A_588 = arith.index_cast %scan3A_571 : i32 to index
      %get3A_589 = arith.constant 16 : index
      %get3A_590 = tpu.vector_load %arg10[%get3A_588, %get3A_589] {strides = array<i32>} : memref<40x128xf32, #tpu.memory_space<vmem>>, vector<16xf32>,
      %add3A_591 = arith.addf %get3A_587, %get3A_590 : vector<16xf32>
      %mul3A_592 = arith.constant 2.000000e-01 : f32
      %mul3A_593 = vector.broadcast %mul3A_592 : f32 to vector<16xf32>
      %mul3A_594 = arith.mulf %mul3A_593, %add3A_591 : vector<16xf32>
      %max3A_595 = arith.maximumf %add3A_591, %mul3A_594 : vector<16xf32>
      %mul3A_596 = arith.mulf %max3A_595, %get3A_44 : vector<16xf32>
      %add3A_597 = arith.addf %add3A_584, %mul3A_596 : vector<16xf32>
      %get3A_598 = arith.index_cast %scan3A_571 : i32 to index
      %get3A_599 = arith.constant 32 : index
      %get3A_600 = tpu.vector_load %arg9[%get3A_598, %get3A_599] {strides = array<i32>} : memref<40x128xf32, #tpu.memory_space<vmem>>, vector<16xf32>,
      %get3A_601 = arith.index_cast %scan3A_571 : i32 to index
      %get3A_602 = arith.constant 32 : index
      %get3A_603 = tpu.vector_load %arg10[%get3A_601, %get3A_602] {strides = array<i32>} : memref<40x128xf32, #tpu.memory_space<vmem>>, vector<16xf32>,
      %add3A_604 = arith.addf %get3A_600, %get3A_603 : vector<16xf32>
      %mul3A_605 = arith.constant 2.000000e-01 : f32
      %mul3A_606 = vector.broadcast %mul3A_605 : f32 to vector<16xf32>
      %mul3A_607 = arith.mulf %mul3A_606, %add3A_604 : vector<16xf32>
      %max3A_608 = arith.maximumf %add3A_604, %mul3A_607 : vector<16xf32>
      %mul3A_609 = arith.mulf %max3A_608, %get3A_46 : vector<16xf32>
      %add3A_610 = arith.addf %add3A_597, %mul3A_609 : vector<16xf32>
      %get3A_611 = arith.index_cast %scan3A_571 : i32 to index
      %get3A_612 = arith.constant 48 : index
      %get3A_613 = tpu.vector_load %arg9[%get3A_611, %get3A_612] {strides = array<i32>} : memref<40x128xf32, #tpu.memory_space<vmem>>, vector<16xf32>,
      %get3A_614 = arith.index_cast %scan3A_571 : i32 to index
      %get3A_615 = arith.constant 48 : index
      %get3A_616 = tpu.vector_load %arg10[%get3A_614, %get3A_615] {strides = array<i32>} : memref<40x128xf32, #tpu.memory_space<vmem>>, vector<16xf32>,
      %add3A_617 = arith.addf %get3A_613, %get3A_616 : vector<16xf32>
      %mul3A_618 = arith.constant 2.000000e-01 : f32
      %mul3A_619 = vector.broadcast %mul3A_618 : f32 to vector<16xf32>
      %mul3A_620 = arith.mulf %mul3A_619, %add3A_617 : vector<16xf32>
      %max3A_621 = arith.maximumf %add3A_617, %mul3A_620 : vector<16xf32>
      %mul3A_622 = arith.mulf %max3A_621, %get3A_48 : vector<16xf32>
      %add3A_623 = arith.addf %add3A_610, %mul3A_622 : vector<16xf32>
      %get3A_624 = arith.index_cast %scan3A_571 : i32 to index
      %get3A_625 = arith.constant 64 : index
      %get3A_626 = tpu.vector_load %arg9[%get3A_624, %get3A_625] {strides = array<i32>} : memref<40x128xf32, #tpu.memory_space<vmem>>, vector<16xf32>,
      %get3A_627 = arith.index_cast %scan3A_571 : i32 to index
      %get3A_628 = arith.constant 64 : index
      %get3A_629 = tpu.vector_load %arg10[%get3A_627, %get3A_628] {strides = array<i32>} : memref<40x128xf32, #tpu.memory_space<vmem>>, vector<16xf32>,
      %add3A_630 = arith.addf %get3A_626, %get3A_629 : vector<16xf32>
      %mul3A_631 = arith.constant 2.000000e-01 : f32
      %mul3A_632 = vector.broadcast %mul3A_631 : f32 to vector<16xf32>
      %mul3A_633 = arith.mulf %mul3A_632, %add3A_630 : vector<16xf32>
      %max3A_634 = arith.maximumf %add3A_630, %mul3A_633 : vector<16xf32>
      %mul3A_635 = arith.mulf %max3A_634, %get3A_50 : vector<16xf32>
      %add3A_636 = arith.addf %add3A_623, %mul3A_635 : vector<16xf32>
      %get3A_637 = arith.index_cast %scan3A_571 : i32 to index
      %get3A_638 = arith.constant 80 : index
      %get3A_639 = tpu.vector_load %arg9[%get3A_637, %get3A_638] {strides = array<i32>} : memref<40x128xf32, #tpu.memory_space<vmem>>, vector<16xf32>,
      %get3A_640 = arith.index_cast %scan3A_571 : i32 to index
      %get3A_641 = arith.constant 80 : index
      %get3A_642 = tpu.vector_load %arg10[%get3A_640, %get3A_641] {strides = array<i32>} : memref<40x128xf32, #tpu.memory_space<vmem>>, vector<16xf32>,
      %add3A_643 = arith.addf %get3A_639, %get3A_642 : vector<16xf32>
      %mul3A_644 = arith.constant 2.000000e-01 : f32
      %mul3A_645 = vector.broadcast %mul3A_644 : f32 to vector<16xf32>
      %mul3A_646 = arith.mulf %mul3A_645, %add3A_643 : vector<16xf32>
      %max3A_647 = arith.maximumf %add3A_643, %mul3A_646 : vector<16xf32>
      %mul3A_648 = arith.mulf %max3A_647, %get3A_52 : vector<16xf32>
      %add3A_649 = arith.addf %add3A_636, %mul3A_648 : vector<16xf32>
      %get3A_650 = arith.index_cast %scan3A_571 : i32 to index
      %get3A_651 = arith.constant 96 : index
      %get3A_652 = tpu.vector_load %arg9[%get3A_650, %get3A_651] {strides = array<i32>} : memref<40x128xf32, #tpu.memory_space<vmem>>, vector<16xf32>,
      %get3A_653 = arith.index_cast %scan3A_571 : i32 to index
      %get3A_654 = arith.constant 96 : index
      %get3A_655 = tpu.vector_load %arg10[%get3A_653, %get3A_654] {strides = array<i32>} : memref<40x128xf32, #tpu.memory_space<vmem>>, vector<16xf32>,
      %add3A_656 = arith.addf %get3A_652, %get3A_655 : vector<16xf32>
      %mul3A_657 = arith.constant 2.000000e-01 : f32
      %mul3A_658 = vector.broadcast %mul3A_657 : f32 to vector<16xf32>
      %mul3A_659 = arith.mulf %mul3A_658, %add3A_656 : vector<16xf32>
      %max3A_660 = arith.maximumf %add3A_656, %mul3A_659 : vector<16xf32>
      %mul3A_661 = arith.mulf %max3A_660, %get3A_54 : vector<16xf32>
      %add3A_662 = arith.addf %add3A_649, %mul3A_661 : vector<16xf32>
      %get3A_663 = arith.index_cast %scan3A_571 : i32 to index
      %get3A_664 = arith.constant 112 : index
      %get3A_665 = tpu.vector_load %arg9[%get3A_663, %get3A_664] {strides = array<i32>} : memref<40x128xf32, #tpu.memory_space<vmem>>, vector<16xf32>,
      %get3A_666 = arith.index_cast %scan3A_571 : i32 to index
      %get3A_667 = arith.constant 112 : index
      %get3A_668 = tpu.vector_load %arg10[%get3A_666, %get3A_667] {strides = array<i32>} : memref<40x128xf32, #tpu.memory_space<vmem>>, vector<16xf32>,
      %add3A_669 = arith.addf %get3A_665, %get3A_668 : vector<16xf32>
      %mul3A_670 = arith.constant 2.000000e-01 : f32
      %mul3A_671 = vector.broadcast %mul3A_670 : f32 to vector<16xf32>
      %mul3A_672 = arith.mulf %mul3A_671, %add3A_669 : vector<16xf32>
      %max3A_673 = arith.maximumf %add3A_669, %mul3A_672 : vector<16xf32>
      %mul3A_674 = arith.mulf %max3A_673, %get3A_56 : vector<16xf32>
      %add3A_675 = arith.addf %add3A_662, %mul3A_674 : vector<16xf32>
      %reduce_sum3A = arith.constant true
      %reduce_sum3A_676 = vector.broadcast %reduce_sum3A : i1 to vector<16xi1>
      %reduce_sum3A_677 = tpu.scan <sum>, %add3A_675 masked %reduce_sum3A_676 : vector<16xf32>, vector<16xi1> -> vector<16xf32>
      %reduce_sum3A_678 = vector.extract %reduce_sum3A_677[15] : f32 from vector<16xf32>
      %broadcast_in_dim3A_679 = vector.broadcast %reduce_sum3A_678 : f32 to vector<16xf32>
      %exp3A = math.exp %broadcast_in_dim3A_679 : vector<16xf32>
      %mul3A_680 = arith.mulf %exp3A, %get3A_575 : vector<16xf32>
      %swap3A_681 = arith.index_cast %scan3A_571 : i32 to index
      %swap3A_682 = arith.constant 0 : index
      %swap3A_683 = tpu.vector_load %arg13[%swap3A_681, %swap3A_682] {strides = array<i32>} : memref<40x144xf32, #tpu.memory_space<vmem>>, vector<16xf32>,
      tpu.vector_store %arg13[%swap3A_681, %swap3A_682], %mul3A_680 {strides = array<i32>} : memref<40x144xf32, #tpu.memory_space<vmem>>, vector<16xf32>,
      %mul3A_684 = arith.mulf %exp3A, %get3A_587 : vector<16xf32>
      %swap3A_685 = arith.index_cast %scan3A_571 : i32 to index
      %swap3A_686 = arith.constant 16 : index
      %swap3A_687 = tpu.vector_load %arg13[%swap3A_685, %swap3A_686] {strides = array<i32>} : memref<40x144xf32, #tpu.memory_space<vmem>>, vector<16xf32>,
      tpu.vector_store %arg13[%swap3A_685, %swap3A_686], %mul3A_684 {strides = array<i32>} : memref<40x144xf32, #tpu.memory_space<vmem>>, vector<16xf32>,
      %mul3A_688 = arith.mulf %exp3A, %get3A_600 : vector<16xf32>
      %swap3A_689 = arith.index_cast %scan3A_571 : i32 to index
      %swap3A_690 = arith.constant 32 : index
      %swap3A_691 = tpu.vector_load %arg13[%swap3A_689, %swap3A_690] {strides = array<i32>} : memref<40x144xf32, #tpu.memory_space<vmem>>, vector<16xf32>,
      tpu.vector_store %arg13[%swap3A_689, %swap3A_690], %mul3A_688 {strides = array<i32>} : memref<40x144xf32, #tpu.memory_space<vmem>>, vector<16xf32>,
      %mul3A_692 = arith.mulf %exp3A, %get3A_613 : vector<16xf32>
      %swap3A_693 = arith.index_cast %scan3A_571 : i32 to index
      %swap3A_694 = arith.constant 48 : index
      %swap3A_695 = tpu.vector_load %arg13[%swap3A_693, %swap3A_694] {strides = array<i32>} : memref<40x144xf32, #tpu.memory_space<vmem>>, vector<16xf32>,
      tpu.vector_store %arg13[%swap3A_693, %swap3A_694], %mul3A_692 {strides = array<i32>} : memref<40x144xf32, #tpu.memory_space<vmem>>, vector<16xf32>,
      %mul3A_696 = arith.mulf %exp3A, %get3A_626 : vector<16xf32>
      %swap3A_697 = arith.index_cast %scan3A_571 : i32 to index
      %swap3A_698 = arith.constant 64 : index
      %swap3A_699 = tpu.vector_load %arg13[%swap3A_697, %swap3A_698] {strides = array<i32>} : memref<40x144xf32, #tpu.memory_space<vmem>>, vector<16xf32>,
      tpu.vector_store %arg13[%swap3A_697, %swap3A_698], %mul3A_696 {strides = array<i32>} : memref<40x144xf32, #tpu.memory_space<vmem>>, vector<16xf32>,
      %mul3A_700 = arith.mulf %exp3A, %get3A_639 : vector<16xf32>
      %swap3A_701 = arith.index_cast %scan3A_571 : i32 to index
      %swap3A_702 = arith.constant 80 : index
      %swap3A_703 = tpu.vector_load %arg13[%swap3A_701, %swap3A_702] {strides = array<i32>} : memref<40x144xf32, #tpu.memory_space<vmem>>, vector<16xf32>,
      tpu.vector_store %arg13[%swap3A_701, %swap3A_702], %mul3A_700 {strides = array<i32>} : memref<40x144xf32, #tpu.memory_space<vmem>>, vector<16xf32>,
      %mul3A_704 = arith.mulf %exp3A, %get3A_652 : vector<16xf32>
      %swap3A_705 = arith.index_cast %scan3A_571 : i32 to index
      %swap3A_706 = arith.constant 96 : index
      %swap3A_707 = tpu.vector_load %arg13[%swap3A_705, %swap3A_706] {strides = array<i32>} : memref<40x144xf32, #tpu.memory_space<vmem>>, vector<16xf32>,
      tpu.vector_store %arg13[%swap3A_705, %swap3A_706], %mul3A_704 {strides = array<i32>} : memref<40x144xf32, #tpu.memory_space<vmem>>, vector<16xf32>,
      %mul3A_708 = arith.mulf %exp3A, %get3A_665 : vector<16xf32>
      %swap3A_709 = arith.index_cast %scan3A_571 : i32 to index
      %swap3A_710 = arith.constant 112 : index
      %swap3A_711 = tpu.vector_load %arg13[%swap3A_709, %swap3A_710] {strides = array<i32>} : memref<40x144xf32, #tpu.memory_space<vmem>>, vector<16xf32>,
      tpu.vector_store %arg13[%swap3A_709, %swap3A_710], %mul3A_708 {strides = array<i32>} : memref<40x144xf32, #tpu.memory_space<vmem>>, vector<16xf32>,
      %jit3A = arith.constant 0.000000e+00 : f32
      %broadcast_in_dim3A_712 = vector.broadcast %jit3A : f32 to vector<16xf32>
      %select_n3A = arith.select %eq3A_58, %exp3A, %broadcast_in_dim3A_712 : vector<16xi1>, vector<16xf32>
      %swap3A_713 = arith.index_cast %scan3A_571 : i32 to index
      %swap3A_714 = arith.constant 128 : index
      %swap3A_715 = tpu.vector_load %arg13[%swap3A_713, %swap3A_714] {strides = array<i32>} : memref<40x144xf32, #tpu.memory_space<vmem>>, vector<16xf32>,
      tpu.vector_store %arg13[%swap3A_713, %swap3A_714], %select_n3A {strides = array<i32>} : memref<40x144xf32, #tpu.memory_space<vmem>>, vector<16xf32>,
      %scan3A_716 = arith.constant 1 : i32
      %scan3A_717 = arith.addi %scan3A_571, %scan3A_716 : i32
      %broadcast_in_dim3A_718 = arith.constant 0.000000e+00 : f32
      %broadcast_in_dim3A_719 = vector.broadcast %broadcast_in_dim3A_718 : f32 to vector<16xf32>
      %get3A_720 = arith.index_cast %scan3A_717 : i32 to index
      %get3A_721 = arith.constant 0 : index
      %get3A_722 = tpu.vector_load %arg9[%get3A_720, %get3A_721] {strides = array<i32>} : memref<40x128xf32, #tpu.memory_space<vmem>>, vector<16xf32>,
      %get3A_723 = arith.index_cast %scan3A_717 : i32 to index
      %get3A_724 = arith.constant 0 : index
      %get3A_725 = tpu.vector_load %arg10[%get3A_723, %get3A_724] {strides = array<i32>} : memref<40x128xf32, #tpu.memory_space<vmem>>, vector<16xf32>,
      %add3A_726 = arith.addf %get3A_722, %get3A_725 : vector<16xf32>
      %mul3A_727 = arith.constant 2.000000e-01 : f32
      %mul3A_728 = vector.broadcast %mul3A_727 : f32 to vector<16xf32>
      %mul3A_729 = arith.mulf %mul3A_728, %add3A_726 : vector<16xf32>
      %max3A_730 = arith.maximumf %add3A_726, %mul3A_729 : vector<16xf32>
      %mul3A_731 = arith.mulf %max3A_730, %get3A_42 : vector<16xf32>
      %add3A_732 = arith.addf %broadcast_in_dim3A_719, %mul3A_731 : vector<16xf32>
      %get3A_733 = arith.index_cast %scan3A_717 : i32 to index
      %get3A_734 = arith.constant 16 : index
      %get3A_735 = tpu.vector_load %arg9[%get3A_733, %get3A_734] {strides = array<i32>} : memref<40x128xf32, #tpu.memory_space<vmem>>, vector<16xf32>,
      %get3A_736 = arith.index_cast %scan3A_717 : i32 to index
      %get3A_737 = arith.constant 16 : index
      %get3A_738 = tpu.vector_load %arg10[%get3A_736, %get3A_737] {strides = array<i32>} : memref<40x128xf32, #tpu.memory_space<vmem>>, vector<16xf32>,
      %add3A_739 = arith.addf %get3A_735, %get3A_738 : vector<16xf32>
      %mul3A_740 = arith.constant 2.000000e-01 : f32
      %mul3A_741 = vector.broadcast %mul3A_740 : f32 to vector<16xf32>
      %mul3A_742 = arith.mulf %mul3A_741, %add3A_739 : vector<16xf32>
      %max3A_743 = arith.maximumf %add3A_739, %mul3A_742 : vector<16xf32>
      %mul3A_744 = arith.mulf %max3A_743, %get3A_44 : vector<16xf32>
      %add3A_745 = arith.addf %add3A_732, %mul3A_744 : vector<16xf32>
      %get3A_746 = arith.index_cast %scan3A_717 : i32 to index
      %get3A_747 = arith.constant 32 : index
      %get3A_748 = tpu.vector_load %arg9[%get3A_746, %get3A_747] {strides = array<i32>} : memref<40x128xf32, #tpu.memory_space<vmem>>, vector<16xf32>,
      %get3A_749 = arith.index_cast %scan3A_717 : i32 to index
      %get3A_750 = arith.constant 32 : index
      %get3A_751 = tpu.vector_load %arg10[%get3A_749, %get3A_750] {strides = array<i32>} : memref<40x128xf32, #tpu.memory_space<vmem>>, vector<16xf32>,
      %add3A_752 = arith.addf %get3A_748, %get3A_751 : vector<16xf32>
      %mul3A_753 = arith.constant 2.000000e-01 : f32
      %mul3A_754 = vector.broadcast %mul3A_753 : f32 to vector<16xf32>
      %mul3A_755 = arith.mulf %mul3A_754, %add3A_752 : vector<16xf32>
      %max3A_756 = arith.maximumf %add3A_752, %mul3A_755 : vector<16xf32>
      %mul3A_757 = arith.mulf %max3A_756, %get3A_46 : vector<16xf32>
      %add3A_758 = arith.addf %add3A_745, %mul3A_757 : vector<16xf32>
      %get3A_759 = arith.index_cast %scan3A_717 : i32 to index
      %get3A_760 = arith.constant 48 : index
      %get3A_761 = tpu.vector_load %arg9[%get3A_759, %get3A_760] {strides = array<i32>} : memref<40x128xf32, #tpu.memory_space<vmem>>, vector<16xf32>,
      %get3A_762 = arith.index_cast %scan3A_717 : i32 to index
      %get3A_763 = arith.constant 48 : index
      %get3A_764 = tpu.vector_load %arg10[%get3A_762, %get3A_763] {strides = array<i32>} : memref<40x128xf32, #tpu.memory_space<vmem>>, vector<16xf32>,
      %add3A_765 = arith.addf %get3A_761, %get3A_764 : vector<16xf32>
      %mul3A_766 = arith.constant 2.000000e-01 : f32
      %mul3A_767 = vector.broadcast %mul3A_766 : f32 to vector<16xf32>
      %mul3A_768 = arith.mulf %mul3A_767, %add3A_765 : vector<16xf32>
      %max3A_769 = arith.maximumf %add3A_765, %mul3A_768 : vector<16xf32>
      %mul3A_770 = arith.mulf %max3A_769, %get3A_48 : vector<16xf32>
      %add3A_771 = arith.addf %add3A_758, %mul3A_770 : vector<16xf32>
      %get3A_772 = arith.index_cast %scan3A_717 : i32 to index
      %get3A_773 = arith.constant 64 : index
      %get3A_774 = tpu.vector_load %arg9[%get3A_772, %get3A_773] {strides = array<i32>} : memref<40x128xf32, #tpu.memory_space<vmem>>, vector<16xf32>,
      %get3A_775 = arith.index_cast %scan3A_717 : i32 to index
      %get3A_776 = arith.constant 64 : index
      %get3A_777 = tpu.vector_load %arg10[%get3A_775, %get3A_776] {strides = array<i32>} : memref<40x128xf32, #tpu.memory_space<vmem>>, vector<16xf32>,
      %add3A_778 = arith.addf %get3A_774, %get3A_777 : vector<16xf32>
      %mul3A_779 = arith.constant 2.000000e-01 : f32
      %mul3A_780 = vector.broadcast %mul3A_779 : f32 to vector<16xf32>
      %mul3A_781 = arith.mulf %mul3A_780, %add3A_778 : vector<16xf32>
      %max3A_782 = arith.maximumf %add3A_778, %mul3A_781 : vector<16xf32>
      %mul3A_783 = arith.mulf %max3A_782, %get3A_50 : vector<16xf32>
      %add3A_784 = arith.addf %add3A_771, %mul3A_783 : vector<16xf32>
      %get3A_785 = arith.index_cast %scan3A_717 : i32 to index
      %get3A_786 = arith.constant 80 : index
      %get3A_787 = tpu.vector_load %arg9[%get3A_785, %get3A_786] {strides = array<i32>} : memref<40x128xf32, #tpu.memory_space<vmem>>, vector<16xf32>,
      %get3A_788 = arith.index_cast %scan3A_717 : i32 to index
      %get3A_789 = arith.constant 80 : index
      %get3A_790 = tpu.vector_load %arg10[%get3A_788, %get3A_789] {strides = array<i32>} : memref<40x128xf32, #tpu.memory_space<vmem>>, vector<16xf32>,
      %add3A_791 = arith.addf %get3A_787, %get3A_790 : vector<16xf32>
      %mul3A_792 = arith.constant 2.000000e-01 : f32
      %mul3A_793 = vector.broadcast %mul3A_792 : f32 to vector<16xf32>
      %mul3A_794 = arith.mulf %mul3A_793, %add3A_791 : vector<16xf32>
      %max3A_795 = arith.maximumf %add3A_791, %mul3A_794 : vector<16xf32>
      %mul3A_796 = arith.mulf %max3A_795, %get3A_52 : vector<16xf32>
      %add3A_797 = arith.addf %add3A_784, %mul3A_796 : vector<16xf32>
      %get3A_798 = arith.index_cast %scan3A_717 : i32 to index
      %get3A_799 = arith.constant 96 : index
      %get3A_800 = tpu.vector_load %arg9[%get3A_798, %get3A_799] {strides = array<i32>} : memref<40x128xf32, #tpu.memory_space<vmem>>, vector<16xf32>,
      %get3A_801 = arith.index_cast %scan3A_717 : i32 to index
      %get3A_802 = arith.constant 96 : index
      %get3A_803 = tpu.vector_load %arg10[%get3A_801, %get3A_802] {strides = array<i32>} : memref<40x128xf32, #tpu.memory_space<vmem>>, vector<16xf32>,
      %add3A_804 = arith.addf %get3A_800, %get3A_803 : vector<16xf32>
      %mul3A_805 = arith.constant 2.000000e-01 : f32
      %mul3A_806 = vector.broadcast %mul3A_805 : f32 to vector<16xf32>
      %mul3A_807 = arith.mulf %mul3A_806, %add3A_804 : vector<16xf32>
      %max3A_808 = arith.maximumf %add3A_804, %mul3A_807 : vector<16xf32>
      %mul3A_809 = arith.mulf %max3A_808, %get3A_54 : vector<16xf32>
      %add3A_810 = arith.addf %add3A_797, %mul3A_809 : vector<16xf32>
      %get3A_811 = arith.index_cast %scan3A_717 : i32 to index
      %get3A_812 = arith.constant 112 : index
      %get3A_813 = tpu.vector_load %arg9[%get3A_811, %get3A_812] {strides = array<i32>} : memref<40x128xf32, #tpu.memory_space<vmem>>, vector<16xf32>,
      %get3A_814 = arith.index_cast %scan3A_717 : i32 to index
      %get3A_815 = arith.constant 112 : index
      %get3A_816 = tpu.vector_load %arg10[%get3A_814, %get3A_815] {strides = array<i32>} : memref<40x128xf32, #tpu.memory_space<vmem>>, vector<16xf32>,
      %add3A_817 = arith.addf %get3A_813, %get3A_816 : vector<16xf32>
      %mul3A_818 = arith.constant 2.000000e-01 : f32
      %mul3A_819 = vector.broadcast %mul3A_818 : f32 to vector<16xf32>
      %mul3A_820 = arith.mulf %mul3A_819, %add3A_817 : vector<16xf32>
      %max3A_821 = arith.maximumf %add3A_817, %mul3A_820 : vector<16xf32>
      %mul3A_822 = arith.mulf %max3A_821, %get3A_56 : vector<16xf32>
      %add3A_823 = arith.addf %add3A_810, %mul3A_822 : vector<16xf32>
      %reduce_sum3A_824 = arith.constant true
      %reduce_sum3A_825 = vector.broadcast %reduce_sum3A_824 : i1 to vector<16xi1>
      %reduce_sum3A_826 = tpu.scan <sum>, %add3A_823 masked %reduce_sum3A_825 : vector<16xf32>, vector<16xi1> -> vector<16xf32>
      %reduce_sum3A_827 = vector.extract %reduce_sum3A_826[15] : f32 from vector<16xf32>
      %broadcast_in_dim3A_828 = vector.broadcast %reduce_sum3A_827 : f32 to vector<16xf32>
      %exp3A_829 = math.exp %broadcast_in_dim3A_828 : vector<16xf32>
      %mul3A_830 = arith.mulf %exp3A_829, %get3A_722 : vector<16xf32>
      %swap3A_831 = arith.index_cast %scan3A_717 : i32 to index
      %swap3A_832 = arith.constant 0 : index
      %swap3A_833 = tpu.vector_load %arg13[%swap3A_831, %swap3A_832] {strides = array<i32>} : memref<40x144xf32, #tpu.memory_space<vmem>>, vector<16xf32>,
      tpu.vector_store %arg13[%swap3A_831, %swap3A_832], %mul3A_830 {strides = array<i32>} : memref<40x144xf32, #tpu.memory_space<vmem>>, vector<16xf32>,
      %mul3A_834 = arith.mulf %exp3A_829, %get3A_735 : vector<16xf32>
      %swap3A_835 = arith.index_cast %scan3A_717 : i32 to index
      %swap3A_836 = arith.constant 16 : index
      %swap3A_837 = tpu.vector_load %arg13[%swap3A_835, %swap3A_836] {strides = array<i32>} : memref<40x144xf32, #tpu.memory_space<vmem>>, vector<16xf32>,
      tpu.vector_store %arg13[%swap3A_835, %swap3A_836], %mul3A_834 {strides = array<i32>} : memref<40x144xf32, #tpu.memory_space<vmem>>, vector<16xf32>,
      %mul3A_838 = arith.mulf %exp3A_829, %get3A_748 : vector<16xf32>
      %swap3A_839 = arith.index_cast %scan3A_717 : i32 to index
      %swap3A_840 = arith.constant 32 : index
      %swap3A_841 = tpu.vector_load %arg13[%swap3A_839, %swap3A_840] {strides = array<i32>} : memref<40x144xf32, #tpu.memory_space<vmem>>, vector<16xf32>,
      tpu.vector_store %arg13[%swap3A_839, %swap3A_840], %mul3A_838 {strides = array<i32>} : memref<40x144xf32, #tpu.memory_space<vmem>>, vector<16xf32>,
      %mul3A_842 = arith.mulf %exp3A_829, %get3A_761 : vector<16xf32>
      %swap3A_843 = arith.index_cast %scan3A_717 : i32 to index
      %swap3A_844 = arith.constant 48 : index
      %swap3A_845 = tpu.vector_load %arg13[%swap3A_843, %swap3A_844] {strides = array<i32>} : memref<40x144xf32, #tpu.memory_space<vmem>>, vector<16xf32>,
      tpu.vector_store %arg13[%swap3A_843, %swap3A_844], %mul3A_842 {strides = array<i32>} : memref<40x144xf32, #tpu.memory_space<vmem>>, vector<16xf32>,
      %mul3A_846 = arith.mulf %exp3A_829, %get3A_774 : vector<16xf32>
      %swap3A_847 = arith.index_cast %scan3A_717 : i32 to index
      %swap3A_848 = arith.constant 64 : index
      %swap3A_849 = tpu.vector_load %arg13[%swap3A_847, %swap3A_848] {strides = array<i32>} : memref<40x144xf32, #tpu.memory_space<vmem>>, vector<16xf32>,
      tpu.vector_store %arg13[%swap3A_847, %swap3A_848], %mul3A_846 {strides = array<i32>} : memref<40x144xf32, #tpu.memory_space<vmem>>, vector<16xf32>,
      %mul3A_850 = arith.mulf %exp3A_829, %get3A_787 : vector<16xf32>
      %swap3A_851 = arith.index_cast %scan3A_717 : i32 to index
      %swap3A_852 = arith.constant 80 : index
      %swap3A_853 = tpu.vector_load %arg13[%swap3A_851, %swap3A_852] {strides = array<i32>} : memref<40x144xf32, #tpu.memory_space<vmem>>, vector<16xf32>,
      tpu.vector_store %arg13[%swap3A_851, %swap3A_852], %mul3A_850 {strides = array<i32>} : memref<40x144xf32, #tpu.memory_space<vmem>>, vector<16xf32>,
      %mul3A_854 = arith.mulf %exp3A_829, %get3A_800 : vector<16xf32>
      %swap3A_855 = arith.index_cast %scan3A_717 : i32 to index
      %swap3A_856 = arith.constant 96 : index
      %swap3A_857 = tpu.vector_load %arg13[%swap3A_855, %swap3A_856] {strides = array<i32>} : memref<40x144xf32, #tpu.memory_space<vmem>>, vector<16xf32>,
      tpu.vector_store %arg13[%swap3A_855, %swap3A_856], %mul3A_854 {strides = array<i32>} : memref<40x144xf32, #tpu.memory_space<vmem>>, vector<16xf32>,
      %mul3A_858 = arith.mulf %exp3A_829, %get3A_813 : vector<16xf32>
      %swap3A_859 = arith.index_cast %scan3A_717 : i32 to index
      %swap3A_860 = arith.constant 112 : index
      %swap3A_861 = tpu.vector_load %arg13[%swap3A_859, %swap3A_860] {strides = array<i32>} : memref<40x144xf32, #tpu.memory_space<vmem>>, vector<16xf32>,
      tpu.vector_store %arg13[%swap3A_859, %swap3A_860], %mul3A_858 {strides = array<i32>} : memref<40x144xf32, #tpu.memory_space<vmem>>, vector<16xf32>,
      %jit3A_862 = arith.constant 0.000000e+00 : f32
      %broadcast_in_dim3A_863 = vector.broadcast %jit3A_862 : f32 to vector<16xf32>
      %select_n3A_864 = arith.select %eq3A_58, %exp3A_829, %broadcast_in_dim3A_863 : vector<16xi1>, vector<16xf32>
      %swap3A_865 = arith.index_cast %scan3A_717 : i32 to index
      %swap3A_866 = arith.constant 128 : index
      %swap3A_867 = tpu.vector_load %arg13[%swap3A_865, %swap3A_866] {strides = array<i32>} : memref<40x144xf32, #tpu.memory_space<vmem>>, vector<16xf32>,
      tpu.vector_store %arg13[%swap3A_865, %swap3A_866], %select_n3A_864 {strides = array<i32>} : memref<40x144xf32, #tpu.memory_space<vmem>>, vector<16xf32>,
    }
    %scan3A_229 = arith.constant 40 : i32
    %dma_start3A_230 = arith.constant 0 : i32
    %dma_start3A_231 = arith.constant 0 : i32
    %dma_start3A_232 = tpu.memref_slice %arg18[%dma_start3A_230, %dma_start3A_231] : memref<10000x144xf32, #tpu.memory_space<vmem_shared>> -> memref<10000x144xf32, #tpu.memory_space<vmem_shared>>
    tpu.enqueue_indirect_dma source(%arg13 : memref<40x144xf32, #tpu.memory_space<vmem>>) target(%dma_start3A_232 : memref<10000x144xf32, #tpu.memory_space<vmem_shared>>) offsets(%arg15 : memref<40xi32, #tpu.memory_space<vmem>>) semaphore(%arg25 : memref<!tpu.dma_semaphore, #tpu.memory_space<semaphore_mem>>) {add = true}
    %dma_wait3A_233 = arith.constant 0 : i32
    %dma_wait3A_234 = arith.constant 0 : i32
    %dma_wait3A_235 = arith.constant 0 : i32
    %dma_wait3A_236 = tpu.memref_slice %arg11[%dma_wait3A_234, %dma_wait3A_235] : memref<40x128xf32, #tpu.memory_space<vmem>> -> memref<24x128xf32, #tpu.memory_space<vmem>>
    %dma_wait3A_237 = arith.constant 0 : i32
    %dma_wait3A_238 = tpu.memref_slice %arg8[%dma_wait3A_233, %dma_wait3A_237] : memref<2x40xi32, #tpu.memory_space<vmem>> -> memref<1x24xi32, #tpu.memory_space<vmem>>
    %dma_wait3A_239 = tpu.memref_squeeze %dma_wait3A_238 : memref<1x24xi32, #tpu.memory_space<vmem>> -> memref<24xi32, #tpu.memory_space<vmem>>
    %dma_wait3A_240 = arith.constant 0 : i32
    %dma_wait3A_241 = arith.constant 0 : i32
    %dma_wait3A_242 = tpu.memref_slice %arg2[%dma_wait3A_240, %dma_wait3A_241] : memref<10000x128xf32, #tpu.memory_space<hbm>> -> memref<10000x128xf32, #tpu.memory_space<hbm>>
    tpu.wait_indirect_dma semaphore(%arg23 : memref<!tpu.dma_semaphore, #tpu.memory_space<semaphore_mem>>) src(%dma_wait3A_242 : memref<10000x128xf32, #tpu.memory_space<hbm>>) dst(%dma_wait3A_236 : memref<24x128xf32, #tpu.memory_space<vmem>>)
    %dma_wait3A_243 = arith.constant 1 : i32
    %dma_wait3A_244 = arith.constant 0 : i32
    %dma_wait3A_245 = arith.constant 0 : i32
    %dma_wait3A_246 = tpu.memref_slice %arg12[%dma_wait3A_244, %dma_wait3A_245] : memref<40x128xf32, #tpu.memory_space<vmem>> -> memref<24x128xf32, #tpu.memory_space<vmem>>
    %dma_wait3A_247 = arith.constant 0 : i32
    %dma_wait3A_248 = tpu.memref_slice %arg8[%dma_wait3A_243, %dma_wait3A_247] : memref<2x40xi32, #tpu.memory_space<vmem>> -> memref<1x24xi32, #tpu.memory_space<vmem>>
    %dma_wait3A_249 = tpu.memref_squeeze %dma_wait3A_248 : memref<1x24xi32, #tpu.memory_space<vmem>> -> memref<24xi32, #tpu.memory_space<vmem>>
    %dma_wait3A_250 = arith.constant 0 : i32
    %dma_wait3A_251 = arith.constant 0 : i32
    %dma_wait3A_252 = tpu.memref_slice %arg3[%dma_wait3A_250, %dma_wait3A_251] : memref<10000x128xf32, #tpu.memory_space<hbm>> -> memref<10000x128xf32, #tpu.memory_space<hbm>>
    tpu.wait_indirect_dma semaphore(%arg24 : memref<!tpu.dma_semaphore, #tpu.memory_space<semaphore_mem>>) src(%dma_wait3A_252 : memref<10000x128xf32, #tpu.memory_space<hbm>>) dst(%dma_wait3A_246 : memref<24x128xf32, #tpu.memory_space<vmem>>)
    %dma_wait3A_253 = arith.constant 0 : i32
    %dma_wait3A_254 = arith.constant 24 : i32
    %dma_wait3A_255 = arith.constant 0 : i32
    %dma_wait3A_256 = tpu.memref_slice %arg11[%dma_wait3A_254, %dma_wait3A_255] : memref<40x128xf32, #tpu.memory_space<vmem>> -> memref<16x128xf32, #tpu.memory_space<vmem>>
    %dma_wait3A_257 = arith.constant 24 : i32
    %dma_wait3A_258 = tpu.memref_slice %arg8[%dma_wait3A_253, %dma_wait3A_257] : memref<2x40xi32, #tpu.memory_space<vmem>> -> memref<1x16xi32, #tpu.memory_space<vmem>>
    %dma_wait3A_259 = tpu.memref_squeeze %dma_wait3A_258 : memref<1x16xi32, #tpu.memory_space<vmem>> -> memref<16xi32, #tpu.memory_space<vmem>>
    %dma_wait3A_260 = arith.constant 0 : i32
    %dma_wait3A_261 = arith.constant 0 : i32
    %dma_wait3A_262 = tpu.memref_slice %arg2[%dma_wait3A_260, %dma_wait3A_261] : memref<10000x128xf32, #tpu.memory_space<hbm>> -> memref<10000x128xf32, #tpu.memory_space<hbm>>
    tpu.wait_indirect_dma semaphore(%arg23 : memref<!tpu.dma_semaphore, #tpu.memory_space<semaphore_mem>>) src(%dma_wait3A_262 : memref<10000x128xf32, #tpu.memory_space<hbm>>) dst(%dma_wait3A_256 : memref<16x128xf32, #tpu.memory_space<vmem>>)
    %dma_wait3A_263 = arith.constant 1 : i32
    %dma_wait3A_264 = arith.constant 24 : i32
    %dma_wait3A_265 = arith.constant 0 : i32
    %dma_wait3A_266 = tpu.memref_slice %arg12[%dma_wait3A_264, %dma_wait3A_265] : memref<40x128xf32, #tpu.memory_space<vmem>> -> memref<16x128xf32, #tpu.memory_space<vmem>>
    %dma_wait3A_267 = arith.constant 24 : i32
    %dma_wait3A_268 = tpu.memref_slice %arg8[%dma_wait3A_263, %dma_wait3A_267] : memref<2x40xi32, #tpu.memory_space<vmem>> -> memref<1x16xi32, #tpu.memory_space<vmem>>
    %dma_wait3A_269 = tpu.memref_squeeze %dma_wait3A_268 : memref<1x16xi32, #tpu.memory_space<vmem>> -> memref<16xi32, #tpu.memory_space<vmem>>
    %dma_wait3A_270 = arith.constant 0 : i32
    %dma_wait3A_271 = arith.constant 0 : i32
    %dma_wait3A_272 = tpu.memref_slice %arg3[%dma_wait3A_270, %dma_wait3A_271] : memref<10000x128xf32, #tpu.memory_space<hbm>> -> memref<10000x128xf32, #tpu.memory_space<hbm>>
    tpu.wait_indirect_dma semaphore(%arg24 : memref<!tpu.dma_semaphore, #tpu.memory_space<semaphore_mem>>) src(%dma_wait3A_272 : memref<10000x128xf32, #tpu.memory_space<hbm>>) dst(%dma_wait3A_266 : memref<16x128xf32, #tpu.memory_space<vmem>>)
    %get3A_273 = arith.constant 1 : i32
    %get3A_274 = arith.index_cast %get3A_273 : i32 to index
    %get3A_275 = arith.constant 0 : index
    %get3A_276 = tpu.vector_load %arg8[%get3A_274, %get3A_275] {strides = array<i32>} : memref<2x40xi32, #tpu.memory_space<vmem>>, vector<16xi32>,
    %swap3A_277 = arith.constant 0 : index
    %swap3A_278 = tpu.vector_load %arg16[%swap3A_277] {strides = array<i32>} : memref<40xi32, #tpu.memory_space<vmem>>, vector<16xi32>,
    tpu.vector_store %arg16[%swap3A_277], %get3A_276 {strides = array<i32>} : memref<40xi32, #tpu.memory_space<vmem>>, vector<16xi32>,
    %get3A_279 = arith.constant 1 : i32
    %get3A_280 = arith.index_cast %get3A_279 : i32 to index
    %get3A_281 = arith.constant 16 : index
    %get3A_282 = tpu.vector_load %arg8[%get3A_280, %get3A_281] {strides = array<i32>} : memref<2x40xi32, #tpu.memory_space<vmem>>, vector<16xi32>,
    %swap3A_283 = arith.constant 16 : index
    %swap3A_284 = tpu.vector_load %arg16[%swap3A_283] {strides = array<i32>} : memref<40xi32, #tpu.memory_space<vmem>>, vector<16xi32>,
    tpu.vector_store %arg16[%swap3A_283], %get3A_282 {strides = array<i32>} : memref<40xi32, #tpu.memory_space<vmem>>, vector<16xi32>,
    %get3A_285 = arith.constant 1 : i32
    %get3A_286 = arith.index_cast %get3A_285 : i32 to index
    %get3A_287 = arith.constant 24 : index
    %get3A_288 = tpu.vector_load %arg8[%get3A_286, %get3A_287] {strides = array<i32>} : memref<2x40xi32, #tpu.memory_space<vmem>>, vector<16xi32>,
    %swap3A_289 = arith.constant 24 : index
    %swap3A_290 = tpu.vector_load %arg16[%swap3A_289] {strides = array<i32>} : memref<40xi32, #tpu.memory_space<vmem>>, vector<16xi32>,
    tpu.vector_store %arg16[%swap3A_289], %get3A_288 {strides = array<i32>} : memref<40xi32, #tpu.memory_space<vmem>>, vector<16xi32>,
    %add3A_291 = arith.constant 120 : i32
    %add3A_292 = arith.addi %mul3A_2, %add3A_291 : i32
    %dma_start3A_293 = arith.constant 0 : i32
    %dma_start3A_294 = tpu.memref_slice %arg4[%dma_start3A_293, %add3A_292] : memref<2x320000xi32, #tpu.memory_space<hbm>> -> memref<2x40xi32, #tpu.memory_space<hbm>>
    %dma_start3A_295 = arith.constant 0 : i32
    %dma_start3A_296 = tpu.memref_slice %arg4[%dma_start3A_295, %add3A_292] : memref<2x320000xi32, #tpu.memory_space<hbm>> -> memref<2x40xi32, #tpu.memory_space<hbm>>
    tpu.enqueue_dma source(%dma_start3A_296 : memref<2x40xi32, #tpu.memory_space<hbm>>) target(%arg8 : memref<2x40xi32, #tpu.memory_space<vmem>>) target_semaphore(%arg20 : memref<!tpu.dma_semaphore, #tpu.memory_space<semaphore_mem>>)
    %add3A_297 = arith.constant 80 : i32
    %add3A_298 = arith.addi %mul3A_2, %add3A_297 : i32
    %dma_wait3A_299 = arith.constant 0 : i32
    %dma_wait3A_300 = tpu.memref_slice %arg4[%dma_wait3A_299, %add3A_298] : memref<2x320000xi32, #tpu.memory_space<hbm>> -> memref<2x40xi32, #tpu.memory_space<hbm>>
    %dma_wait3A_301 = arith.constant 0 : i32
    %dma_wait3A_302 = tpu.memref_slice %arg4[%dma_wait3A_301, %add3A_298] : memref<2x320000xi32, #tpu.memory_space<hbm>> -> memref<2x40xi32, #tpu.memory_space<hbm>>
    tpu.wait_dma2 semaphore(%arg19 : memref<!tpu.dma_semaphore, #tpu.memory_space<semaphore_mem>>) src(%dma_wait3A_302 : memref<2x40xi32, #tpu.memory_space<hbm>>) dst(%arg7 : memref<2x40xi32, #tpu.memory_space<vmem>>)
    %dma_start3A_303 = arith.constant 0 : i32
    %dma_start3A_304 = arith.constant 0 : i32
    %dma_start3A_305 = arith.constant 0 : i32
    %dma_start3A_306 = tpu.memref_slice %arg9[%dma_start3A_304, %dma_start3A_305] : memref<40x128xf32, #tpu.memory_space<vmem>> -> memref<24x128xf32, #tpu.memory_space<vmem>>
    %dma_start3A_307 = arith.constant 0 : i32
    %dma_start3A_308 = tpu.memref_slice %arg7[%dma_start3A_303, %dma_start3A_307] : memref<2x40xi32, #tpu.memory_space<vmem>> -> memref<1x24xi32, #tpu.memory_space<vmem>>
    %dma_start3A_309 = tpu.memref_squeeze %dma_start3A_308 : memref<1x24xi32, #tpu.memory_space<vmem>> -> memref<24xi32, #tpu.memory_space<vmem>>
    %dma_start3A_310 = arith.constant 0 : i32
    %dma_start3A_311 = arith.constant 0 : i32
    %dma_start3A_312 = tpu.memref_slice %arg2[%dma_start3A_310, %dma_start3A_311] : memref<10000x128xf32, #tpu.memory_space<hbm>> -> memref<10000x128xf32, #tpu.memory_space<hbm>>
    tpu.enqueue_indirect_dma source(%dma_start3A_312 : memref<10000x128xf32, #tpu.memory_space<hbm>>) target(%dma_start3A_306 : memref<24x128xf32, #tpu.memory_space<vmem>>) offsets(%dma_start3A_309 : memref<24xi32, #tpu.memory_space<vmem>>) semaphore(%arg21 : memref<!tpu.dma_semaphore, #tpu.memory_space<semaphore_mem>>)
    %dma_start3A_313 = arith.constant 1 : i32
    %dma_start3A_314 = arith.constant 0 : i32
    %dma_start3A_315 = arith.constant 0 : i32
    %dma_start3A_316 = tpu.memref_slice %arg10[%dma_start3A_314, %dma_start3A_315] : memref<40x128xf32, #tpu.memory_space<vmem>> -> memref<24x128xf32, #tpu.memory_space<vmem>>
    %dma_start3A_317 = arith.constant 0 : i32
    %dma_start3A_318 = tpu.memref_slice %arg7[%dma_start3A_313, %dma_start3A_317] : memref<2x40xi32, #tpu.memory_space<vmem>> -> memref<1x24xi32, #tpu.memory_space<vmem>>
    %dma_start3A_319 = tpu.memref_squeeze %dma_start3A_318 : memref<1x24xi32, #tpu.memory_space<vmem>> -> memref<24xi32, #tpu.memory_space<vmem>>
    %dma_start3A_320 = arith.constant 0 : i32
    %dma_start3A_321 = arith.constant 0 : i32
    %dma_start3A_322 = tpu.memref_slice %arg3[%dma_start3A_320, %dma_start3A_321] : memref<10000x128xf32, #tpu.memory_space<hbm>> -> memref<10000x128xf32, #tpu.memory_space<hbm>>
    tpu.enqueue_indirect_dma source(%dma_start3A_322 : memref<10000x128xf32, #tpu.memory_space<hbm>>) target(%dma_start3A_316 : memref<24x128xf32, #tpu.memory_space<vmem>>) offsets(%dma_start3A_319 : memref<24xi32, #tpu.memory_space<vmem>>) semaphore(%arg22 : memref<!tpu.dma_semaphore, #tpu.memory_space<semaphore_mem>>)
    %dma_start3A_323 = arith.constant 0 : i32
    %dma_start3A_324 = arith.constant 24 : i32
    %dma_start3A_325 = arith.constant 0 : i32
    %dma_start3A_326 = tpu.memref_slice %arg9[%dma_start3A_324, %dma_start3A_325] : memref<40x128xf32, #tpu.memory_space<vmem>> -> memref<16x128xf32, #tpu.memory_space<vmem>>
    %dma_start3A_327 = arith.constant 24 : i32
    %dma_start3A_328 = tpu.memref_slice %arg7[%dma_start3A_323, %dma_start3A_327] : memref<2x40xi32, #tpu.memory_space<vmem>> -> memref<1x16xi32, #tpu.memory_space<vmem>>
    %dma_start3A_329 = tpu.memref_squeeze %dma_start3A_328 : memref<1x16xi32, #tpu.memory_space<vmem>> -> memref<16xi32, #tpu.memory_space<vmem>>
    %dma_start3A_330 = arith.constant 0 : i32
    %dma_start3A_331 = arith.constant 0 : i32
    %dma_start3A_332 = tpu.memref_slice %arg2[%dma_start3A_330, %dma_start3A_331] : memref<10000x128xf32, #tpu.memory_space<hbm>> -> memref<10000x128xf32, #tpu.memory_space<hbm>>
    tpu.enqueue_indirect_dma source(%dma_start3A_332 : memref<10000x128xf32, #tpu.memory_space<hbm>>) target(%dma_start3A_326 : memref<16x128xf32, #tpu.memory_space<vmem>>) offsets(%dma_start3A_329 : memref<16xi32, #tpu.memory_space<vmem>>) semaphore(%arg21 : memref<!tpu.dma_semaphore, #tpu.memory_space<semaphore_mem>>)
    %dma_start3A_333 = arith.constant 1 : i32
    %dma_start3A_334 = arith.constant 24 : i32
    %dma_start3A_335 = arith.constant 0 : i32
    %dma_start3A_336 = tpu.memref_slice %arg10[%dma_start3A_334, %dma_start3A_335] : memref<40x128xf32, #tpu.memory_space<vmem>> -> memref<16x128xf32, #tpu.memory_space<vmem>>
    %dma_start3A_337 = arith.constant 24 : i32
    %dma_start3A_338 = tpu.memref_slice %arg7[%dma_start3A_333, %dma_start3A_337] : memref<2x40xi32, #tpu.memory_space<vmem>> -> memref<1x16xi32, #tpu.memory_space<vmem>>
    %dma_start3A_339 = tpu.memref_squeeze %dma_start3A_338 : memref<1x16xi32, #tpu.memory_space<vmem>> -> memref<16xi32, #tpu.memory_space<vmem>>
    %dma_start3A_340 = arith.constant 0 : i32
    %dma_start3A_341 = arith.constant 0 : i32
    %dma_start3A_342 = tpu.memref_slice %arg3[%dma_start3A_340, %dma_start3A_341] : memref<10000x128xf32, #tpu.memory_space<hbm>> -> memref<10000x128xf32, #tpu.memory_space<hbm>>
    tpu.enqueue_indirect_dma source(%dma_start3A_342 : memref<10000x128xf32, #tpu.memory_space<hbm>>) target(%dma_start3A_336 : memref<16x128xf32, #tpu.memory_space<vmem>>) offsets(%dma_start3A_339 : memref<16xi32, #tpu.memory_space<vmem>>) semaphore(%arg22 : memref<!tpu.dma_semaphore, #tpu.memory_space<semaphore_mem>>)
    %scan3A_343 = arith.constant 0 : i32
    %scan3A_344 = arith.constant 0 : i32
    %scan3A_345 = arith.constant 40 : i32
    %scan3A_346 = arith.addi %scan3A_344, %scan3A_345 : i32
    %scan3A_347 = arith.constant 2 : i32
    scf.for %scan3A_571 = %scan3A_344 to %scan3A_346 step %scan3A_347  : i32 {
      %broadcast_in_dim3A = arith.constant 0.000000e+00 : f32
      %broadcast_in_dim3A_572 = vector.broadcast %broadcast_in_dim3A : f32 to vector<16xf32>
      %get3A_573 = arith.index_cast %scan3A_571 : i32 to index
      %get3A_574 = arith.constant 0 : index
      %get3A_575 = tpu.vector_load %arg11[%get3A_573, %get3A_574] {strides = array<i32>} : memref<40x128xf32, #tpu.memory_space<vmem>>, vector<16xf32>,
      %get3A_576 = arith.index_cast %scan3A_571 : i32 to index
      %get3A_577 = arith.constant 0 : index
      %get3A_578 = tpu.vector_load %arg12[%get3A_576, %get3A_577] {strides = array<i32>} : memref<40x128xf32, #tpu.memory_space<vmem>>, vector<16xf32>,
      %add3A_579 = arith.addf %get3A_575, %get3A_578 : vector<16xf32>
      %mul3A_580 = arith.constant 2.000000e-01 : f32
      %mul3A_581 = vector.broadcast %mul3A_580 : f32 to vector<16xf32>
      %mul3A_582 = arith.mulf %mul3A_581, %add3A_579 : vector<16xf32>
      %max3A = arith.maximumf %add3A_579, %mul3A_582 : vector<16xf32>
      %mul3A_583 = arith.mulf %max3A, %get3A_42 : vector<16xf32>
      %add3A_584 = arith.addf %broadcast_in_dim3A_572, %mul3A_583 : vector<16xf32>
      %get3A_585 = arith.index_cast %scan3A_571 : i32 to index
      %get3A_586 = arith.constant 16 : index
      %get3A_587 = tpu.vector_load %arg11[%get3A_585, %get3A_586] {strides = array<i32>} : memref<40x128xf32, #tpu.memory_space<vmem>>, vector<16xf32>,
      %get3A_588 = arith.index_cast %scan3A_571 : i32 to index
      %get3A_589 = arith.constant 16 : index
      %get3A_590 = tpu.vector_load %arg12[%get3A_588, %get3A_589] {strides = array<i32>} : memref<40x128xf32, #tpu.memory_space<vmem>>, vector<16xf32>,
      %add3A_591 = arith.addf %get3A_587, %get3A_590 : vector<16xf32>
      %mul3A_592 = arith.constant 2.000000e-01 : f32
      %mul3A_593 = vector.broadcast %mul3A_592 : f32 to vector<16xf32>
      %mul3A_594 = arith.mulf %mul3A_593, %add3A_591 : vector<16xf32>
      %max3A_595 = arith.maximumf %add3A_591, %mul3A_594 : vector<16xf32>
      %mul3A_596 = arith.mulf %max3A_595, %get3A_44 : vector<16xf32>
      %add3A_597 = arith.addf %add3A_584, %mul3A_596 : vector<16xf32>
      %get3A_598 = arith.index_cast %scan3A_571 : i32 to index
      %get3A_599 = arith.constant 32 : index
      %get3A_600 = tpu.vector_load %arg11[%get3A_598, %get3A_599] {strides = array<i32>} : memref<40x128xf32, #tpu.memory_space<vmem>>, vector<16xf32>,
      %get3A_601 = arith.index_cast %scan3A_571 : i32 to index
      %get3A_602 = arith.constant 32 : index
      %get3A_603 = tpu.vector_load %arg12[%get3A_601, %get3A_602] {strides = array<i32>} : memref<40x128xf32, #tpu.memory_space<vmem>>, vector<16xf32>,
      %add3A_604 = arith.addf %get3A_600, %get3A_603 : vector<16xf32>
      %mul3A_605 = arith.constant 2.000000e-01 : f32
      %mul3A_606 = vector.broadcast %mul3A_605 : f32 to vector<16xf32>
      %mul3A_607 = arith.mulf %mul3A_606, %add3A_604 : vector<16xf32>
      %max3A_608 = arith.maximumf %add3A_604, %mul3A_607 : vector<16xf32>
      %mul3A_609 = arith.mulf %max3A_608, %get3A_46 : vector<16xf32>
      %add3A_610 = arith.addf %add3A_597, %mul3A_609 : vector<16xf32>
      %get3A_611 = arith.index_cast %scan3A_571 : i32 to index
      %get3A_612 = arith.constant 48 : index
      %get3A_613 = tpu.vector_load %arg11[%get3A_611, %get3A_612] {strides = array<i32>} : memref<40x128xf32, #tpu.memory_space<vmem>>, vector<16xf32>,
      %get3A_614 = arith.index_cast %scan3A_571 : i32 to index
      %get3A_615 = arith.constant 48 : index
      %get3A_616 = tpu.vector_load %arg12[%get3A_614, %get3A_615] {strides = array<i32>} : memref<40x128xf32, #tpu.memory_space<vmem>>, vector<16xf32>,
      %add3A_617 = arith.addf %get3A_613, %get3A_616 : vector<16xf32>
      %mul3A_618 = arith.constant 2.000000e-01 : f32
      %mul3A_619 = vector.broadcast %mul3A_618 : f32 to vector<16xf32>
      %mul3A_620 = arith.mulf %mul3A_619, %add3A_617 : vector<16xf32>
      %max3A_621 = arith.maximumf %add3A_617, %mul3A_620 : vector<16xf32>
      %mul3A_622 = arith.mulf %max3A_621, %get3A_48 : vector<16xf32>
      %add3A_623 = arith.addf %add3A_610, %mul3A_622 : vector<16xf32>
      %get3A_624 = arith.index_cast %scan3A_571 : i32 to index
      %get3A_625 = arith.constant 64 : index
      %get3A_626 = tpu.vector_load %arg11[%get3A_624, %get3A_625] {strides = array<i32>} : memref<40x128xf32, #tpu.memory_space<vmem>>, vector<16xf32>,
      %get3A_627 = arith.index_cast %scan3A_571 : i32 to index
      %get3A_628 = arith.constant 64 : index
      %get3A_629 = tpu.vector_load %arg12[%get3A_627, %get3A_628] {strides = array<i32>} : memref<40x128xf32, #tpu.memory_space<vmem>>, vector<16xf32>,
      %add3A_630 = arith.addf %get3A_626, %get3A_629 : vector<16xf32>
      %mul3A_631 = arith.constant 2.000000e-01 : f32
      %mul3A_632 = vector.broadcast %mul3A_631 : f32 to vector<16xf32>
      %mul3A_633 = arith.mulf %mul3A_632, %add3A_630 : vector<16xf32>
      %max3A_634 = arith.maximumf %add3A_630, %mul3A_633 : vector<16xf32>
      %mul3A_635 = arith.mulf %max3A_634, %get3A_50 : vector<16xf32>
      %add3A_636 = arith.addf %add3A_623, %mul3A_635 : vector<16xf32>
      %get3A_637 = arith.index_cast %scan3A_571 : i32 to index
      %get3A_638 = arith.constant 80 : index
      %get3A_639 = tpu.vector_load %arg11[%get3A_637, %get3A_638] {strides = array<i32>} : memref<40x128xf32, #tpu.memory_space<vmem>>, vector<16xf32>,
      %get3A_640 = arith.index_cast %scan3A_571 : i32 to index
      %get3A_641 = arith.constant 80 : index
      %get3A_642 = tpu.vector_load %arg12[%get3A_640, %get3A_641] {strides = array<i32>} : memref<40x128xf32, #tpu.memory_space<vmem>>, vector<16xf32>,
      %add3A_643 = arith.addf %get3A_639, %get3A_642 : vector<16xf32>
      %mul3A_644 = arith.constant 2.000000e-01 : f32
      %mul3A_645 = vector.broadcast %mul3A_644 : f32 to vector<16xf32>
      %mul3A_646 = arith.mulf %mul3A_645, %add3A_643 : vector<16xf32>
      %max3A_647 = arith.maximumf %add3A_643, %mul3A_646 : vector<16xf32>
      %mul3A_648 = arith.mulf %max3A_647, %get3A_52 : vector<16xf32>
      %add3A_649 = arith.addf %add3A_636, %mul3A_648 : vector<16xf32>
      %get3A_650 = arith.index_cast %scan3A_571 : i32 to index
      %get3A_651 = arith.constant 96 : index
      %get3A_652 = tpu.vector_load %arg11[%get3A_650, %get3A_651] {strides = array<i32>} : memref<40x128xf32, #tpu.memory_space<vmem>>, vector<16xf32>,
      %get3A_653 = arith.index_cast %scan3A_571 : i32 to index
      %get3A_654 = arith.constant 96 : index
      %get3A_655 = tpu.vector_load %arg12[%get3A_653, %get3A_654] {strides = array<i32>} : memref<40x128xf32, #tpu.memory_space<vmem>>, vector<16xf32>,
      %add3A_656 = arith.addf %get3A_652, %get3A_655 : vector<16xf32>
      %mul3A_657 = arith.constant 2.000000e-01 : f32
      %mul3A_658 = vector.broadcast %mul3A_657 : f32 to vector<16xf32>
      %mul3A_659 = arith.mulf %mul3A_658, %add3A_656 : vector<16xf32>
      %max3A_660 = arith.maximumf %add3A_656, %mul3A_659 : vector<16xf32>
      %mul3A_661 = arith.mulf %max3A_660, %get3A_54 : vector<16xf32>
      %add3A_662 = arith.addf %add3A_649, %mul3A_661 : vector<16xf32>
      %get3A_663 = arith.index_cast %scan3A_571 : i32 to index
      %get3A_664 = arith.constant 112 : index
      %get3A_665 = tpu.vector_load %arg11[%get3A_663, %get3A_664] {strides = array<i32>} : memref<40x128xf32, #tpu.memory_space<vmem>>, vector<16xf32>,
      %get3A_666 = arith.index_cast %scan3A_571 : i32 to index
      %get3A_667 = arith.constant 112 : index
      %get3A_668 = tpu.vector_load %arg12[%get3A_666, %get3A_667] {strides = array<i32>} : memref<40x128xf32, #tpu.memory_space<vmem>>, vector<16xf32>,
      %add3A_669 = arith.addf %get3A_665, %get3A_668 : vector<16xf32>
      %mul3A_670 = arith.constant 2.000000e-01 : f32
      %mul3A_671 = vector.broadcast %mul3A_670 : f32 to vector<16xf32>
      %mul3A_672 = arith.mulf %mul3A_671, %add3A_669 : vector<16xf32>
      %max3A_673 = arith.maximumf %add3A_669, %mul3A_672 : vector<16xf32>
      %mul3A_674 = arith.mulf %max3A_673, %get3A_56 : vector<16xf32>
      %add3A_675 = arith.addf %add3A_662, %mul3A_674 : vector<16xf32>
      %reduce_sum3A = arith.constant true
      %reduce_sum3A_676 = vector.broadcast %reduce_sum3A : i1 to vector<16xi1>
      %reduce_sum3A_677 = tpu.scan <sum>, %add3A_675 masked %reduce_sum3A_676 : vector<16xf32>, vector<16xi1> -> vector<16xf32>
      %reduce_sum3A_678 = vector.extract %reduce_sum3A_677[15] : f32 from vector<16xf32>
      %broadcast_in_dim3A_679 = vector.broadcast %reduce_sum3A_678 : f32 to vector<16xf32>
      %exp3A = math.exp %broadcast_in_dim3A_679 : vector<16xf32>
      %mul3A_680 = arith.mulf %exp3A, %get3A_575 : vector<16xf32>
      %swap3A_681 = arith.index_cast %scan3A_571 : i32 to index
      %swap3A_682 = arith.constant 0 : index
      %swap3A_683 = tpu.vector_load %arg14[%swap3A_681, %swap3A_682] {strides = array<i32>} : memref<40x144xf32, #tpu.memory_space<vmem>>, vector<16xf32>,
      tpu.vector_store %arg14[%swap3A_681, %swap3A_682], %mul3A_680 {strides = array<i32>} : memref<40x144xf32, #tpu.memory_space<vmem>>, vector<16xf32>,
      %mul3A_684 = arith.mulf %exp3A, %get3A_587 : vector<16xf32>
      %swap3A_685 = arith.index_cast %scan3A_571 : i32 to index
      %swap3A_686 = arith.constant 16 : index
      %swap3A_687 = tpu.vector_load %arg14[%swap3A_685, %swap3A_686] {strides = array<i32>} : memref<40x144xf32, #tpu.memory_space<vmem>>, vector<16xf32>,
      tpu.vector_store %arg14[%swap3A_685, %swap3A_686], %mul3A_684 {strides = array<i32>} : memref<40x144xf32, #tpu.memory_space<vmem>>, vector<16xf32>,
      %mul3A_688 = arith.mulf %exp3A, %get3A_600 : vector<16xf32>
      %swap3A_689 = arith.index_cast %scan3A_571 : i32 to index
      %swap3A_690 = arith.constant 32 : index
      %swap3A_691 = tpu.vector_load %arg14[%swap3A_689, %swap3A_690] {strides = array<i32>} : memref<40x144xf32, #tpu.memory_space<vmem>>, vector<16xf32>,
      tpu.vector_store %arg14[%swap3A_689, %swap3A_690], %mul3A_688 {strides = array<i32>} : memref<40x144xf32, #tpu.memory_space<vmem>>, vector<16xf32>,
      %mul3A_692 = arith.mulf %exp3A, %get3A_613 : vector<16xf32>
      %swap3A_693 = arith.index_cast %scan3A_571 : i32 to index
      %swap3A_694 = arith.constant 48 : index
      %swap3A_695 = tpu.vector_load %arg14[%swap3A_693, %swap3A_694] {strides = array<i32>} : memref<40x144xf32, #tpu.memory_space<vmem>>, vector<16xf32>,
      tpu.vector_store %arg14[%swap3A_693, %swap3A_694], %mul3A_692 {strides = array<i32>} : memref<40x144xf32, #tpu.memory_space<vmem>>, vector<16xf32>,
      %mul3A_696 = arith.mulf %exp3A, %get3A_626 : vector<16xf32>
      %swap3A_697 = arith.index_cast %scan3A_571 : i32 to index
      %swap3A_698 = arith.constant 64 : index
      %swap3A_699 = tpu.vector_load %arg14[%swap3A_697, %swap3A_698] {strides = array<i32>} : memref<40x144xf32, #tpu.memory_space<vmem>>, vector<16xf32>,
      tpu.vector_store %arg14[%swap3A_697, %swap3A_698], %mul3A_696 {strides = array<i32>} : memref<40x144xf32, #tpu.memory_space<vmem>>, vector<16xf32>,
      %mul3A_700 = arith.mulf %exp3A, %get3A_639 : vector<16xf32>
      %swap3A_701 = arith.index_cast %scan3A_571 : i32 to index
      %swap3A_702 = arith.constant 80 : index
      %swap3A_703 = tpu.vector_load %arg14[%swap3A_701, %swap3A_702] {strides = array<i32>} : memref<40x144xf32, #tpu.memory_space<vmem>>, vector<16xf32>,
      tpu.vector_store %arg14[%swap3A_701, %swap3A_702], %mul3A_700 {strides = array<i32>} : memref<40x144xf32, #tpu.memory_space<vmem>>, vector<16xf32>,
      %mul3A_704 = arith.mulf %exp3A, %get3A_652 : vector<16xf32>
      %swap3A_705 = arith.index_cast %scan3A_571 : i32 to index
      %swap3A_706 = arith.constant 96 : index
      %swap3A_707 = tpu.vector_load %arg14[%swap3A_705, %swap3A_706] {strides = array<i32>} : memref<40x144xf32, #tpu.memory_space<vmem>>, vector<16xf32>,
      tpu.vector_store %arg14[%swap3A_705, %swap3A_706], %mul3A_704 {strides = array<i32>} : memref<40x144xf32, #tpu.memory_space<vmem>>, vector<16xf32>,
      %mul3A_708 = arith.mulf %exp3A, %get3A_665 : vector<16xf32>
      %swap3A_709 = arith.index_cast %scan3A_571 : i32 to index
      %swap3A_710 = arith.constant 112 : index
      %swap3A_711 = tpu.vector_load %arg14[%swap3A_709, %swap3A_710] {strides = array<i32>} : memref<40x144xf32, #tpu.memory_space<vmem>>, vector<16xf32>,
      tpu.vector_store %arg14[%swap3A_709, %swap3A_710], %mul3A_708 {strides = array<i32>} : memref<40x144xf32, #tpu.memory_space<vmem>>, vector<16xf32>,
      %jit3A = arith.constant 0.000000e+00 : f32
      %broadcast_in_dim3A_712 = vector.broadcast %jit3A : f32 to vector<16xf32>
      %select_n3A = arith.select %eq3A_58, %exp3A, %broadcast_in_dim3A_712 : vector<16xi1>, vector<16xf32>
      %swap3A_713 = arith.index_cast %scan3A_571 : i32 to index
      %swap3A_714 = arith.constant 128 : index
      %swap3A_715 = tpu.vector_load %arg14[%swap3A_713, %swap3A_714] {strides = array<i32>} : memref<40x144xf32, #tpu.memory_space<vmem>>, vector<16xf32>,
      tpu.vector_store %arg14[%swap3A_713, %swap3A_714], %select_n3A {strides = array<i32>} : memref<40x144xf32, #tpu.memory_space<vmem>>, vector<16xf32>,
      %scan3A_716 = arith.constant 1 : i32
      %scan3A_717 = arith.addi %scan3A_571, %scan3A_716 : i32
      %broadcast_in_dim3A_718 = arith.constant 0.000000e+00 : f32
      %broadcast_in_dim3A_719 = vector.broadcast %broadcast_in_dim3A_718 : f32 to vector<16xf32>
      %get3A_720 = arith.index_cast %scan3A_717 : i32 to index
      %get3A_721 = arith.constant 0 : index
      %get3A_722 = tpu.vector_load %arg11[%get3A_720, %get3A_721] {strides = array<i32>} : memref<40x128xf32, #tpu.memory_space<vmem>>, vector<16xf32>,
      %get3A_723 = arith.index_cast %scan3A_717 : i32 to index
      %get3A_724 = arith.constant 0 : index
      %get3A_725 = tpu.vector_load %arg12[%get3A_723, %get3A_724] {strides = array<i32>} : memref<40x128xf32, #tpu.memory_space<vmem>>, vector<16xf32>,
      %add3A_726 = arith.addf %get3A_722, %get3A_725 : vector<16xf32>
      %mul3A_727 = arith.constant 2.000000e-01 : f32
      %mul3A_728 = vector.broadcast %mul3A_727 : f32 to vector<16xf32>
      %mul3A_729 = arith.mulf %mul3A_728, %add3A_726 : vector<16xf32>
      %max3A_730 = arith.maximumf %add3A_726, %mul3A_729 : vector<16xf32>
      %mul3A_731 = arith.mulf %max3A_730, %get3A_42 : vector<16xf32>
      %add3A_732 = arith.addf %broadcast_in_dim3A_719, %mul3A_731 : vector<16xf32>
      %get3A_733 = arith.index_cast %scan3A_717 : i32 to index
      %get3A_734 = arith.constant 16 : index
      %get3A_735 = tpu.vector_load %arg11[%get3A_733, %get3A_734] {strides = array<i32>} : memref<40x128xf32, #tpu.memory_space<vmem>>, vector<16xf32>,
      %get3A_736 = arith.index_cast %scan3A_717 : i32 to index
      %get3A_737 = arith.constant 16 : index
      %get3A_738 = tpu.vector_load %arg12[%get3A_736, %get3A_737] {strides = array<i32>} : memref<40x128xf32, #tpu.memory_space<vmem>>, vector<16xf32>,
      %add3A_739 = arith.addf %get3A_735, %get3A_738 : vector<16xf32>
      %mul3A_740 = arith.constant 2.000000e-01 : f32
      %mul3A_741 = vector.broadcast %mul3A_740 : f32 to vector<16xf32>
      %mul3A_742 = arith.mulf %mul3A_741, %add3A_739 : vector<16xf32>
      %max3A_743 = arith.maximumf %add3A_739, %mul3A_742 : vector<16xf32>
      %mul3A_744 = arith.mulf %max3A_743, %get3A_44 : vector<16xf32>
      %add3A_745 = arith.addf %add3A_732, %mul3A_744 : vector<16xf32>
      %get3A_746 = arith.index_cast %scan3A_717 : i32 to index
      %get3A_747 = arith.constant 32 : index
      %get3A_748 = tpu.vector_load %arg11[%get3A_746, %get3A_747] {strides = array<i32>} : memref<40x128xf32, #tpu.memory_space<vmem>>, vector<16xf32>,
      %get3A_749 = arith.index_cast %scan3A_717 : i32 to index
      %get3A_750 = arith.constant 32 : index
      %get3A_751 = tpu.vector_load %arg12[%get3A_749, %get3A_750] {strides = array<i32>} : memref<40x128xf32, #tpu.memory_space<vmem>>, vector<16xf32>,
      %add3A_752 = arith.addf %get3A_748, %get3A_751 : vector<16xf32>
      %mul3A_753 = arith.constant 2.000000e-01 : f32
      %mul3A_754 = vector.broadcast %mul3A_753 : f32 to vector<16xf32>
      %mul3A_755 = arith.mulf %mul3A_754, %add3A_752 : vector<16xf32>
      %max3A_756 = arith.maximumf %add3A_752, %mul3A_755 : vector<16xf32>
      %mul3A_757 = arith.mulf %max3A_756, %get3A_46 : vector<16xf32>
      %add3A_758 = arith.addf %add3A_745, %mul3A_757 : vector<16xf32>
      %get3A_759 = arith.index_cast %scan3A_717 : i32 to index
      %get3A_760 = arith.constant 48 : index
      %get3A_761 = tpu.vector_load %arg11[%get3A_759, %get3A_760] {strides = array<i32>} : memref<40x128xf32, #tpu.memory_space<vmem>>, vector<16xf32>,
      %get3A_762 = arith.index_cast %scan3A_717 : i32 to index
      %get3A_763 = arith.constant 48 : index
      %get3A_764 = tpu.vector_load %arg12[%get3A_762, %get3A_763] {strides = array<i32>} : memref<40x128xf32, #tpu.memory_space<vmem>>, vector<16xf32>,
      %add3A_765 = arith.addf %get3A_761, %get3A_764 : vector<16xf32>
      %mul3A_766 = arith.constant 2.000000e-01 : f32
      %mul3A_767 = vector.broadcast %mul3A_766 : f32 to vector<16xf32>
      %mul3A_768 = arith.mulf %mul3A_767, %add3A_765 : vector<16xf32>
      %max3A_769 = arith.maximumf %add3A_765, %mul3A_768 : vector<16xf32>
      %mul3A_770 = arith.mulf %max3A_769, %get3A_48 : vector<16xf32>
      %add3A_771 = arith.addf %add3A_758, %mul3A_770 : vector<16xf32>
      %get3A_772 = arith.index_cast %scan3A_717 : i32 to index
      %get3A_773 = arith.constant 64 : index
      %get3A_774 = tpu.vector_load %arg11[%get3A_772, %get3A_773] {strides = array<i32>} : memref<40x128xf32, #tpu.memory_space<vmem>>, vector<16xf32>,
      %get3A_775 = arith.index_cast %scan3A_717 : i32 to index
      %get3A_776 = arith.constant 64 : index
      %get3A_777 = tpu.vector_load %arg12[%get3A_775, %get3A_776] {strides = array<i32>} : memref<40x128xf32, #tpu.memory_space<vmem>>, vector<16xf32>,
      %add3A_778 = arith.addf %get3A_774, %get3A_777 : vector<16xf32>
      %mul3A_779 = arith.constant 2.000000e-01 : f32
      %mul3A_780 = vector.broadcast %mul3A_779 : f32 to vector<16xf32>
      %mul3A_781 = arith.mulf %mul3A_780, %add3A_778 : vector<16xf32>
      %max3A_782 = arith.maximumf %add3A_778, %mul3A_781 : vector<16xf32>
      %mul3A_783 = arith.mulf %max3A_782, %get3A_50 : vector<16xf32>
      %add3A_784 = arith.addf %add3A_771, %mul3A_783 : vector<16xf32>
      %get3A_785 = arith.index_cast %scan3A_717 : i32 to index
      %get3A_786 = arith.constant 80 : index
      %get3A_787 = tpu.vector_load %arg11[%get3A_785, %get3A_786] {strides = array<i32>} : memref<40x128xf32, #tpu.memory_space<vmem>>, vector<16xf32>,
      %get3A_788 = arith.index_cast %scan3A_717 : i32 to index
      %get3A_789 = arith.constant 80 : index
      %get3A_790 = tpu.vector_load %arg12[%get3A_788, %get3A_789] {strides = array<i32>} : memref<40x128xf32, #tpu.memory_space<vmem>>, vector<16xf32>,
      %add3A_791 = arith.addf %get3A_787, %get3A_790 : vector<16xf32>
      %mul3A_792 = arith.constant 2.000000e-01 : f32
      %mul3A_793 = vector.broadcast %mul3A_792 : f32 to vector<16xf32>
      %mul3A_794 = arith.mulf %mul3A_793, %add3A_791 : vector<16xf32>
      %max3A_795 = arith.maximumf %add3A_791, %mul3A_794 : vector<16xf32>
      %mul3A_796 = arith.mulf %max3A_795, %get3A_52 : vector<16xf32>
      %add3A_797 = arith.addf %add3A_784, %mul3A_796 : vector<16xf32>
      %get3A_798 = arith.index_cast %scan3A_717 : i32 to index
      %get3A_799 = arith.constant 96 : index
      %get3A_800 = tpu.vector_load %arg11[%get3A_798, %get3A_799] {strides = array<i32>} : memref<40x128xf32, #tpu.memory_space<vmem>>, vector<16xf32>,
      %get3A_801 = arith.index_cast %scan3A_717 : i32 to index
      %get3A_802 = arith.constant 96 : index
      %get3A_803 = tpu.vector_load %arg12[%get3A_801, %get3A_802] {strides = array<i32>} : memref<40x128xf32, #tpu.memory_space<vmem>>, vector<16xf32>,
      %add3A_804 = arith.addf %get3A_800, %get3A_803 : vector<16xf32>
      %mul3A_805 = arith.constant 2.000000e-01 : f32
      %mul3A_806 = vector.broadcast %mul3A_805 : f32 to vector<16xf32>
      %mul3A_807 = arith.mulf %mul3A_806, %add3A_804 : vector<16xf32>
      %max3A_808 = arith.maximumf %add3A_804, %mul3A_807 : vector<16xf32>
      %mul3A_809 = arith.mulf %max3A_808, %get3A_54 : vector<16xf32>
      %add3A_810 = arith.addf %add3A_797, %mul3A_809 : vector<16xf32>
      %get3A_811 = arith.index_cast %scan3A_717 : i32 to index
      %get3A_812 = arith.constant 112 : index
      %get3A_813 = tpu.vector_load %arg11[%get3A_811, %get3A_812] {strides = array<i32>} : memref<40x128xf32, #tpu.memory_space<vmem>>, vector<16xf32>,
      %get3A_814 = arith.index_cast %scan3A_717 : i32 to index
      %get3A_815 = arith.constant 112 : index
      %get3A_816 = tpu.vector_load %arg12[%get3A_814, %get3A_815] {strides = array<i32>} : memref<40x128xf32, #tpu.memory_space<vmem>>, vector<16xf32>,
      %add3A_817 = arith.addf %get3A_813, %get3A_816 : vector<16xf32>
      %mul3A_818 = arith.constant 2.000000e-01 : f32
      %mul3A_819 = vector.broadcast %mul3A_818 : f32 to vector<16xf32>
      %mul3A_820 = arith.mulf %mul3A_819, %add3A_817 : vector<16xf32>
      %max3A_821 = arith.maximumf %add3A_817, %mul3A_820 : vector<16xf32>
      %mul3A_822 = arith.mulf %max3A_821, %get3A_56 : vector<16xf32>
      %add3A_823 = arith.addf %add3A_810, %mul3A_822 : vector<16xf32>
      %reduce_sum3A_824 = arith.constant true
      %reduce_sum3A_825 = vector.broadcast %reduce_sum3A_824 : i1 to vector<16xi1>
      %reduce_sum3A_826 = tpu.scan <sum>, %add3A_823 masked %reduce_sum3A_825 : vector<16xf32>, vector<16xi1> -> vector<16xf32>
      %reduce_sum3A_827 = vector.extract %reduce_sum3A_826[15] : f32 from vector<16xf32>
      %broadcast_in_dim3A_828 = vector.broadcast %reduce_sum3A_827 : f32 to vector<16xf32>
      %exp3A_829 = math.exp %broadcast_in_dim3A_828 : vector<16xf32>
      %mul3A_830 = arith.mulf %exp3A_829, %get3A_722 : vector<16xf32>
      %swap3A_831 = arith.index_cast %scan3A_717 : i32 to index
      %swap3A_832 = arith.constant 0 : index
      %swap3A_833 = tpu.vector_load %arg14[%swap3A_831, %swap3A_832] {strides = array<i32>} : memref<40x144xf32, #tpu.memory_space<vmem>>, vector<16xf32>,
      tpu.vector_store %arg14[%swap3A_831, %swap3A_832], %mul3A_830 {strides = array<i32>} : memref<40x144xf32, #tpu.memory_space<vmem>>, vector<16xf32>,
      %mul3A_834 = arith.mulf %exp3A_829, %get3A_735 : vector<16xf32>
      %swap3A_835 = arith.index_cast %scan3A_717 : i32 to index
      %swap3A_836 = arith.constant 16 : index
      %swap3A_837 = tpu.vector_load %arg14[%swap3A_835, %swap3A_836] {strides = array<i32>} : memref<40x144xf32, #tpu.memory_space<vmem>>, vector<16xf32>,
      tpu.vector_store %arg14[%swap3A_835, %swap3A_836], %mul3A_834 {strides = array<i32>} : memref<40x144xf32, #tpu.memory_space<vmem>>, vector<16xf32>,
      %mul3A_838 = arith.mulf %exp3A_829, %get3A_748 : vector<16xf32>
      %swap3A_839 = arith.index_cast %scan3A_717 : i32 to index
      %swap3A_840 = arith.constant 32 : index
      %swap3A_841 = tpu.vector_load %arg14[%swap3A_839, %swap3A_840] {strides = array<i32>} : memref<40x144xf32, #tpu.memory_space<vmem>>, vector<16xf32>,
      tpu.vector_store %arg14[%swap3A_839, %swap3A_840], %mul3A_838 {strides = array<i32>} : memref<40x144xf32, #tpu.memory_space<vmem>>, vector<16xf32>,
      %mul3A_842 = arith.mulf %exp3A_829, %get3A_761 : vector<16xf32>
      %swap3A_843 = arith.index_cast %scan3A_717 : i32 to index
      %swap3A_844 = arith.constant 48 : index
      %swap3A_845 = tpu.vector_load %arg14[%swap3A_843, %swap3A_844] {strides = array<i32>} : memref<40x144xf32, #tpu.memory_space<vmem>>, vector<16xf32>,
      tpu.vector_store %arg14[%swap3A_843, %swap3A_844], %mul3A_842 {strides = array<i32>} : memref<40x144xf32, #tpu.memory_space<vmem>>, vector<16xf32>,
      %mul3A_846 = arith.mulf %exp3A_829, %get3A_774 : vector<16xf32>
      %swap3A_847 = arith.index_cast %scan3A_717 : i32 to index
      %swap3A_848 = arith.constant 64 : index
      %swap3A_849 = tpu.vector_load %arg14[%swap3A_847, %swap3A_848] {strides = array<i32>} : memref<40x144xf32, #tpu.memory_space<vmem>>, vector<16xf32>,
      tpu.vector_store %arg14[%swap3A_847, %swap3A_848], %mul3A_846 {strides = array<i32>} : memref<40x144xf32, #tpu.memory_space<vmem>>, vector<16xf32>,
      %mul3A_850 = arith.mulf %exp3A_829, %get3A_787 : vector<16xf32>
      %swap3A_851 = arith.index_cast %scan3A_717 : i32 to index
      %swap3A_852 = arith.constant 80 : index
      %swap3A_853 = tpu.vector_load %arg14[%swap3A_851, %swap3A_852] {strides = array<i32>} : memref<40x144xf32, #tpu.memory_space<vmem>>, vector<16xf32>,
      tpu.vector_store %arg14[%swap3A_851, %swap3A_852], %mul3A_850 {strides = array<i32>} : memref<40x144xf32, #tpu.memory_space<vmem>>, vector<16xf32>,
      %mul3A_854 = arith.mulf %exp3A_829, %get3A_800 : vector<16xf32>
      %swap3A_855 = arith.index_cast %scan3A_717 : i32 to index
      %swap3A_856 = arith.constant 96 : index
      %swap3A_857 = tpu.vector_load %arg14[%swap3A_855, %swap3A_856] {strides = array<i32>} : memref<40x144xf32, #tpu.memory_space<vmem>>, vector<16xf32>,
      tpu.vector_store %arg14[%swap3A_855, %swap3A_856], %mul3A_854 {strides = array<i32>} : memref<40x144xf32, #tpu.memory_space<vmem>>, vector<16xf32>,
      %mul3A_858 = arith.mulf %exp3A_829, %get3A_813 : vector<16xf32>
      %swap3A_859 = arith.index_cast %scan3A_717 : i32 to index
      %swap3A_860 = arith.constant 112 : index
      %swap3A_861 = tpu.vector_load %arg14[%swap3A_859, %swap3A_860] {strides = array<i32>} : memref<40x144xf32, #tpu.memory_space<vmem>>, vector<16xf32>,
      tpu.vector_store %arg14[%swap3A_859, %swap3A_860], %mul3A_858 {strides = array<i32>} : memref<40x144xf32, #tpu.memory_space<vmem>>, vector<16xf32>,
      %jit3A_862 = arith.constant 0.000000e+00 : f32
      %broadcast_in_dim3A_863 = vector.broadcast %jit3A_862 : f32 to vector<16xf32>
      %select_n3A_864 = arith.select %eq3A_58, %exp3A_829, %broadcast_in_dim3A_863 : vector<16xi1>, vector<16xf32>
      %swap3A_865 = arith.index_cast %scan3A_717 : i32 to index
      %swap3A_866 = arith.constant 128 : index
      %swap3A_867 = tpu.vector_load %arg14[%swap3A_865, %swap3A_866] {strides = array<i32>} : memref<40x144xf32, #tpu.memory_space<vmem>>, vector<16xf32>,
      tpu.vector_store %arg14[%swap3A_865, %swap3A_866], %select_n3A_864 {strides = array<i32>} : memref<40x144xf32, #tpu.memory_space<vmem>>, vector<16xf32>,
    }
    %scan3A_348 = arith.constant 40 : i32
    %dma_start3A_349 = arith.constant 0 : i32
    %dma_start3A_350 = arith.constant 0 : i32
    %dma_start3A_351 = tpu.memref_slice %arg18[%dma_start3A_349, %dma_start3A_350] : memref<10000x144xf32, #tpu.memory_space<vmem_shared>> -> memref<10000x144xf32, #tpu.memory_space<vmem_shared>>
    tpu.enqueue_indirect_dma source(%arg14 : memref<40x144xf32, #tpu.memory_space<vmem>>) target(%dma_start3A_351 : memref<10000x144xf32, #tpu.memory_space<vmem_shared>>) offsets(%arg16 : memref<40xi32, #tpu.memory_space<vmem>>) semaphore(%arg26 : memref<!tpu.dma_semaphore, #tpu.memory_space<semaphore_mem>>) {add = true}
    %scan3A_352 = arith.constant 0 : i32
    %scan3A_353 = arith.constant 1 : i32
    %scan3A_354 = arith.constant 123 : i32
    %scan3A_355 = arith.addi %scan3A_353, %scan3A_354 : i32
    %scan3A_356 = arith.constant 1 : i32
    scf.for %scan3A_571 = %scan3A_353 to %scan3A_355 step %scan3A_356  : i32 {
      %mul3A_572 = arith.constant 2 : i32
      %mul3A_573 = arith.muli %mul3A_572, %scan3A_571 : i32
      %dma_wait3A_574 = arith.constant 0 : i32
      %dma_wait3A_575 = arith.constant 0 : i32
      %dma_wait3A_576 = arith.constant 0 : i32
      %dma_wait3A_577 = tpu.memref_slice %arg9[%dma_wait3A_575, %dma_wait3A_576] : memref<40x128xf32, #tpu.memory_space<vmem>> -> memref<24x128xf32, #tpu.memory_space<vmem>>
      %dma_wait3A_578 = arith.constant 0 : i32
      %dma_wait3A_579 = tpu.memref_slice %arg7[%dma_wait3A_574, %dma_wait3A_578] : memref<2x40xi32, #tpu.memory_space<vmem>> -> memref<1x24xi32, #tpu.memory_space<vmem>>
      %dma_wait3A_580 = tpu.memref_squeeze %dma_wait3A_579 : memref<1x24xi32, #tpu.memory_space<vmem>> -> memref<24xi32, #tpu.memory_space<vmem>>
      %dma_wait3A_581 = arith.constant 0 : i32
      %dma_wait3A_582 = arith.constant 0 : i32
      %dma_wait3A_583 = tpu.memref_slice %arg2[%dma_wait3A_581, %dma_wait3A_582] : memref<10000x128xf32, #tpu.memory_space<hbm>> -> memref<10000x128xf32, #tpu.memory_space<hbm>>
      tpu.wait_indirect_dma semaphore(%arg21 : memref<!tpu.dma_semaphore, #tpu.memory_space<semaphore_mem>>) src(%dma_wait3A_583 : memref<10000x128xf32, #tpu.memory_space<hbm>>) dst(%dma_wait3A_577 : memref<24x128xf32, #tpu.memory_space<vmem>>)
      %dma_wait3A_584 = arith.constant 1 : i32
      %dma_wait3A_585 = arith.constant 0 : i32
      %dma_wait3A_586 = arith.constant 0 : i32
      %dma_wait3A_587 = tpu.memref_slice %arg10[%dma_wait3A_585, %dma_wait3A_586] : memref<40x128xf32, #tpu.memory_space<vmem>> -> memref<24x128xf32, #tpu.memory_space<vmem>>
      %dma_wait3A_588 = arith.constant 0 : i32
      %dma_wait3A_589 = tpu.memref_slice %arg7[%dma_wait3A_584, %dma_wait3A_588] : memref<2x40xi32, #tpu.memory_space<vmem>> -> memref<1x24xi32, #tpu.memory_space<vmem>>
      %dma_wait3A_590 = tpu.memref_squeeze %dma_wait3A_589 : memref<1x24xi32, #tpu.memory_space<vmem>> -> memref<24xi32, #tpu.memory_space<vmem>>
      %dma_wait3A_591 = arith.constant 0 : i32
      %dma_wait3A_592 = arith.constant 0 : i32
      %dma_wait3A_593 = tpu.memref_slice %arg3[%dma_wait3A_591, %dma_wait3A_592] : memref<10000x128xf32, #tpu.memory_space<hbm>> -> memref<10000x128xf32, #tpu.memory_space<hbm>>
      tpu.wait_indirect_dma semaphore(%arg22 : memref<!tpu.dma_semaphore, #tpu.memory_space<semaphore_mem>>) src(%dma_wait3A_593 : memref<10000x128xf32, #tpu.memory_space<hbm>>) dst(%dma_wait3A_587 : memref<24x128xf32, #tpu.memory_space<vmem>>)
      %dma_wait3A_594 = arith.constant 0 : i32
      %dma_wait3A_595 = arith.constant 24 : i32
      %dma_wait3A_596 = arith.constant 0 : i32
      %dma_wait3A_597 = tpu.memref_slice %arg9[%dma_wait3A_595, %dma_wait3A_596] : memref<40x128xf32, #tpu.memory_space<vmem>> -> memref<16x128xf32, #tpu.memory_space<vmem>>
      %dma_wait3A_598 = arith.constant 24 : i32
      %dma_wait3A_599 = tpu.memref_slice %arg7[%dma_wait3A_594, %dma_wait3A_598] : memref<2x40xi32, #tpu.memory_space<vmem>> -> memref<1x16xi32, #tpu.memory_space<vmem>>
      %dma_wait3A_600 = tpu.memref_squeeze %dma_wait3A_599 : memref<1x16xi32, #tpu.memory_space<vmem>> -> memref<16xi32, #tpu.memory_space<vmem>>
      %dma_wait3A_601 = arith.constant 0 : i32
      %dma_wait3A_602 = arith.constant 0 : i32
      %dma_wait3A_603 = tpu.memref_slice %arg2[%dma_wait3A_601, %dma_wait3A_602] : memref<10000x128xf32, #tpu.memory_space<hbm>> -> memref<10000x128xf32, #tpu.memory_space<hbm>>
      tpu.wait_indirect_dma semaphore(%arg21 : memref<!tpu.dma_semaphore, #tpu.memory_space<semaphore_mem>>) src(%dma_wait3A_603 : memref<10000x128xf32, #tpu.memory_space<hbm>>) dst(%dma_wait3A_597 : memref<16x128xf32, #tpu.memory_space<vmem>>)
      %dma_wait3A_604 = arith.constant 1 : i32
      %dma_wait3A_605 = arith.constant 24 : i32
      %dma_wait3A_606 = arith.constant 0 : i32
      %dma_wait3A_607 = tpu.memref_slice %arg10[%dma_wait3A_605, %dma_wait3A_606] : memref<40x128xf32, #tpu.memory_space<vmem>> -> memref<16x128xf32, #tpu.memory_space<vmem>>
      %dma_wait3A_608 = arith.constant 24 : i32
      %dma_wait3A_609 = tpu.memref_slice %arg7[%dma_wait3A_604, %dma_wait3A_608] : memref<2x40xi32, #tpu.memory_space<vmem>> -> memref<1x16xi32, #tpu.memory_space<vmem>>
      %dma_wait3A_610 = tpu.memref_squeeze %dma_wait3A_609 : memref<1x16xi32, #tpu.memory_space<vmem>> -> memref<16xi32, #tpu.memory_space<vmem>>
      %dma_wait3A_611 = arith.constant 0 : i32
      %dma_wait3A_612 = arith.constant 0 : i32
      %dma_wait3A_613 = tpu.memref_slice %arg3[%dma_wait3A_611, %dma_wait3A_612] : memref<10000x128xf32, #tpu.memory_space<hbm>> -> memref<10000x128xf32, #tpu.memory_space<hbm>>
      tpu.wait_indirect_dma semaphore(%arg22 : memref<!tpu.dma_semaphore, #tpu.memory_space<semaphore_mem>>) src(%dma_wait3A_613 : memref<10000x128xf32, #tpu.memory_space<hbm>>) dst(%dma_wait3A_607 : memref<16x128xf32, #tpu.memory_space<vmem>>)
      %dma_wait3A_614 = arith.constant 0 : i32
      %dma_wait3A_615 = arith.constant 0 : i32
      %dma_wait3A_616 = tpu.memref_slice %arg18[%dma_wait3A_614, %dma_wait3A_615] : memref<10000x144xf32, #tpu.memory_space<vmem_shared>> -> memref<10000x144xf32, #tpu.memory_space<vmem_shared>>
      tpu.wait_indirect_dma semaphore(%arg25 : memref<!tpu.dma_semaphore, #tpu.memory_space<semaphore_mem>>) src(%arg13 : memref<40x144xf32, #tpu.memory_space<vmem>>) dst(%dma_wait3A_616 : memref<10000x144xf32, #tpu.memory_space<vmem_shared>>)
      %get3A_617 = arith.constant 1 : i32
      %get3A_618 = arith.index_cast %get3A_617 : i32 to index
      %get3A_619 = arith.constant 0 : index
      %get3A_620 = tpu.vector_load %arg7[%get3A_618, %get3A_619] {strides = array<i32>} : memref<2x40xi32, #tpu.memory_space<vmem>>, vector<16xi32>,
      %swap3A_621 = arith.constant 0 : index
      %swap3A_622 = tpu.vector_load %arg15[%swap3A_621] {strides = array<i32>} : memref<40xi32, #tpu.memory_space<vmem>>, vector<16xi32>,
      tpu.vector_store %arg15[%swap3A_621], %get3A_620 {strides = array<i32>} : memref<40xi32, #tpu.memory_space<vmem>>, vector<16xi32>,
      %get3A_623 = arith.constant 1 : i32
      %get3A_624 = arith.index_cast %get3A_623 : i32 to index
      %get3A_625 = arith.constant 16 : index
      %get3A_626 = tpu.vector_load %arg7[%get3A_624, %get3A_625] {strides = array<i32>} : memref<2x40xi32, #tpu.memory_space<vmem>>, vector<16xi32>,
      %swap3A_627 = arith.constant 16 : index
      %swap3A_628 = tpu.vector_load %arg15[%swap3A_627] {strides = array<i32>} : memref<40xi32, #tpu.memory_space<vmem>>, vector<16xi32>,
      tpu.vector_store %arg15[%swap3A_627], %get3A_626 {strides = array<i32>} : memref<40xi32, #tpu.memory_space<vmem>>, vector<16xi32>,
      %get3A_629 = arith.constant 1 : i32
      %get3A_630 = arith.index_cast %get3A_629 : i32 to index
      %get3A_631 = arith.constant 24 : index
      %get3A_632 = tpu.vector_load %arg7[%get3A_630, %get3A_631] {strides = array<i32>} : memref<2x40xi32, #tpu.memory_space<vmem>>, vector<16xi32>,
      %swap3A_633 = arith.constant 24 : index
      %swap3A_634 = tpu.vector_load %arg15[%swap3A_633] {strides = array<i32>} : memref<40xi32, #tpu.memory_space<vmem>>, vector<16xi32>,
      tpu.vector_store %arg15[%swap3A_633], %get3A_632 {strides = array<i32>} : memref<40xi32, #tpu.memory_space<vmem>>, vector<16xi32>,
      %add3A_635 = arith.constant 2 : i32
      %add3A_636 = arith.addi %mul3A_573, %add3A_635 : i32
      %mul3A_637 = arith.constant 40 : i32
      %mul3A_638 = arith.muli %add3A_636, %mul3A_637 : i32
      %add3A_639 = arith.addi %mul3A_2, %mul3A_638 : i32
      %dma_start3A_640 = arith.constant 0 : i32
      %dma_start3A_641 = tpu.memref_slice %arg4[%dma_start3A_640, %add3A_639] : memref<2x320000xi32, #tpu.memory_space<hbm>> -> memref<2x40xi32, #tpu.memory_space<hbm>>
      %dma_start3A_642 = arith.constant 0 : i32
      %dma_start3A_643 = tpu.memref_slice %arg4[%dma_start3A_642, %add3A_639] : memref<2x320000xi32, #tpu.memory_space<hbm>> -> memref<2x40xi32, #tpu.memory_space<hbm>>
      tpu.enqueue_dma source(%dma_start3A_643 : memref<2x40xi32, #tpu.memory_space<hbm>>) target(%arg7 : memref<2x40xi32, #tpu.memory_space<vmem>>) target_semaphore(%arg19 : memref<!tpu.dma_semaphore, #tpu.memory_space<semaphore_mem>>)
      %add3A_644 = arith.constant 1 : i32
      %add3A_645 = arith.addi %mul3A_573, %add3A_644 : i32
      %mul3A_646 = arith.constant 40 : i32
      %mul3A_647 = arith.muli %add3A_645, %mul3A_646 : i32
      %add3A_648 = arith.addi %mul3A_2, %mul3A_647 : i32
      %dma_wait3A_649 = arith.constant 0 : i32
      %dma_wait3A_650 = tpu.memref_slice %arg4[%dma_wait3A_649, %add3A_648] : memref<2x320000xi32, #tpu.memory_space<hbm>> -> memref<2x40xi32, #tpu.memory_space<hbm>>
      %dma_wait3A_651 = arith.constant 0 : i32
      %dma_wait3A_652 = tpu.memref_slice %arg4[%dma_wait3A_651, %add3A_648] : memref<2x320000xi32, #tpu.memory_space<hbm>> -> memref<2x40xi32, #tpu.memory_space<hbm>>
      tpu.wait_dma2 semaphore(%arg20 : memref<!tpu.dma_semaphore, #tpu.memory_space<semaphore_mem>>) src(%dma_wait3A_652 : memref<2x40xi32, #tpu.memory_space<hbm>>) dst(%arg8 : memref<2x40xi32, #tpu.memory_space<vmem>>)
      %dma_start3A_653 = arith.constant 0 : i32
      %dma_start3A_654 = arith.constant 0 : i32
      %dma_start3A_655 = arith.constant 0 : i32
      %dma_start3A_656 = tpu.memref_slice %arg11[%dma_start3A_654, %dma_start3A_655] : memref<40x128xf32, #tpu.memory_space<vmem>> -> memref<24x128xf32, #tpu.memory_space<vmem>>
      %dma_start3A_657 = arith.constant 0 : i32
      %dma_start3A_658 = tpu.memref_slice %arg8[%dma_start3A_653, %dma_start3A_657] : memref<2x40xi32, #tpu.memory_space<vmem>> -> memref<1x24xi32, #tpu.memory_space<vmem>>
      %dma_start3A_659 = tpu.memref_squeeze %dma_start3A_658 : memref<1x24xi32, #tpu.memory_space<vmem>> -> memref<24xi32, #tpu.memory_space<vmem>>
      %dma_start3A_660 = arith.constant 0 : i32
      %dma_start3A_661 = arith.constant 0 : i32
      %dma_start3A_662 = tpu.memref_slice %arg2[%dma_start3A_660, %dma_start3A_661] : memref<10000x128xf32, #tpu.memory_space<hbm>> -> memref<10000x128xf32, #tpu.memory_space<hbm>>
      tpu.enqueue_indirect_dma source(%dma_start3A_662 : memref<10000x128xf32, #tpu.memory_space<hbm>>) target(%dma_start3A_656 : memref<24x128xf32, #tpu.memory_space<vmem>>) offsets(%dma_start3A_659 : memref<24xi32, #tpu.memory_space<vmem>>) semaphore(%arg23 : memref<!tpu.dma_semaphore, #tpu.memory_space<semaphore_mem>>)
      %dma_start3A_663 = arith.constant 1 : i32
      %dma_start3A_664 = arith.constant 0 : i32
      %dma_start3A_665 = arith.constant 0 : i32
      %dma_start3A_666 = tpu.memref_slice %arg12[%dma_start3A_664, %dma_start3A_665] : memref<40x128xf32, #tpu.memory_space<vmem>> -> memref<24x128xf32, #tpu.memory_space<vmem>>
      %dma_start3A_667 = arith.constant 0 : i32
      %dma_start3A_668 = tpu.memref_slice %arg8[%dma_start3A_663, %dma_start3A_667] : memref<2x40xi32, #tpu.memory_space<vmem>> -> memref<1x24xi32, #tpu.memory_space<vmem>>
      %dma_start3A_669 = tpu.memref_squeeze %dma_start3A_668 : memref<1x24xi32, #tpu.memory_space<vmem>> -> memref<24xi32, #tpu.memory_space<vmem>>
      %dma_start3A_670 = arith.constant 0 : i32
      %dma_start3A_671 = arith.constant 0 : i32
      %dma_start3A_672 = tpu.memref_slice %arg3[%dma_start3A_670, %dma_start3A_671] : memref<10000x128xf32, #tpu.memory_space<hbm>> -> memref<10000x128xf32, #tpu.memory_space<hbm>>
      tpu.enqueue_indirect_dma source(%dma_start3A_672 : memref<10000x128xf32, #tpu.memory_space<hbm>>) target(%dma_start3A_666 : memref<24x128xf32, #tpu.memory_space<vmem>>) offsets(%dma_start3A_669 : memref<24xi32, #tpu.memory_space<vmem>>) semaphore(%arg24 : memref<!tpu.dma_semaphore, #tpu.memory_space<semaphore_mem>>)
      %dma_start3A_673 = arith.constant 0 : i32
      %dma_start3A_674 = arith.constant 24 : i32
      %dma_start3A_675 = arith.constant 0 : i32
      %dma_start3A_676 = tpu.memref_slice %arg11[%dma_start3A_674, %dma_start3A_675] : memref<40x128xf32, #tpu.memory_space<vmem>> -> memref<16x128xf32, #tpu.memory_space<vmem>>
      %dma_start3A_677 = arith.constant 24 : i32
      %dma_start3A_678 = tpu.memref_slice %arg8[%dma_start3A_673, %dma_start3A_677] : memref<2x40xi32, #tpu.memory_space<vmem>> -> memref<1x16xi32, #tpu.memory_space<vmem>>
      %dma_start3A_679 = tpu.memref_squeeze %dma_start3A_678 : memref<1x16xi32, #tpu.memory_space<vmem>> -> memref<16xi32, #tpu.memory_space<vmem>>
      %dma_start3A_680 = arith.constant 0 : i32
      %dma_start3A_681 = arith.constant 0 : i32
      %dma_start3A_682 = tpu.memref_slice %arg2[%dma_start3A_680, %dma_start3A_681] : memref<10000x128xf32, #tpu.memory_space<hbm>> -> memref<10000x128xf32, #tpu.memory_space<hbm>>
      tpu.enqueue_indirect_dma source(%dma_start3A_682 : memref<10000x128xf32, #tpu.memory_space<hbm>>) target(%dma_start3A_676 : memref<16x128xf32, #tpu.memory_space<vmem>>) offsets(%dma_start3A_679 : memref<16xi32, #tpu.memory_space<vmem>>) semaphore(%arg23 : memref<!tpu.dma_semaphore, #tpu.memory_space<semaphore_mem>>)
      %dma_start3A_683 = arith.constant 1 : i32
      %dma_start3A_684 = arith.constant 24 : i32
      %dma_start3A_685 = arith.constant 0 : i32
      %dma_start3A_686 = tpu.memref_slice %arg12[%dma_start3A_684, %dma_start3A_685] : memref<40x128xf32, #tpu.memory_space<vmem>> -> memref<16x128xf32, #tpu.memory_space<vmem>>
      %dma_start3A_687 = arith.constant 24 : i32
      %dma_start3A_688 = tpu.memref_slice %arg8[%dma_start3A_683, %dma_start3A_687] : memref<2x40xi32, #tpu.memory_space<vmem>> -> memref<1x16xi32, #tpu.memory_space<vmem>>
      %dma_start3A_689 = tpu.memref_squeeze %dma_start3A_688 : memref<1x16xi32, #tpu.memory_space<vmem>> -> memref<16xi32, #tpu.memory_space<vmem>>
      %dma_start3A_690 = arith.constant 0 : i32
      %dma_start3A_691 = arith.constant 0 : i32
      %dma_start3A_692 = tpu.memref_slice %arg3[%dma_start3A_690, %dma_start3A_691] : memref<10000x128xf32, #tpu.memory_space<hbm>> -> memref<10000x128xf32, #tpu.memory_space<hbm>>
      tpu.enqueue_indirect_dma source(%dma_start3A_692 : memref<10000x128xf32, #tpu.memory_space<hbm>>) target(%dma_start3A_686 : memref<16x128xf32, #tpu.memory_space<vmem>>) offsets(%dma_start3A_689 : memref<16xi32, #tpu.memory_space<vmem>>) semaphore(%arg24 : memref<!tpu.dma_semaphore, #tpu.memory_space<semaphore_mem>>)
      %scan3A_693 = arith.constant 0 : i32
      %scan3A_694 = arith.constant 0 : i32
      %scan3A_695 = arith.constant 40 : i32
      %scan3A_696 = arith.addi %scan3A_694, %scan3A_695 : i32
      %scan3A_697 = arith.constant 2 : i32
      scf.for %scan3A_834 = %scan3A_694 to %scan3A_696 step %scan3A_697  : i32 {
        %broadcast_in_dim3A = arith.constant 0.000000e+00 : f32
        %broadcast_in_dim3A_835 = vector.broadcast %broadcast_in_dim3A : f32 to vector<16xf32>
        %get3A_836 = arith.index_cast %scan3A_834 : i32 to index
        %get3A_837 = arith.constant 0 : index
        %get3A_838 = tpu.vector_load %arg9[%get3A_836, %get3A_837] {strides = array<i32>} : memref<40x128xf32, #tpu.memory_space<vmem>>, vector<16xf32>,
        %get3A_839 = arith.index_cast %scan3A_834 : i32 to index
        %get3A_840 = arith.constant 0 : index
        %get3A_841 = tpu.vector_load %arg10[%get3A_839, %get3A_840] {strides = array<i32>} : memref<40x128xf32, #tpu.memory_space<vmem>>, vector<16xf32>,
        %add3A_842 = arith.addf %get3A_838, %get3A_841 : vector<16xf32>
        %mul3A_843 = arith.constant 2.000000e-01 : f32
        %mul3A_844 = vector.broadcast %mul3A_843 : f32 to vector<16xf32>
        %mul3A_845 = arith.mulf %mul3A_844, %add3A_842 : vector<16xf32>
        %max3A = arith.maximumf %add3A_842, %mul3A_845 : vector<16xf32>
        %mul3A_846 = arith.mulf %max3A, %get3A_42 : vector<16xf32>
        %add3A_847 = arith.addf %broadcast_in_dim3A_835, %mul3A_846 : vector<16xf32>
        %get3A_848 = arith.index_cast %scan3A_834 : i32 to index
        %get3A_849 = arith.constant 16 : index
        %get3A_850 = tpu.vector_load %arg9[%get3A_848, %get3A_849] {strides = array<i32>} : memref<40x128xf32, #tpu.memory_space<vmem>>, vector<16xf32>,
        %get3A_851 = arith.index_cast %scan3A_834 : i32 to index
        %get3A_852 = arith.constant 16 : index
        %get3A_853 = tpu.vector_load %arg10[%get3A_851, %get3A_852] {strides = array<i32>} : memref<40x128xf32, #tpu.memory_space<vmem>>, vector<16xf32>,
        %add3A_854 = arith.addf %get3A_850, %get3A_853 : vector<16xf32>
        %mul3A_855 = arith.constant 2.000000e-01 : f32
        %mul3A_856 = vector.broadcast %mul3A_855 : f32 to vector<16xf32>
        %mul3A_857 = arith.mulf %mul3A_856, %add3A_854 : vector<16xf32>
        %max3A_858 = arith.maximumf %add3A_854, %mul3A_857 : vector<16xf32>
        %mul3A_859 = arith.mulf %max3A_858, %get3A_44 : vector<16xf32>
        %add3A_860 = arith.addf %add3A_847, %mul3A_859 : vector<16xf32>
        %get3A_861 = arith.index_cast %scan3A_834 : i32 to index
        %get3A_862 = arith.constant 32 : index
        %get3A_863 = tpu.vector_load %arg9[%get3A_861, %get3A_862] {strides = array<i32>} : memref<40x128xf32, #tpu.memory_space<vmem>>, vector<16xf32>,
        %get3A_864 = arith.index_cast %scan3A_834 : i32 to index
        %get3A_865 = arith.constant 32 : index
        %get3A_866 = tpu.vector_load %arg10[%get3A_864, %get3A_865] {strides = array<i32>} : memref<40x128xf32, #tpu.memory_space<vmem>>, vector<16xf32>,
        %add3A_867 = arith.addf %get3A_863, %get3A_866 : vector<16xf32>
        %mul3A_868 = arith.constant 2.000000e-01 : f32
        %mul3A_869 = vector.broadcast %mul3A_868 : f32 to vector<16xf32>
        %mul3A_870 = arith.mulf %mul3A_869, %add3A_867 : vector<16xf32>
        %max3A_871 = arith.maximumf %add3A_867, %mul3A_870 : vector<16xf32>
        %mul3A_872 = arith.mulf %max3A_871, %get3A_46 : vector<16xf32>
        %add3A_873 = arith.addf %add3A_860, %mul3A_872 : vector<16xf32>
        %get3A_874 = arith.index_cast %scan3A_834 : i32 to index
        %get3A_875 = arith.constant 48 : index
        %get3A_876 = tpu.vector_load %arg9[%get3A_874, %get3A_875] {strides = array<i32>} : memref<40x128xf32, #tpu.memory_space<vmem>>, vector<16xf32>,
        %get3A_877 = arith.index_cast %scan3A_834 : i32 to index
        %get3A_878 = arith.constant 48 : index
        %get3A_879 = tpu.vector_load %arg10[%get3A_877, %get3A_878] {strides = array<i32>} : memref<40x128xf32, #tpu.memory_space<vmem>>, vector<16xf32>,
        %add3A_880 = arith.addf %get3A_876, %get3A_879 : vector<16xf32>
        %mul3A_881 = arith.constant 2.000000e-01 : f32
        %mul3A_882 = vector.broadcast %mul3A_881 : f32 to vector<16xf32>
        %mul3A_883 = arith.mulf %mul3A_882, %add3A_880 : vector<16xf32>
        %max3A_884 = arith.maximumf %add3A_880, %mul3A_883 : vector<16xf32>
        %mul3A_885 = arith.mulf %max3A_884, %get3A_48 : vector<16xf32>
        %add3A_886 = arith.addf %add3A_873, %mul3A_885 : vector<16xf32>
        %get3A_887 = arith.index_cast %scan3A_834 : i32 to index
        %get3A_888 = arith.constant 64 : index
        %get3A_889 = tpu.vector_load %arg9[%get3A_887, %get3A_888] {strides = array<i32>} : memref<40x128xf32, #tpu.memory_space<vmem>>, vector<16xf32>,
        %get3A_890 = arith.index_cast %scan3A_834 : i32 to index
        %get3A_891 = arith.constant 64 : index
        %get3A_892 = tpu.vector_load %arg10[%get3A_890, %get3A_891] {strides = array<i32>} : memref<40x128xf32, #tpu.memory_space<vmem>>, vector<16xf32>,
        %add3A_893 = arith.addf %get3A_889, %get3A_892 : vector<16xf32>
        %mul3A_894 = arith.constant 2.000000e-01 : f32
        %mul3A_895 = vector.broadcast %mul3A_894 : f32 to vector<16xf32>
        %mul3A_896 = arith.mulf %mul3A_895, %add3A_893 : vector<16xf32>
        %max3A_897 = arith.maximumf %add3A_893, %mul3A_896 : vector<16xf32>
        %mul3A_898 = arith.mulf %max3A_897, %get3A_50 : vector<16xf32>
        %add3A_899 = arith.addf %add3A_886, %mul3A_898 : vector<16xf32>
        %get3A_900 = arith.index_cast %scan3A_834 : i32 to index
        %get3A_901 = arith.constant 80 : index
        %get3A_902 = tpu.vector_load %arg9[%get3A_900, %get3A_901] {strides = array<i32>} : memref<40x128xf32, #tpu.memory_space<vmem>>, vector<16xf32>,
        %get3A_903 = arith.index_cast %scan3A_834 : i32 to index
        %get3A_904 = arith.constant 80 : index
        %get3A_905 = tpu.vector_load %arg10[%get3A_903, %get3A_904] {strides = array<i32>} : memref<40x128xf32, #tpu.memory_space<vmem>>, vector<16xf32>,
        %add3A_906 = arith.addf %get3A_902, %get3A_905 : vector<16xf32>
        %mul3A_907 = arith.constant 2.000000e-01 : f32
        %mul3A_908 = vector.broadcast %mul3A_907 : f32 to vector<16xf32>
        %mul3A_909 = arith.mulf %mul3A_908, %add3A_906 : vector<16xf32>
        %max3A_910 = arith.maximumf %add3A_906, %mul3A_909 : vector<16xf32>
        %mul3A_911 = arith.mulf %max3A_910, %get3A_52 : vector<16xf32>
        %add3A_912 = arith.addf %add3A_899, %mul3A_911 : vector<16xf32>
        %get3A_913 = arith.index_cast %scan3A_834 : i32 to index
        %get3A_914 = arith.constant 96 : index
        %get3A_915 = tpu.vector_load %arg9[%get3A_913, %get3A_914] {strides = array<i32>} : memref<40x128xf32, #tpu.memory_space<vmem>>, vector<16xf32>,
        %get3A_916 = arith.index_cast %scan3A_834 : i32 to index
        %get3A_917 = arith.constant 96 : index
        %get3A_918 = tpu.vector_load %arg10[%get3A_916, %get3A_917] {strides = array<i32>} : memref<40x128xf32, #tpu.memory_space<vmem>>, vector<16xf32>,
        %add3A_919 = arith.addf %get3A_915, %get3A_918 : vector<16xf32>
        %mul3A_920 = arith.constant 2.000000e-01 : f32
        %mul3A_921 = vector.broadcast %mul3A_920 : f32 to vector<16xf32>
        %mul3A_922 = arith.mulf %mul3A_921, %add3A_919 : vector<16xf32>
        %max3A_923 = arith.maximumf %add3A_919, %mul3A_922 : vector<16xf32>
        %mul3A_924 = arith.mulf %max3A_923, %get3A_54 : vector<16xf32>
        %add3A_925 = arith.addf %add3A_912, %mul3A_924 : vector<16xf32>
        %get3A_926 = arith.index_cast %scan3A_834 : i32 to index
        %get3A_927 = arith.constant 112 : index
        %get3A_928 = tpu.vector_load %arg9[%get3A_926, %get3A_927] {strides = array<i32>} : memref<40x128xf32, #tpu.memory_space<vmem>>, vector<16xf32>,
        %get3A_929 = arith.index_cast %scan3A_834 : i32 to index
        %get3A_930 = arith.constant 112 : index
        %get3A_931 = tpu.vector_load %arg10[%get3A_929, %get3A_930] {strides = array<i32>} : memref<40x128xf32, #tpu.memory_space<vmem>>, vector<16xf32>,
        %add3A_932 = arith.addf %get3A_928, %get3A_931 : vector<16xf32>
        %mul3A_933 = arith.constant 2.000000e-01 : f32
        %mul3A_934 = vector.broadcast %mul3A_933 : f32 to vector<16xf32>
        %mul3A_935 = arith.mulf %mul3A_934, %add3A_932 : vector<16xf32>
        %max3A_936 = arith.maximumf %add3A_932, %mul3A_935 : vector<16xf32>
        %mul3A_937 = arith.mulf %max3A_936, %get3A_56 : vector<16xf32>
        %add3A_938 = arith.addf %add3A_925, %mul3A_937 : vector<16xf32>
        %reduce_sum3A = arith.constant true
        %reduce_sum3A_939 = vector.broadcast %reduce_sum3A : i1 to vector<16xi1>
        %reduce_sum3A_940 = tpu.scan <sum>, %add3A_938 masked %reduce_sum3A_939 : vector<16xf32>, vector<16xi1> -> vector<16xf32>
        %reduce_sum3A_941 = vector.extract %reduce_sum3A_940[15] : f32 from vector<16xf32>
        %broadcast_in_dim3A_942 = vector.broadcast %reduce_sum3A_941 : f32 to vector<16xf32>
        %exp3A = math.exp %broadcast_in_dim3A_942 : vector<16xf32>
        %mul3A_943 = arith.mulf %exp3A, %get3A_838 : vector<16xf32>
        %swap3A_944 = arith.index_cast %scan3A_834 : i32 to index
        %swap3A_945 = arith.constant 0 : index
        %swap3A_946 = tpu.vector_load %arg13[%swap3A_944, %swap3A_945] {strides = array<i32>} : memref<40x144xf32, #tpu.memory_space<vmem>>, vector<16xf32>,
        tpu.vector_store %arg13[%swap3A_944, %swap3A_945], %mul3A_943 {strides = array<i32>} : memref<40x144xf32, #tpu.memory_space<vmem>>, vector<16xf32>,
        %mul3A_947 = arith.mulf %exp3A, %get3A_850 : vector<16xf32>
        %swap3A_948 = arith.index_cast %scan3A_834 : i32 to index
        %swap3A_949 = arith.constant 16 : index
        %swap3A_950 = tpu.vector_load %arg13[%swap3A_948, %swap3A_949] {strides = array<i32>} : memref<40x144xf32, #tpu.memory_space<vmem>>, vector<16xf32>,
        tpu.vector_store %arg13[%swap3A_948, %swap3A_949], %mul3A_947 {strides = array<i32>} : memref<40x144xf32, #tpu.memory_space<vmem>>, vector<16xf32>,
        %mul3A_951 = arith.mulf %exp3A, %get3A_863 : vector<16xf32>
        %swap3A_952 = arith.index_cast %scan3A_834 : i32 to index
        %swap3A_953 = arith.constant 32 : index
        %swap3A_954 = tpu.vector_load %arg13[%swap3A_952, %swap3A_953] {strides = array<i32>} : memref<40x144xf32, #tpu.memory_space<vmem>>, vector<16xf32>,
        tpu.vector_store %arg13[%swap3A_952, %swap3A_953], %mul3A_951 {strides = array<i32>} : memref<40x144xf32, #tpu.memory_space<vmem>>, vector<16xf32>,
        %mul3A_955 = arith.mulf %exp3A, %get3A_876 : vector<16xf32>
        %swap3A_956 = arith.index_cast %scan3A_834 : i32 to index
        %swap3A_957 = arith.constant 48 : index
        %swap3A_958 = tpu.vector_load %arg13[%swap3A_956, %swap3A_957] {strides = array<i32>} : memref<40x144xf32, #tpu.memory_space<vmem>>, vector<16xf32>,
        tpu.vector_store %arg13[%swap3A_956, %swap3A_957], %mul3A_955 {strides = array<i32>} : memref<40x144xf32, #tpu.memory_space<vmem>>, vector<16xf32>,
        %mul3A_959 = arith.mulf %exp3A, %get3A_889 : vector<16xf32>
        %swap3A_960 = arith.index_cast %scan3A_834 : i32 to index
        %swap3A_961 = arith.constant 64 : index
        %swap3A_962 = tpu.vector_load %arg13[%swap3A_960, %swap3A_961] {strides = array<i32>} : memref<40x144xf32, #tpu.memory_space<vmem>>, vector<16xf32>,
        tpu.vector_store %arg13[%swap3A_960, %swap3A_961], %mul3A_959 {strides = array<i32>} : memref<40x144xf32, #tpu.memory_space<vmem>>, vector<16xf32>,
        %mul3A_963 = arith.mulf %exp3A, %get3A_902 : vector<16xf32>
        %swap3A_964 = arith.index_cast %scan3A_834 : i32 to index
        %swap3A_965 = arith.constant 80 : index
        %swap3A_966 = tpu.vector_load %arg13[%swap3A_964, %swap3A_965] {strides = array<i32>} : memref<40x144xf32, #tpu.memory_space<vmem>>, vector<16xf32>,
        tpu.vector_store %arg13[%swap3A_964, %swap3A_965], %mul3A_963 {strides = array<i32>} : memref<40x144xf32, #tpu.memory_space<vmem>>, vector<16xf32>,
        %mul3A_967 = arith.mulf %exp3A, %get3A_915 : vector<16xf32>
        %swap3A_968 = arith.index_cast %scan3A_834 : i32 to index
        %swap3A_969 = arith.constant 96 : index
        %swap3A_970 = tpu.vector_load %arg13[%swap3A_968, %swap3A_969] {strides = array<i32>} : memref<40x144xf32, #tpu.memory_space<vmem>>, vector<16xf32>,
        tpu.vector_store %arg13[%swap3A_968, %swap3A_969], %mul3A_967 {strides = array<i32>} : memref<40x144xf32, #tpu.memory_space<vmem>>, vector<16xf32>,
        %mul3A_971 = arith.mulf %exp3A, %get3A_928 : vector<16xf32>
        %swap3A_972 = arith.index_cast %scan3A_834 : i32 to index
        %swap3A_973 = arith.constant 112 : index
        %swap3A_974 = tpu.vector_load %arg13[%swap3A_972, %swap3A_973] {strides = array<i32>} : memref<40x144xf32, #tpu.memory_space<vmem>>, vector<16xf32>,
        tpu.vector_store %arg13[%swap3A_972, %swap3A_973], %mul3A_971 {strides = array<i32>} : memref<40x144xf32, #tpu.memory_space<vmem>>, vector<16xf32>,
        %jit3A = arith.constant 0.000000e+00 : f32
        %broadcast_in_dim3A_975 = vector.broadcast %jit3A : f32 to vector<16xf32>
        %select_n3A = arith.select %eq3A_58, %exp3A, %broadcast_in_dim3A_975 : vector<16xi1>, vector<16xf32>
        %swap3A_976 = arith.index_cast %scan3A_834 : i32 to index
        %swap3A_977 = arith.constant 128 : index
        %swap3A_978 = tpu.vector_load %arg13[%swap3A_976, %swap3A_977] {strides = array<i32>} : memref<40x144xf32, #tpu.memory_space<vmem>>, vector<16xf32>,
        tpu.vector_store %arg13[%swap3A_976, %swap3A_977], %select_n3A {strides = array<i32>} : memref<40x144xf32, #tpu.memory_space<vmem>>, vector<16xf32>,
        %scan3A_979 = arith.constant 1 : i32
        %scan3A_980 = arith.addi %scan3A_834, %scan3A_979 : i32
        %broadcast_in_dim3A_981 = arith.constant 0.000000e+00 : f32
        %broadcast_in_dim3A_982 = vector.broadcast %broadcast_in_dim3A_981 : f32 to vector<16xf32>
        %get3A_983 = arith.index_cast %scan3A_980 : i32 to index
        %get3A_984 = arith.constant 0 : index
        %get3A_985 = tpu.vector_load %arg9[%get3A_983, %get3A_984] {strides = array<i32>} : memref<40x128xf32, #tpu.memory_space<vmem>>, vector<16xf32>,
        %get3A_986 = arith.index_cast %scan3A_980 : i32 to index
        %get3A_987 = arith.constant 0 : index
        %get3A_988 = tpu.vector_load %arg10[%get3A_986, %get3A_987] {strides = array<i32>} : memref<40x128xf32, #tpu.memory_space<vmem>>, vector<16xf32>,
        %add3A_989 = arith.addf %get3A_985, %get3A_988 : vector<16xf32>
        %mul3A_990 = arith.constant 2.000000e-01 : f32
        %mul3A_991 = vector.broadcast %mul3A_990 : f32 to vector<16xf32>
        %mul3A_992 = arith.mulf %mul3A_991, %add3A_989 : vector<16xf32>
        %max3A_993 = arith.maximumf %add3A_989, %mul3A_992 : vector<16xf32>
        %mul3A_994 = arith.mulf %max3A_993, %get3A_42 : vector<16xf32>
        %add3A_995 = arith.addf %broadcast_in_dim3A_982, %mul3A_994 : vector<16xf32>
        %get3A_996 = arith.index_cast %scan3A_980 : i32 to index
        %get3A_997 = arith.constant 16 : index
        %get3A_998 = tpu.vector_load %arg9[%get3A_996, %get3A_997] {strides = array<i32>} : memref<40x128xf32, #tpu.memory_space<vmem>>, vector<16xf32>,
        %get3A_999 = arith.index_cast %scan3A_980 : i32 to index
        %get3A_1000 = arith.constant 16 : index
        %get3A_1001 = tpu.vector_load %arg10[%get3A_999, %get3A_1000] {strides = array<i32>} : memref<40x128xf32, #tpu.memory_space<vmem>>, vector<16xf32>,
        %add3A_1002 = arith.addf %get3A_998, %get3A_1001 : vector<16xf32>
        %mul3A_1003 = arith.constant 2.000000e-01 : f32
        %mul3A_1004 = vector.broadcast %mul3A_1003 : f32 to vector<16xf32>
        %mul3A_1005 = arith.mulf %mul3A_1004, %add3A_1002 : vector<16xf32>
        %max3A_1006 = arith.maximumf %add3A_1002, %mul3A_1005 : vector<16xf32>
        %mul3A_1007 = arith.mulf %max3A_1006, %get3A_44 : vector<16xf32>
        %add3A_1008 = arith.addf %add3A_995, %mul3A_1007 : vector<16xf32>
        %get3A_1009 = arith.index_cast %scan3A_980 : i32 to index
        %get3A_1010 = arith.constant 32 : index
        %get3A_1011 = tpu.vector_load %arg9[%get3A_1009, %get3A_1010] {strides = array<i32>} : memref<40x128xf32, #tpu.memory_space<vmem>>, vector<16xf32>,
        %get3A_1012 = arith.index_cast %scan3A_980 : i32 to index
        %get3A_1013 = arith.constant 32 : index
        %get3A_1014 = tpu.vector_load %arg10[%get3A_1012, %get3A_1013] {strides = array<i32>} : memref<40x128xf32, #tpu.memory_space<vmem>>, vector<16xf32>,
        %add3A_1015 = arith.addf %get3A_1011, %get3A_1014 : vector<16xf32>
        %mul3A_1016 = arith.constant 2.000000e-01 : f32
        %mul3A_1017 = vector.broadcast %mul3A_1016 : f32 to vector<16xf32>
        %mul3A_1018 = arith.mulf %mul3A_1017, %add3A_1015 : vector<16xf32>
        %max3A_1019 = arith.maximumf %add3A_1015, %mul3A_1018 : vector<16xf32>
        %mul3A_1020 = arith.mulf %max3A_1019, %get3A_46 : vector<16xf32>
        %add3A_1021 = arith.addf %add3A_1008, %mul3A_1020 : vector<16xf32>
        %get3A_1022 = arith.index_cast %scan3A_980 : i32 to index
        %get3A_1023 = arith.constant 48 : index
        %get3A_1024 = tpu.vector_load %arg9[%get3A_1022, %get3A_1023] {strides = array<i32>} : memref<40x128xf32, #tpu.memory_space<vmem>>, vector<16xf32>,
        %get3A_1025 = arith.index_cast %scan3A_980 : i32 to index
        %get3A_1026 = arith.constant 48 : index
        %get3A_1027 = tpu.vector_load %arg10[%get3A_1025, %get3A_1026] {strides = array<i32>} : memref<40x128xf32, #tpu.memory_space<vmem>>, vector<16xf32>,
        %add3A_1028 = arith.addf %get3A_1024, %get3A_1027 : vector<16xf32>
        %mul3A_1029 = arith.constant 2.000000e-01 : f32
        %mul3A_1030 = vector.broadcast %mul3A_1029 : f32 to vector<16xf32>
        %mul3A_1031 = arith.mulf %mul3A_1030, %add3A_1028 : vector<16xf32>
        %max3A_1032 = arith.maximumf %add3A_1028, %mul3A_1031 : vector<16xf32>
        %mul3A_1033 = arith.mulf %max3A_1032, %get3A_48 : vector<16xf32>
        %add3A_1034 = arith.addf %add3A_1021, %mul3A_1033 : vector<16xf32>
        %get3A_1035 = arith.index_cast %scan3A_980 : i32 to index
        %get3A_1036 = arith.constant 64 : index
        %get3A_1037 = tpu.vector_load %arg9[%get3A_1035, %get3A_1036] {strides = array<i32>} : memref<40x128xf32, #tpu.memory_space<vmem>>, vector<16xf32>,
        %get3A_1038 = arith.index_cast %scan3A_980 : i32 to index
        %get3A_1039 = arith.constant 64 : index
        %get3A_1040 = tpu.vector_load %arg10[%get3A_1038, %get3A_1039] {strides = array<i32>} : memref<40x128xf32, #tpu.memory_space<vmem>>, vector<16xf32>,
        %add3A_1041 = arith.addf %get3A_1037, %get3A_1040 : vector<16xf32>
        %mul3A_1042 = arith.constant 2.000000e-01 : f32
        %mul3A_1043 = vector.broadcast %mul3A_1042 : f32 to vector<16xf32>
        %mul3A_1044 = arith.mulf %mul3A_1043, %add3A_1041 : vector<16xf32>
        %max3A_1045 = arith.maximumf %add3A_1041, %mul3A_1044 : vector<16xf32>
        %mul3A_1046 = arith.mulf %max3A_1045, %get3A_50 : vector<16xf32>
        %add3A_1047 = arith.addf %add3A_1034, %mul3A_1046 : vector<16xf32>
        %get3A_1048 = arith.index_cast %scan3A_980 : i32 to index
        %get3A_1049 = arith.constant 80 : index
        %get3A_1050 = tpu.vector_load %arg9[%get3A_1048, %get3A_1049] {strides = array<i32>} : memref<40x128xf32, #tpu.memory_space<vmem>>, vector<16xf32>,
        %get3A_1051 = arith.index_cast %scan3A_980 : i32 to index
        %get3A_1052 = arith.constant 80 : index
        %get3A_1053 = tpu.vector_load %arg10[%get3A_1051, %get3A_1052] {strides = array<i32>} : memref<40x128xf32, #tpu.memory_space<vmem>>, vector<16xf32>,
        %add3A_1054 = arith.addf %get3A_1050, %get3A_1053 : vector<16xf32>
        %mul3A_1055 = arith.constant 2.000000e-01 : f32
        %mul3A_1056 = vector.broadcast %mul3A_1055 : f32 to vector<16xf32>
        %mul3A_1057 = arith.mulf %mul3A_1056, %add3A_1054 : vector<16xf32>
        %max3A_1058 = arith.maximumf %add3A_1054, %mul3A_1057 : vector<16xf32>
        %mul3A_1059 = arith.mulf %max3A_1058, %get3A_52 : vector<16xf32>
        %add3A_1060 = arith.addf %add3A_1047, %mul3A_1059 : vector<16xf32>
        %get3A_1061 = arith.index_cast %scan3A_980 : i32 to index
        %get3A_1062 = arith.constant 96 : index
        %get3A_1063 = tpu.vector_load %arg9[%get3A_1061, %get3A_1062] {strides = array<i32>} : memref<40x128xf32, #tpu.memory_space<vmem>>, vector<16xf32>,
        %get3A_1064 = arith.index_cast %scan3A_980 : i32 to index
        %get3A_1065 = arith.constant 96 : index
        %get3A_1066 = tpu.vector_load %arg10[%get3A_1064, %get3A_1065] {strides = array<i32>} : memref<40x128xf32, #tpu.memory_space<vmem>>, vector<16xf32>,
        %add3A_1067 = arith.addf %get3A_1063, %get3A_1066 : vector<16xf32>
        %mul3A_1068 = arith.constant 2.000000e-01 : f32
        %mul3A_1069 = vector.broadcast %mul3A_1068 : f32 to vector<16xf32>
        %mul3A_1070 = arith.mulf %mul3A_1069, %add3A_1067 : vector<16xf32>
        %max3A_1071 = arith.maximumf %add3A_1067, %mul3A_1070 : vector<16xf32>
        %mul3A_1072 = arith.mulf %max3A_1071, %get3A_54 : vector<16xf32>
        %add3A_1073 = arith.addf %add3A_1060, %mul3A_1072 : vector<16xf32>
        %get3A_1074 = arith.index_cast %scan3A_980 : i32 to index
        %get3A_1075 = arith.constant 112 : index
        %get3A_1076 = tpu.vector_load %arg9[%get3A_1074, %get3A_1075] {strides = array<i32>} : memref<40x128xf32, #tpu.memory_space<vmem>>, vector<16xf32>,
        %get3A_1077 = arith.index_cast %scan3A_980 : i32 to index
        %get3A_1078 = arith.constant 112 : index
        %get3A_1079 = tpu.vector_load %arg10[%get3A_1077, %get3A_1078] {strides = array<i32>} : memref<40x128xf32, #tpu.memory_space<vmem>>, vector<16xf32>,
        %add3A_1080 = arith.addf %get3A_1076, %get3A_1079 : vector<16xf32>
        %mul3A_1081 = arith.constant 2.000000e-01 : f32
        %mul3A_1082 = vector.broadcast %mul3A_1081 : f32 to vector<16xf32>
        %mul3A_1083 = arith.mulf %mul3A_1082, %add3A_1080 : vector<16xf32>
        %max3A_1084 = arith.maximumf %add3A_1080, %mul3A_1083 : vector<16xf32>
        %mul3A_1085 = arith.mulf %max3A_1084, %get3A_56 : vector<16xf32>
        %add3A_1086 = arith.addf %add3A_1073, %mul3A_1085 : vector<16xf32>
        %reduce_sum3A_1087 = arith.constant true
        %reduce_sum3A_1088 = vector.broadcast %reduce_sum3A_1087 : i1 to vector<16xi1>
        %reduce_sum3A_1089 = tpu.scan <sum>, %add3A_1086 masked %reduce_sum3A_1088 : vector<16xf32>, vector<16xi1> -> vector<16xf32>
        %reduce_sum3A_1090 = vector.extract %reduce_sum3A_1089[15] : f32 from vector<16xf32>
        %broadcast_in_dim3A_1091 = vector.broadcast %reduce_sum3A_1090 : f32 to vector<16xf32>
        %exp3A_1092 = math.exp %broadcast_in_dim3A_1091 : vector<16xf32>
        %mul3A_1093 = arith.mulf %exp3A_1092, %get3A_985 : vector<16xf32>
        %swap3A_1094 = arith.index_cast %scan3A_980 : i32 to index
        %swap3A_1095 = arith.constant 0 : index
        %swap3A_1096 = tpu.vector_load %arg13[%swap3A_1094, %swap3A_1095] {strides = array<i32>} : memref<40x144xf32, #tpu.memory_space<vmem>>, vector<16xf32>,
        tpu.vector_store %arg13[%swap3A_1094, %swap3A_1095], %mul3A_1093 {strides = array<i32>} : memref<40x144xf32, #tpu.memory_space<vmem>>, vector<16xf32>,
        %mul3A_1097 = arith.mulf %exp3A_1092, %get3A_998 : vector<16xf32>
        %swap3A_1098 = arith.index_cast %scan3A_980 : i32 to index
        %swap3A_1099 = arith.constant 16 : index
        %swap3A_1100 = tpu.vector_load %arg13[%swap3A_1098, %swap3A_1099] {strides = array<i32>} : memref<40x144xf32, #tpu.memory_space<vmem>>, vector<16xf32>,
        tpu.vector_store %arg13[%swap3A_1098, %swap3A_1099], %mul3A_1097 {strides = array<i32>} : memref<40x144xf32, #tpu.memory_space<vmem>>, vector<16xf32>,
        %mul3A_1101 = arith.mulf %exp3A_1092, %get3A_1011 : vector<16xf32>
        %swap3A_1102 = arith.index_cast %scan3A_980 : i32 to index
        %swap3A_1103 = arith.constant 32 : index
        %swap3A_1104 = tpu.vector_load %arg13[%swap3A_1102, %swap3A_1103] {strides = array<i32>} : memref<40x144xf32, #tpu.memory_space<vmem>>, vector<16xf32>,
        tpu.vector_store %arg13[%swap3A_1102, %swap3A_1103], %mul3A_1101 {strides = array<i32>} : memref<40x144xf32, #tpu.memory_space<vmem>>, vector<16xf32>,
        %mul3A_1105 = arith.mulf %exp3A_1092, %get3A_1024 : vector<16xf32>
        %swap3A_1106 = arith.index_cast %scan3A_980 : i32 to index
        %swap3A_1107 = arith.constant 48 : index
        %swap3A_1108 = tpu.vector_load %arg13[%swap3A_1106, %swap3A_1107] {strides = array<i32>} : memref<40x144xf32, #tpu.memory_space<vmem>>, vector<16xf32>,
        tpu.vector_store %arg13[%swap3A_1106, %swap3A_1107], %mul3A_1105 {strides = array<i32>} : memref<40x144xf32, #tpu.memory_space<vmem>>, vector<16xf32>,
        %mul3A_1109 = arith.mulf %exp3A_1092, %get3A_1037 : vector<16xf32>
        %swap3A_1110 = arith.index_cast %scan3A_980 : i32 to index
        %swap3A_1111 = arith.constant 64 : index
        %swap3A_1112 = tpu.vector_load %arg13[%swap3A_1110, %swap3A_1111] {strides = array<i32>} : memref<40x144xf32, #tpu.memory_space<vmem>>, vector<16xf32>,
        tpu.vector_store %arg13[%swap3A_1110, %swap3A_1111], %mul3A_1109 {strides = array<i32>} : memref<40x144xf32, #tpu.memory_space<vmem>>, vector<16xf32>,
        %mul3A_1113 = arith.mulf %exp3A_1092, %get3A_1050 : vector<16xf32>
        %swap3A_1114 = arith.index_cast %scan3A_980 : i32 to index
        %swap3A_1115 = arith.constant 80 : index
        %swap3A_1116 = tpu.vector_load %arg13[%swap3A_1114, %swap3A_1115] {strides = array<i32>} : memref<40x144xf32, #tpu.memory_space<vmem>>, vector<16xf32>,
        tpu.vector_store %arg13[%swap3A_1114, %swap3A_1115], %mul3A_1113 {strides = array<i32>} : memref<40x144xf32, #tpu.memory_space<vmem>>, vector<16xf32>,
        %mul3A_1117 = arith.mulf %exp3A_1092, %get3A_1063 : vector<16xf32>
        %swap3A_1118 = arith.index_cast %scan3A_980 : i32 to index
        %swap3A_1119 = arith.constant 96 : index
        %swap3A_1120 = tpu.vector_load %arg13[%swap3A_1118, %swap3A_1119] {strides = array<i32>} : memref<40x144xf32, #tpu.memory_space<vmem>>, vector<16xf32>,
        tpu.vector_store %arg13[%swap3A_1118, %swap3A_1119], %mul3A_1117 {strides = array<i32>} : memref<40x144xf32, #tpu.memory_space<vmem>>, vector<16xf32>,
        %mul3A_1121 = arith.mulf %exp3A_1092, %get3A_1076 : vector<16xf32>
        %swap3A_1122 = arith.index_cast %scan3A_980 : i32 to index
        %swap3A_1123 = arith.constant 112 : index
        %swap3A_1124 = tpu.vector_load %arg13[%swap3A_1122, %swap3A_1123] {strides = array<i32>} : memref<40x144xf32, #tpu.memory_space<vmem>>, vector<16xf32>,
        tpu.vector_store %arg13[%swap3A_1122, %swap3A_1123], %mul3A_1121 {strides = array<i32>} : memref<40x144xf32, #tpu.memory_space<vmem>>, vector<16xf32>,
        %jit3A_1125 = arith.constant 0.000000e+00 : f32
        %broadcast_in_dim3A_1126 = vector.broadcast %jit3A_1125 : f32 to vector<16xf32>
        %select_n3A_1127 = arith.select %eq3A_58, %exp3A_1092, %broadcast_in_dim3A_1126 : vector<16xi1>, vector<16xf32>
        %swap3A_1128 = arith.index_cast %scan3A_980 : i32 to index
        %swap3A_1129 = arith.constant 128 : index
        %swap3A_1130 = tpu.vector_load %arg13[%swap3A_1128, %swap3A_1129] {strides = array<i32>} : memref<40x144xf32, #tpu.memory_space<vmem>>, vector<16xf32>,
        tpu.vector_store %arg13[%swap3A_1128, %swap3A_1129], %select_n3A_1127 {strides = array<i32>} : memref<40x144xf32, #tpu.memory_space<vmem>>, vector<16xf32>,
      }
      %scan3A_698 = arith.constant 40 : i32
      %dma_start3A_699 = arith.constant 0 : i32
      %dma_start3A_700 = arith.constant 0 : i32
      %dma_start3A_701 = tpu.memref_slice %arg18[%dma_start3A_699, %dma_start3A_700] : memref<10000x144xf32, #tpu.memory_space<vmem_shared>> -> memref<10000x144xf32, #tpu.memory_space<vmem_shared>>
      tpu.enqueue_indirect_dma source(%arg13 : memref<40x144xf32, #tpu.memory_space<vmem>>) target(%dma_start3A_701 : memref<10000x144xf32, #tpu.memory_space<vmem_shared>>) offsets(%arg15 : memref<40xi32, #tpu.memory_space<vmem>>) semaphore(%arg25 : memref<!tpu.dma_semaphore, #tpu.memory_space<semaphore_mem>>) {add = true}
      %mul3A_702 = arith.constant 2 : i32
      %mul3A_703 = arith.muli %mul3A_702, %scan3A_571 : i32
      %add3A_704 = arith.constant 1 : i32
      %add3A_705 = arith.addi %mul3A_703, %add3A_704 : i32
      %dma_wait3A_706 = arith.constant 0 : i32
      %dma_wait3A_707 = arith.constant 0 : i32
      %dma_wait3A_708 = arith.constant 0 : i32
      %dma_wait3A_709 = tpu.memref_slice %arg11[%dma_wait3A_707, %dma_wait3A_708] : memref<40x128xf32, #tpu.memory_space<vmem>> -> memref<24x128xf32, #tpu.memory_space<vmem>>
      %dma_wait3A_710 = arith.constant 0 : i32
      %dma_wait3A_711 = tpu.memref_slice %arg8[%dma_wait3A_706, %dma_wait3A_710] : memref<2x40xi32, #tpu.memory_space<vmem>> -> memref<1x24xi32, #tpu.memory_space<vmem>>
      %dma_wait3A_712 = tpu.memref_squeeze %dma_wait3A_711 : memref<1x24xi32, #tpu.memory_space<vmem>> -> memref<24xi32, #tpu.memory_space<vmem>>
      %dma_wait3A_713 = arith.constant 0 : i32
      %dma_wait3A_714 = arith.constant 0 : i32
      %dma_wait3A_715 = tpu.memref_slice %arg2[%dma_wait3A_713, %dma_wait3A_714] : memref<10000x128xf32, #tpu.memory_space<hbm>> -> memref<10000x128xf32, #tpu.memory_space<hbm>>
      tpu.wait_indirect_dma semaphore(%arg23 : memref<!tpu.dma_semaphore, #tpu.memory_space<semaphore_mem>>) src(%dma_wait3A_715 : memref<10000x128xf32, #tpu.memory_space<hbm>>) dst(%dma_wait3A_709 : memref<24x128xf32, #tpu.memory_space<vmem>>)
      %dma_wait3A_716 = arith.constant 1 : i32
      %dma_wait3A_717 = arith.constant 0 : i32
      %dma_wait3A_718 = arith.constant 0 : i32
      %dma_wait3A_719 = tpu.memref_slice %arg12[%dma_wait3A_717, %dma_wait3A_718] : memref<40x128xf32, #tpu.memory_space<vmem>> -> memref<24x128xf32, #tpu.memory_space<vmem>>
      %dma_wait3A_720 = arith.constant 0 : i32
      %dma_wait3A_721 = tpu.memref_slice %arg8[%dma_wait3A_716, %dma_wait3A_720] : memref<2x40xi32, #tpu.memory_space<vmem>> -> memref<1x24xi32, #tpu.memory_space<vmem>>
      %dma_wait3A_722 = tpu.memref_squeeze %dma_wait3A_721 : memref<1x24xi32, #tpu.memory_space<vmem>> -> memref<24xi32, #tpu.memory_space<vmem>>
      %dma_wait3A_723 = arith.constant 0 : i32
      %dma_wait3A_724 = arith.constant 0 : i32
      %dma_wait3A_725 = tpu.memref_slice %arg3[%dma_wait3A_723, %dma_wait3A_724] : memref<10000x128xf32, #tpu.memory_space<hbm>> -> memref<10000x128xf32, #tpu.memory_space<hbm>>
      tpu.wait_indirect_dma semaphore(%arg24 : memref<!tpu.dma_semaphore, #tpu.memory_space<semaphore_mem>>) src(%dma_wait3A_725 : memref<10000x128xf32, #tpu.memory_space<hbm>>) dst(%dma_wait3A_719 : memref<24x128xf32, #tpu.memory_space<vmem>>)
      %dma_wait3A_726 = arith.constant 0 : i32
      %dma_wait3A_727 = arith.constant 24 : i32
      %dma_wait3A_728 = arith.constant 0 : i32
      %dma_wait3A_729 = tpu.memref_slice %arg11[%dma_wait3A_727, %dma_wait3A_728] : memref<40x128xf32, #tpu.memory_space<vmem>> -> memref<16x128xf32, #tpu.memory_space<vmem>>
      %dma_wait3A_730 = arith.constant 24 : i32
      %dma_wait3A_731 = tpu.memref_slice %arg8[%dma_wait3A_726, %dma_wait3A_730] : memref<2x40xi32, #tpu.memory_space<vmem>> -> memref<1x16xi32, #tpu.memory_space<vmem>>
      %dma_wait3A_732 = tpu.memref_squeeze %dma_wait3A_731 : memref<1x16xi32, #tpu.memory_space<vmem>> -> memref<16xi32, #tpu.memory_space<vmem>>
      %dma_wait3A_733 = arith.constant 0 : i32
      %dma_wait3A_734 = arith.constant 0 : i32
      %dma_wait3A_735 = tpu.memref_slice %arg2[%dma_wait3A_733, %dma_wait3A_734] : memref<10000x128xf32, #tpu.memory_space<hbm>> -> memref<10000x128xf32, #tpu.memory_space<hbm>>
      tpu.wait_indirect_dma semaphore(%arg23 : memref<!tpu.dma_semaphore, #tpu.memory_space<semaphore_mem>>) src(%dma_wait3A_735 : memref<10000x128xf32, #tpu.memory_space<hbm>>) dst(%dma_wait3A_729 : memref<16x128xf32, #tpu.memory_space<vmem>>)
      %dma_wait3A_736 = arith.constant 1 : i32
      %dma_wait3A_737 = arith.constant 24 : i32
      %dma_wait3A_738 = arith.constant 0 : i32
      %dma_wait3A_739 = tpu.memref_slice %arg12[%dma_wait3A_737, %dma_wait3A_738] : memref<40x128xf32, #tpu.memory_space<vmem>> -> memref<16x128xf32, #tpu.memory_space<vmem>>
      %dma_wait3A_740 = arith.constant 24 : i32
      %dma_wait3A_741 = tpu.memref_slice %arg8[%dma_wait3A_736, %dma_wait3A_740] : memref<2x40xi32, #tpu.memory_space<vmem>> -> memref<1x16xi32, #tpu.memory_space<vmem>>
      %dma_wait3A_742 = tpu.memref_squeeze %dma_wait3A_741 : memref<1x16xi32, #tpu.memory_space<vmem>> -> memref<16xi32, #tpu.memory_space<vmem>>
      %dma_wait3A_743 = arith.constant 0 : i32
      %dma_wait3A_744 = arith.constant 0 : i32
      %dma_wait3A_745 = tpu.memref_slice %arg3[%dma_wait3A_743, %dma_wait3A_744] : memref<10000x128xf32, #tpu.memory_space<hbm>> -> memref<10000x128xf32, #tpu.memory_space<hbm>>
      tpu.wait_indirect_dma semaphore(%arg24 : memref<!tpu.dma_semaphore, #tpu.memory_space<semaphore_mem>>) src(%dma_wait3A_745 : memref<10000x128xf32, #tpu.memory_space<hbm>>) dst(%dma_wait3A_739 : memref<16x128xf32, #tpu.memory_space<vmem>>)
      %dma_wait3A_746 = arith.constant 0 : i32
      %dma_wait3A_747 = arith.constant 0 : i32
      %dma_wait3A_748 = tpu.memref_slice %arg18[%dma_wait3A_746, %dma_wait3A_747] : memref<10000x144xf32, #tpu.memory_space<vmem_shared>> -> memref<10000x144xf32, #tpu.memory_space<vmem_shared>>
      tpu.wait_indirect_dma semaphore(%arg26 : memref<!tpu.dma_semaphore, #tpu.memory_space<semaphore_mem>>) src(%arg14 : memref<40x144xf32, #tpu.memory_space<vmem>>) dst(%dma_wait3A_748 : memref<10000x144xf32, #tpu.memory_space<vmem_shared>>)
      %get3A_749 = arith.constant 1 : i32
      %get3A_750 = arith.index_cast %get3A_749 : i32 to index
      %get3A_751 = arith.constant 0 : index
      %get3A_752 = tpu.vector_load %arg8[%get3A_750, %get3A_751] {strides = array<i32>} : memref<2x40xi32, #tpu.memory_space<vmem>>, vector<16xi32>,
      %swap3A_753 = arith.constant 0 : index
      %swap3A_754 = tpu.vector_load %arg16[%swap3A_753] {strides = array<i32>} : memref<40xi32, #tpu.memory_space<vmem>>, vector<16xi32>,
      tpu.vector_store %arg16[%swap3A_753], %get3A_752 {strides = array<i32>} : memref<40xi32, #tpu.memory_space<vmem>>, vector<16xi32>,
      %get3A_755 = arith.constant 1 : i32
      %get3A_756 = arith.index_cast %get3A_755 : i32 to index
      %get3A_757 = arith.constant 16 : index
      %get3A_758 = tpu.vector_load %arg8[%get3A_756, %get3A_757] {strides = array<i32>} : memref<2x40xi32, #tpu.memory_space<vmem>>, vector<16xi32>,
      %swap3A_759 = arith.constant 16 : index
      %swap3A_760 = tpu.vector_load %arg16[%swap3A_759] {strides = array<i32>} : memref<40xi32, #tpu.memory_space<vmem>>, vector<16xi32>,
      tpu.vector_store %arg16[%swap3A_759], %get3A_758 {strides = array<i32>} : memref<40xi32, #tpu.memory_space<vmem>>, vector<16xi32>,
      %get3A_761 = arith.constant 1 : i32
      %get3A_762 = arith.index_cast %get3A_761 : i32 to index
      %get3A_763 = arith.constant 24 : index
      %get3A_764 = tpu.vector_load %arg8[%get3A_762, %get3A_763] {strides = array<i32>} : memref<2x40xi32, #tpu.memory_space<vmem>>, vector<16xi32>,
      %swap3A_765 = arith.constant 24 : index
      %swap3A_766 = tpu.vector_load %arg16[%swap3A_765] {strides = array<i32>} : memref<40xi32, #tpu.memory_space<vmem>>, vector<16xi32>,
      tpu.vector_store %arg16[%swap3A_765], %get3A_764 {strides = array<i32>} : memref<40xi32, #tpu.memory_space<vmem>>, vector<16xi32>,
      %add3A_767 = arith.constant 2 : i32
      %add3A_768 = arith.addi %add3A_705, %add3A_767 : i32
      %mul3A_769 = arith.constant 40 : i32
      %mul3A_770 = arith.muli %add3A_768, %mul3A_769 : i32
      %add3A_771 = arith.addi %mul3A_2, %mul3A_770 : i32
      %dma_start3A_772 = arith.constant 0 : i32
      %dma_start3A_773 = tpu.memref_slice %arg4[%dma_start3A_772, %add3A_771] : memref<2x320000xi32, #tpu.memory_space<hbm>> -> memref<2x40xi32, #tpu.memory_space<hbm>>
      %dma_start3A_774 = arith.constant 0 : i32
      %dma_start3A_775 = tpu.memref_slice %arg4[%dma_start3A_774, %add3A_771] : memref<2x320000xi32, #tpu.memory_space<hbm>> -> memref<2x40xi32, #tpu.memory_space<hbm>>
      tpu.enqueue_dma source(%dma_start3A_775 : memref<2x40xi32, #tpu.memory_space<hbm>>) target(%arg8 : memref<2x40xi32, #tpu.memory_space<vmem>>) target_semaphore(%arg20 : memref<!tpu.dma_semaphore, #tpu.memory_space<semaphore_mem>>)
      %add3A_776 = arith.constant 1 : i32
      %add3A_777 = arith.addi %add3A_705, %add3A_776 : i32
      %mul3A_778 = arith.constant 40 : i32
      %mul3A_779 = arith.muli %add3A_777, %mul3A_778 : i32
      %add3A_780 = arith.addi %mul3A_2, %mul3A_779 : i32
      %dma_wait3A_781 = arith.constant 0 : i32
      %dma_wait3A_782 = tpu.memref_slice %arg4[%dma_wait3A_781, %add3A_780] : memref<2x320000xi32, #tpu.memory_space<hbm>> -> memref<2x40xi32, #tpu.memory_space<hbm>>
      %dma_wait3A_783 = arith.constant 0 : i32
      %dma_wait3A_784 = tpu.memref_slice %arg4[%dma_wait3A_783, %add3A_780] : memref<2x320000xi32, #tpu.memory_space<hbm>> -> memref<2x40xi32, #tpu.memory_space<hbm>>
      tpu.wait_dma2 semaphore(%arg19 : memref<!tpu.dma_semaphore, #tpu.memory_space<semaphore_mem>>) src(%dma_wait3A_784 : memref<2x40xi32, #tpu.memory_space<hbm>>) dst(%arg7 : memref<2x40xi32, #tpu.memory_space<vmem>>)
      %dma_start3A_785 = arith.constant 0 : i32
      %dma_start3A_786 = arith.constant 0 : i32
      %dma_start3A_787 = arith.constant 0 : i32
      %dma_start3A_788 = tpu.memref_slice %arg9[%dma_start3A_786, %dma_start3A_787] : memref<40x128xf32, #tpu.memory_space<vmem>> -> memref<24x128xf32, #tpu.memory_space<vmem>>
      %dma_start3A_789 = arith.constant 0 : i32
      %dma_start3A_790 = tpu.memref_slice %arg7[%dma_start3A_785, %dma_start3A_789] : memref<2x40xi32, #tpu.memory_space<vmem>> -> memref<1x24xi32, #tpu.memory_space<vmem>>
      %dma_start3A_791 = tpu.memref_squeeze %dma_start3A_790 : memref<1x24xi32, #tpu.memory_space<vmem>> -> memref<24xi32, #tpu.memory_space<vmem>>
      %dma_start3A_792 = arith.constant 0 : i32
      %dma_start3A_793 = arith.constant 0 : i32
      %dma_start3A_794 = tpu.memref_slice %arg2[%dma_start3A_792, %dma_start3A_793] : memref<10000x128xf32, #tpu.memory_space<hbm>> -> memref<10000x128xf32, #tpu.memory_space<hbm>>
      tpu.enqueue_indirect_dma source(%dma_start3A_794 : memref<10000x128xf32, #tpu.memory_space<hbm>>) target(%dma_start3A_788 : memref<24x128xf32, #tpu.memory_space<vmem>>) offsets(%dma_start3A_791 : memref<24xi32, #tpu.memory_space<vmem>>) semaphore(%arg21 : memref<!tpu.dma_semaphore, #tpu.memory_space<semaphore_mem>>)
      %dma_start3A_795 = arith.constant 1 : i32
      %dma_start3A_796 = arith.constant 0 : i32
      %dma_start3A_797 = arith.constant 0 : i32
      %dma_start3A_798 = tpu.memref_slice %arg10[%dma_start3A_796, %dma_start3A_797] : memref<40x128xf32, #tpu.memory_space<vmem>> -> memref<24x128xf32, #tpu.memory_space<vmem>>
      %dma_start3A_799 = arith.constant 0 : i32
      %dma_start3A_800 = tpu.memref_slice %arg7[%dma_start3A_795, %dma_start3A_799] : memref<2x40xi32, #tpu.memory_space<vmem>> -> memref<1x24xi32, #tpu.memory_space<vmem>>
      %dma_start3A_801 = tpu.memref_squeeze %dma_start3A_800 : memref<1x24xi32, #tpu.memory_space<vmem>> -> memref<24xi32, #tpu.memory_space<vmem>>
      %dma_start3A_802 = arith.constant 0 : i32
      %dma_start3A_803 = arith.constant 0 : i32
      %dma_start3A_804 = tpu.memref_slice %arg3[%dma_start3A_802, %dma_start3A_803] : memref<10000x128xf32, #tpu.memory_space<hbm>> -> memref<10000x128xf32, #tpu.memory_space<hbm>>
      tpu.enqueue_indirect_dma source(%dma_start3A_804 : memref<10000x128xf32, #tpu.memory_space<hbm>>) target(%dma_start3A_798 : memref<24x128xf32, #tpu.memory_space<vmem>>) offsets(%dma_start3A_801 : memref<24xi32, #tpu.memory_space<vmem>>) semaphore(%arg22 : memref<!tpu.dma_semaphore, #tpu.memory_space<semaphore_mem>>)
      %dma_start3A_805 = arith.constant 0 : i32
      %dma_start3A_806 = arith.constant 24 : i32
      %dma_start3A_807 = arith.constant 0 : i32
      %dma_start3A_808 = tpu.memref_slice %arg9[%dma_start3A_806, %dma_start3A_807] : memref<40x128xf32, #tpu.memory_space<vmem>> -> memref<16x128xf32, #tpu.memory_space<vmem>>
      %dma_start3A_809 = arith.constant 24 : i32
      %dma_start3A_810 = tpu.memref_slice %arg7[%dma_start3A_805, %dma_start3A_809] : memref<2x40xi32, #tpu.memory_space<vmem>> -> memref<1x16xi32, #tpu.memory_space<vmem>>
      %dma_start3A_811 = tpu.memref_squeeze %dma_start3A_810 : memref<1x16xi32, #tpu.memory_space<vmem>> -> memref<16xi32, #tpu.memory_space<vmem>>
      %dma_start3A_812 = arith.constant 0 : i32
      %dma_start3A_813 = arith.constant 0 : i32
      %dma_start3A_814 = tpu.memref_slice %arg2[%dma_start3A_812, %dma_start3A_813] : memref<10000x128xf32, #tpu.memory_space<hbm>> -> memref<10000x128xf32, #tpu.memory_space<hbm>>
      tpu.enqueue_indirect_dma source(%dma_start3A_814 : memref<10000x128xf32, #tpu.memory_space<hbm>>) target(%dma_start3A_808 : memref<16x128xf32, #tpu.memory_space<vmem>>) offsets(%dma_start3A_811 : memref<16xi32, #tpu.memory_space<vmem>>) semaphore(%arg21 : memref<!tpu.dma_semaphore, #tpu.memory_space<semaphore_mem>>)
      %dma_start3A_815 = arith.constant 1 : i32
      %dma_start3A_816 = arith.constant 24 : i32
      %dma_start3A_817 = arith.constant 0 : i32
      %dma_start3A_818 = tpu.memref_slice %arg10[%dma_start3A_816, %dma_start3A_817] : memref<40x128xf32, #tpu.memory_space<vmem>> -> memref<16x128xf32, #tpu.memory_space<vmem>>
      %dma_start3A_819 = arith.constant 24 : i32
      %dma_start3A_820 = tpu.memref_slice %arg7[%dma_start3A_815, %dma_start3A_819] : memref<2x40xi32, #tpu.memory_space<vmem>> -> memref<1x16xi32, #tpu.memory_space<vmem>>
      %dma_start3A_821 = tpu.memref_squeeze %dma_start3A_820 : memref<1x16xi32, #tpu.memory_space<vmem>> -> memref<16xi32, #tpu.memory_space<vmem>>
      %dma_start3A_822 = arith.constant 0 : i32
      %dma_start3A_823 = arith.constant 0 : i32
      %dma_start3A_824 = tpu.memref_slice %arg3[%dma_start3A_822, %dma_start3A_823] : memref<10000x128xf32, #tpu.memory_space<hbm>> -> memref<10000x128xf32, #tpu.memory_space<hbm>>
      tpu.enqueue_indirect_dma source(%dma_start3A_824 : memref<10000x128xf32, #tpu.memory_space<hbm>>) target(%dma_start3A_818 : memref<16x128xf32, #tpu.memory_space<vmem>>) offsets(%dma_start3A_821 : memref<16xi32, #tpu.memory_space<vmem>>) semaphore(%arg22 : memref<!tpu.dma_semaphore, #tpu.memory_space<semaphore_mem>>)
      %scan3A_825 = arith.constant 0 : i32
      %scan3A_826 = arith.constant 0 : i32
      %scan3A_827 = arith.constant 40 : i32
      %scan3A_828 = arith.addi %scan3A_826, %scan3A_827 : i32
      %scan3A_829 = arith.constant 2 : i32
      scf.for %scan3A_834 = %scan3A_826 to %scan3A_828 step %scan3A_829  : i32 {
        %broadcast_in_dim3A = arith.constant 0.000000e+00 : f32
        %broadcast_in_dim3A_835 = vector.broadcast %broadcast_in_dim3A : f32 to vector<16xf32>
        %get3A_836 = arith.index_cast %scan3A_834 : i32 to index
        %get3A_837 = arith.constant 0 : index
        %get3A_838 = tpu.vector_load %arg11[%get3A_836, %get3A_837] {strides = array<i32>} : memref<40x128xf32, #tpu.memory_space<vmem>>, vector<16xf32>,
        %get3A_839 = arith.index_cast %scan3A_834 : i32 to index
        %get3A_840 = arith.constant 0 : index
        %get3A_841 = tpu.vector_load %arg12[%get3A_839, %get3A_840] {strides = array<i32>} : memref<40x128xf32, #tpu.memory_space<vmem>>, vector<16xf32>,
        %add3A_842 = arith.addf %get3A_838, %get3A_841 : vector<16xf32>
        %mul3A_843 = arith.constant 2.000000e-01 : f32
        %mul3A_844 = vector.broadcast %mul3A_843 : f32 to vector<16xf32>
        %mul3A_845 = arith.mulf %mul3A_844, %add3A_842 : vector<16xf32>
        %max3A = arith.maximumf %add3A_842, %mul3A_845 : vector<16xf32>
        %mul3A_846 = arith.mulf %max3A, %get3A_42 : vector<16xf32>
        %add3A_847 = arith.addf %broadcast_in_dim3A_835, %mul3A_846 : vector<16xf32>
        %get3A_848 = arith.index_cast %scan3A_834 : i32 to index
        %get3A_849 = arith.constant 16 : index
        %get3A_850 = tpu.vector_load %arg11[%get3A_848, %get3A_849] {strides = array<i32>} : memref<40x128xf32, #tpu.memory_space<vmem>>, vector<16xf32>,
        %get3A_851 = arith.index_cast %scan3A_834 : i32 to index
        %get3A_852 = arith.constant 16 : index
        %get3A_853 = tpu.vector_load %arg12[%get3A_851, %get3A_852] {strides = array<i32>} : memref<40x128xf32, #tpu.memory_space<vmem>>, vector<16xf32>,
        %add3A_854 = arith.addf %get3A_850, %get3A_853 : vector<16xf32>
        %mul3A_855 = arith.constant 2.000000e-01 : f32
        %mul3A_856 = vector.broadcast %mul3A_855 : f32 to vector<16xf32>
        %mul3A_857 = arith.mulf %mul3A_856, %add3A_854 : vector<16xf32>
        %max3A_858 = arith.maximumf %add3A_854, %mul3A_857 : vector<16xf32>
        %mul3A_859 = arith.mulf %max3A_858, %get3A_44 : vector<16xf32>
        %add3A_860 = arith.addf %add3A_847, %mul3A_859 : vector<16xf32>
        %get3A_861 = arith.index_cast %scan3A_834 : i32 to index
        %get3A_862 = arith.constant 32 : index
        %get3A_863 = tpu.vector_load %arg11[%get3A_861, %get3A_862] {strides = array<i32>} : memref<40x128xf32, #tpu.memory_space<vmem>>, vector<16xf32>,
        %get3A_864 = arith.index_cast %scan3A_834 : i32 to index
        %get3A_865 = arith.constant 32 : index
        %get3A_866 = tpu.vector_load %arg12[%get3A_864, %get3A_865] {strides = array<i32>} : memref<40x128xf32, #tpu.memory_space<vmem>>, vector<16xf32>,
        %add3A_867 = arith.addf %get3A_863, %get3A_866 : vector<16xf32>
        %mul3A_868 = arith.constant 2.000000e-01 : f32
        %mul3A_869 = vector.broadcast %mul3A_868 : f32 to vector<16xf32>
        %mul3A_870 = arith.mulf %mul3A_869, %add3A_867 : vector<16xf32>
        %max3A_871 = arith.maximumf %add3A_867, %mul3A_870 : vector<16xf32>
        %mul3A_872 = arith.mulf %max3A_871, %get3A_46 : vector<16xf32>
        %add3A_873 = arith.addf %add3A_860, %mul3A_872 : vector<16xf32>
        %get3A_874 = arith.index_cast %scan3A_834 : i32 to index
        %get3A_875 = arith.constant 48 : index
        %get3A_876 = tpu.vector_load %arg11[%get3A_874, %get3A_875] {strides = array<i32>} : memref<40x128xf32, #tpu.memory_space<vmem>>, vector<16xf32>,
        %get3A_877 = arith.index_cast %scan3A_834 : i32 to index
        %get3A_878 = arith.constant 48 : index
        %get3A_879 = tpu.vector_load %arg12[%get3A_877, %get3A_878] {strides = array<i32>} : memref<40x128xf32, #tpu.memory_space<vmem>>, vector<16xf32>,
        %add3A_880 = arith.addf %get3A_876, %get3A_879 : vector<16xf32>
        %mul3A_881 = arith.constant 2.000000e-01 : f32
        %mul3A_882 = vector.broadcast %mul3A_881 : f32 to vector<16xf32>
        %mul3A_883 = arith.mulf %mul3A_882, %add3A_880 : vector<16xf32>
        %max3A_884 = arith.maximumf %add3A_880, %mul3A_883 : vector<16xf32>
        %mul3A_885 = arith.mulf %max3A_884, %get3A_48 : vector<16xf32>
        %add3A_886 = arith.addf %add3A_873, %mul3A_885 : vector<16xf32>
        %get3A_887 = arith.index_cast %scan3A_834 : i32 to index
        %get3A_888 = arith.constant 64 : index
        %get3A_889 = tpu.vector_load %arg11[%get3A_887, %get3A_888] {strides = array<i32>} : memref<40x128xf32, #tpu.memory_space<vmem>>, vector<16xf32>,
        %get3A_890 = arith.index_cast %scan3A_834 : i32 to index
        %get3A_891 = arith.constant 64 : index
        %get3A_892 = tpu.vector_load %arg12[%get3A_890, %get3A_891] {strides = array<i32>} : memref<40x128xf32, #tpu.memory_space<vmem>>, vector<16xf32>,
        %add3A_893 = arith.addf %get3A_889, %get3A_892 : vector<16xf32>
        %mul3A_894 = arith.constant 2.000000e-01 : f32
        %mul3A_895 = vector.broadcast %mul3A_894 : f32 to vector<16xf32>
        %mul3A_896 = arith.mulf %mul3A_895, %add3A_893 : vector<16xf32>
        %max3A_897 = arith.maximumf %add3A_893, %mul3A_896 : vector<16xf32>
        %mul3A_898 = arith.mulf %max3A_897, %get3A_50 : vector<16xf32>
        %add3A_899 = arith.addf %add3A_886, %mul3A_898 : vector<16xf32>
        %get3A_900 = arith.index_cast %scan3A_834 : i32 to index
        %get3A_901 = arith.constant 80 : index
        %get3A_902 = tpu.vector_load %arg11[%get3A_900, %get3A_901] {strides = array<i32>} : memref<40x128xf32, #tpu.memory_space<vmem>>, vector<16xf32>,
        %get3A_903 = arith.index_cast %scan3A_834 : i32 to index
        %get3A_904 = arith.constant 80 : index
        %get3A_905 = tpu.vector_load %arg12[%get3A_903, %get3A_904] {strides = array<i32>} : memref<40x128xf32, #tpu.memory_space<vmem>>, vector<16xf32>,
        %add3A_906 = arith.addf %get3A_902, %get3A_905 : vector<16xf32>
        %mul3A_907 = arith.constant 2.000000e-01 : f32
        %mul3A_908 = vector.broadcast %mul3A_907 : f32 to vector<16xf32>
        %mul3A_909 = arith.mulf %mul3A_908, %add3A_906 : vector<16xf32>
        %max3A_910 = arith.maximumf %add3A_906, %mul3A_909 : vector<16xf32>
        %mul3A_911 = arith.mulf %max3A_910, %get3A_52 : vector<16xf32>
        %add3A_912 = arith.addf %add3A_899, %mul3A_911 : vector<16xf32>
        %get3A_913 = arith.index_cast %scan3A_834 : i32 to index
        %get3A_914 = arith.constant 96 : index
        %get3A_915 = tpu.vector_load %arg11[%get3A_913, %get3A_914] {strides = array<i32>} : memref<40x128xf32, #tpu.memory_space<vmem>>, vector<16xf32>,
        %get3A_916 = arith.index_cast %scan3A_834 : i32 to index
        %get3A_917 = arith.constant 96 : index
        %get3A_918 = tpu.vector_load %arg12[%get3A_916, %get3A_917] {strides = array<i32>} : memref<40x128xf32, #tpu.memory_space<vmem>>, vector<16xf32>,
        %add3A_919 = arith.addf %get3A_915, %get3A_918 : vector<16xf32>
        %mul3A_920 = arith.constant 2.000000e-01 : f32
        %mul3A_921 = vector.broadcast %mul3A_920 : f32 to vector<16xf32>
        %mul3A_922 = arith.mulf %mul3A_921, %add3A_919 : vector<16xf32>
        %max3A_923 = arith.maximumf %add3A_919, %mul3A_922 : vector<16xf32>
        %mul3A_924 = arith.mulf %max3A_923, %get3A_54 : vector<16xf32>
        %add3A_925 = arith.addf %add3A_912, %mul3A_924 : vector<16xf32>
        %get3A_926 = arith.index_cast %scan3A_834 : i32 to index
        %get3A_927 = arith.constant 112 : index
        %get3A_928 = tpu.vector_load %arg11[%get3A_926, %get3A_927] {strides = array<i32>} : memref<40x128xf32, #tpu.memory_space<vmem>>, vector<16xf32>,
        %get3A_929 = arith.index_cast %scan3A_834 : i32 to index
        %get3A_930 = arith.constant 112 : index
        %get3A_931 = tpu.vector_load %arg12[%get3A_929, %get3A_930] {strides = array<i32>} : memref<40x128xf32, #tpu.memory_space<vmem>>, vector<16xf32>,
        %add3A_932 = arith.addf %get3A_928, %get3A_931 : vector<16xf32>
        %mul3A_933 = arith.constant 2.000000e-01 : f32
        %mul3A_934 = vector.broadcast %mul3A_933 : f32 to vector<16xf32>
        %mul3A_935 = arith.mulf %mul3A_934, %add3A_932 : vector<16xf32>
        %max3A_936 = arith.maximumf %add3A_932, %mul3A_935 : vector<16xf32>
        %mul3A_937 = arith.mulf %max3A_936, %get3A_56 : vector<16xf32>
        %add3A_938 = arith.addf %add3A_925, %mul3A_937 : vector<16xf32>
        %reduce_sum3A = arith.constant true
        %reduce_sum3A_939 = vector.broadcast %reduce_sum3A : i1 to vector<16xi1>
        %reduce_sum3A_940 = tpu.scan <sum>, %add3A_938 masked %reduce_sum3A_939 : vector<16xf32>, vector<16xi1> -> vector<16xf32>
        %reduce_sum3A_941 = vector.extract %reduce_sum3A_940[15] : f32 from vector<16xf32>
        %broadcast_in_dim3A_942 = vector.broadcast %reduce_sum3A_941 : f32 to vector<16xf32>
        %exp3A = math.exp %broadcast_in_dim3A_942 : vector<16xf32>
        %mul3A_943 = arith.mulf %exp3A, %get3A_838 : vector<16xf32>
        %swap3A_944 = arith.index_cast %scan3A_834 : i32 to index
        %swap3A_945 = arith.constant 0 : index
        %swap3A_946 = tpu.vector_load %arg14[%swap3A_944, %swap3A_945] {strides = array<i32>} : memref<40x144xf32, #tpu.memory_space<vmem>>, vector<16xf32>,
        tpu.vector_store %arg14[%swap3A_944, %swap3A_945], %mul3A_943 {strides = array<i32>} : memref<40x144xf32, #tpu.memory_space<vmem>>, vector<16xf32>,
        %mul3A_947 = arith.mulf %exp3A, %get3A_850 : vector<16xf32>
        %swap3A_948 = arith.index_cast %scan3A_834 : i32 to index
        %swap3A_949 = arith.constant 16 : index
        %swap3A_950 = tpu.vector_load %arg14[%swap3A_948, %swap3A_949] {strides = array<i32>} : memref<40x144xf32, #tpu.memory_space<vmem>>, vector<16xf32>,
        tpu.vector_store %arg14[%swap3A_948, %swap3A_949], %mul3A_947 {strides = array<i32>} : memref<40x144xf32, #tpu.memory_space<vmem>>, vector<16xf32>,
        %mul3A_951 = arith.mulf %exp3A, %get3A_863 : vector<16xf32>
        %swap3A_952 = arith.index_cast %scan3A_834 : i32 to index
        %swap3A_953 = arith.constant 32 : index
        %swap3A_954 = tpu.vector_load %arg14[%swap3A_952, %swap3A_953] {strides = array<i32>} : memref<40x144xf32, #tpu.memory_space<vmem>>, vector<16xf32>,
        tpu.vector_store %arg14[%swap3A_952, %swap3A_953], %mul3A_951 {strides = array<i32>} : memref<40x144xf32, #tpu.memory_space<vmem>>, vector<16xf32>,
        %mul3A_955 = arith.mulf %exp3A, %get3A_876 : vector<16xf32>
        %swap3A_956 = arith.index_cast %scan3A_834 : i32 to index
        %swap3A_957 = arith.constant 48 : index
        %swap3A_958 = tpu.vector_load %arg14[%swap3A_956, %swap3A_957] {strides = array<i32>} : memref<40x144xf32, #tpu.memory_space<vmem>>, vector<16xf32>,
        tpu.vector_store %arg14[%swap3A_956, %swap3A_957], %mul3A_955 {strides = array<i32>} : memref<40x144xf32, #tpu.memory_space<vmem>>, vector<16xf32>,
        %mul3A_959 = arith.mulf %exp3A, %get3A_889 : vector<16xf32>
        %swap3A_960 = arith.index_cast %scan3A_834 : i32 to index
        %swap3A_961 = arith.constant 64 : index
        %swap3A_962 = tpu.vector_load %arg14[%swap3A_960, %swap3A_961] {strides = array<i32>} : memref<40x144xf32, #tpu.memory_space<vmem>>, vector<16xf32>,
        tpu.vector_store %arg14[%swap3A_960, %swap3A_961], %mul3A_959 {strides = array<i32>} : memref<40x144xf32, #tpu.memory_space<vmem>>, vector<16xf32>,
        %mul3A_963 = arith.mulf %exp3A, %get3A_902 : vector<16xf32>
        %swap3A_964 = arith.index_cast %scan3A_834 : i32 to index
        %swap3A_965 = arith.constant 80 : index
        %swap3A_966 = tpu.vector_load %arg14[%swap3A_964, %swap3A_965] {strides = array<i32>} : memref<40x144xf32, #tpu.memory_space<vmem>>, vector<16xf32>,
        tpu.vector_store %arg14[%swap3A_964, %swap3A_965], %mul3A_963 {strides = array<i32>} : memref<40x144xf32, #tpu.memory_space<vmem>>, vector<16xf32>,
        %mul3A_967 = arith.mulf %exp3A, %get3A_915 : vector<16xf32>
        %swap3A_968 = arith.index_cast %scan3A_834 : i32 to index
        %swap3A_969 = arith.constant 96 : index
        %swap3A_970 = tpu.vector_load %arg14[%swap3A_968, %swap3A_969] {strides = array<i32>} : memref<40x144xf32, #tpu.memory_space<vmem>>, vector<16xf32>,
        tpu.vector_store %arg14[%swap3A_968, %swap3A_969], %mul3A_967 {strides = array<i32>} : memref<40x144xf32, #tpu.memory_space<vmem>>, vector<16xf32>,
        %mul3A_971 = arith.mulf %exp3A, %get3A_928 : vector<16xf32>
        %swap3A_972 = arith.index_cast %scan3A_834 : i32 to index
        %swap3A_973 = arith.constant 112 : index
        %swap3A_974 = tpu.vector_load %arg14[%swap3A_972, %swap3A_973] {strides = array<i32>} : memref<40x144xf32, #tpu.memory_space<vmem>>, vector<16xf32>,
        tpu.vector_store %arg14[%swap3A_972, %swap3A_973], %mul3A_971 {strides = array<i32>} : memref<40x144xf32, #tpu.memory_space<vmem>>, vector<16xf32>,
        %jit3A = arith.constant 0.000000e+00 : f32
        %broadcast_in_dim3A_975 = vector.broadcast %jit3A : f32 to vector<16xf32>
        %select_n3A = arith.select %eq3A_58, %exp3A, %broadcast_in_dim3A_975 : vector<16xi1>, vector<16xf32>
        %swap3A_976 = arith.index_cast %scan3A_834 : i32 to index
        %swap3A_977 = arith.constant 128 : index
        %swap3A_978 = tpu.vector_load %arg14[%swap3A_976, %swap3A_977] {strides = array<i32>} : memref<40x144xf32, #tpu.memory_space<vmem>>, vector<16xf32>,
        tpu.vector_store %arg14[%swap3A_976, %swap3A_977], %select_n3A {strides = array<i32>} : memref<40x144xf32, #tpu.memory_space<vmem>>, vector<16xf32>,
        %scan3A_979 = arith.constant 1 : i32
        %scan3A_980 = arith.addi %scan3A_834, %scan3A_979 : i32
        %broadcast_in_dim3A_981 = arith.constant 0.000000e+00 : f32
        %broadcast_in_dim3A_982 = vector.broadcast %broadcast_in_dim3A_981 : f32 to vector<16xf32>
        %get3A_983 = arith.index_cast %scan3A_980 : i32 to index
        %get3A_984 = arith.constant 0 : index
        %get3A_985 = tpu.vector_load %arg11[%get3A_983, %get3A_984] {strides = array<i32>} : memref<40x128xf32, #tpu.memory_space<vmem>>, vector<16xf32>,
        %get3A_986 = arith.index_cast %scan3A_980 : i32 to index
        %get3A_987 = arith.constant 0 : index
        %get3A_988 = tpu.vector_load %arg12[%get3A_986, %get3A_987] {strides = array<i32>} : memref<40x128xf32, #tpu.memory_space<vmem>>, vector<16xf32>,
        %add3A_989 = arith.addf %get3A_985, %get3A_988 : vector<16xf32>
        %mul3A_990 = arith.constant 2.000000e-01 : f32
        %mul3A_991 = vector.broadcast %mul3A_990 : f32 to vector<16xf32>
        %mul3A_992 = arith.mulf %mul3A_991, %add3A_989 : vector<16xf32>
        %max3A_993 = arith.maximumf %add3A_989, %mul3A_992 : vector<16xf32>
        %mul3A_994 = arith.mulf %max3A_993, %get3A_42 : vector<16xf32>
        %add3A_995 = arith.addf %broadcast_in_dim3A_982, %mul3A_994 : vector<16xf32>
        %get3A_996 = arith.index_cast %scan3A_980 : i32 to index
        %get3A_997 = arith.constant 16 : index
        %get3A_998 = tpu.vector_load %arg11[%get3A_996, %get3A_997] {strides = array<i32>} : memref<40x128xf32, #tpu.memory_space<vmem>>, vector<16xf32>,
        %get3A_999 = arith.index_cast %scan3A_980 : i32 to index
        %get3A_1000 = arith.constant 16 : index
        %get3A_1001 = tpu.vector_load %arg12[%get3A_999, %get3A_1000] {strides = array<i32>} : memref<40x128xf32, #tpu.memory_space<vmem>>, vector<16xf32>,
        %add3A_1002 = arith.addf %get3A_998, %get3A_1001 : vector<16xf32>
        %mul3A_1003 = arith.constant 2.000000e-01 : f32
        %mul3A_1004 = vector.broadcast %mul3A_1003 : f32 to vector<16xf32>
        %mul3A_1005 = arith.mulf %mul3A_1004, %add3A_1002 : vector<16xf32>
        %max3A_1006 = arith.maximumf %add3A_1002, %mul3A_1005 : vector<16xf32>
        %mul3A_1007 = arith.mulf %max3A_1006, %get3A_44 : vector<16xf32>
        %add3A_1008 = arith.addf %add3A_995, %mul3A_1007 : vector<16xf32>
        %get3A_1009 = arith.index_cast %scan3A_980 : i32 to index
        %get3A_1010 = arith.constant 32 : index
        %get3A_1011 = tpu.vector_load %arg11[%get3A_1009, %get3A_1010] {strides = array<i32>} : memref<40x128xf32, #tpu.memory_space<vmem>>, vector<16xf32>,
        %get3A_1012 = arith.index_cast %scan3A_980 : i32 to index
        %get3A_1013 = arith.constant 32 : index
        %get3A_1014 = tpu.vector_load %arg12[%get3A_1012, %get3A_1013] {strides = array<i32>} : memref<40x128xf32, #tpu.memory_space<vmem>>, vector<16xf32>,
        %add3A_1015 = arith.addf %get3A_1011, %get3A_1014 : vector<16xf32>
        %mul3A_1016 = arith.constant 2.000000e-01 : f32
        %mul3A_1017 = vector.broadcast %mul3A_1016 : f32 to vector<16xf32>
        %mul3A_1018 = arith.mulf %mul3A_1017, %add3A_1015 : vector<16xf32>
        %max3A_1019 = arith.maximumf %add3A_1015, %mul3A_1018 : vector<16xf32>
        %mul3A_1020 = arith.mulf %max3A_1019, %get3A_46 : vector<16xf32>
        %add3A_1021 = arith.addf %add3A_1008, %mul3A_1020 : vector<16xf32>
        %get3A_1022 = arith.index_cast %scan3A_980 : i32 to index
        %get3A_1023 = arith.constant 48 : index
        %get3A_1024 = tpu.vector_load %arg11[%get3A_1022, %get3A_1023] {strides = array<i32>} : memref<40x128xf32, #tpu.memory_space<vmem>>, vector<16xf32>,
        %get3A_1025 = arith.index_cast %scan3A_980 : i32 to index
        %get3A_1026 = arith.constant 48 : index
        %get3A_1027 = tpu.vector_load %arg12[%get3A_1025, %get3A_1026] {strides = array<i32>} : memref<40x128xf32, #tpu.memory_space<vmem>>, vector<16xf32>,
        %add3A_1028 = arith.addf %get3A_1024, %get3A_1027 : vector<16xf32>
        %mul3A_1029 = arith.constant 2.000000e-01 : f32
        %mul3A_1030 = vector.broadcast %mul3A_1029 : f32 to vector<16xf32>
        %mul3A_1031 = arith.mulf %mul3A_1030, %add3A_1028 : vector<16xf32>
        %max3A_1032 = arith.maximumf %add3A_1028, %mul3A_1031 : vector<16xf32>
        %mul3A_1033 = arith.mulf %max3A_1032, %get3A_48 : vector<16xf32>
        %add3A_1034 = arith.addf %add3A_1021, %mul3A_1033 : vector<16xf32>
        %get3A_1035 = arith.index_cast %scan3A_980 : i32 to index
        %get3A_1036 = arith.constant 64 : index
        %get3A_1037 = tpu.vector_load %arg11[%get3A_1035, %get3A_1036] {strides = array<i32>} : memref<40x128xf32, #tpu.memory_space<vmem>>, vector<16xf32>,
        %get3A_1038 = arith.index_cast %scan3A_980 : i32 to index
        %get3A_1039 = arith.constant 64 : index
        %get3A_1040 = tpu.vector_load %arg12[%get3A_1038, %get3A_1039] {strides = array<i32>} : memref<40x128xf32, #tpu.memory_space<vmem>>, vector<16xf32>,
        %add3A_1041 = arith.addf %get3A_1037, %get3A_1040 : vector<16xf32>
        %mul3A_1042 = arith.constant 2.000000e-01 : f32
        %mul3A_1043 = vector.broadcast %mul3A_1042 : f32 to vector<16xf32>
        %mul3A_1044 = arith.mulf %mul3A_1043, %add3A_1041 : vector<16xf32>
        %max3A_1045 = arith.maximumf %add3A_1041, %mul3A_1044 : vector<16xf32>
        %mul3A_1046 = arith.mulf %max3A_1045, %get3A_50 : vector<16xf32>
        %add3A_1047 = arith.addf %add3A_1034, %mul3A_1046 : vector<16xf32>
        %get3A_1048 = arith.index_cast %scan3A_980 : i32 to index
        %get3A_1049 = arith.constant 80 : index
        %get3A_1050 = tpu.vector_load %arg11[%get3A_1048, %get3A_1049] {strides = array<i32>} : memref<40x128xf32, #tpu.memory_space<vmem>>, vector<16xf32>,
        %get3A_1051 = arith.index_cast %scan3A_980 : i32 to index
        %get3A_1052 = arith.constant 80 : index
        %get3A_1053 = tpu.vector_load %arg12[%get3A_1051, %get3A_1052] {strides = array<i32>} : memref<40x128xf32, #tpu.memory_space<vmem>>, vector<16xf32>,
        %add3A_1054 = arith.addf %get3A_1050, %get3A_1053 : vector<16xf32>
        %mul3A_1055 = arith.constant 2.000000e-01 : f32
        %mul3A_1056 = vector.broadcast %mul3A_1055 : f32 to vector<16xf32>
        %mul3A_1057 = arith.mulf %mul3A_1056, %add3A_1054 : vector<16xf32>
        %max3A_1058 = arith.maximumf %add3A_1054, %mul3A_1057 : vector<16xf32>
        %mul3A_1059 = arith.mulf %max3A_1058, %get3A_52 : vector<16xf32>
        %add3A_1060 = arith.addf %add3A_1047, %mul3A_1059 : vector<16xf32>
        %get3A_1061 = arith.index_cast %scan3A_980 : i32 to index
        %get3A_1062 = arith.constant 96 : index
        %get3A_1063 = tpu.vector_load %arg11[%get3A_1061, %get3A_1062] {strides = array<i32>} : memref<40x128xf32, #tpu.memory_space<vmem>>, vector<16xf32>,
        %get3A_1064 = arith.index_cast %scan3A_980 : i32 to index
        %get3A_1065 = arith.constant 96 : index
        %get3A_1066 = tpu.vector_load %arg12[%get3A_1064, %get3A_1065] {strides = array<i32>} : memref<40x128xf32, #tpu.memory_space<vmem>>, vector<16xf32>,
        %add3A_1067 = arith.addf %get3A_1063, %get3A_1066 : vector<16xf32>
        %mul3A_1068 = arith.constant 2.000000e-01 : f32
        %mul3A_1069 = vector.broadcast %mul3A_1068 : f32 to vector<16xf32>
        %mul3A_1070 = arith.mulf %mul3A_1069, %add3A_1067 : vector<16xf32>
        %max3A_1071 = arith.maximumf %add3A_1067, %mul3A_1070 : vector<16xf32>
        %mul3A_1072 = arith.mulf %max3A_1071, %get3A_54 : vector<16xf32>
        %add3A_1073 = arith.addf %add3A_1060, %mul3A_1072 : vector<16xf32>
        %get3A_1074 = arith.index_cast %scan3A_980 : i32 to index
        %get3A_1075 = arith.constant 112 : index
        %get3A_1076 = tpu.vector_load %arg11[%get3A_1074, %get3A_1075] {strides = array<i32>} : memref<40x128xf32, #tpu.memory_space<vmem>>, vector<16xf32>,
        %get3A_1077 = arith.index_cast %scan3A_980 : i32 to index
        %get3A_1078 = arith.constant 112 : index
        %get3A_1079 = tpu.vector_load %arg12[%get3A_1077, %get3A_1078] {strides = array<i32>} : memref<40x128xf32, #tpu.memory_space<vmem>>, vector<16xf32>,
        %add3A_1080 = arith.addf %get3A_1076, %get3A_1079 : vector<16xf32>
        %mul3A_1081 = arith.constant 2.000000e-01 : f32
        %mul3A_1082 = vector.broadcast %mul3A_1081 : f32 to vector<16xf32>
        %mul3A_1083 = arith.mulf %mul3A_1082, %add3A_1080 : vector<16xf32>
        %max3A_1084 = arith.maximumf %add3A_1080, %mul3A_1083 : vector<16xf32>
        %mul3A_1085 = arith.mulf %max3A_1084, %get3A_56 : vector<16xf32>
        %add3A_1086 = arith.addf %add3A_1073, %mul3A_1085 : vector<16xf32>
        %reduce_sum3A_1087 = arith.constant true
        %reduce_sum3A_1088 = vector.broadcast %reduce_sum3A_1087 : i1 to vector<16xi1>
        %reduce_sum3A_1089 = tpu.scan <sum>, %add3A_1086 masked %reduce_sum3A_1088 : vector<16xf32>, vector<16xi1> -> vector<16xf32>
        %reduce_sum3A_1090 = vector.extract %reduce_sum3A_1089[15] : f32 from vector<16xf32>
        %broadcast_in_dim3A_1091 = vector.broadcast %reduce_sum3A_1090 : f32 to vector<16xf32>
        %exp3A_1092 = math.exp %broadcast_in_dim3A_1091 : vector<16xf32>
        %mul3A_1093 = arith.mulf %exp3A_1092, %get3A_985 : vector<16xf32>
        %swap3A_1094 = arith.index_cast %scan3A_980 : i32 to index
        %swap3A_1095 = arith.constant 0 : index
        %swap3A_1096 = tpu.vector_load %arg14[%swap3A_1094, %swap3A_1095] {strides = array<i32>} : memref<40x144xf32, #tpu.memory_space<vmem>>, vector<16xf32>,
        tpu.vector_store %arg14[%swap3A_1094, %swap3A_1095], %mul3A_1093 {strides = array<i32>} : memref<40x144xf32, #tpu.memory_space<vmem>>, vector<16xf32>,
        %mul3A_1097 = arith.mulf %exp3A_1092, %get3A_998 : vector<16xf32>
        %swap3A_1098 = arith.index_cast %scan3A_980 : i32 to index
        %swap3A_1099 = arith.constant 16 : index
        %swap3A_1100 = tpu.vector_load %arg14[%swap3A_1098, %swap3A_1099] {strides = array<i32>} : memref<40x144xf32, #tpu.memory_space<vmem>>, vector<16xf32>,
        tpu.vector_store %arg14[%swap3A_1098, %swap3A_1099], %mul3A_1097 {strides = array<i32>} : memref<40x144xf32, #tpu.memory_space<vmem>>, vector<16xf32>,
        %mul3A_1101 = arith.mulf %exp3A_1092, %get3A_1011 : vector<16xf32>
        %swap3A_1102 = arith.index_cast %scan3A_980 : i32 to index
        %swap3A_1103 = arith.constant 32 : index
        %swap3A_1104 = tpu.vector_load %arg14[%swap3A_1102, %swap3A_1103] {strides = array<i32>} : memref<40x144xf32, #tpu.memory_space<vmem>>, vector<16xf32>,
        tpu.vector_store %arg14[%swap3A_1102, %swap3A_1103], %mul3A_1101 {strides = array<i32>} : memref<40x144xf32, #tpu.memory_space<vmem>>, vector<16xf32>,
        %mul3A_1105 = arith.mulf %exp3A_1092, %get3A_1024 : vector<16xf32>
        %swap3A_1106 = arith.index_cast %scan3A_980 : i32 to index
        %swap3A_1107 = arith.constant 48 : index
        %swap3A_1108 = tpu.vector_load %arg14[%swap3A_1106, %swap3A_1107] {strides = array<i32>} : memref<40x144xf32, #tpu.memory_space<vmem>>, vector<16xf32>,
        tpu.vector_store %arg14[%swap3A_1106, %swap3A_1107], %mul3A_1105 {strides = array<i32>} : memref<40x144xf32, #tpu.memory_space<vmem>>, vector<16xf32>,
        %mul3A_1109 = arith.mulf %exp3A_1092, %get3A_1037 : vector<16xf32>
        %swap3A_1110 = arith.index_cast %scan3A_980 : i32 to index
        %swap3A_1111 = arith.constant 64 : index
        %swap3A_1112 = tpu.vector_load %arg14[%swap3A_1110, %swap3A_1111] {strides = array<i32>} : memref<40x144xf32, #tpu.memory_space<vmem>>, vector<16xf32>,
        tpu.vector_store %arg14[%swap3A_1110, %swap3A_1111], %mul3A_1109 {strides = array<i32>} : memref<40x144xf32, #tpu.memory_space<vmem>>, vector<16xf32>,
        %mul3A_1113 = arith.mulf %exp3A_1092, %get3A_1050 : vector<16xf32>
        %swap3A_1114 = arith.index_cast %scan3A_980 : i32 to index
        %swap3A_1115 = arith.constant 80 : index
        %swap3A_1116 = tpu.vector_load %arg14[%swap3A_1114, %swap3A_1115] {strides = array<i32>} : memref<40x144xf32, #tpu.memory_space<vmem>>, vector<16xf32>,
        tpu.vector_store %arg14[%swap3A_1114, %swap3A_1115], %mul3A_1113 {strides = array<i32>} : memref<40x144xf32, #tpu.memory_space<vmem>>, vector<16xf32>,
        %mul3A_1117 = arith.mulf %exp3A_1092, %get3A_1063 : vector<16xf32>
        %swap3A_1118 = arith.index_cast %scan3A_980 : i32 to index
        %swap3A_1119 = arith.constant 96 : index
        %swap3A_1120 = tpu.vector_load %arg14[%swap3A_1118, %swap3A_1119] {strides = array<i32>} : memref<40x144xf32, #tpu.memory_space<vmem>>, vector<16xf32>,
        tpu.vector_store %arg14[%swap3A_1118, %swap3A_1119], %mul3A_1117 {strides = array<i32>} : memref<40x144xf32, #tpu.memory_space<vmem>>, vector<16xf32>,
        %mul3A_1121 = arith.mulf %exp3A_1092, %get3A_1076 : vector<16xf32>
        %swap3A_1122 = arith.index_cast %scan3A_980 : i32 to index
        %swap3A_1123 = arith.constant 112 : index
        %swap3A_1124 = tpu.vector_load %arg14[%swap3A_1122, %swap3A_1123] {strides = array<i32>} : memref<40x144xf32, #tpu.memory_space<vmem>>, vector<16xf32>,
        tpu.vector_store %arg14[%swap3A_1122, %swap3A_1123], %mul3A_1121 {strides = array<i32>} : memref<40x144xf32, #tpu.memory_space<vmem>>, vector<16xf32>,
        %jit3A_1125 = arith.constant 0.000000e+00 : f32
        %broadcast_in_dim3A_1126 = vector.broadcast %jit3A_1125 : f32 to vector<16xf32>
        %select_n3A_1127 = arith.select %eq3A_58, %exp3A_1092, %broadcast_in_dim3A_1126 : vector<16xi1>, vector<16xf32>
        %swap3A_1128 = arith.index_cast %scan3A_980 : i32 to index
        %swap3A_1129 = arith.constant 128 : index
        %swap3A_1130 = tpu.vector_load %arg14[%swap3A_1128, %swap3A_1129] {strides = array<i32>} : memref<40x144xf32, #tpu.memory_space<vmem>>, vector<16xf32>,
        tpu.vector_store %arg14[%swap3A_1128, %swap3A_1129], %select_n3A_1127 {strides = array<i32>} : memref<40x144xf32, #tpu.memory_space<vmem>>, vector<16xf32>,
      }
      %scan3A_830 = arith.constant 40 : i32
      %dma_start3A_831 = arith.constant 0 : i32
      %dma_start3A_832 = arith.constant 0 : i32
      %dma_start3A_833 = tpu.memref_slice %arg18[%dma_start3A_831, %dma_start3A_832] : memref<10000x144xf32, #tpu.memory_space<vmem_shared>> -> memref<10000x144xf32, #tpu.memory_space<vmem_shared>>
      tpu.enqueue_indirect_dma source(%arg14 : memref<40x144xf32, #tpu.memory_space<vmem>>) target(%dma_start3A_833 : memref<10000x144xf32, #tpu.memory_space<vmem_shared>>) offsets(%arg16 : memref<40xi32, #tpu.memory_space<vmem>>) semaphore(%arg26 : memref<!tpu.dma_semaphore, #tpu.memory_space<semaphore_mem>>) {add = true}
    }
    %scan3A_357 = arith.constant 123 : i32
    %dma_wait3A_358 = arith.constant 0 : i32
    %dma_wait3A_359 = arith.constant 0 : i32
    %dma_wait3A_360 = arith.constant 0 : i32
    %dma_wait3A_361 = tpu.memref_slice %arg9[%dma_wait3A_359, %dma_wait3A_360] : memref<40x128xf32, #tpu.memory_space<vmem>> -> memref<24x128xf32, #tpu.memory_space<vmem>>
    %dma_wait3A_362 = arith.constant 0 : i32
    %dma_wait3A_363 = tpu.memref_slice %arg7[%dma_wait3A_358, %dma_wait3A_362] : memref<2x40xi32, #tpu.memory_space<vmem>> -> memref<1x24xi32, #tpu.memory_space<vmem>>
    %dma_wait3A_364 = tpu.memref_squeeze %dma_wait3A_363 : memref<1x24xi32, #tpu.memory_space<vmem>> -> memref<24xi32, #tpu.memory_space<vmem>>
    %dma_wait3A_365 = arith.constant 0 : i32
    %dma_wait3A_366 = arith.constant 0 : i32
    %dma_wait3A_367 = tpu.memref_slice %arg2[%dma_wait3A_365, %dma_wait3A_366] : memref<10000x128xf32, #tpu.memory_space<hbm>> -> memref<10000x128xf32, #tpu.memory_space<hbm>>
    tpu.wait_indirect_dma semaphore(%arg21 : memref<!tpu.dma_semaphore, #tpu.memory_space<semaphore_mem>>) src(%dma_wait3A_367 : memref<10000x128xf32, #tpu.memory_space<hbm>>) dst(%dma_wait3A_361 : memref<24x128xf32, #tpu.memory_space<vmem>>)
    %dma_wait3A_368 = arith.constant 1 : i32
    %dma_wait3A_369 = arith.constant 0 : i32
    %dma_wait3A_370 = arith.constant 0 : i32
    %dma_wait3A_371 = tpu.memref_slice %arg10[%dma_wait3A_369, %dma_wait3A_370] : memref<40x128xf32, #tpu.memory_space<vmem>> -> memref<24x128xf32, #tpu.memory_space<vmem>>
    %dma_wait3A_372 = arith.constant 0 : i32
    %dma_wait3A_373 = tpu.memref_slice %arg7[%dma_wait3A_368, %dma_wait3A_372] : memref<2x40xi32, #tpu.memory_space<vmem>> -> memref<1x24xi32, #tpu.memory_space<vmem>>
    %dma_wait3A_374 = tpu.memref_squeeze %dma_wait3A_373 : memref<1x24xi32, #tpu.memory_space<vmem>> -> memref<24xi32, #tpu.memory_space<vmem>>
    %dma_wait3A_375 = arith.constant 0 : i32
    %dma_wait3A_376 = arith.constant 0 : i32
    %dma_wait3A_377 = tpu.memref_slice %arg3[%dma_wait3A_375, %dma_wait3A_376] : memref<10000x128xf32, #tpu.memory_space<hbm>> -> memref<10000x128xf32, #tpu.memory_space<hbm>>
    tpu.wait_indirect_dma semaphore(%arg22 : memref<!tpu.dma_semaphore, #tpu.memory_space<semaphore_mem>>) src(%dma_wait3A_377 : memref<10000x128xf32, #tpu.memory_space<hbm>>) dst(%dma_wait3A_371 : memref<24x128xf32, #tpu.memory_space<vmem>>)
    %dma_wait3A_378 = arith.constant 0 : i32
    %dma_wait3A_379 = arith.constant 24 : i32
    %dma_wait3A_380 = arith.constant 0 : i32
    %dma_wait3A_381 = tpu.memref_slice %arg9[%dma_wait3A_379, %dma_wait3A_380] : memref<40x128xf32, #tpu.memory_space<vmem>> -> memref<16x128xf32, #tpu.memory_space<vmem>>
    %dma_wait3A_382 = arith.constant 24 : i32
    %dma_wait3A_383 = tpu.memref_slice %arg7[%dma_wait3A_378, %dma_wait3A_382] : memref<2x40xi32, #tpu.memory_space<vmem>> -> memref<1x16xi32, #tpu.memory_space<vmem>>
    %dma_wait3A_384 = tpu.memref_squeeze %dma_wait3A_383 : memref<1x16xi32, #tpu.memory_space<vmem>> -> memref<16xi32, #tpu.memory_space<vmem>>
    %dma_wait3A_385 = arith.constant 0 : i32
    %dma_wait3A_386 = arith.constant 0 : i32
    %dma_wait3A_387 = tpu.memref_slice %arg2[%dma_wait3A_385, %dma_wait3A_386] : memref<10000x128xf32, #tpu.memory_space<hbm>> -> memref<10000x128xf32, #tpu.memory_space<hbm>>
    tpu.wait_indirect_dma semaphore(%arg21 : memref<!tpu.dma_semaphore, #tpu.memory_space<semaphore_mem>>) src(%dma_wait3A_387 : memref<10000x128xf32, #tpu.memory_space<hbm>>) dst(%dma_wait3A_381 : memref<16x128xf32, #tpu.memory_space<vmem>>)
    %dma_wait3A_388 = arith.constant 1 : i32
    %dma_wait3A_389 = arith.constant 24 : i32
    %dma_wait3A_390 = arith.constant 0 : i32
    %dma_wait3A_391 = tpu.memref_slice %arg10[%dma_wait3A_389, %dma_wait3A_390] : memref<40x128xf32, #tpu.memory_space<vmem>> -> memref<16x128xf32, #tpu.memory_space<vmem>>
    %dma_wait3A_392 = arith.constant 24 : i32
    %dma_wait3A_393 = tpu.memref_slice %arg7[%dma_wait3A_388, %dma_wait3A_392] : memref<2x40xi32, #tpu.memory_space<vmem>> -> memref<1x16xi32, #tpu.memory_space<vmem>>
    %dma_wait3A_394 = tpu.memref_squeeze %dma_wait3A_393 : memref<1x16xi32, #tpu.memory_space<vmem>> -> memref<16xi32, #tpu.memory_space<vmem>>
    %dma_wait3A_395 = arith.constant 0 : i32
    %dma_wait3A_396 = arith.constant 0 : i32
    %dma_wait3A_397 = tpu.memref_slice %arg3[%dma_wait3A_395, %dma_wait3A_396] : memref<10000x128xf32, #tpu.memory_space<hbm>> -> memref<10000x128xf32, #tpu.memory_space<hbm>>
    tpu.wait_indirect_dma semaphore(%arg22 : memref<!tpu.dma_semaphore, #tpu.memory_space<semaphore_mem>>) src(%dma_wait3A_397 : memref<10000x128xf32, #tpu.memory_space<hbm>>) dst(%dma_wait3A_391 : memref<16x128xf32, #tpu.memory_space<vmem>>)
    %dma_wait3A_398 = arith.constant 0 : i32
    %dma_wait3A_399 = arith.constant 0 : i32
    %dma_wait3A_400 = tpu.memref_slice %arg18[%dma_wait3A_398, %dma_wait3A_399] : memref<10000x144xf32, #tpu.memory_space<vmem_shared>> -> memref<10000x144xf32, #tpu.memory_space<vmem_shared>>
    tpu.wait_indirect_dma semaphore(%arg25 : memref<!tpu.dma_semaphore, #tpu.memory_space<semaphore_mem>>) src(%arg13 : memref<40x144xf32, #tpu.memory_space<vmem>>) dst(%dma_wait3A_400 : memref<10000x144xf32, #tpu.memory_space<vmem_shared>>)
    %get3A_401 = arith.constant 1 : i32
    %get3A_402 = arith.index_cast %get3A_401 : i32 to index
    %get3A_403 = arith.constant 0 : index
    %get3A_404 = tpu.vector_load %arg7[%get3A_402, %get3A_403] {strides = array<i32>} : memref<2x40xi32, #tpu.memory_space<vmem>>, vector<16xi32>,
    %swap3A_405 = arith.constant 0 : index
    %swap3A_406 = tpu.vector_load %arg15[%swap3A_405] {strides = array<i32>} : memref<40xi32, #tpu.memory_space<vmem>>, vector<16xi32>,
    tpu.vector_store %arg15[%swap3A_405], %get3A_404 {strides = array<i32>} : memref<40xi32, #tpu.memory_space<vmem>>, vector<16xi32>,
    %get3A_407 = arith.constant 1 : i32
    %get3A_408 = arith.index_cast %get3A_407 : i32 to index
    %get3A_409 = arith.constant 16 : index
    %get3A_410 = tpu.vector_load %arg7[%get3A_408, %get3A_409] {strides = array<i32>} : memref<2x40xi32, #tpu.memory_space<vmem>>, vector<16xi32>,
    %swap3A_411 = arith.constant 16 : index
    %swap3A_412 = tpu.vector_load %arg15[%swap3A_411] {strides = array<i32>} : memref<40xi32, #tpu.memory_space<vmem>>, vector<16xi32>,
    tpu.vector_store %arg15[%swap3A_411], %get3A_410 {strides = array<i32>} : memref<40xi32, #tpu.memory_space<vmem>>, vector<16xi32>,
    %get3A_413 = arith.constant 1 : i32
    %get3A_414 = arith.index_cast %get3A_413 : i32 to index
    %get3A_415 = arith.constant 24 : index
    %get3A_416 = tpu.vector_load %arg7[%get3A_414, %get3A_415] {strides = array<i32>} : memref<2x40xi32, #tpu.memory_space<vmem>>, vector<16xi32>,
    %swap3A_417 = arith.constant 24 : index
    %swap3A_418 = tpu.vector_load %arg15[%swap3A_417] {strides = array<i32>} : memref<40xi32, #tpu.memory_space<vmem>>, vector<16xi32>,
    tpu.vector_store %arg15[%swap3A_417], %get3A_416 {strides = array<i32>} : memref<40xi32, #tpu.memory_space<vmem>>, vector<16xi32>,
    %add3A_419 = arith.constant 9960 : i32
    %add3A_420 = arith.addi %mul3A_2, %add3A_419 : i32
    %dma_wait3A_421 = arith.constant 0 : i32
    %dma_wait3A_422 = tpu.memref_slice %arg4[%dma_wait3A_421, %add3A_420] : memref<2x320000xi32, #tpu.memory_space<hbm>> -> memref<2x40xi32, #tpu.memory_space<hbm>>
    %dma_wait3A_423 = arith.constant 0 : i32
    %dma_wait3A_424 = tpu.memref_slice %arg4[%dma_wait3A_423, %add3A_420] : memref<2x320000xi32, #tpu.memory_space<hbm>> -> memref<2x40xi32, #tpu.memory_space<hbm>>
    tpu.wait_dma2 semaphore(%arg20 : memref<!tpu.dma_semaphore, #tpu.memory_space<semaphore_mem>>) src(%dma_wait3A_424 : memref<2x40xi32, #tpu.memory_space<hbm>>) dst(%arg8 : memref<2x40xi32, #tpu.memory_space<vmem>>)
    %dma_start3A_425 = arith.constant 0 : i32
    %dma_start3A_426 = arith.constant 0 : i32
    %dma_start3A_427 = arith.constant 0 : i32
    %dma_start3A_428 = tpu.memref_slice %arg11[%dma_start3A_426, %dma_start3A_427] : memref<40x128xf32, #tpu.memory_space<vmem>> -> memref<24x128xf32, #tpu.memory_space<vmem>>
    %dma_start3A_429 = arith.constant 0 : i32
    %dma_start3A_430 = tpu.memref_slice %arg8[%dma_start3A_425, %dma_start3A_429] : memref<2x40xi32, #tpu.memory_space<vmem>> -> memref<1x24xi32, #tpu.memory_space<vmem>>
    %dma_start3A_431 = tpu.memref_squeeze %dma_start3A_430 : memref<1x24xi32, #tpu.memory_space<vmem>> -> memref<24xi32, #tpu.memory_space<vmem>>
    %dma_start3A_432 = arith.constant 0 : i32
    %dma_start3A_433 = arith.constant 0 : i32
    %dma_start3A_434 = tpu.memref_slice %arg2[%dma_start3A_432, %dma_start3A_433] : memref<10000x128xf32, #tpu.memory_space<hbm>> -> memref<10000x128xf32, #tpu.memory_space<hbm>>
    tpu.enqueue_indirect_dma source(%dma_start3A_434 : memref<10000x128xf32, #tpu.memory_space<hbm>>) target(%dma_start3A_428 : memref<24x128xf32, #tpu.memory_space<vmem>>) offsets(%dma_start3A_431 : memref<24xi32, #tpu.memory_space<vmem>>) semaphore(%arg23 : memref<!tpu.dma_semaphore, #tpu.memory_space<semaphore_mem>>)
    %dma_start3A_435 = arith.constant 1 : i32
    %dma_start3A_436 = arith.constant 0 : i32
    %dma_start3A_437 = arith.constant 0 : i32
    %dma_start3A_438 = tpu.memref_slice %arg12[%dma_start3A_436, %dma_start3A_437] : memref<40x128xf32, #tpu.memory_space<vmem>> -> memref<24x128xf32, #tpu.memory_space<vmem>>
    %dma_start3A_439 = arith.constant 0 : i32
    %dma_start3A_440 = tpu.memref_slice %arg8[%dma_start3A_435, %dma_start3A_439] : memref<2x40xi32, #tpu.memory_space<vmem>> -> memref<1x24xi32, #tpu.memory_space<vmem>>
    %dma_start3A_441 = tpu.memref_squeeze %dma_start3A_440 : memref<1x24xi32, #tpu.memory_space<vmem>> -> memref<24xi32, #tpu.memory_space<vmem>>
    %dma_start3A_442 = arith.constant 0 : i32
    %dma_start3A_443 = arith.constant 0 : i32
    %dma_start3A_444 = tpu.memref_slice %arg3[%dma_start3A_442, %dma_start3A_443] : memref<10000x128xf32, #tpu.memory_space<hbm>> -> memref<10000x128xf32, #tpu.memory_space<hbm>>
    tpu.enqueue_indirect_dma source(%dma_start3A_444 : memref<10000x128xf32, #tpu.memory_space<hbm>>) target(%dma_start3A_438 : memref<24x128xf32, #tpu.memory_space<vmem>>) offsets(%dma_start3A_441 : memref<24xi32, #tpu.memory_space<vmem>>) semaphore(%arg24 : memref<!tpu.dma_semaphore, #tpu.memory_space<semaphore_mem>>)
    %dma_start3A_445 = arith.constant 0 : i32
    %dma_start3A_446 = arith.constant 24 : i32
    %dma_start3A_447 = arith.constant 0 : i32
    %dma_start3A_448 = tpu.memref_slice %arg11[%dma_start3A_446, %dma_start3A_447] : memref<40x128xf32, #tpu.memory_space<vmem>> -> memref<16x128xf32, #tpu.memory_space<vmem>>
    %dma_start3A_449 = arith.constant 24 : i32
    %dma_start3A_450 = tpu.memref_slice %arg8[%dma_start3A_445, %dma_start3A_449] : memref<2x40xi32, #tpu.memory_space<vmem>> -> memref<1x16xi32, #tpu.memory_space<vmem>>
    %dma_start3A_451 = tpu.memref_squeeze %dma_start3A_450 : memref<1x16xi32, #tpu.memory_space<vmem>> -> memref<16xi32, #tpu.memory_space<vmem>>
    %dma_start3A_452 = arith.constant 0 : i32
    %dma_start3A_453 = arith.constant 0 : i32
    %dma_start3A_454 = tpu.memref_slice %arg2[%dma_start3A_452, %dma_start3A_453] : memref<10000x128xf32, #tpu.memory_space<hbm>> -> memref<10000x128xf32, #tpu.memory_space<hbm>>
    tpu.enqueue_indirect_dma source(%dma_start3A_454 : memref<10000x128xf32, #tpu.memory_space<hbm>>) target(%dma_start3A_448 : memref<16x128xf32, #tpu.memory_space<vmem>>) offsets(%dma_start3A_451 : memref<16xi32, #tpu.memory_space<vmem>>) semaphore(%arg23 : memref<!tpu.dma_semaphore, #tpu.memory_space<semaphore_mem>>)
    %dma_start3A_455 = arith.constant 1 : i32
    %dma_start3A_456 = arith.constant 24 : i32
    %dma_start3A_457 = arith.constant 0 : i32
    %dma_start3A_458 = tpu.memref_slice %arg12[%dma_start3A_456, %dma_start3A_457] : memref<40x128xf32, #tpu.memory_space<vmem>> -> memref<16x128xf32, #tpu.memory_space<vmem>>
    %dma_start3A_459 = arith.constant 24 : i32
    %dma_start3A_460 = tpu.memref_slice %arg8[%dma_start3A_455, %dma_start3A_459] : memref<2x40xi32, #tpu.memory_space<vmem>> -> memref<1x16xi32, #tpu.memory_space<vmem>>
    %dma_start3A_461 = tpu.memref_squeeze %dma_start3A_460 : memref<1x16xi32, #tpu.memory_space<vmem>> -> memref<16xi32, #tpu.memory_space<vmem>>
    %dma_start3A_462 = arith.constant 0 : i32
    %dma_start3A_463 = arith.constant 0 : i32
    %dma_start3A_464 = tpu.memref_slice %arg3[%dma_start3A_462, %dma_start3A_463] : memref<10000x128xf32, #tpu.memory_space<hbm>> -> memref<10000x128xf32, #tpu.memory_space<hbm>>
    tpu.enqueue_indirect_dma source(%dma_start3A_464 : memref<10000x128xf32, #tpu.memory_space<hbm>>) target(%dma_start3A_458 : memref<16x128xf32, #tpu.memory_space<vmem>>) offsets(%dma_start3A_461 : memref<16xi32, #tpu.memory_space<vmem>>) semaphore(%arg24 : memref<!tpu.dma_semaphore, #tpu.memory_space<semaphore_mem>>)
    %scan3A_465 = arith.constant 0 : i32
    %scan3A_466 = arith.constant 0 : i32
    %scan3A_467 = arith.constant 40 : i32
    %scan3A_468 = arith.addi %scan3A_466, %scan3A_467 : i32
    %scan3A_469 = arith.constant 2 : i32
    scf.for %scan3A_571 = %scan3A_466 to %scan3A_468 step %scan3A_469  : i32 {
      %broadcast_in_dim3A = arith.constant 0.000000e+00 : f32
      %broadcast_in_dim3A_572 = vector.broadcast %broadcast_in_dim3A : f32 to vector<16xf32>
      %get3A_573 = arith.index_cast %scan3A_571 : i32 to index
      %get3A_574 = arith.constant 0 : index
      %get3A_575 = tpu.vector_load %arg9[%get3A_573, %get3A_574] {strides = array<i32>} : memref<40x128xf32, #tpu.memory_space<vmem>>, vector<16xf32>,
      %get3A_576 = arith.index_cast %scan3A_571 : i32 to index
      %get3A_577 = arith.constant 0 : index
      %get3A_578 = tpu.vector_load %arg10[%get3A_576, %get3A_577] {strides = array<i32>} : memref<40x128xf32, #tpu.memory_space<vmem>>, vector<16xf32>,
      %add3A_579 = arith.addf %get3A_575, %get3A_578 : vector<16xf32>
      %mul3A_580 = arith.constant 2.000000e-01 : f32
      %mul3A_581 = vector.broadcast %mul3A_580 : f32 to vector<16xf32>
      %mul3A_582 = arith.mulf %mul3A_581, %add3A_579 : vector<16xf32>
      %max3A = arith.maximumf %add3A_579, %mul3A_582 : vector<16xf32>
      %mul3A_583 = arith.mulf %max3A, %get3A_42 : vector<16xf32>
      %add3A_584 = arith.addf %broadcast_in_dim3A_572, %mul3A_583 : vector<16xf32>
      %get3A_585 = arith.index_cast %scan3A_571 : i32 to index
      %get3A_586 = arith.constant 16 : index
      %get3A_587 = tpu.vector_load %arg9[%get3A_585, %get3A_586] {strides = array<i32>} : memref<40x128xf32, #tpu.memory_space<vmem>>, vector<16xf32>,
      %get3A_588 = arith.index_cast %scan3A_571 : i32 to index
      %get3A_589 = arith.constant 16 : index
      %get3A_590 = tpu.vector_load %arg10[%get3A_588, %get3A_589] {strides = array<i32>} : memref<40x128xf32, #tpu.memory_space<vmem>>, vector<16xf32>,
      %add3A_591 = arith.addf %get3A_587, %get3A_590 : vector<16xf32>
      %mul3A_592 = arith.constant 2.000000e-01 : f32
      %mul3A_593 = vector.broadcast %mul3A_592 : f32 to vector<16xf32>
      %mul3A_594 = arith.mulf %mul3A_593, %add3A_591 : vector<16xf32>
      %max3A_595 = arith.maximumf %add3A_591, %mul3A_594 : vector<16xf32>
      %mul3A_596 = arith.mulf %max3A_595, %get3A_44 : vector<16xf32>
      %add3A_597 = arith.addf %add3A_584, %mul3A_596 : vector<16xf32>
      %get3A_598 = arith.index_cast %scan3A_571 : i32 to index
      %get3A_599 = arith.constant 32 : index
      %get3A_600 = tpu.vector_load %arg9[%get3A_598, %get3A_599] {strides = array<i32>} : memref<40x128xf32, #tpu.memory_space<vmem>>, vector<16xf32>,
      %get3A_601 = arith.index_cast %scan3A_571 : i32 to index
      %get3A_602 = arith.constant 32 : index
      %get3A_603 = tpu.vector_load %arg10[%get3A_601, %get3A_602] {strides = array<i32>} : memref<40x128xf32, #tpu.memory_space<vmem>>, vector<16xf32>,
      %add3A_604 = arith.addf %get3A_600, %get3A_603 : vector<16xf32>
      %mul3A_605 = arith.constant 2.000000e-01 : f32
      %mul3A_606 = vector.broadcast %mul3A_605 : f32 to vector<16xf32>
      %mul3A_607 = arith.mulf %mul3A_606, %add3A_604 : vector<16xf32>
      %max3A_608 = arith.maximumf %add3A_604, %mul3A_607 : vector<16xf32>
      %mul3A_609 = arith.mulf %max3A_608, %get3A_46 : vector<16xf32>
      %add3A_610 = arith.addf %add3A_597, %mul3A_609 : vector<16xf32>
      %get3A_611 = arith.index_cast %scan3A_571 : i32 to index
      %get3A_612 = arith.constant 48 : index
      %get3A_613 = tpu.vector_load %arg9[%get3A_611, %get3A_612] {strides = array<i32>} : memref<40x128xf32, #tpu.memory_space<vmem>>, vector<16xf32>,
      %get3A_614 = arith.index_cast %scan3A_571 : i32 to index
      %get3A_615 = arith.constant 48 : index
      %get3A_616 = tpu.vector_load %arg10[%get3A_614, %get3A_615] {strides = array<i32>} : memref<40x128xf32, #tpu.memory_space<vmem>>, vector<16xf32>,
      %add3A_617 = arith.addf %get3A_613, %get3A_616 : vector<16xf32>
      %mul3A_618 = arith.constant 2.000000e-01 : f32
      %mul3A_619 = vector.broadcast %mul3A_618 : f32 to vector<16xf32>
      %mul3A_620 = arith.mulf %mul3A_619, %add3A_617 : vector<16xf32>
      %max3A_621 = arith.maximumf %add3A_617, %mul3A_620 : vector<16xf32>
      %mul3A_622 = arith.mulf %max3A_621, %get3A_48 : vector<16xf32>
      %add3A_623 = arith.addf %add3A_610, %mul3A_622 : vector<16xf32>
      %get3A_624 = arith.index_cast %scan3A_571 : i32 to index
      %get3A_625 = arith.constant 64 : index
      %get3A_626 = tpu.vector_load %arg9[%get3A_624, %get3A_625] {strides = array<i32>} : memref<40x128xf32, #tpu.memory_space<vmem>>, vector<16xf32>,
      %get3A_627 = arith.index_cast %scan3A_571 : i32 to index
      %get3A_628 = arith.constant 64 : index
      %get3A_629 = tpu.vector_load %arg10[%get3A_627, %get3A_628] {strides = array<i32>} : memref<40x128xf32, #tpu.memory_space<vmem>>, vector<16xf32>,
      %add3A_630 = arith.addf %get3A_626, %get3A_629 : vector<16xf32>
      %mul3A_631 = arith.constant 2.000000e-01 : f32
      %mul3A_632 = vector.broadcast %mul3A_631 : f32 to vector<16xf32>
      %mul3A_633 = arith.mulf %mul3A_632, %add3A_630 : vector<16xf32>
      %max3A_634 = arith.maximumf %add3A_630, %mul3A_633 : vector<16xf32>
      %mul3A_635 = arith.mulf %max3A_634, %get3A_50 : vector<16xf32>
      %add3A_636 = arith.addf %add3A_623, %mul3A_635 : vector<16xf32>
      %get3A_637 = arith.index_cast %scan3A_571 : i32 to index
      %get3A_638 = arith.constant 80 : index
      %get3A_639 = tpu.vector_load %arg9[%get3A_637, %get3A_638] {strides = array<i32>} : memref<40x128xf32, #tpu.memory_space<vmem>>, vector<16xf32>,
      %get3A_640 = arith.index_cast %scan3A_571 : i32 to index
      %get3A_641 = arith.constant 80 : index
      %get3A_642 = tpu.vector_load %arg10[%get3A_640, %get3A_641] {strides = array<i32>} : memref<40x128xf32, #tpu.memory_space<vmem>>, vector<16xf32>,
      %add3A_643 = arith.addf %get3A_639, %get3A_642 : vector<16xf32>
      %mul3A_644 = arith.constant 2.000000e-01 : f32
      %mul3A_645 = vector.broadcast %mul3A_644 : f32 to vector<16xf32>
      %mul3A_646 = arith.mulf %mul3A_645, %add3A_643 : vector<16xf32>
      %max3A_647 = arith.maximumf %add3A_643, %mul3A_646 : vector<16xf32>
      %mul3A_648 = arith.mulf %max3A_647, %get3A_52 : vector<16xf32>
      %add3A_649 = arith.addf %add3A_636, %mul3A_648 : vector<16xf32>
      %get3A_650 = arith.index_cast %scan3A_571 : i32 to index
      %get3A_651 = arith.constant 96 : index
      %get3A_652 = tpu.vector_load %arg9[%get3A_650, %get3A_651] {strides = array<i32>} : memref<40x128xf32, #tpu.memory_space<vmem>>, vector<16xf32>,
      %get3A_653 = arith.index_cast %scan3A_571 : i32 to index
      %get3A_654 = arith.constant 96 : index
      %get3A_655 = tpu.vector_load %arg10[%get3A_653, %get3A_654] {strides = array<i32>} : memref<40x128xf32, #tpu.memory_space<vmem>>, vector<16xf32>,
      %add3A_656 = arith.addf %get3A_652, %get3A_655 : vector<16xf32>
      %mul3A_657 = arith.constant 2.000000e-01 : f32
      %mul3A_658 = vector.broadcast %mul3A_657 : f32 to vector<16xf32>
      %mul3A_659 = arith.mulf %mul3A_658, %add3A_656 : vector<16xf32>
      %max3A_660 = arith.maximumf %add3A_656, %mul3A_659 : vector<16xf32>
      %mul3A_661 = arith.mulf %max3A_660, %get3A_54 : vector<16xf32>
      %add3A_662 = arith.addf %add3A_649, %mul3A_661 : vector<16xf32>
      %get3A_663 = arith.index_cast %scan3A_571 : i32 to index
      %get3A_664 = arith.constant 112 : index
      %get3A_665 = tpu.vector_load %arg9[%get3A_663, %get3A_664] {strides = array<i32>} : memref<40x128xf32, #tpu.memory_space<vmem>>, vector<16xf32>,
      %get3A_666 = arith.index_cast %scan3A_571 : i32 to index
      %get3A_667 = arith.constant 112 : index
      %get3A_668 = tpu.vector_load %arg10[%get3A_666, %get3A_667] {strides = array<i32>} : memref<40x128xf32, #tpu.memory_space<vmem>>, vector<16xf32>,
      %add3A_669 = arith.addf %get3A_665, %get3A_668 : vector<16xf32>
      %mul3A_670 = arith.constant 2.000000e-01 : f32
      %mul3A_671 = vector.broadcast %mul3A_670 : f32 to vector<16xf32>
      %mul3A_672 = arith.mulf %mul3A_671, %add3A_669 : vector<16xf32>
      %max3A_673 = arith.maximumf %add3A_669, %mul3A_672 : vector<16xf32>
      %mul3A_674 = arith.mulf %max3A_673, %get3A_56 : vector<16xf32>
      %add3A_675 = arith.addf %add3A_662, %mul3A_674 : vector<16xf32>
      %reduce_sum3A = arith.constant true
      %reduce_sum3A_676 = vector.broadcast %reduce_sum3A : i1 to vector<16xi1>
      %reduce_sum3A_677 = tpu.scan <sum>, %add3A_675 masked %reduce_sum3A_676 : vector<16xf32>, vector<16xi1> -> vector<16xf32>
      %reduce_sum3A_678 = vector.extract %reduce_sum3A_677[15] : f32 from vector<16xf32>
      %broadcast_in_dim3A_679 = vector.broadcast %reduce_sum3A_678 : f32 to vector<16xf32>
      %exp3A = math.exp %broadcast_in_dim3A_679 : vector<16xf32>
      %mul3A_680 = arith.mulf %exp3A, %get3A_575 : vector<16xf32>
      %swap3A_681 = arith.index_cast %scan3A_571 : i32 to index
      %swap3A_682 = arith.constant 0 : index
      %swap3A_683 = tpu.vector_load %arg13[%swap3A_681, %swap3A_682] {strides = array<i32>} : memref<40x144xf32, #tpu.memory_space<vmem>>, vector<16xf32>,
      tpu.vector_store %arg13[%swap3A_681, %swap3A_682], %mul3A_680 {strides = array<i32>} : memref<40x144xf32, #tpu.memory_space<vmem>>, vector<16xf32>,
      %mul3A_684 = arith.mulf %exp3A, %get3A_587 : vector<16xf32>
      %swap3A_685 = arith.index_cast %scan3A_571 : i32 to index
      %swap3A_686 = arith.constant 16 : index
      %swap3A_687 = tpu.vector_load %arg13[%swap3A_685, %swap3A_686] {strides = array<i32>} : memref<40x144xf32, #tpu.memory_space<vmem>>, vector<16xf32>,
      tpu.vector_store %arg13[%swap3A_685, %swap3A_686], %mul3A_684 {strides = array<i32>} : memref<40x144xf32, #tpu.memory_space<vmem>>, vector<16xf32>,
      %mul3A_688 = arith.mulf %exp3A, %get3A_600 : vector<16xf32>
      %swap3A_689 = arith.index_cast %scan3A_571 : i32 to index
      %swap3A_690 = arith.constant 32 : index
      %swap3A_691 = tpu.vector_load %arg13[%swap3A_689, %swap3A_690] {strides = array<i32>} : memref<40x144xf32, #tpu.memory_space<vmem>>, vector<16xf32>,
      tpu.vector_store %arg13[%swap3A_689, %swap3A_690], %mul3A_688 {strides = array<i32>} : memref<40x144xf32, #tpu.memory_space<vmem>>, vector<16xf32>,
      %mul3A_692 = arith.mulf %exp3A, %get3A_613 : vector<16xf32>
      %swap3A_693 = arith.index_cast %scan3A_571 : i32 to index
      %swap3A_694 = arith.constant 48 : index
      %swap3A_695 = tpu.vector_load %arg13[%swap3A_693, %swap3A_694] {strides = array<i32>} : memref<40x144xf32, #tpu.memory_space<vmem>>, vector<16xf32>,
      tpu.vector_store %arg13[%swap3A_693, %swap3A_694], %mul3A_692 {strides = array<i32>} : memref<40x144xf32, #tpu.memory_space<vmem>>, vector<16xf32>,
      %mul3A_696 = arith.mulf %exp3A, %get3A_626 : vector<16xf32>
      %swap3A_697 = arith.index_cast %scan3A_571 : i32 to index
      %swap3A_698 = arith.constant 64 : index
      %swap3A_699 = tpu.vector_load %arg13[%swap3A_697, %swap3A_698] {strides = array<i32>} : memref<40x144xf32, #tpu.memory_space<vmem>>, vector<16xf32>,
      tpu.vector_store %arg13[%swap3A_697, %swap3A_698], %mul3A_696 {strides = array<i32>} : memref<40x144xf32, #tpu.memory_space<vmem>>, vector<16xf32>,
      %mul3A_700 = arith.mulf %exp3A, %get3A_639 : vector<16xf32>
      %swap3A_701 = arith.index_cast %scan3A_571 : i32 to index
      %swap3A_702 = arith.constant 80 : index
      %swap3A_703 = tpu.vector_load %arg13[%swap3A_701, %swap3A_702] {strides = array<i32>} : memref<40x144xf32, #tpu.memory_space<vmem>>, vector<16xf32>,
      tpu.vector_store %arg13[%swap3A_701, %swap3A_702], %mul3A_700 {strides = array<i32>} : memref<40x144xf32, #tpu.memory_space<vmem>>, vector<16xf32>,
      %mul3A_704 = arith.mulf %exp3A, %get3A_652 : vector<16xf32>
      %swap3A_705 = arith.index_cast %scan3A_571 : i32 to index
      %swap3A_706 = arith.constant 96 : index
      %swap3A_707 = tpu.vector_load %arg13[%swap3A_705, %swap3A_706] {strides = array<i32>} : memref<40x144xf32, #tpu.memory_space<vmem>>, vector<16xf32>,
      tpu.vector_store %arg13[%swap3A_705, %swap3A_706], %mul3A_704 {strides = array<i32>} : memref<40x144xf32, #tpu.memory_space<vmem>>, vector<16xf32>,
      %mul3A_708 = arith.mulf %exp3A, %get3A_665 : vector<16xf32>
      %swap3A_709 = arith.index_cast %scan3A_571 : i32 to index
      %swap3A_710 = arith.constant 112 : index
      %swap3A_711 = tpu.vector_load %arg13[%swap3A_709, %swap3A_710] {strides = array<i32>} : memref<40x144xf32, #tpu.memory_space<vmem>>, vector<16xf32>,
      tpu.vector_store %arg13[%swap3A_709, %swap3A_710], %mul3A_708 {strides = array<i32>} : memref<40x144xf32, #tpu.memory_space<vmem>>, vector<16xf32>,
      %jit3A = arith.constant 0.000000e+00 : f32
      %broadcast_in_dim3A_712 = vector.broadcast %jit3A : f32 to vector<16xf32>
      %select_n3A = arith.select %eq3A_58, %exp3A, %broadcast_in_dim3A_712 : vector<16xi1>, vector<16xf32>
      %swap3A_713 = arith.index_cast %scan3A_571 : i32 to index
      %swap3A_714 = arith.constant 128 : index
      %swap3A_715 = tpu.vector_load %arg13[%swap3A_713, %swap3A_714] {strides = array<i32>} : memref<40x144xf32, #tpu.memory_space<vmem>>, vector<16xf32>,
      tpu.vector_store %arg13[%swap3A_713, %swap3A_714], %select_n3A {strides = array<i32>} : memref<40x144xf32, #tpu.memory_space<vmem>>, vector<16xf32>,
      %scan3A_716 = arith.constant 1 : i32
      %scan3A_717 = arith.addi %scan3A_571, %scan3A_716 : i32
      %broadcast_in_dim3A_718 = arith.constant 0.000000e+00 : f32
      %broadcast_in_dim3A_719 = vector.broadcast %broadcast_in_dim3A_718 : f32 to vector<16xf32>
      %get3A_720 = arith.index_cast %scan3A_717 : i32 to index
      %get3A_721 = arith.constant 0 : index
      %get3A_722 = tpu.vector_load %arg9[%get3A_720, %get3A_721] {strides = array<i32>} : memref<40x128xf32, #tpu.memory_space<vmem>>, vector<16xf32>,
      %get3A_723 = arith.index_cast %scan3A_717 : i32 to index
      %get3A_724 = arith.constant 0 : index
      %get3A_725 = tpu.vector_load %arg10[%get3A_723, %get3A_724] {strides = array<i32>} : memref<40x128xf32, #tpu.memory_space<vmem>>, vector<16xf32>,
      %add3A_726 = arith.addf %get3A_722, %get3A_725 : vector<16xf32>
      %mul3A_727 = arith.constant 2.000000e-01 : f32
      %mul3A_728 = vector.broadcast %mul3A_727 : f32 to vector<16xf32>
      %mul3A_729 = arith.mulf %mul3A_728, %add3A_726 : vector<16xf32>
      %max3A_730 = arith.maximumf %add3A_726, %mul3A_729 : vector<16xf32>
      %mul3A_731 = arith.mulf %max3A_730, %get3A_42 : vector<16xf32>
      %add3A_732 = arith.addf %broadcast_in_dim3A_719, %mul3A_731 : vector<16xf32>
      %get3A_733 = arith.index_cast %scan3A_717 : i32 to index
      %get3A_734 = arith.constant 16 : index
      %get3A_735 = tpu.vector_load %arg9[%get3A_733, %get3A_734] {strides = array<i32>} : memref<40x128xf32, #tpu.memory_space<vmem>>, vector<16xf32>,
      %get3A_736 = arith.index_cast %scan3A_717 : i32 to index
      %get3A_737 = arith.constant 16 : index
      %get3A_738 = tpu.vector_load %arg10[%get3A_736, %get3A_737] {strides = array<i32>} : memref<40x128xf32, #tpu.memory_space<vmem>>, vector<16xf32>,
      %add3A_739 = arith.addf %get3A_735, %get3A_738 : vector<16xf32>
      %mul3A_740 = arith.constant 2.000000e-01 : f32
      %mul3A_741 = vector.broadcast %mul3A_740 : f32 to vector<16xf32>
      %mul3A_742 = arith.mulf %mul3A_741, %add3A_739 : vector<16xf32>
      %max3A_743 = arith.maximumf %add3A_739, %mul3A_742 : vector<16xf32>
      %mul3A_744 = arith.mulf %max3A_743, %get3A_44 : vector<16xf32>
      %add3A_745 = arith.addf %add3A_732, %mul3A_744 : vector<16xf32>
      %get3A_746 = arith.index_cast %scan3A_717 : i32 to index
      %get3A_747 = arith.constant 32 : index
      %get3A_748 = tpu.vector_load %arg9[%get3A_746, %get3A_747] {strides = array<i32>} : memref<40x128xf32, #tpu.memory_space<vmem>>, vector<16xf32>,
      %get3A_749 = arith.index_cast %scan3A_717 : i32 to index
      %get3A_750 = arith.constant 32 : index
      %get3A_751 = tpu.vector_load %arg10[%get3A_749, %get3A_750] {strides = array<i32>} : memref<40x128xf32, #tpu.memory_space<vmem>>, vector<16xf32>,
      %add3A_752 = arith.addf %get3A_748, %get3A_751 : vector<16xf32>
      %mul3A_753 = arith.constant 2.000000e-01 : f32
      %mul3A_754 = vector.broadcast %mul3A_753 : f32 to vector<16xf32>
      %mul3A_755 = arith.mulf %mul3A_754, %add3A_752 : vector<16xf32>
      %max3A_756 = arith.maximumf %add3A_752, %mul3A_755 : vector<16xf32>
      %mul3A_757 = arith.mulf %max3A_756, %get3A_46 : vector<16xf32>
      %add3A_758 = arith.addf %add3A_745, %mul3A_757 : vector<16xf32>
      %get3A_759 = arith.index_cast %scan3A_717 : i32 to index
      %get3A_760 = arith.constant 48 : index
      %get3A_761 = tpu.vector_load %arg9[%get3A_759, %get3A_760] {strides = array<i32>} : memref<40x128xf32, #tpu.memory_space<vmem>>, vector<16xf32>,
      %get3A_762 = arith.index_cast %scan3A_717 : i32 to index
      %get3A_763 = arith.constant 48 : index
      %get3A_764 = tpu.vector_load %arg10[%get3A_762, %get3A_763] {strides = array<i32>} : memref<40x128xf32, #tpu.memory_space<vmem>>, vector<16xf32>,
      %add3A_765 = arith.addf %get3A_761, %get3A_764 : vector<16xf32>
      %mul3A_766 = arith.constant 2.000000e-01 : f32
      %mul3A_767 = vector.broadcast %mul3A_766 : f32 to vector<16xf32>
      %mul3A_768 = arith.mulf %mul3A_767, %add3A_765 : vector<16xf32>
      %max3A_769 = arith.maximumf %add3A_765, %mul3A_768 : vector<16xf32>
      %mul3A_770 = arith.mulf %max3A_769, %get3A_48 : vector<16xf32>
      %add3A_771 = arith.addf %add3A_758, %mul3A_770 : vector<16xf32>
      %get3A_772 = arith.index_cast %scan3A_717 : i32 to index
      %get3A_773 = arith.constant 64 : index
      %get3A_774 = tpu.vector_load %arg9[%get3A_772, %get3A_773] {strides = array<i32>} : memref<40x128xf32, #tpu.memory_space<vmem>>, vector<16xf32>,
      %get3A_775 = arith.index_cast %scan3A_717 : i32 to index
      %get3A_776 = arith.constant 64 : index
      %get3A_777 = tpu.vector_load %arg10[%get3A_775, %get3A_776] {strides = array<i32>} : memref<40x128xf32, #tpu.memory_space<vmem>>, vector<16xf32>,
      %add3A_778 = arith.addf %get3A_774, %get3A_777 : vector<16xf32>
      %mul3A_779 = arith.constant 2.000000e-01 : f32
      %mul3A_780 = vector.broadcast %mul3A_779 : f32 to vector<16xf32>
      %mul3A_781 = arith.mulf %mul3A_780, %add3A_778 : vector<16xf32>
      %max3A_782 = arith.maximumf %add3A_778, %mul3A_781 : vector<16xf32>
      %mul3A_783 = arith.mulf %max3A_782, %get3A_50 : vector<16xf32>
      %add3A_784 = arith.addf %add3A_771, %mul3A_783 : vector<16xf32>
      %get3A_785 = arith.index_cast %scan3A_717 : i32 to index
      %get3A_786 = arith.constant 80 : index
      %get3A_787 = tpu.vector_load %arg9[%get3A_785, %get3A_786] {strides = array<i32>} : memref<40x128xf32, #tpu.memory_space<vmem>>, vector<16xf32>,
      %get3A_788 = arith.index_cast %scan3A_717 : i32 to index
      %get3A_789 = arith.constant 80 : index
      %get3A_790 = tpu.vector_load %arg10[%get3A_788, %get3A_789] {strides = array<i32>} : memref<40x128xf32, #tpu.memory_space<vmem>>, vector<16xf32>,
      %add3A_791 = arith.addf %get3A_787, %get3A_790 : vector<16xf32>
      %mul3A_792 = arith.constant 2.000000e-01 : f32
      %mul3A_793 = vector.broadcast %mul3A_792 : f32 to vector<16xf32>
      %mul3A_794 = arith.mulf %mul3A_793, %add3A_791 : vector<16xf32>
      %max3A_795 = arith.maximumf %add3A_791, %mul3A_794 : vector<16xf32>
      %mul3A_796 = arith.mulf %max3A_795, %get3A_52 : vector<16xf32>
      %add3A_797 = arith.addf %add3A_784, %mul3A_796 : vector<16xf32>
      %get3A_798 = arith.index_cast %scan3A_717 : i32 to index
      %get3A_799 = arith.constant 96 : index
      %get3A_800 = tpu.vector_load %arg9[%get3A_798, %get3A_799] {strides = array<i32>} : memref<40x128xf32, #tpu.memory_space<vmem>>, vector<16xf32>,
      %get3A_801 = arith.index_cast %scan3A_717 : i32 to index
      %get3A_802 = arith.constant 96 : index
      %get3A_803 = tpu.vector_load %arg10[%get3A_801, %get3A_802] {strides = array<i32>} : memref<40x128xf32, #tpu.memory_space<vmem>>, vector<16xf32>,
      %add3A_804 = arith.addf %get3A_800, %get3A_803 : vector<16xf32>
      %mul3A_805 = arith.constant 2.000000e-01 : f32
      %mul3A_806 = vector.broadcast %mul3A_805 : f32 to vector<16xf32>
      %mul3A_807 = arith.mulf %mul3A_806, %add3A_804 : vector<16xf32>
      %max3A_808 = arith.maximumf %add3A_804, %mul3A_807 : vector<16xf32>
      %mul3A_809 = arith.mulf %max3A_808, %get3A_54 : vector<16xf32>
      %add3A_810 = arith.addf %add3A_797, %mul3A_809 : vector<16xf32>
      %get3A_811 = arith.index_cast %scan3A_717 : i32 to index
      %get3A_812 = arith.constant 112 : index
      %get3A_813 = tpu.vector_load %arg9[%get3A_811, %get3A_812] {strides = array<i32>} : memref<40x128xf32, #tpu.memory_space<vmem>>, vector<16xf32>,
      %get3A_814 = arith.index_cast %scan3A_717 : i32 to index
      %get3A_815 = arith.constant 112 : index
      %get3A_816 = tpu.vector_load %arg10[%get3A_814, %get3A_815] {strides = array<i32>} : memref<40x128xf32, #tpu.memory_space<vmem>>, vector<16xf32>,
      %add3A_817 = arith.addf %get3A_813, %get3A_816 : vector<16xf32>
      %mul3A_818 = arith.constant 2.000000e-01 : f32
      %mul3A_819 = vector.broadcast %mul3A_818 : f32 to vector<16xf32>
      %mul3A_820 = arith.mulf %mul3A_819, %add3A_817 : vector<16xf32>
      %max3A_821 = arith.maximumf %add3A_817, %mul3A_820 : vector<16xf32>
      %mul3A_822 = arith.mulf %max3A_821, %get3A_56 : vector<16xf32>
      %add3A_823 = arith.addf %add3A_810, %mul3A_822 : vector<16xf32>
      %reduce_sum3A_824 = arith.constant true
      %reduce_sum3A_825 = vector.broadcast %reduce_sum3A_824 : i1 to vector<16xi1>
      %reduce_sum3A_826 = tpu.scan <sum>, %add3A_823 masked %reduce_sum3A_825 : vector<16xf32>, vector<16xi1> -> vector<16xf32>
      %reduce_sum3A_827 = vector.extract %reduce_sum3A_826[15] : f32 from vector<16xf32>
      %broadcast_in_dim3A_828 = vector.broadcast %reduce_sum3A_827 : f32 to vector<16xf32>
      %exp3A_829 = math.exp %broadcast_in_dim3A_828 : vector<16xf32>
      %mul3A_830 = arith.mulf %exp3A_829, %get3A_722 : vector<16xf32>
      %swap3A_831 = arith.index_cast %scan3A_717 : i32 to index
      %swap3A_832 = arith.constant 0 : index
      %swap3A_833 = tpu.vector_load %arg13[%swap3A_831, %swap3A_832] {strides = array<i32>} : memref<40x144xf32, #tpu.memory_space<vmem>>, vector<16xf32>,
      tpu.vector_store %arg13[%swap3A_831, %swap3A_832], %mul3A_830 {strides = array<i32>} : memref<40x144xf32, #tpu.memory_space<vmem>>, vector<16xf32>,
      %mul3A_834 = arith.mulf %exp3A_829, %get3A_735 : vector<16xf32>
      %swap3A_835 = arith.index_cast %scan3A_717 : i32 to index
      %swap3A_836 = arith.constant 16 : index
      %swap3A_837 = tpu.vector_load %arg13[%swap3A_835, %swap3A_836] {strides = array<i32>} : memref<40x144xf32, #tpu.memory_space<vmem>>, vector<16xf32>,
      tpu.vector_store %arg13[%swap3A_835, %swap3A_836], %mul3A_834 {strides = array<i32>} : memref<40x144xf32, #tpu.memory_space<vmem>>, vector<16xf32>,
      %mul3A_838 = arith.mulf %exp3A_829, %get3A_748 : vector<16xf32>
      %swap3A_839 = arith.index_cast %scan3A_717 : i32 to index
      %swap3A_840 = arith.constant 32 : index
      %swap3A_841 = tpu.vector_load %arg13[%swap3A_839, %swap3A_840] {strides = array<i32>} : memref<40x144xf32, #tpu.memory_space<vmem>>, vector<16xf32>,
      tpu.vector_store %arg13[%swap3A_839, %swap3A_840], %mul3A_838 {strides = array<i32>} : memref<40x144xf32, #tpu.memory_space<vmem>>, vector<16xf32>,
      %mul3A_842 = arith.mulf %exp3A_829, %get3A_761 : vector<16xf32>
      %swap3A_843 = arith.index_cast %scan3A_717 : i32 to index
      %swap3A_844 = arith.constant 48 : index
      %swap3A_845 = tpu.vector_load %arg13[%swap3A_843, %swap3A_844] {strides = array<i32>} : memref<40x144xf32, #tpu.memory_space<vmem>>, vector<16xf32>,
      tpu.vector_store %arg13[%swap3A_843, %swap3A_844], %mul3A_842 {strides = array<i32>} : memref<40x144xf32, #tpu.memory_space<vmem>>, vector<16xf32>,
      %mul3A_846 = arith.mulf %exp3A_829, %get3A_774 : vector<16xf32>
      %swap3A_847 = arith.index_cast %scan3A_717 : i32 to index
      %swap3A_848 = arith.constant 64 : index
      %swap3A_849 = tpu.vector_load %arg13[%swap3A_847, %swap3A_848] {strides = array<i32>} : memref<40x144xf32, #tpu.memory_space<vmem>>, vector<16xf32>,
      tpu.vector_store %arg13[%swap3A_847, %swap3A_848], %mul3A_846 {strides = array<i32>} : memref<40x144xf32, #tpu.memory_space<vmem>>, vector<16xf32>,
      %mul3A_850 = arith.mulf %exp3A_829, %get3A_787 : vector<16xf32>
      %swap3A_851 = arith.index_cast %scan3A_717 : i32 to index
      %swap3A_852 = arith.constant 80 : index
      %swap3A_853 = tpu.vector_load %arg13[%swap3A_851, %swap3A_852] {strides = array<i32>} : memref<40x144xf32, #tpu.memory_space<vmem>>, vector<16xf32>,
      tpu.vector_store %arg13[%swap3A_851, %swap3A_852], %mul3A_850 {strides = array<i32>} : memref<40x144xf32, #tpu.memory_space<vmem>>, vector<16xf32>,
      %mul3A_854 = arith.mulf %exp3A_829, %get3A_800 : vector<16xf32>
      %swap3A_855 = arith.index_cast %scan3A_717 : i32 to index
      %swap3A_856 = arith.constant 96 : index
      %swap3A_857 = tpu.vector_load %arg13[%swap3A_855, %swap3A_856] {strides = array<i32>} : memref<40x144xf32, #tpu.memory_space<vmem>>, vector<16xf32>,
      tpu.vector_store %arg13[%swap3A_855, %swap3A_856], %mul3A_854 {strides = array<i32>} : memref<40x144xf32, #tpu.memory_space<vmem>>, vector<16xf32>,
      %mul3A_858 = arith.mulf %exp3A_829, %get3A_813 : vector<16xf32>
      %swap3A_859 = arith.index_cast %scan3A_717 : i32 to index
      %swap3A_860 = arith.constant 112 : index
      %swap3A_861 = tpu.vector_load %arg13[%swap3A_859, %swap3A_860] {strides = array<i32>} : memref<40x144xf32, #tpu.memory_space<vmem>>, vector<16xf32>,
      tpu.vector_store %arg13[%swap3A_859, %swap3A_860], %mul3A_858 {strides = array<i32>} : memref<40x144xf32, #tpu.memory_space<vmem>>, vector<16xf32>,
      %jit3A_862 = arith.constant 0.000000e+00 : f32
      %broadcast_in_dim3A_863 = vector.broadcast %jit3A_862 : f32 to vector<16xf32>
      %select_n3A_864 = arith.select %eq3A_58, %exp3A_829, %broadcast_in_dim3A_863 : vector<16xi1>, vector<16xf32>
      %swap3A_865 = arith.index_cast %scan3A_717 : i32 to index
      %swap3A_866 = arith.constant 128 : index
      %swap3A_867 = tpu.vector_load %arg13[%swap3A_865, %swap3A_866] {strides = array<i32>} : memref<40x144xf32, #tpu.memory_space<vmem>>, vector<16xf32>,
      tpu.vector_store %arg13[%swap3A_865, %swap3A_866], %select_n3A_864 {strides = array<i32>} : memref<40x144xf32, #tpu.memory_space<vmem>>, vector<16xf32>,
    }
    %scan3A_470 = arith.constant 40 : i32
    %dma_start3A_471 = arith.constant 0 : i32
    %dma_start3A_472 = arith.constant 0 : i32
    %dma_start3A_473 = tpu.memref_slice %arg18[%dma_start3A_471, %dma_start3A_472] : memref<10000x144xf32, #tpu.memory_space<vmem_shared>> -> memref<10000x144xf32, #tpu.memory_space<vmem_shared>>
    tpu.enqueue_indirect_dma source(%arg13 : memref<40x144xf32, #tpu.memory_space<vmem>>) target(%dma_start3A_473 : memref<10000x144xf32, #tpu.memory_space<vmem_shared>>) offsets(%arg15 : memref<40xi32, #tpu.memory_space<vmem>>) semaphore(%arg25 : memref<!tpu.dma_semaphore, #tpu.memory_space<semaphore_mem>>) {add = true}
    %dma_wait3A_474 = arith.constant 0 : i32
    %dma_wait3A_475 = arith.constant 0 : i32
    %dma_wait3A_476 = arith.constant 0 : i32
    %dma_wait3A_477 = tpu.memref_slice %arg11[%dma_wait3A_475, %dma_wait3A_476] : memref<40x128xf32, #tpu.memory_space<vmem>> -> memref<24x128xf32, #tpu.memory_space<vmem>>
    %dma_wait3A_478 = arith.constant 0 : i32
    %dma_wait3A_479 = tpu.memref_slice %arg8[%dma_wait3A_474, %dma_wait3A_478] : memref<2x40xi32, #tpu.memory_space<vmem>> -> memref<1x24xi32, #tpu.memory_space<vmem>>
    %dma_wait3A_480 = tpu.memref_squeeze %dma_wait3A_479 : memref<1x24xi32, #tpu.memory_space<vmem>> -> memref<24xi32, #tpu.memory_space<vmem>>
    %dma_wait3A_481 = arith.constant 0 : i32
    %dma_wait3A_482 = arith.constant 0 : i32
    %dma_wait3A_483 = tpu.memref_slice %arg2[%dma_wait3A_481, %dma_wait3A_482] : memref<10000x128xf32, #tpu.memory_space<hbm>> -> memref<10000x128xf32, #tpu.memory_space<hbm>>
    tpu.wait_indirect_dma semaphore(%arg23 : memref<!tpu.dma_semaphore, #tpu.memory_space<semaphore_mem>>) src(%dma_wait3A_483 : memref<10000x128xf32, #tpu.memory_space<hbm>>) dst(%dma_wait3A_477 : memref<24x128xf32, #tpu.memory_space<vmem>>)
    %dma_wait3A_484 = arith.constant 1 : i32
    %dma_wait3A_485 = arith.constant 0 : i32
    %dma_wait3A_486 = arith.constant 0 : i32
    %dma_wait3A_487 = tpu.memref_slice %arg12[%dma_wait3A_485, %dma_wait3A_486] : memref<40x128xf32, #tpu.memory_space<vmem>> -> memref<24x128xf32, #tpu.memory_space<vmem>>
    %dma_wait3A_488 = arith.constant 0 : i32
    %dma_wait3A_489 = tpu.memref_slice %arg8[%dma_wait3A_484, %dma_wait3A_488] : memref<2x40xi32, #tpu.memory_space<vmem>> -> memref<1x24xi32, #tpu.memory_space<vmem>>
    %dma_wait3A_490 = tpu.memref_squeeze %dma_wait3A_489 : memref<1x24xi32, #tpu.memory_space<vmem>> -> memref<24xi32, #tpu.memory_space<vmem>>
    %dma_wait3A_491 = arith.constant 0 : i32
    %dma_wait3A_492 = arith.constant 0 : i32
    %dma_wait3A_493 = tpu.memref_slice %arg3[%dma_wait3A_491, %dma_wait3A_492] : memref<10000x128xf32, #tpu.memory_space<hbm>> -> memref<10000x128xf32, #tpu.memory_space<hbm>>
    tpu.wait_indirect_dma semaphore(%arg24 : memref<!tpu.dma_semaphore, #tpu.memory_space<semaphore_mem>>) src(%dma_wait3A_493 : memref<10000x128xf32, #tpu.memory_space<hbm>>) dst(%dma_wait3A_487 : memref<24x128xf32, #tpu.memory_space<vmem>>)
    %dma_wait3A_494 = arith.constant 0 : i32
    %dma_wait3A_495 = arith.constant 24 : i32
    %dma_wait3A_496 = arith.constant 0 : i32
    %dma_wait3A_497 = tpu.memref_slice %arg11[%dma_wait3A_495, %dma_wait3A_496] : memref<40x128xf32, #tpu.memory_space<vmem>> -> memref<16x128xf32, #tpu.memory_space<vmem>>
    %dma_wait3A_498 = arith.constant 24 : i32
    %dma_wait3A_499 = tpu.memref_slice %arg8[%dma_wait3A_494, %dma_wait3A_498] : memref<2x40xi32, #tpu.memory_space<vmem>> -> memref<1x16xi32, #tpu.memory_space<vmem>>
    %dma_wait3A_500 = tpu.memref_squeeze %dma_wait3A_499 : memref<1x16xi32, #tpu.memory_space<vmem>> -> memref<16xi32, #tpu.memory_space<vmem>>
    %dma_wait3A_501 = arith.constant 0 : i32
    %dma_wait3A_502 = arith.constant 0 : i32
    %dma_wait3A_503 = tpu.memref_slice %arg2[%dma_wait3A_501, %dma_wait3A_502] : memref<10000x128xf32, #tpu.memory_space<hbm>> -> memref<10000x128xf32, #tpu.memory_space<hbm>>
    tpu.wait_indirect_dma semaphore(%arg23 : memref<!tpu.dma_semaphore, #tpu.memory_space<semaphore_mem>>) src(%dma_wait3A_503 : memref<10000x128xf32, #tpu.memory_space<hbm>>) dst(%dma_wait3A_497 : memref<16x128xf32, #tpu.memory_space<vmem>>)
    %dma_wait3A_504 = arith.constant 1 : i32
    %dma_wait3A_505 = arith.constant 24 : i32
    %dma_wait3A_506 = arith.constant 0 : i32
    %dma_wait3A_507 = tpu.memref_slice %arg12[%dma_wait3A_505, %dma_wait3A_506] : memref<40x128xf32, #tpu.memory_space<vmem>> -> memref<16x128xf32, #tpu.memory_space<vmem>>
    %dma_wait3A_508 = arith.constant 24 : i32
    %dma_wait3A_509 = tpu.memref_slice %arg8[%dma_wait3A_504, %dma_wait3A_508] : memref<2x40xi32, #tpu.memory_space<vmem>> -> memref<1x16xi32, #tpu.memory_space<vmem>>
    %dma_wait3A_510 = tpu.memref_squeeze %dma_wait3A_509 : memref<1x16xi32, #tpu.memory_space<vmem>> -> memref<16xi32, #tpu.memory_space<vmem>>
    %dma_wait3A_511 = arith.constant 0 : i32
    %dma_wait3A_512 = arith.constant 0 : i32
    %dma_wait3A_513 = tpu.memref_slice %arg3[%dma_wait3A_511, %dma_wait3A_512] : memref<10000x128xf32, #tpu.memory_space<hbm>> -> memref<10000x128xf32, #tpu.memory_space<hbm>>
    tpu.wait_indirect_dma semaphore(%arg24 : memref<!tpu.dma_semaphore, #tpu.memory_space<semaphore_mem>>) src(%dma_wait3A_513 : memref<10000x128xf32, #tpu.memory_space<hbm>>) dst(%dma_wait3A_507 : memref<16x128xf32, #tpu.memory_space<vmem>>)
    %dma_wait3A_514 = arith.constant 0 : i32
    %dma_wait3A_515 = arith.constant 0 : i32
    %dma_wait3A_516 = tpu.memref_slice %arg18[%dma_wait3A_514, %dma_wait3A_515] : memref<10000x144xf32, #tpu.memory_space<vmem_shared>> -> memref<10000x144xf32, #tpu.memory_space<vmem_shared>>
    tpu.wait_indirect_dma semaphore(%arg26 : memref<!tpu.dma_semaphore, #tpu.memory_space<semaphore_mem>>) src(%arg14 : memref<40x144xf32, #tpu.memory_space<vmem>>) dst(%dma_wait3A_516 : memref<10000x144xf32, #tpu.memory_space<vmem_shared>>)
    %get3A_517 = arith.constant 1 : i32
    %get3A_518 = arith.index_cast %get3A_517 : i32 to index
    %get3A_519 = arith.constant 0 : index
    %get3A_520 = tpu.vector_load %arg8[%get3A_518, %get3A_519] {strides = array<i32>} : memref<2x40xi32, #tpu.memory_space<vmem>>, vector<16xi32>,
    %swap3A_521 = arith.constant 0 : index
    %swap3A_522 = tpu.vector_load %arg16[%swap3A_521] {strides = array<i32>} : memref<40xi32, #tpu.memory_space<vmem>>, vector<16xi32>,
    tpu.vector_store %arg16[%swap3A_521], %get3A_520 {strides = array<i32>} : memref<40xi32, #tpu.memory_space<vmem>>, vector<16xi32>,
    %get3A_523 = arith.constant 1 : i32
    %get3A_524 = arith.index_cast %get3A_523 : i32 to index
    %get3A_525 = arith.constant 16 : index
    %get3A_526 = tpu.vector_load %arg8[%get3A_524, %get3A_525] {strides = array<i32>} : memref<2x40xi32, #tpu.memory_space<vmem>>, vector<16xi32>,
    %swap3A_527 = arith.constant 16 : index
    %swap3A_528 = tpu.vector_load %arg16[%swap3A_527] {strides = array<i32>} : memref<40xi32, #tpu.memory_space<vmem>>, vector<16xi32>,
    tpu.vector_store %arg16[%swap3A_527], %get3A_526 {strides = array<i32>} : memref<40xi32, #tpu.memory_space<vmem>>, vector<16xi32>,
    %get3A_529 = arith.constant 1 : i32
    %get3A_530 = arith.index_cast %get3A_529 : i32 to index
    %get3A_531 = arith.constant 24 : index
    %get3A_532 = tpu.vector_load %arg8[%get3A_530, %get3A_531] {strides = array<i32>} : memref<2x40xi32, #tpu.memory_space<vmem>>, vector<16xi32>,
    %swap3A_533 = arith.constant 24 : index
    %swap3A_534 = tpu.vector_load %arg16[%swap3A_533] {strides = array<i32>} : memref<40xi32, #tpu.memory_space<vmem>>, vector<16xi32>,
    tpu.vector_store %arg16[%swap3A_533], %get3A_532 {strides = array<i32>} : memref<40xi32, #tpu.memory_space<vmem>>, vector<16xi32>,
    %scan3A_535 = arith.constant 0 : i32
    %scan3A_536 = arith.constant 0 : i32
    %scan3A_537 = arith.constant 40 : i32
    %scan3A_538 = arith.addi %scan3A_536, %scan3A_537 : i32
    %scan3A_539 = arith.constant 2 : i32
    scf.for %scan3A_571 = %scan3A_536 to %scan3A_538 step %scan3A_539  : i32 {
      %broadcast_in_dim3A = arith.constant 0.000000e+00 : f32
      %broadcast_in_dim3A_572 = vector.broadcast %broadcast_in_dim3A : f32 to vector<16xf32>
      %get3A_573 = arith.index_cast %scan3A_571 : i32 to index
      %get3A_574 = arith.constant 0 : index
      %get3A_575 = tpu.vector_load %arg11[%get3A_573, %get3A_574] {strides = array<i32>} : memref<40x128xf32, #tpu.memory_space<vmem>>, vector<16xf32>,
      %get3A_576 = arith.index_cast %scan3A_571 : i32 to index
      %get3A_577 = arith.constant 0 : index
      %get3A_578 = tpu.vector_load %arg12[%get3A_576, %get3A_577] {strides = array<i32>} : memref<40x128xf32, #tpu.memory_space<vmem>>, vector<16xf32>,
      %add3A_579 = arith.addf %get3A_575, %get3A_578 : vector<16xf32>
      %mul3A_580 = arith.constant 2.000000e-01 : f32
      %mul3A_581 = vector.broadcast %mul3A_580 : f32 to vector<16xf32>
      %mul3A_582 = arith.mulf %mul3A_581, %add3A_579 : vector<16xf32>
      %max3A = arith.maximumf %add3A_579, %mul3A_582 : vector<16xf32>
      %mul3A_583 = arith.mulf %max3A, %get3A_42 : vector<16xf32>
      %add3A_584 = arith.addf %broadcast_in_dim3A_572, %mul3A_583 : vector<16xf32>
      %get3A_585 = arith.index_cast %scan3A_571 : i32 to index
      %get3A_586 = arith.constant 16 : index
      %get3A_587 = tpu.vector_load %arg11[%get3A_585, %get3A_586] {strides = array<i32>} : memref<40x128xf32, #tpu.memory_space<vmem>>, vector<16xf32>,
      %get3A_588 = arith.index_cast %scan3A_571 : i32 to index
      %get3A_589 = arith.constant 16 : index
      %get3A_590 = tpu.vector_load %arg12[%get3A_588, %get3A_589] {strides = array<i32>} : memref<40x128xf32, #tpu.memory_space<vmem>>, vector<16xf32>,
      %add3A_591 = arith.addf %get3A_587, %get3A_590 : vector<16xf32>
      %mul3A_592 = arith.constant 2.000000e-01 : f32
      %mul3A_593 = vector.broadcast %mul3A_592 : f32 to vector<16xf32>
      %mul3A_594 = arith.mulf %mul3A_593, %add3A_591 : vector<16xf32>
      %max3A_595 = arith.maximumf %add3A_591, %mul3A_594 : vector<16xf32>
      %mul3A_596 = arith.mulf %max3A_595, %get3A_44 : vector<16xf32>
      %add3A_597 = arith.addf %add3A_584, %mul3A_596 : vector<16xf32>
      %get3A_598 = arith.index_cast %scan3A_571 : i32 to index
      %get3A_599 = arith.constant 32 : index
      %get3A_600 = tpu.vector_load %arg11[%get3A_598, %get3A_599] {strides = array<i32>} : memref<40x128xf32, #tpu.memory_space<vmem>>, vector<16xf32>,
      %get3A_601 = arith.index_cast %scan3A_571 : i32 to index
      %get3A_602 = arith.constant 32 : index
      %get3A_603 = tpu.vector_load %arg12[%get3A_601, %get3A_602] {strides = array<i32>} : memref<40x128xf32, #tpu.memory_space<vmem>>, vector<16xf32>,
      %add3A_604 = arith.addf %get3A_600, %get3A_603 : vector<16xf32>
      %mul3A_605 = arith.constant 2.000000e-01 : f32
      %mul3A_606 = vector.broadcast %mul3A_605 : f32 to vector<16xf32>
      %mul3A_607 = arith.mulf %mul3A_606, %add3A_604 : vector<16xf32>
      %max3A_608 = arith.maximumf %add3A_604, %mul3A_607 : vector<16xf32>
      %mul3A_609 = arith.mulf %max3A_608, %get3A_46 : vector<16xf32>
      %add3A_610 = arith.addf %add3A_597, %mul3A_609 : vector<16xf32>
      %get3A_611 = arith.index_cast %scan3A_571 : i32 to index
      %get3A_612 = arith.constant 48 : index
      %get3A_613 = tpu.vector_load %arg11[%get3A_611, %get3A_612] {strides = array<i32>} : memref<40x128xf32, #tpu.memory_space<vmem>>, vector<16xf32>,
      %get3A_614 = arith.index_cast %scan3A_571 : i32 to index
      %get3A_615 = arith.constant 48 : index
      %get3A_616 = tpu.vector_load %arg12[%get3A_614, %get3A_615] {strides = array<i32>} : memref<40x128xf32, #tpu.memory_space<vmem>>, vector<16xf32>,
      %add3A_617 = arith.addf %get3A_613, %get3A_616 : vector<16xf32>
      %mul3A_618 = arith.constant 2.000000e-01 : f32
      %mul3A_619 = vector.broadcast %mul3A_618 : f32 to vector<16xf32>
      %mul3A_620 = arith.mulf %mul3A_619, %add3A_617 : vector<16xf32>
      %max3A_621 = arith.maximumf %add3A_617, %mul3A_620 : vector<16xf32>
      %mul3A_622 = arith.mulf %max3A_621, %get3A_48 : vector<16xf32>
      %add3A_623 = arith.addf %add3A_610, %mul3A_622 : vector<16xf32>
      %get3A_624 = arith.index_cast %scan3A_571 : i32 to index
      %get3A_625 = arith.constant 64 : index
      %get3A_626 = tpu.vector_load %arg11[%get3A_624, %get3A_625] {strides = array<i32>} : memref<40x128xf32, #tpu.memory_space<vmem>>, vector<16xf32>,
      %get3A_627 = arith.index_cast %scan3A_571 : i32 to index
      %get3A_628 = arith.constant 64 : index
      %get3A_629 = tpu.vector_load %arg12[%get3A_627, %get3A_628] {strides = array<i32>} : memref<40x128xf32, #tpu.memory_space<vmem>>, vector<16xf32>,
      %add3A_630 = arith.addf %get3A_626, %get3A_629 : vector<16xf32>
      %mul3A_631 = arith.constant 2.000000e-01 : f32
      %mul3A_632 = vector.broadcast %mul3A_631 : f32 to vector<16xf32>
      %mul3A_633 = arith.mulf %mul3A_632, %add3A_630 : vector<16xf32>
      %max3A_634 = arith.maximumf %add3A_630, %mul3A_633 : vector<16xf32>
      %mul3A_635 = arith.mulf %max3A_634, %get3A_50 : vector<16xf32>
      %add3A_636 = arith.addf %add3A_623, %mul3A_635 : vector<16xf32>
      %get3A_637 = arith.index_cast %scan3A_571 : i32 to index
      %get3A_638 = arith.constant 80 : index
      %get3A_639 = tpu.vector_load %arg11[%get3A_637, %get3A_638] {strides = array<i32>} : memref<40x128xf32, #tpu.memory_space<vmem>>, vector<16xf32>,
      %get3A_640 = arith.index_cast %scan3A_571 : i32 to index
      %get3A_641 = arith.constant 80 : index
      %get3A_642 = tpu.vector_load %arg12[%get3A_640, %get3A_641] {strides = array<i32>} : memref<40x128xf32, #tpu.memory_space<vmem>>, vector<16xf32>,
      %add3A_643 = arith.addf %get3A_639, %get3A_642 : vector<16xf32>
      %mul3A_644 = arith.constant 2.000000e-01 : f32
      %mul3A_645 = vector.broadcast %mul3A_644 : f32 to vector<16xf32>
      %mul3A_646 = arith.mulf %mul3A_645, %add3A_643 : vector<16xf32>
      %max3A_647 = arith.maximumf %add3A_643, %mul3A_646 : vector<16xf32>
      %mul3A_648 = arith.mulf %max3A_647, %get3A_52 : vector<16xf32>
      %add3A_649 = arith.addf %add3A_636, %mul3A_648 : vector<16xf32>
      %get3A_650 = arith.index_cast %scan3A_571 : i32 to index
      %get3A_651 = arith.constant 96 : index
      %get3A_652 = tpu.vector_load %arg11[%get3A_650, %get3A_651] {strides = array<i32>} : memref<40x128xf32, #tpu.memory_space<vmem>>, vector<16xf32>,
      %get3A_653 = arith.index_cast %scan3A_571 : i32 to index
      %get3A_654 = arith.constant 96 : index
      %get3A_655 = tpu.vector_load %arg12[%get3A_653, %get3A_654] {strides = array<i32>} : memref<40x128xf32, #tpu.memory_space<vmem>>, vector<16xf32>,
      %add3A_656 = arith.addf %get3A_652, %get3A_655 : vector<16xf32>
      %mul3A_657 = arith.constant 2.000000e-01 : f32
      %mul3A_658 = vector.broadcast %mul3A_657 : f32 to vector<16xf32>
      %mul3A_659 = arith.mulf %mul3A_658, %add3A_656 : vector<16xf32>
      %max3A_660 = arith.maximumf %add3A_656, %mul3A_659 : vector<16xf32>
      %mul3A_661 = arith.mulf %max3A_660, %get3A_54 : vector<16xf32>
      %add3A_662 = arith.addf %add3A_649, %mul3A_661 : vector<16xf32>
      %get3A_663 = arith.index_cast %scan3A_571 : i32 to index
      %get3A_664 = arith.constant 112 : index
      %get3A_665 = tpu.vector_load %arg11[%get3A_663, %get3A_664] {strides = array<i32>} : memref<40x128xf32, #tpu.memory_space<vmem>>, vector<16xf32>,
      %get3A_666 = arith.index_cast %scan3A_571 : i32 to index
      %get3A_667 = arith.constant 112 : index
      %get3A_668 = tpu.vector_load %arg12[%get3A_666, %get3A_667] {strides = array<i32>} : memref<40x128xf32, #tpu.memory_space<vmem>>, vector<16xf32>,
      %add3A_669 = arith.addf %get3A_665, %get3A_668 : vector<16xf32>
      %mul3A_670 = arith.constant 2.000000e-01 : f32
      %mul3A_671 = vector.broadcast %mul3A_670 : f32 to vector<16xf32>
      %mul3A_672 = arith.mulf %mul3A_671, %add3A_669 : vector<16xf32>
      %max3A_673 = arith.maximumf %add3A_669, %mul3A_672 : vector<16xf32>
      %mul3A_674 = arith.mulf %max3A_673, %get3A_56 : vector<16xf32>
      %add3A_675 = arith.addf %add3A_662, %mul3A_674 : vector<16xf32>
      %reduce_sum3A = arith.constant true
      %reduce_sum3A_676 = vector.broadcast %reduce_sum3A : i1 to vector<16xi1>
      %reduce_sum3A_677 = tpu.scan <sum>, %add3A_675 masked %reduce_sum3A_676 : vector<16xf32>, vector<16xi1> -> vector<16xf32>
      %reduce_sum3A_678 = vector.extract %reduce_sum3A_677[15] : f32 from vector<16xf32>
      %broadcast_in_dim3A_679 = vector.broadcast %reduce_sum3A_678 : f32 to vector<16xf32>
      %exp3A = math.exp %broadcast_in_dim3A_679 : vector<16xf32>
      %mul3A_680 = arith.mulf %exp3A, %get3A_575 : vector<16xf32>
      %swap3A_681 = arith.index_cast %scan3A_571 : i32 to index
      %swap3A_682 = arith.constant 0 : index
      %swap3A_683 = tpu.vector_load %arg14[%swap3A_681, %swap3A_682] {strides = array<i32>} : memref<40x144xf32, #tpu.memory_space<vmem>>, vector<16xf32>,
      tpu.vector_store %arg14[%swap3A_681, %swap3A_682], %mul3A_680 {strides = array<i32>} : memref<40x144xf32, #tpu.memory_space<vmem>>, vector<16xf32>,
      %mul3A_684 = arith.mulf %exp3A, %get3A_587 : vector<16xf32>
      %swap3A_685 = arith.index_cast %scan3A_571 : i32 to index
      %swap3A_686 = arith.constant 16 : index
      %swap3A_687 = tpu.vector_load %arg14[%swap3A_685, %swap3A_686] {strides = array<i32>} : memref<40x144xf32, #tpu.memory_space<vmem>>, vector<16xf32>,
      tpu.vector_store %arg14[%swap3A_685, %swap3A_686], %mul3A_684 {strides = array<i32>} : memref<40x144xf32, #tpu.memory_space<vmem>>, vector<16xf32>,
      %mul3A_688 = arith.mulf %exp3A, %get3A_600 : vector<16xf32>
      %swap3A_689 = arith.index_cast %scan3A_571 : i32 to index
      %swap3A_690 = arith.constant 32 : index
      %swap3A_691 = tpu.vector_load %arg14[%swap3A_689, %swap3A_690] {strides = array<i32>} : memref<40x144xf32, #tpu.memory_space<vmem>>, vector<16xf32>,
      tpu.vector_store %arg14[%swap3A_689, %swap3A_690], %mul3A_688 {strides = array<i32>} : memref<40x144xf32, #tpu.memory_space<vmem>>, vector<16xf32>,
      %mul3A_692 = arith.mulf %exp3A, %get3A_613 : vector<16xf32>
      %swap3A_693 = arith.index_cast %scan3A_571 : i32 to index
      %swap3A_694 = arith.constant 48 : index
      %swap3A_695 = tpu.vector_load %arg14[%swap3A_693, %swap3A_694] {strides = array<i32>} : memref<40x144xf32, #tpu.memory_space<vmem>>, vector<16xf32>,
      tpu.vector_store %arg14[%swap3A_693, %swap3A_694], %mul3A_692 {strides = array<i32>} : memref<40x144xf32, #tpu.memory_space<vmem>>, vector<16xf32>,
      %mul3A_696 = arith.mulf %exp3A, %get3A_626 : vector<16xf32>
      %swap3A_697 = arith.index_cast %scan3A_571 : i32 to index
      %swap3A_698 = arith.constant 64 : index
      %swap3A_699 = tpu.vector_load %arg14[%swap3A_697, %swap3A_698] {strides = array<i32>} : memref<40x144xf32, #tpu.memory_space<vmem>>, vector<16xf32>,
      tpu.vector_store %arg14[%swap3A_697, %swap3A_698], %mul3A_696 {strides = array<i32>} : memref<40x144xf32, #tpu.memory_space<vmem>>, vector<16xf32>,
      %mul3A_700 = arith.mulf %exp3A, %get3A_639 : vector<16xf32>
      %swap3A_701 = arith.index_cast %scan3A_571 : i32 to index
      %swap3A_702 = arith.constant 80 : index
      %swap3A_703 = tpu.vector_load %arg14[%swap3A_701, %swap3A_702] {strides = array<i32>} : memref<40x144xf32, #tpu.memory_space<vmem>>, vector<16xf32>,
      tpu.vector_store %arg14[%swap3A_701, %swap3A_702], %mul3A_700 {strides = array<i32>} : memref<40x144xf32, #tpu.memory_space<vmem>>, vector<16xf32>,
      %mul3A_704 = arith.mulf %exp3A, %get3A_652 : vector<16xf32>
      %swap3A_705 = arith.index_cast %scan3A_571 : i32 to index
      %swap3A_706 = arith.constant 96 : index
      %swap3A_707 = tpu.vector_load %arg14[%swap3A_705, %swap3A_706] {strides = array<i32>} : memref<40x144xf32, #tpu.memory_space<vmem>>, vector<16xf32>,
      tpu.vector_store %arg14[%swap3A_705, %swap3A_706], %mul3A_704 {strides = array<i32>} : memref<40x144xf32, #tpu.memory_space<vmem>>, vector<16xf32>,
      %mul3A_708 = arith.mulf %exp3A, %get3A_665 : vector<16xf32>
      %swap3A_709 = arith.index_cast %scan3A_571 : i32 to index
      %swap3A_710 = arith.constant 112 : index
      %swap3A_711 = tpu.vector_load %arg14[%swap3A_709, %swap3A_710] {strides = array<i32>} : memref<40x144xf32, #tpu.memory_space<vmem>>, vector<16xf32>,
      tpu.vector_store %arg14[%swap3A_709, %swap3A_710], %mul3A_708 {strides = array<i32>} : memref<40x144xf32, #tpu.memory_space<vmem>>, vector<16xf32>,
      %jit3A = arith.constant 0.000000e+00 : f32
      %broadcast_in_dim3A_712 = vector.broadcast %jit3A : f32 to vector<16xf32>
      %select_n3A = arith.select %eq3A_58, %exp3A, %broadcast_in_dim3A_712 : vector<16xi1>, vector<16xf32>
      %swap3A_713 = arith.index_cast %scan3A_571 : i32 to index
      %swap3A_714 = arith.constant 128 : index
      %swap3A_715 = tpu.vector_load %arg14[%swap3A_713, %swap3A_714] {strides = array<i32>} : memref<40x144xf32, #tpu.memory_space<vmem>>, vector<16xf32>,
      tpu.vector_store %arg14[%swap3A_713, %swap3A_714], %select_n3A {strides = array<i32>} : memref<40x144xf32, #tpu.memory_space<vmem>>, vector<16xf32>,
      %scan3A_716 = arith.constant 1 : i32
      %scan3A_717 = arith.addi %scan3A_571, %scan3A_716 : i32
      %broadcast_in_dim3A_718 = arith.constant 0.000000e+00 : f32
      %broadcast_in_dim3A_719 = vector.broadcast %broadcast_in_dim3A_718 : f32 to vector<16xf32>
      %get3A_720 = arith.index_cast %scan3A_717 : i32 to index
      %get3A_721 = arith.constant 0 : index
      %get3A_722 = tpu.vector_load %arg11[%get3A_720, %get3A_721] {strides = array<i32>} : memref<40x128xf32, #tpu.memory_space<vmem>>, vector<16xf32>,
      %get3A_723 = arith.index_cast %scan3A_717 : i32 to index
      %get3A_724 = arith.constant 0 : index
      %get3A_725 = tpu.vector_load %arg12[%get3A_723, %get3A_724] {strides = array<i32>} : memref<40x128xf32, #tpu.memory_space<vmem>>, vector<16xf32>,
      %add3A_726 = arith.addf %get3A_722, %get3A_725 : vector<16xf32>
      %mul3A_727 = arith.constant 2.000000e-01 : f32
      %mul3A_728 = vector.broadcast %mul3A_727 : f32 to vector<16xf32>
      %mul3A_729 = arith.mulf %mul3A_728, %add3A_726 : vector<16xf32>
      %max3A_730 = arith.maximumf %add3A_726, %mul3A_729 : vector<16xf32>
      %mul3A_731 = arith.mulf %max3A_730, %get3A_42 : vector<16xf32>
      %add3A_732 = arith.addf %broadcast_in_dim3A_719, %mul3A_731 : vector<16xf32>
      %get3A_733 = arith.index_cast %scan3A_717 : i32 to index
      %get3A_734 = arith.constant 16 : index
      %get3A_735 = tpu.vector_load %arg11[%get3A_733, %get3A_734] {strides = array<i32>} : memref<40x128xf32, #tpu.memory_space<vmem>>, vector<16xf32>,
      %get3A_736 = arith.index_cast %scan3A_717 : i32 to index
      %get3A_737 = arith.constant 16 : index
      %get3A_738 = tpu.vector_load %arg12[%get3A_736, %get3A_737] {strides = array<i32>} : memref<40x128xf32, #tpu.memory_space<vmem>>, vector<16xf32>,
      %add3A_739 = arith.addf %get3A_735, %get3A_738 : vector<16xf32>
      %mul3A_740 = arith.constant 2.000000e-01 : f32
      %mul3A_741 = vector.broadcast %mul3A_740 : f32 to vector<16xf32>
      %mul3A_742 = arith.mulf %mul3A_741, %add3A_739 : vector<16xf32>
      %max3A_743 = arith.maximumf %add3A_739, %mul3A_742 : vector<16xf32>
      %mul3A_744 = arith.mulf %max3A_743, %get3A_44 : vector<16xf32>
      %add3A_745 = arith.addf %add3A_732, %mul3A_744 : vector<16xf32>
      %get3A_746 = arith.index_cast %scan3A_717 : i32 to index
      %get3A_747 = arith.constant 32 : index
      %get3A_748 = tpu.vector_load %arg11[%get3A_746, %get3A_747] {strides = array<i32>} : memref<40x128xf32, #tpu.memory_space<vmem>>, vector<16xf32>,
      %get3A_749 = arith.index_cast %scan3A_717 : i32 to index
      %get3A_750 = arith.constant 32 : index
      %get3A_751 = tpu.vector_load %arg12[%get3A_749, %get3A_750] {strides = array<i32>} : memref<40x128xf32, #tpu.memory_space<vmem>>, vector<16xf32>,
      %add3A_752 = arith.addf %get3A_748, %get3A_751 : vector<16xf32>
      %mul3A_753 = arith.constant 2.000000e-01 : f32
      %mul3A_754 = vector.broadcast %mul3A_753 : f32 to vector<16xf32>
      %mul3A_755 = arith.mulf %mul3A_754, %add3A_752 : vector<16xf32>
      %max3A_756 = arith.maximumf %add3A_752, %mul3A_755 : vector<16xf32>
      %mul3A_757 = arith.mulf %max3A_756, %get3A_46 : vector<16xf32>
      %add3A_758 = arith.addf %add3A_745, %mul3A_757 : vector<16xf32>
      %get3A_759 = arith.index_cast %scan3A_717 : i32 to index
      %get3A_760 = arith.constant 48 : index
      %get3A_761 = tpu.vector_load %arg11[%get3A_759, %get3A_760] {strides = array<i32>} : memref<40x128xf32, #tpu.memory_space<vmem>>, vector<16xf32>,
      %get3A_762 = arith.index_cast %scan3A_717 : i32 to index
      %get3A_763 = arith.constant 48 : index
      %get3A_764 = tpu.vector_load %arg12[%get3A_762, %get3A_763] {strides = array<i32>} : memref<40x128xf32, #tpu.memory_space<vmem>>, vector<16xf32>,
      %add3A_765 = arith.addf %get3A_761, %get3A_764 : vector<16xf32>
      %mul3A_766 = arith.constant 2.000000e-01 : f32
      %mul3A_767 = vector.broadcast %mul3A_766 : f32 to vector<16xf32>
      %mul3A_768 = arith.mulf %mul3A_767, %add3A_765 : vector<16xf32>
      %max3A_769 = arith.maximumf %add3A_765, %mul3A_768 : vector<16xf32>
      %mul3A_770 = arith.mulf %max3A_769, %get3A_48 : vector<16xf32>
      %add3A_771 = arith.addf %add3A_758, %mul3A_770 : vector<16xf32>
      %get3A_772 = arith.index_cast %scan3A_717 : i32 to index
      %get3A_773 = arith.constant 64 : index
      %get3A_774 = tpu.vector_load %arg11[%get3A_772, %get3A_773] {strides = array<i32>} : memref<40x128xf32, #tpu.memory_space<vmem>>, vector<16xf32>,
      %get3A_775 = arith.index_cast %scan3A_717 : i32 to index
      %get3A_776 = arith.constant 64 : index
      %get3A_777 = tpu.vector_load %arg12[%get3A_775, %get3A_776] {strides = array<i32>} : memref<40x128xf32, #tpu.memory_space<vmem>>, vector<16xf32>,
      %add3A_778 = arith.addf %get3A_774, %get3A_777 : vector<16xf32>
      %mul3A_779 = arith.constant 2.000000e-01 : f32
      %mul3A_780 = vector.broadcast %mul3A_779 : f32 to vector<16xf32>
      %mul3A_781 = arith.mulf %mul3A_780, %add3A_778 : vector<16xf32>
      %max3A_782 = arith.maximumf %add3A_778, %mul3A_781 : vector<16xf32>
      %mul3A_783 = arith.mulf %max3A_782, %get3A_50 : vector<16xf32>
      %add3A_784 = arith.addf %add3A_771, %mul3A_783 : vector<16xf32>
      %get3A_785 = arith.index_cast %scan3A_717 : i32 to index
      %get3A_786 = arith.constant 80 : index
      %get3A_787 = tpu.vector_load %arg11[%get3A_785, %get3A_786] {strides = array<i32>} : memref<40x128xf32, #tpu.memory_space<vmem>>, vector<16xf32>,
      %get3A_788 = arith.index_cast %scan3A_717 : i32 to index
      %get3A_789 = arith.constant 80 : index
      %get3A_790 = tpu.vector_load %arg12[%get3A_788, %get3A_789] {strides = array<i32>} : memref<40x128xf32, #tpu.memory_space<vmem>>, vector<16xf32>,
      %add3A_791 = arith.addf %get3A_787, %get3A_790 : vector<16xf32>
      %mul3A_792 = arith.constant 2.000000e-01 : f32
      %mul3A_793 = vector.broadcast %mul3A_792 : f32 to vector<16xf32>
      %mul3A_794 = arith.mulf %mul3A_793, %add3A_791 : vector<16xf32>
      %max3A_795 = arith.maximumf %add3A_791, %mul3A_794 : vector<16xf32>
      %mul3A_796 = arith.mulf %max3A_795, %get3A_52 : vector<16xf32>
      %add3A_797 = arith.addf %add3A_784, %mul3A_796 : vector<16xf32>
      %get3A_798 = arith.index_cast %scan3A_717 : i32 to index
      %get3A_799 = arith.constant 96 : index
      %get3A_800 = tpu.vector_load %arg11[%get3A_798, %get3A_799] {strides = array<i32>} : memref<40x128xf32, #tpu.memory_space<vmem>>, vector<16xf32>,
      %get3A_801 = arith.index_cast %scan3A_717 : i32 to index
      %get3A_802 = arith.constant 96 : index
      %get3A_803 = tpu.vector_load %arg12[%get3A_801, %get3A_802] {strides = array<i32>} : memref<40x128xf32, #tpu.memory_space<vmem>>, vector<16xf32>,
      %add3A_804 = arith.addf %get3A_800, %get3A_803 : vector<16xf32>
      %mul3A_805 = arith.constant 2.000000e-01 : f32
      %mul3A_806 = vector.broadcast %mul3A_805 : f32 to vector<16xf32>
      %mul3A_807 = arith.mulf %mul3A_806, %add3A_804 : vector<16xf32>
      %max3A_808 = arith.maximumf %add3A_804, %mul3A_807 : vector<16xf32>
      %mul3A_809 = arith.mulf %max3A_808, %get3A_54 : vector<16xf32>
      %add3A_810 = arith.addf %add3A_797, %mul3A_809 : vector<16xf32>
      %get3A_811 = arith.index_cast %scan3A_717 : i32 to index
      %get3A_812 = arith.constant 112 : index
      %get3A_813 = tpu.vector_load %arg11[%get3A_811, %get3A_812] {strides = array<i32>} : memref<40x128xf32, #tpu.memory_space<vmem>>, vector<16xf32>,
      %get3A_814 = arith.index_cast %scan3A_717 : i32 to index
      %get3A_815 = arith.constant 112 : index
      %get3A_816 = tpu.vector_load %arg12[%get3A_814, %get3A_815] {strides = array<i32>} : memref<40x128xf32, #tpu.memory_space<vmem>>, vector<16xf32>,
      %add3A_817 = arith.addf %get3A_813, %get3A_816 : vector<16xf32>
      %mul3A_818 = arith.constant 2.000000e-01 : f32
      %mul3A_819 = vector.broadcast %mul3A_818 : f32 to vector<16xf32>
      %mul3A_820 = arith.mulf %mul3A_819, %add3A_817 : vector<16xf32>
      %max3A_821 = arith.maximumf %add3A_817, %mul3A_820 : vector<16xf32>
      %mul3A_822 = arith.mulf %max3A_821, %get3A_56 : vector<16xf32>
      %add3A_823 = arith.addf %add3A_810, %mul3A_822 : vector<16xf32>
      %reduce_sum3A_824 = arith.constant true
      %reduce_sum3A_825 = vector.broadcast %reduce_sum3A_824 : i1 to vector<16xi1>
      %reduce_sum3A_826 = tpu.scan <sum>, %add3A_823 masked %reduce_sum3A_825 : vector<16xf32>, vector<16xi1> -> vector<16xf32>
      %reduce_sum3A_827 = vector.extract %reduce_sum3A_826[15] : f32 from vector<16xf32>
      %broadcast_in_dim3A_828 = vector.broadcast %reduce_sum3A_827 : f32 to vector<16xf32>
      %exp3A_829 = math.exp %broadcast_in_dim3A_828 : vector<16xf32>
      %mul3A_830 = arith.mulf %exp3A_829, %get3A_722 : vector<16xf32>
      %swap3A_831 = arith.index_cast %scan3A_717 : i32 to index
      %swap3A_832 = arith.constant 0 : index
      %swap3A_833 = tpu.vector_load %arg14[%swap3A_831, %swap3A_832] {strides = array<i32>} : memref<40x144xf32, #tpu.memory_space<vmem>>, vector<16xf32>,
      tpu.vector_store %arg14[%swap3A_831, %swap3A_832], %mul3A_830 {strides = array<i32>} : memref<40x144xf32, #tpu.memory_space<vmem>>, vector<16xf32>,
      %mul3A_834 = arith.mulf %exp3A_829, %get3A_735 : vector<16xf32>
      %swap3A_835 = arith.index_cast %scan3A_717 : i32 to index
      %swap3A_836 = arith.constant 16 : index
      %swap3A_837 = tpu.vector_load %arg14[%swap3A_835, %swap3A_836] {strides = array<i32>} : memref<40x144xf32, #tpu.memory_space<vmem>>, vector<16xf32>,
      tpu.vector_store %arg14[%swap3A_835, %swap3A_836], %mul3A_834 {strides = array<i32>} : memref<40x144xf32, #tpu.memory_space<vmem>>, vector<16xf32>,
      %mul3A_838 = arith.mulf %exp3A_829, %get3A_748 : vector<16xf32>
      %swap3A_839 = arith.index_cast %scan3A_717 : i32 to index
      %swap3A_840 = arith.constant 32 : index
      %swap3A_841 = tpu.vector_load %arg14[%swap3A_839, %swap3A_840] {strides = array<i32>} : memref<40x144xf32, #tpu.memory_space<vmem>>, vector<16xf32>,
      tpu.vector_store %arg14[%swap3A_839, %swap3A_840], %mul3A_838 {strides = array<i32>} : memref<40x144xf32, #tpu.memory_space<vmem>>, vector<16xf32>,
      %mul3A_842 = arith.mulf %exp3A_829, %get3A_761 : vector<16xf32>
      %swap3A_843 = arith.index_cast %scan3A_717 : i32 to index
      %swap3A_844 = arith.constant 48 : index
      %swap3A_845 = tpu.vector_load %arg14[%swap3A_843, %swap3A_844] {strides = array<i32>} : memref<40x144xf32, #tpu.memory_space<vmem>>, vector<16xf32>,
      tpu.vector_store %arg14[%swap3A_843, %swap3A_844], %mul3A_842 {strides = array<i32>} : memref<40x144xf32, #tpu.memory_space<vmem>>, vector<16xf32>,
      %mul3A_846 = arith.mulf %exp3A_829, %get3A_774 : vector<16xf32>
      %swap3A_847 = arith.index_cast %scan3A_717 : i32 to index
      %swap3A_848 = arith.constant 64 : index
      %swap3A_849 = tpu.vector_load %arg14[%swap3A_847, %swap3A_848] {strides = array<i32>} : memref<40x144xf32, #tpu.memory_space<vmem>>, vector<16xf32>,
      tpu.vector_store %arg14[%swap3A_847, %swap3A_848], %mul3A_846 {strides = array<i32>} : memref<40x144xf32, #tpu.memory_space<vmem>>, vector<16xf32>,
      %mul3A_850 = arith.mulf %exp3A_829, %get3A_787 : vector<16xf32>
      %swap3A_851 = arith.index_cast %scan3A_717 : i32 to index
      %swap3A_852 = arith.constant 80 : index
      %swap3A_853 = tpu.vector_load %arg14[%swap3A_851, %swap3A_852] {strides = array<i32>} : memref<40x144xf32, #tpu.memory_space<vmem>>, vector<16xf32>,
      tpu.vector_store %arg14[%swap3A_851, %swap3A_852], %mul3A_850 {strides = array<i32>} : memref<40x144xf32, #tpu.memory_space<vmem>>, vector<16xf32>,
      %mul3A_854 = arith.mulf %exp3A_829, %get3A_800 : vector<16xf32>
      %swap3A_855 = arith.index_cast %scan3A_717 : i32 to index
      %swap3A_856 = arith.constant 96 : index
      %swap3A_857 = tpu.vector_load %arg14[%swap3A_855, %swap3A_856] {strides = array<i32>} : memref<40x144xf32, #tpu.memory_space<vmem>>, vector<16xf32>,
      tpu.vector_store %arg14[%swap3A_855, %swap3A_856], %mul3A_854 {strides = array<i32>} : memref<40x144xf32, #tpu.memory_space<vmem>>, vector<16xf32>,
      %mul3A_858 = arith.mulf %exp3A_829, %get3A_813 : vector<16xf32>
      %swap3A_859 = arith.index_cast %scan3A_717 : i32 to index
      %swap3A_860 = arith.constant 112 : index
      %swap3A_861 = tpu.vector_load %arg14[%swap3A_859, %swap3A_860] {strides = array<i32>} : memref<40x144xf32, #tpu.memory_space<vmem>>, vector<16xf32>,
      tpu.vector_store %arg14[%swap3A_859, %swap3A_860], %mul3A_858 {strides = array<i32>} : memref<40x144xf32, #tpu.memory_space<vmem>>, vector<16xf32>,
      %jit3A_862 = arith.constant 0.000000e+00 : f32
      %broadcast_in_dim3A_863 = vector.broadcast %jit3A_862 : f32 to vector<16xf32>
      %select_n3A_864 = arith.select %eq3A_58, %exp3A_829, %broadcast_in_dim3A_863 : vector<16xi1>, vector<16xf32>
      %swap3A_865 = arith.index_cast %scan3A_717 : i32 to index
      %swap3A_866 = arith.constant 128 : index
      %swap3A_867 = tpu.vector_load %arg14[%swap3A_865, %swap3A_866] {strides = array<i32>} : memref<40x144xf32, #tpu.memory_space<vmem>>, vector<16xf32>,
      tpu.vector_store %arg14[%swap3A_865, %swap3A_866], %select_n3A_864 {strides = array<i32>} : memref<40x144xf32, #tpu.memory_space<vmem>>, vector<16xf32>,
    }
    %scan3A_540 = arith.constant 40 : i32
    %dma_start3A_541 = arith.constant 0 : i32
    %dma_start3A_542 = arith.constant 0 : i32
    %dma_start3A_543 = tpu.memref_slice %arg18[%dma_start3A_541, %dma_start3A_542] : memref<10000x144xf32, #tpu.memory_space<vmem_shared>> -> memref<10000x144xf32, #tpu.memory_space<vmem_shared>>
    tpu.enqueue_indirect_dma source(%arg14 : memref<40x144xf32, #tpu.memory_space<vmem>>) target(%dma_start3A_543 : memref<10000x144xf32, #tpu.memory_space<vmem_shared>>) offsets(%arg16 : memref<40xi32, #tpu.memory_space<vmem>>) semaphore(%arg26 : memref<!tpu.dma_semaphore, #tpu.memory_space<semaphore_mem>>) {add = true}
    %dma_wait3A_544 = arith.constant 0 : i32
    %dma_wait3A_545 = arith.constant 0 : i32
    %dma_wait3A_546 = tpu.memref_slice %arg18[%dma_wait3A_544, %dma_wait3A_545] : memref<10000x144xf32, #tpu.memory_space<vmem_shared>> -> memref<10000x144xf32, #tpu.memory_space<vmem_shared>>
    tpu.wait_indirect_dma semaphore(%arg25 : memref<!tpu.dma_semaphore, #tpu.memory_space<semaphore_mem>>) src(%arg13 : memref<40x144xf32, #tpu.memory_space<vmem>>) dst(%dma_wait3A_546 : memref<10000x144xf32, #tpu.memory_space<vmem_shared>>)
    %dma_wait3A_547 = arith.constant 0 : i32
    %dma_wait3A_548 = arith.constant 0 : i32
    %dma_wait3A_549 = tpu.memref_slice %arg18[%dma_wait3A_547, %dma_wait3A_548] : memref<10000x144xf32, #tpu.memory_space<vmem_shared>> -> memref<10000x144xf32, #tpu.memory_space<vmem_shared>>
    tpu.wait_indirect_dma semaphore(%arg26 : memref<!tpu.dma_semaphore, #tpu.memory_space<semaphore_mem>>) src(%arg14 : memref<40x144xf32, #tpu.memory_space<vmem>>) dst(%dma_wait3A_549 : memref<10000x144xf32, #tpu.memory_space<vmem_shared>>)
    %barrier3A_550 = arith.constant 0 : index
    tpu.barrier barrier_id(%barrier3A_550)
    %mul3A_551 = arith.constant 625 : i32
    %mul3A_552 = arith.muli %arg1, %mul3A_551 : i32
    %add3A_553 = arith.constant 0 : i32
    %add3A_554 = arith.addi %mul3A_552, %add3A_553 : i32
    "tpu.region"() ({
      %run_scoped3A = tpu.sem_alloc : memref<!tpu.dma_semaphore, #tpu.memory_space<semaphore_mem>>
      %dma_start3A_571 = arith.constant 0 : i32
      %dma_start3A_572 = tpu.memref_slice %arg6[%arg0, %add3A_554, %dma_start3A_571] : memref<2x10000x144xf32, #tpu.memory_space<hbm>> -> memref<1x125x144xf32, #tpu.memory_space<hbm>>
      %dma_start3A_573 = tpu.memref_squeeze %dma_start3A_572 : memref<1x125x144xf32, #tpu.memory_space<hbm>> -> memref<125x144xf32, #tpu.memory_space<hbm>>
      %dma_start3A_574 = arith.constant 0 : i32
      %dma_start3A_575 = tpu.memref_slice %arg18[%add3A_554, %dma_start3A_574] : memref<10000x144xf32, #tpu.memory_space<vmem_shared>> -> memref<125x144xf32, #tpu.memory_space<vmem_shared>>
      tpu.enqueue_dma source(%dma_start3A_575 : memref<125x144xf32, #tpu.memory_space<vmem_shared>>) target(%dma_start3A_573 : memref<125x144xf32, #tpu.memory_space<hbm>>) target_semaphore(%run_scoped3A : memref<!tpu.dma_semaphore, #tpu.memory_space<semaphore_mem>>)
      %dma_wait3A_576 = arith.constant 0 : i32
      %dma_wait3A_577 = tpu.memref_slice %arg6[%arg0, %add3A_554, %dma_wait3A_576] : memref<2x10000x144xf32, #tpu.memory_space<hbm>> -> memref<1x125x144xf32, #tpu.memory_space<hbm>>
      %dma_wait3A_578 = tpu.memref_squeeze %dma_wait3A_577 : memref<1x125x144xf32, #tpu.memory_space<hbm>> -> memref<125x144xf32, #tpu.memory_space<hbm>>
      %dma_wait3A_579 = arith.constant 0 : i32
      %dma_wait3A_580 = tpu.memref_slice %arg18[%add3A_554, %dma_wait3A_579] : memref<10000x144xf32, #tpu.memory_space<vmem_shared>> -> memref<125x144xf32, #tpu.memory_space<vmem_shared>>
      tpu.wait_dma2 semaphore(%run_scoped3A : memref<!tpu.dma_semaphore, #tpu.memory_space<semaphore_mem>>) src(%dma_wait3A_580 : memref<125x144xf32, #tpu.memory_space<vmem_shared>>) dst(%dma_wait3A_578 : memref<125x144xf32, #tpu.memory_space<hbm>>)
      tpu.yield
    }) : () -> ()
    %mul3A_555 = arith.constant 625 : i32
    %mul3A_556 = arith.muli %arg1, %mul3A_555 : i32
    %add3A_557 = arith.constant 125 : i32
    %add3A_558 = arith.addi %mul3A_556, %add3A_557 : i32
    "tpu.region"() ({
      %run_scoped3A = tpu.sem_alloc : memref<!tpu.dma_semaphore, #tpu.memory_space<semaphore_mem>>
      %dma_start3A_571 = arith.constant 0 : i32
      %dma_start3A_572 = tpu.memref_slice %arg6[%arg0, %add3A_558, %dma_start3A_571] : memref<2x10000x144xf32, #tpu.memory_space<hbm>> -> memref<1x125x144xf32, #tpu.memory_space<hbm>>
      %dma_start3A_573 = tpu.memref_squeeze %dma_start3A_572 : memref<1x125x144xf32, #tpu.memory_space<hbm>> -> memref<125x144xf32, #tpu.memory_space<hbm>>
      %dma_start3A_574 = arith.constant 0 : i32
      %dma_start3A_575 = tpu.memref_slice %arg18[%add3A_558, %dma_start3A_574] : memref<10000x144xf32, #tpu.memory_space<vmem_shared>> -> memref<125x144xf32, #tpu.memory_space<vmem_shared>>
      tpu.enqueue_dma source(%dma_start3A_575 : memref<125x144xf32, #tpu.memory_space<vmem_shared>>) target(%dma_start3A_573 : memref<125x144xf32, #tpu.memory_space<hbm>>) target_semaphore(%run_scoped3A : memref<!tpu.dma_semaphore, #tpu.memory_space<semaphore_mem>>)
      %dma_wait3A_576 = arith.constant 0 : i32
      %dma_wait3A_577 = tpu.memref_slice %arg6[%arg0, %add3A_558, %dma_wait3A_576] : memref<2x10000x144xf32, #tpu.memory_space<hbm>> -> memref<1x125x144xf32, #tpu.memory_space<hbm>>
      %dma_wait3A_578 = tpu.memref_squeeze %dma_wait3A_577 : memref<1x125x144xf32, #tpu.memory_space<hbm>> -> memref<125x144xf32, #tpu.memory_space<hbm>>
      %dma_wait3A_579 = arith.constant 0 : i32
      %dma_wait3A_580 = tpu.memref_slice %arg18[%add3A_558, %dma_wait3A_579] : memref<10000x144xf32, #tpu.memory_space<vmem_shared>> -> memref<125x144xf32, #tpu.memory_space<vmem_shared>>
      tpu.wait_dma2 semaphore(%run_scoped3A : memref<!tpu.dma_semaphore, #tpu.memory_space<semaphore_mem>>) src(%dma_wait3A_580 : memref<125x144xf32, #tpu.memory_space<vmem_shared>>) dst(%dma_wait3A_578 : memref<125x144xf32, #tpu.memory_space<hbm>>)
      tpu.yield
    }) : () -> ()
    %mul3A_559 = arith.constant 625 : i32
    %mul3A_560 = arith.muli %arg1, %mul3A_559 : i32
    %add3A_561 = arith.constant 250 : i32
    %add3A_562 = arith.addi %mul3A_560, %add3A_561 : i32
    "tpu.region"() ({
      %run_scoped3A = tpu.sem_alloc : memref<!tpu.dma_semaphore, #tpu.memory_space<semaphore_mem>>
      %dma_start3A_571 = arith.constant 0 : i32
      %dma_start3A_572 = tpu.memref_slice %arg6[%arg0, %add3A_562, %dma_start3A_571] : memref<2x10000x144xf32, #tpu.memory_space<hbm>> -> memref<1x125x144xf32, #tpu.memory_space<hbm>>
      %dma_start3A_573 = tpu.memref_squeeze %dma_start3A_572 : memref<1x125x144xf32, #tpu.memory_space<hbm>> -> memref<125x144xf32, #tpu.memory_space<hbm>>
      %dma_start3A_574 = arith.constant 0 : i32
      %dma_start3A_575 = tpu.memref_slice %arg18[%add3A_562, %dma_start3A_574] : memref<10000x144xf32, #tpu.memory_space<vmem_shared>> -> memref<125x144xf32, #tpu.memory_space<vmem_shared>>
      tpu.enqueue_dma source(%dma_start3A_575 : memref<125x144xf32, #tpu.memory_space<vmem_shared>>) target(%dma_start3A_573 : memref<125x144xf32, #tpu.memory_space<hbm>>) target_semaphore(%run_scoped3A : memref<!tpu.dma_semaphore, #tpu.memory_space<semaphore_mem>>)
      %dma_wait3A_576 = arith.constant 0 : i32
      %dma_wait3A_577 = tpu.memref_slice %arg6[%arg0, %add3A_562, %dma_wait3A_576] : memref<2x10000x144xf32, #tpu.memory_space<hbm>> -> memref<1x125x144xf32, #tpu.memory_space<hbm>>
      %dma_wait3A_578 = tpu.memref_squeeze %dma_wait3A_577 : memref<1x125x144xf32, #tpu.memory_space<hbm>> -> memref<125x144xf32, #tpu.memory_space<hbm>>
      %dma_wait3A_579 = arith.constant 0 : i32
      %dma_wait3A_580 = tpu.memref_slice %arg18[%add3A_562, %dma_wait3A_579] : memref<10000x144xf32, #tpu.memory_space<vmem_shared>> -> memref<125x144xf32, #tpu.memory_space<vmem_shared>>
      tpu.wait_dma2 semaphore(%run_scoped3A : memref<!tpu.dma_semaphore, #tpu.memory_space<semaphore_mem>>) src(%dma_wait3A_580 : memref<125x144xf32, #tpu.memory_space<vmem_shared>>) dst(%dma_wait3A_578 : memref<125x144xf32, #tpu.memory_space<hbm>>)
      tpu.yield
    }) : () -> ()
    %mul3A_563 = arith.constant 625 : i32
    %mul3A_564 = arith.muli %arg1, %mul3A_563 : i32
    %add3A_565 = arith.constant 375 : i32
    %add3A_566 = arith.addi %mul3A_564, %add3A_565 : i32
    "tpu.region"() ({
      %run_scoped3A = tpu.sem_alloc : memref<!tpu.dma_semaphore, #tpu.memory_space<semaphore_mem>>
      %dma_start3A_571 = arith.constant 0 : i32
      %dma_start3A_572 = tpu.memref_slice %arg6[%arg0, %add3A_566, %dma_start3A_571] : memref<2x10000x144xf32, #tpu.memory_space<hbm>> -> memref<1x125x144xf32, #tpu.memory_space<hbm>>
      %dma_start3A_573 = tpu.memref_squeeze %dma_start3A_572 : memref<1x125x144xf32, #tpu.memory_space<hbm>> -> memref<125x144xf32, #tpu.memory_space<hbm>>
      %dma_start3A_574 = arith.constant 0 : i32
      %dma_start3A_575 = tpu.memref_slice %arg18[%add3A_566, %dma_start3A_574] : memref<10000x144xf32, #tpu.memory_space<vmem_shared>> -> memref<125x144xf32, #tpu.memory_space<vmem_shared>>
      tpu.enqueue_dma source(%dma_start3A_575 : memref<125x144xf32, #tpu.memory_space<vmem_shared>>) target(%dma_start3A_573 : memref<125x144xf32, #tpu.memory_space<hbm>>) target_semaphore(%run_scoped3A : memref<!tpu.dma_semaphore, #tpu.memory_space<semaphore_mem>>)
      %dma_wait3A_576 = arith.constant 0 : i32
      %dma_wait3A_577 = tpu.memref_slice %arg6[%arg0, %add3A_566, %dma_wait3A_576] : memref<2x10000x144xf32, #tpu.memory_space<hbm>> -> memref<1x125x144xf32, #tpu.memory_space<hbm>>
      %dma_wait3A_578 = tpu.memref_squeeze %dma_wait3A_577 : memref<1x125x144xf32, #tpu.memory_space<hbm>> -> memref<125x144xf32, #tpu.memory_space<hbm>>
      %dma_wait3A_579 = arith.constant 0 : i32
      %dma_wait3A_580 = tpu.memref_slice %arg18[%add3A_566, %dma_wait3A_579] : memref<10000x144xf32, #tpu.memory_space<vmem_shared>> -> memref<125x144xf32, #tpu.memory_space<vmem_shared>>
      tpu.wait_dma2 semaphore(%run_scoped3A : memref<!tpu.dma_semaphore, #tpu.memory_space<semaphore_mem>>) src(%dma_wait3A_580 : memref<125x144xf32, #tpu.memory_space<vmem_shared>>) dst(%dma_wait3A_578 : memref<125x144xf32, #tpu.memory_space<hbm>>)
      tpu.yield
    }) : () -> ()
    %mul3A_567 = arith.constant 625 : i32
    %mul3A_568 = arith.muli %arg1, %mul3A_567 : i32
    %add3A_569 = arith.constant 500 : i32
    %add3A_570 = arith.addi %mul3A_568, %add3A_569 : i32
    "tpu.region"() ({
      %run_scoped3A = tpu.sem_alloc : memref<!tpu.dma_semaphore, #tpu.memory_space<semaphore_mem>>
      %dma_start3A_571 = arith.constant 0 : i32
      %dma_start3A_572 = tpu.memref_slice %arg6[%arg0, %add3A_570, %dma_start3A_571] : memref<2x10000x144xf32, #tpu.memory_space<hbm>> -> memref<1x125x144xf32, #tpu.memory_space<hbm>>
      %dma_start3A_573 = tpu.memref_squeeze %dma_start3A_572 : memref<1x125x144xf32, #tpu.memory_space<hbm>> -> memref<125x144xf32, #tpu.memory_space<hbm>>
      %dma_start3A_574 = arith.constant 0 : i32
      %dma_start3A_575 = tpu.memref_slice %arg18[%add3A_570, %dma_start3A_574] : memref<10000x144xf32, #tpu.memory_space<vmem_shared>> -> memref<125x144xf32, #tpu.memory_space<vmem_shared>>
      tpu.enqueue_dma source(%dma_start3A_575 : memref<125x144xf32, #tpu.memory_space<vmem_shared>>) target(%dma_start3A_573 : memref<125x144xf32, #tpu.memory_space<hbm>>) target_semaphore(%run_scoped3A : memref<!tpu.dma_semaphore, #tpu.memory_space<semaphore_mem>>)
      %dma_wait3A_576 = arith.constant 0 : i32
      %dma_wait3A_577 = tpu.memref_slice %arg6[%arg0, %add3A_570, %dma_wait3A_576] : memref<2x10000x144xf32, #tpu.memory_space<hbm>> -> memref<1x125x144xf32, #tpu.memory_space<hbm>>
      %dma_wait3A_578 = tpu.memref_squeeze %dma_wait3A_577 : memref<1x125x144xf32, #tpu.memory_space<hbm>> -> memref<125x144xf32, #tpu.memory_space<hbm>>
      %dma_wait3A_579 = arith.constant 0 : i32
      %dma_wait3A_580 = tpu.memref_slice %arg18[%add3A_570, %dma_wait3A_579] : memref<10000x144xf32, #tpu.memory_space<vmem_shared>> -> memref<125x144xf32, #tpu.memory_space<vmem_shared>>
      tpu.wait_dma2 semaphore(%run_scoped3A : memref<!tpu.dma_semaphore, #tpu.memory_space<semaphore_mem>>) src(%dma_wait3A_580 : memref<125x144xf32, #tpu.memory_space<vmem_shared>>) dst(%dma_wait3A_578 : memref<125x144xf32, #tpu.memory_space<hbm>>)
      tpu.yield
    }) : () -> ()
    return
  }
}

module attributes {stable_mosaic.version = 14 : i64} {
  func.func @mm(%arg0: i32, %arg1: memref<1000x128xf32, #tpu.memory_space<vmem>>, %arg2: memref<128x128xf32, #tpu.memory_space<vmem>>, %arg3: memref<128x128xf32, #tpu.memory_space<vmem>>, %arg4: memref<1000x128xf32, #tpu.memory_space<vmem>>, %arg5: memref<1000x128xf32, #tpu.memory_space<vmem>>) attributes {dimension_semantics = [#tpu.dimension_semantics<arbitrary>], iteration_bounds = array<i64: 10>, scalar_prefetch = 0 : i64, scratch_operands = 0 : i64, tpu.core_type = #tpu.core_type<tc>, window_params = [{transform_indices = @transform_0, window_bounds = array<i64: 1000, 128>}, {pipeline_mode = #tpu.pipeline_mode<synchronous>, transform_indices = @transform_1, window_bounds = array<i64: 128, 128>}, {pipeline_mode = #tpu.pipeline_mode<synchronous>, transform_indices = @transform_2, window_bounds = array<i64: 128, 128>}, {transform_indices = @transform_3, window_bounds = array<i64: 1000, 128>}, {transform_indices = @transform_4, window_bounds = array<i64: 1000, 128>}]} {
    %get3A = arith.constant 0 : index
    %get3A_0 = arith.constant 0 : index
    %get3A_1 = vector.load %arg1[%get3A, %get3A_0] : memref<1000x128xf32, #tpu.memory_space<vmem>>, vector<1000x128xf32>
    %get3A_2 = arith.constant 0 : index
    %get3A_3 = arith.constant 0 : index
    %get3A_4 = vector.load %arg2[%get3A_2, %get3A_3] : memref<128x128xf32, #tpu.memory_space<vmem>>, vector<128x128xf32>
    %dot_general3A = arith.constant dense<0.000000e+00> : vector<1000x128xf32>
    %dot_general3A_5 = tpu.matmul %get3A_1, %get3A_4, %dot_general3A {dimension_numbers = #tpu.dot_dimension_numbers<[1], [0], [0], [1], [0, 0, 1, 1], [], []>, transpose_lhs_hint = false} : vector<1000x128xf32>, vector<128x128xf32>, vector<1000x128xf32> -> vector<1000x128xf32>
    %swap3A = arith.constant 0 : index
    %swap3A_6 = arith.constant 0 : index
    %swap3A_7 = vector.load %arg4[%swap3A, %swap3A_6] : memref<1000x128xf32, #tpu.memory_space<vmem>>, vector<1000x128xf32>
    tpu.vector_store %arg4[%swap3A, %swap3A_6], %dot_general3A_5 {strides = array<i32>} : memref<1000x128xf32, #tpu.memory_space<vmem>>, vector<1000x128xf32>,
    %get3A_8 = arith.constant 0 : index
    %get3A_9 = arith.constant 0 : index
    %get3A_10 = vector.load %arg3[%get3A_8, %get3A_9] : memref<128x128xf32, #tpu.memory_space<vmem>>, vector<128x128xf32>
    %dot_general3A_11 = arith.constant dense<0.000000e+00> : vector<1000x128xf32>
    %dot_general3A_12 = tpu.matmul %get3A_1, %get3A_10, %dot_general3A_11 {dimension_numbers = #tpu.dot_dimension_numbers<[1], [0], [0], [1], [0, 0, 1, 1], [], []>, transpose_lhs_hint = false} : vector<1000x128xf32>, vector<128x128xf32>, vector<1000x128xf32> -> vector<1000x128xf32>
    %swap3A_13 = arith.constant 0 : index
    %swap3A_14 = arith.constant 0 : index
    %swap3A_15 = vector.load %arg5[%swap3A_13, %swap3A_14] : memref<1000x128xf32, #tpu.memory_space<vmem>>, vector<1000x128xf32>
    tpu.vector_store %arg5[%swap3A_13, %swap3A_14], %dot_general3A_12 {strides = array<i32>} : memref<1000x128xf32, #tpu.memory_space<vmem>>, vector<1000x128xf32>,
    return
  }
  func.func @transform_0(%arg0: i32) -> (i32, i32) {
    %c0_i32 = arith.constant 0 : i32
    %c0_i32_0 = arith.constant 0 : i32
    return %arg0, %c0_i32 : i32, i32
  }
  func.func @transform_1(%arg0: i32) -> (i32, i32) {
    %c0_i32 = arith.constant 0 : i32
    %c0_i32_0 = arith.constant 0 : i32
    %c0_i32_1 = arith.constant 0 : i32
    return %c0_i32, %c0_i32_0 : i32, i32
  }
  func.func @transform_2(%arg0: i32) -> (i32, i32) {
    %c0_i32 = arith.constant 0 : i32
    %c0_i32_0 = arith.constant 0 : i32
    %c0_i32_1 = arith.constant 0 : i32
    return %c0_i32, %c0_i32_0 : i32, i32
  }
  func.func @transform_3(%arg0: i32) -> (i32, i32) {
    %c0_i32 = arith.constant 0 : i32
    %c0_i32_0 = arith.constant 0 : i32
    return %arg0, %c0_i32 : i32, i32
  }
  func.func @transform_4(%arg0: i32) -> (i32, i32) {
    %c0_i32 = arith.constant 0 : i32
    %c0_i32_0 = arith.constant 0 : i32
    return %arg0, %c0_i32 : i32, i32
  }
}

module attributes {stable_mosaic.version = 14 : i64} {
  func.func @fin(%arg0: i32, %arg1: memref<2x1000x144xf32, #tpu.memory_space<vmem>>, %arg2: memref<1x128xf32, #tpu.memory_space<vmem>>, %arg3: memref<1000x128xf32, #tpu.memory_space<vmem>>) attributes {dimension_semantics = [#tpu.dimension_semantics<arbitrary>], iteration_bounds = array<i64: 10>, scalar_prefetch = 0 : i64, scratch_operands = 0 : i64, tpu.core_type = #tpu.core_type<tc>, window_params = [{transform_indices = @transform_0, window_bounds = array<i64: 2, 1000, 144>}, {pipeline_mode = #tpu.pipeline_mode<synchronous>, transform_indices = @transform_1, window_bounds = array<i64: 1, 128>}, {transform_indices = @transform_2, window_bounds = array<i64: 1000, 128>}]} {
    %get3A = arith.constant 0 : index
    %get3A_0 = arith.constant 0 : index
    %get3A_1 = arith.constant 0 : index
    %get3A_2 = vector.load %arg1[%get3A, %get3A_0, %get3A_1] : memref<2x1000x144xf32, #tpu.memory_space<vmem>>, vector<1x1000x144xf32>
    %get3A_3 = vector.shape_cast %get3A_2 : vector<1x1000x144xf32> to vector<1000x144xf32>
    %get3A_4 = arith.constant 1 : index
    %get3A_5 = arith.constant 0 : index
    %get3A_6 = arith.constant 0 : index
    %get3A_7 = vector.load %arg1[%get3A_4, %get3A_5, %get3A_6] : memref<2x1000x144xf32, #tpu.memory_space<vmem>>, vector<1x1000x144xf32>
    %get3A_8 = vector.shape_cast %get3A_7 : vector<1x1000x144xf32> to vector<1000x144xf32>
    %add3A = arith.addf %get3A_3, %get3A_8 : vector<1000x144xf32>
    %slice3A = vector.extract_strided_slice %add3A {offsets = [0, 128], sizes = [1000, 1], strides = [1, 1]} : vector<1000x144xf32> to vector<1000x1xf32>
    %add3A_9 = arith.constant 1.000000e-16 : f32
    %add3A_10 = vector.broadcast %add3A_9 : f32 to vector<1000x1xf32>
    %add3A_11 = arith.addf %slice3A, %add3A_10 : vector<1000x1xf32>
    %slice3A_12 = vector.extract_strided_slice %add3A {offsets = [0, 0], sizes = [1000, 128], strides = [1, 1]} : vector<1000x144xf32> to vector<1000x128xf32>
    %div3A = vector.broadcast %add3A_11 : vector<1000x1xf32> to vector<1000x128xf32>
    %div3A_13 = arith.divf %slice3A_12, %div3A : vector<1000x128xf32>
    %get3A_14 = arith.constant 0 : index
    %get3A_15 = arith.constant 0 : index
    %get3A_16 = vector.load %arg2[%get3A_14, %get3A_15] : memref<1x128xf32, #tpu.memory_space<vmem>>, vector<1x128xf32>
    %add3A_17 = vector.broadcast %get3A_16 : vector<1x128xf32> to vector<1000x128xf32>
    %add3A_18 = arith.addf %div3A_13, %add3A_17 : vector<1000x128xf32>
    %swap3A = arith.constant 0 : index
    %swap3A_19 = arith.constant 0 : index
    %swap3A_20 = vector.load %arg3[%swap3A, %swap3A_19] : memref<1000x128xf32, #tpu.memory_space<vmem>>, vector<1000x128xf32>
    tpu.vector_store %arg3[%swap3A, %swap3A_19], %add3A_18 {strides = array<i32>} : memref<1000x128xf32, #tpu.memory_space<vmem>>, vector<1000x128xf32>,
    return
  }
  func.func @transform_0(%arg0: i32) -> (i32, i32, i32) {
    %c0_i32 = arith.constant 0 : i32
    %c0_i32_0 = arith.constant 0 : i32
    %c0_i32_1 = arith.constant 0 : i32
    return %c0_i32, %arg0, %c0_i32_0 : i32, i32, i32
  }
  func.func @transform_1(%arg0: i32) -> (i32, i32) {
    %c0_i32 = arith.constant 0 : i32
    %c0_i32_0 = arith.constant 0 : i32
    %c0_i32_1 = arith.constant 0 : i32
    return %c0_i32, %c0_i32_0 : i32, i32
  }
  func.func @transform_2(%arg0: i32) -> (i32, i32) {
    %c0_i32 = arith.constant 0 : i32
    %c0_i32_0 = arith.constant 0 : i32
    return %arg0, %c0_i32 : i32, i32
  }
}

</mosaic_0001>

<sc_bundles>
// kernel: kernel.5.cloned.1.call-start
scs
__scs_entry_jumppad:
0x0: {  	(pc) =	sbr.rel $0x88, $3  }
0x1: {  	(tag) =	ssettag $0x0;
	lr =	simm.s32 $0x1  }
0x2: {  	[smem:$0x3F9B] =	sst lr;
	_ =	strace $0xD0000000  }
0x3: {  	_ = 	snop  }
0x4: {  	_ = 	snop  }
0x5: {  	_ = 	snop  }
0x6: {  	_ = 	snop  }
0x7: {  	_ = 	snop  }
__scs_overlays_trampoline_lowered:
0x8: {  	[smem:$0x3FAA] =	sst s0  }
0x9: {  	[smem:$0x3FAB] =	sst s1  }
0xa: {  	[smem:$0x3FAC] =	sst s2  }
0xb: {  	[smem:$0x3FAD] =	sst s3  }
0xc: {  	[smem:$0x3FAE] =	sst s4  }
0xd: {  	[smem:$0x3FAF] =	sst s5  }
0xe: {  	[smem:$0x3FB0] =	sst s6  }
0xf: {  	[smem:$0x3FB1] =	sst s7  }
0x10: {  	[smem:$0x3FB2] =	sst s8  }
0x11: {  	[smem:$0x3FB3] =	sst s9;
	s0 =	simm.s32 @!p0 $0x0  }
0x12: {  	s1 =	sld [smem:$0x3F99];
	s0 =	simm.s32 @p0 $0x1  }
0x13: {  	[smem:$0x3FB4] =	sst s0;
	s0 =	simm.s32 @!p1 $0x0  }
0x14: {  	s2 =	sld [smem:$0x3F98];
	s0 =	simm.s32 @p1 $0x1  }
0x15: {  	[smem:$0x3FB5] =	sst s0;
	s0 =	simm.s32 @!p2 $0x0  }
0x16: {  	s3 =	sld [smem:$0x3FDB];
	s0 =	simm.s32 @p2 $0x1  }
0x17: {  	s4 =	simm.s32 $0x1BF5;
	[smem:$0x3FB7] =	sst s0  }
0x18: {  	s0 =	sld [smem:$0x3F9A];
	_ =	swait.ge [sflag:s4], $0x0  }
0x19: {  	s7 =	sld [smem:$0x3F9B]  }
0x1a: {  	s8 =	sadd.s32 $0xFFFFE003, lr  }
0x1b: {  	s9 =	sadd.s32 $0xFFFFFEF7, lr;
	s5 =	simm.s32 $0xFFFFFFFF;
	p2 =	slt.u32 s8, $0xFFFFF086  }
0x1c: {  	p1 =	slt.u32 s9, $0xF7A;
	s5 =	simm.s32 @!p2 $0x0  }
0x1d: {  	s5 =	simm.s32 @p1 $0x1;
	p0 =	seq.s32 s7, s2  }
0x1e: {  	s7 =	smul.u32 @!p0 $0xF7A, s2;
	p2 =	seq.s32 @!p0 s5, $0x0  }
0x1f: {  	s9 =	smul.u32 $0xF7A, s1;
	s8 =	simm.s32 @!p0 $0x1BF5;
	p2 =	por !p2, p0  }
0x20: {  	[sflag:s8] =	ssyncset.s32 @!p0 $0xFFFFF086;
	s6 =	sadd.s32 @!p0 s3, s7;
	s7 =	simm.s32 @!p0 $0x108  }
0x21: {  	s3 =	sadd.s32 s3, s9;
	s6 =	sadd.s32 @!p0 $0x88, s6;
	s7 =	simm.s32 @p2 $0x1082  }
0x22: {  	[simem:s7], [sflag:s8] =	dma.local @!p0 [hbm:s6], $0xF7A  }
0x23: {  	s9 =	sor.u32 $0xD0000000, s2;
	s6 =	simm.s32 $0x108;
	_ =	swait.ge @!p0 [sflag:s8], $0x0  }
0x24: {  	s3 =	sadd.s32 $0x88, s3;
	s6 =	simm.s32 @!p1 $0x1082;
	[sflag:s4] =	ssyncset.s32 $0xFFFFF086  }
0x25: {  	[simem:s6], [sflag:s4] =	dma.local [hbm:s3], $0xF7A  }
0x26: {  	[smem:$0x3F9B] =	sst s1;
	(tag) =	ssettag s2;
	_ =	strace s9  }
0x27: {  	s1 =	sld [smem:$0x3FAB]  }
0x28: {  	s2 =	sld [smem:$0x3FAC]  }
0x29: {  	s4 =	sld [smem:$0x3FAE]  }
0x2a: {  	p0 =	seq.s32 s5, $0x0;
	s5 =	sld [smem:$0x3FAF]  }
0x2b: {  	s6 =	sld [smem:$0x3FB0]  }
0x2c: {  	s7 =	sld [smem:$0x3FB1]  }
0x2d: {  	s3 =	simm.s32 $0x108;
	s8 =	sld [smem:$0x3FB2]  }
0x2e: {  	s3 =	simm.s32 @!p0 $0x1082;
	s9 =	sld [smem:$0x3FB3]  }
0x2f: {  	lr =	sadd.s32 s0, s3;
	s0 =	sld [smem:$0x3FAA]  }
0x30: {  	s3 =	sld [smem:$0x3FAD]  }
0x31: {  	[smem:$0x3FB6] =	sst s10  }
0x32: {  	s10 =	sld [smem:$0x3FB4];
	_ =	sdelay $0x3  }
0x33: {  	p0 =	seq.s32 s10, $0x1;
	s10 =	sld [smem:$0x3FB6];
	_ =	sdelay $0x3  }
0x34: {  	[smem:$0x3FB6] =	sst s10  }
0x35: {  	s10 =	sld [smem:$0x3FB5];
	_ =	sdelay $0x3  }
0x36: {  	p1 =	seq.s32 s10, $0x1;
	s10 =	sld [smem:$0x3FB6];
	_ =	sdelay $0x3  }
0x37: {  	[smem:$0x3FB6] =	sst s10  }
0x38: {  	s10 =	sld [smem:$0x3FB7]  }
0x39: {  	_ = 	snop;
	(pc) =	sbr.ind lr, $3  }
0x3a: {  	_ = 	snop  }
0x3b: {  	_ = 	snop  }
0x3c: {  	p2 =	seq.s32 s10, $0x1;
	s10 =	sld [smem:$0x3FB6]  }
0x3d: {  	_ =	shalt  }
0x3e: {  	_ =	shalt  }
0x3f: {  	_ =	shalt  }
0x40: {  	_ =	shalt  }
0x41: {  	_ =	shalt  }
0x42: {  	_ =	shalt  }
0x43: {  	_ =	shalt  }
0x44: {  	_ =	shalt  }
0x45: {  	_ =	shalt  }
0x46: {  	_ =	shalt  }
0x47: {  	_ =	shalt  }
0x48: {  	_ =	shalt  }
0x49: {  	_ =	shalt  }
0x4a: {  	_ =	shalt  }
0x4b: {  	_ =	shalt  }
0x4c: {  	_ =	shalt  }
0x4d: {  	_ =	shalt  }
0x4e: {  	_ =	shalt  }
0x4f: {  	_ =	shalt  }
0x50: {  	_ =	shalt  }
0x51: {  	_ =	shalt  }
0x52: {  	_ =	shalt  }
0x53: {  	_ =	shalt  }
0x54: {  	_ =	shalt  }
0x55: {  	_ =	shalt  }
0x56: {  	_ =	shalt  }
0x57: {  	_ =	shalt  }
0x58: {  	_ =	shalt  }
0x59: {  	_ =	shalt  }
0x5a: {  	_ =	shalt  }
0x5b: {  	_ =	shalt  }
0x5c: {  	_ =	shalt  }
0x5d: {  	_ =	shalt  }
0x5e: {  	_ =	shalt  }
0x5f: {  	_ =	shalt  }
0x60: {  	_ =	shalt  }
0x61: {  	_ =	shalt  }
0x62: {  	_ =	shalt  }
0x63: {  	_ =	shalt  }
0x64: {  	_ =	shalt  }
0x65: {  	_ =	shalt  }
0x66: {  	_ =	shalt  }
0x67: {  	_ =	shalt  }
0x68: {  	_ =	shalt  }
0x69: {  	_ =	shalt  }
0x6a: {  	_ =	shalt  }
0x6b: {  	_ =	shalt  }
0x6c: {  	_ =	shalt  }
0x6d: {  	_ =	shalt  }
0x6e: {  	_ =	shalt  }
0x6f: {  	_ =	shalt  }
0x70: {  	_ =	shalt  }
0x71: {  	_ =	shalt  }
0x72: {  	_ =	shalt  }
0x73: {  	_ =	shalt  }
0x74: {  	_ =	shalt  }
0x75: {  	_ =	shalt  }
0x76: {  	_ =	shalt  }
0x77: {  	_ =	shalt  }
0x78: {  	_ =	shalt  }
0x79: {  	_ =	shalt  }
0x7a: {  	_ =	shalt  }
0x7b: {  	_ =	shalt  }
0x7c: {  	_ =	shalt  }
0x7d: {  	_ =	shalt  }
0x7e: {  	_ =	shalt  }
0x7f: {  	_ =	shalt  }
0x80: {  	_ =	shalt  }
0x81: {  	_ =	shalt  }
0x82: {  	_ =	shalt  }
0x83: {  	_ =	shalt  }
0x84: {  	_ =	shalt  }
0x85: {  	_ =	shalt  }
0x86: {  	_ =	shalt  }
0x87: {  	_ =	shalt  }
.Lfunc_end0:
.L_simem_size_0:
called_computation_lowered:
.L_overlay_start_0:
0x88: {  	s2 =	sld [smem:$0x3FD9]  }
0x89: {  	s3 =	sld [smem:$0x3FFE];
	_ =	sdelay $0x1  }
0x8a: {  	s1 =	srdreg.scid  }
0x8b: {  	s0 =	sand.u32 $0x1, s1  }
0x8c: {  	s17 =	sshll.u32 s0, $0xA;
	s2 =	sadd.s32 s3, s2  }
0x8d: {  	s2 =	sadd.s32 s2, s17  }
0x8e: {  	[smem:$0x3FC2] =	sst s2  }
0x8f: {  	_ = 	snop  }
0x90: {  	s2 =	sld [smem:$0x3FC5]  }
0x91: {  	s18 =	sld [smem:$0x3FD0];
	(tm) =	ssettm $0x1  }
0x92: {  	s4 =	sld [smem:$0x3FFB];
	_ =	sdelay $0x3  }
0x93: {  	_ =	strace s4  }
0x94: {  	s4 =	sld [smem:$0x3FFC];
	_ =	sdelay $0x3  }
0x95: {  	_ =	strace s4  }
0x96: {  	s4 =	sld [smem:$0x3FFD];
	_ =	sdelay $0x3  }
0x97: {  	_ =	strace s4  }
0x98: {  	_ =	strace $0x8FFFFFFF  }
0x99: {  	s19 =	sld [smem:$0x3FDB];
	_ =	sdelay $0x1  }
0x9a: {  	s5 =	simm.s32 $_scs_section_size  }
0x9b: {  	s6 =	simm.s32 $_size__tile_overlayer_lowered;
	s7 =	simm.s32 $_tile_overlayer_lowered  }
0x9c: {  	s22 =	simm.s32 $0x1BFF;
	s21 =	sshll.u32 s7, $0x1;
	s4 =	sadd.s32 s5, s19  }
0x9d: {  	s8 =	simm.s32 $0x0;
	s20 =	sshll.u32 s6, $0x1;
	s6 =	sadd.s32 s21, s4  }
0x9e: {  	[timem:s8], [sflag:s22] =	dma.local [hbm:s6], s20  }
0x9f: {  	_ =	swait.ge [sflag:s22], s20  }
0xa0: {  	s5 =	ssub.s32 $0x0, s20;
	[sflag:s22] =	ssyncset.done $0x0  }
0xa1: {  	[sflag:s22] =	ssyncadd.s32 s5;
	_ =	sdelay $0x1  }
0xa2: {  	s23 =	simm.s32 $0x1B8B  }
0xa3: {  	_ =	swait.ge [sflag:s23], $0x1  }
0xa4: {  	[sflag:s23] =	ssyncset.done $0x0  }
0xa5: {  	s25 =	simm.s32 $0x1B8E;
	s24 =	sld [smem:$0x3FFE];
	[sflag:s23] =	ssyncadd.s32 $0xFFFFFFFF  }
0xa6: {  	s26 =	simm.s32 $execute0_lowered;
	[smem:$0x3FD2] =	sst s25  }
0xa7: {  	s6 =	sshll.u32 s26, $0x1;
	_ =	strace $0x80000046;
	[dreg:$0x1] =	wrdreg $0xFFFFFFFF  }
0xa8: {  	s28 =	simm.s32 $_size_execute0_lowered;
	s4 =	sadd.s32 s4, s6;
	[dreg:$0x0] =	wrdreg $0x0  }
0xa9: {  	s6 =	sshll.u32 s28, $0x1;
	[dreg:$0x2] =	wrdreg s4  }
0xaa: {  	[dreg:$0x3] =	wrdreg s6  }
0xab: {  	[dreg:$0x4] =	wrdreg $0xC0  }
0xac: {  	_ =	task [dreg:s8], $0x5FFFF  }
0xad: {  	[dreg:$0x1] =	wrdreg $0xFFFFFFFF  }
0xae: {  	[dreg:$0x0] =	wrdreg $0x60  }
0xaf: {  	[dreg:$0x2] =	wrdreg s18  }
0xb0: {  	[dreg:$0x3] =	wrdreg s24  }
0xb1: {  	[dreg:$0x4] =	wrdreg s2  }
0xb2: {  	[dreg:$0x5] =	wrdreg $0x7E700  }
0xb3: {  	[dreg:$0x6] =	wrdreg $0x9  }
0xb4: {  	_ =	task.clear_ibuf [dreg:s8], $0x7FFFF;
	_ =	strace $0x90000046  }
0xb5: {  	s29 =	simm.s32 $0x9;
	_ =	strace $0x80000048  }
0xb6: {  	_ =	swait.ge [sflag:s29], $0x1  }
0xb7: {  	[sflag:s29] =	ssyncadd.s32 $0xFFFFFFFF  }
0xb8: {  	_ =	strace $0x90000048  }
0xb9: {  	_ =	sfence  }
0xba: {  	s30 =	sld [smem:$0x0];
	_ =	sdelay $0x2  }
0xbb: {  	s31 =	sshll.u32 s1, $0xD;
	s1 =	sshrl.u32 s1, $0x2  }
0xbc: {  	s3 =	sand.u32 $0x4000, s31;
	s1 =	sadd.s32 s1, s30  }
0xbd: {  	s0 =	sor.u32 s3, s0;
	s1 =	sshll.u32 s1, $0x11  }
0xbe: {  	s0 =	sor.u32 s1, s0  }
0xbf: {  	s0 =	sadd.s32 $0x8F2B, s0  }
0xc0: {  	[sflag:s0] =	ssyncadd.remote.s32 $0x1  }
0xc1: {  	_ =	sfence.sel $0xFFFF  }
0xc2: {  	[dreg:$0x0] =	wrdreg $0xFFFFFFFF;
	(pc) =	sbr.abs _section_cstart, $3  }
0xc3: {  	[dreg:$0x1] =	wrdreg $0xFFFFFFFF  }
0xc4: {  	_ =	task.clear_ibuf [dreg:s8], $0x2FFFF;
	_ =	strace $0x9FFFFFFF  }
0xc5: {  	(tm) =	ssettm $0x7FFFFFFF  }
tec
execute0_lowered:
.L_overlay_start_1:
0x0: {  	(tag) =	ssettag $0x1  }
0x1: {  	s1 =	rddreg [dreg:$0x0]  }
0x2: {  	s0 =	rddreg [dreg:$0x1];
	s2 =	srdreg.scid  }
0x3: {  	s3 =	rddreg [dreg:$0x3];
	s11 =	stileid.u32;
	s2 =	sand.u32 $0x1, s2  }
0x4: {  	s4 =	simm.s32 $0x0;
	s8 =	smul.u32 $0x57E40, s11;
	s5 =	sshll.u32 s2, $0x4  }
0x5: {  	s29 =	simm.s32 $0x3;
	s5 =	sor.u32 s11, s5;
	s11 =	smul.u32 $0x15F90, s11  }
0x6: {  	s30 =	simm.s32 $0x4;
	s28 =	simm.s32 $0x7;
	s8 =	sshrl.u32 s8, $0x2  }
0x7: {  	[smem:$0x7FF] =	sst s4;
	s8 =	sadd.s32 s8, s3;
	s23 =	sadd.s32 s11, s3  }
0x8: {  	_ =	strace $0x80000047;
	s24 =	sadd.s32 $0x1680, s8;
	[dreg:$0x5] =	wrdreg s23  }
0x9: {  	s6 =	sadd.s32 $0x14C00, s0;
	s12 =	sadd.s32 $0x2D00, s8;
	[dreg:$0x6] =	wrdreg s24  }
0xa: {  	s7 =	sadd.s32 $0x1200, s0;
	s14 =	sadd.s32 $0x4380, s8;
	[dreg:$0x7] =	wrdreg s12  }
0xb: {  	s0 =	sadd.s32 $0x3BE00, s0;
	s26 =	sadd.s32 $0x5A00, s8;
	[dreg:$0x8] =	wrdreg s14  }
0xc: {  	s9 =	ssub.s32 $0x2, s2;
	s18 =	sadd.s32 $0x7080, s8;
	[dreg:$0x9] =	wrdreg s26  }
0xd: {  	s2 =	smul.u32 $0x15F900, s2;
	s19 =	sadd.s32 $0x8700, s8;
	[dreg:$0xf] =	wrdreg s18  }
0xe: {  	s10 =	sshrl.u32 s9, $0x1;
	s20 =	sadd.s32 $0x9D80, s8;
	[dreg:$0x10] =	wrdreg s19  }
0xf: {  	s5 =	smul.u32 $0x2710, s5;
	s21 =	sadd.s32 $0xB400, s8;
	[dreg:$0x11] =	wrdreg s20  }
0x10: {  	s9 =	ssub.s32 s9, s10;
	s22 =	sadd.s32 $0xCA80, s8;
	[dreg:$0x12] =	wrdreg s21  }
0x11: {  	s10 =	sadd.s32 $0x4650, s11;
	s9 =	smax.u32 s9, $0x1;
	[dreg:$0x13] =	wrdreg s22  }
0x12: {  	s25 =	sadd.s32 s11, s2;
	s23 =	sadd.s32 $0xE100, s8;
	[dreg:$0x1e] =	wrdreg s9  }
0x13: {  	s13 =	sadd.s32 s2, s10;
	s24 =	sadd.s32 $0xF780, s8;
	[dreg:$0x14] =	wrdreg s23  }
0x14: {  	s12 =	sshrl.u32 s25, $0x3;
	s25 =	sadd.s32 $0x10E00, s8;
	[dreg:$0x15] =	wrdreg s24  }
0x15: {  	s26 =	sadd.s32 $0x12480, s8;
	s31 =	sadd.s32 $0x50, s5;
	[dreg:$0x16] =	wrdreg s25  }
0x16: {  	s20 =	sadd.s32 s10, s3;
	s12 =	sadd.s32 s0, s12;
	[dreg:$0x17] =	wrdreg s26  }
0x17: {  	s9 =	simm.s32 $0x0;
	s13 =	sshrl.u32 s13, $0x3;
	[dreg:$0xa] =	wrdreg s12  }
0x18: {  	s15 =	sadd.s32 s0, s13;
	s12 =	sadd.s32 $0x8CA0, s11;
	s13 =	sadd.s32 $0xD2F0, s11  }
0x19: {  	s11 =	sadd.s32 $0x11940, s11;
	[dreg:$0xb] =	wrdreg s15;
	s16 =	sadd.s32 s2, s12  }
0x1a: {  	s15 =	sadd.s32 s2, s13;
	s2 =	sadd.s32 s2, s11;
	s21 =	sadd.s32 s12, s3  }
0x1b: {  	s22 =	sadd.s32 s13, s3;
	s23 =	sadd.s32 s11, s3;
	s14 =	sshrl.u32 s16, $0x3  }
0x1c: {  	s15 =	sshrl.u32 s15, $0x3;
	s2 =	sshrl.u32 s2, $0x3;
	s24 =	sshrl.u32 s21, $0x3  }
0x1d: {  	s25 =	sshrl.u32 s22, $0x3;
	s26 =	sshrl.u32 s23, $0x3;
	[smem:$0x7FB] =	sst s24  }
0x1e: {  	s21 =	simm.s32 $0x18;
	s22 =	simm.s32 $0x5;
	[smem:$0x7FC] =	sst s25  }
0x1f: {  	s23 =	simm.s32 $0x6;
	s14 =	sadd.s32 s0, s14;
	[smem:$0x7FD] =	sst s26  }
0x20: {  	s17 =	sadd.s32 s0, s15;
	s0 =	sadd.s32 s0, s2;
	[dreg:$0xc] =	wrdreg s14  }
0x21: {  	s2 =	sadd.s32 $0x13B00, s8;
	s8 =	sadd.s32 $0x15180, s8;
	[dreg:$0xd] =	wrdreg s17  }
0x22: {  	s15 =	sadd.s32 $0x28, s5;
	s24 =	simm.s32 $0x10;
	[dreg:$0xe] =	wrdreg s0  }
0x23: {  	s25 =	simm.s32 $0x7DC8;
	s26 =	simm.s32 $0x6720;
	[dreg:$0x18] =	wrdreg s2  }
0x24: {  	[dreg:$0x19] =	wrdreg s8;
	s14 =	sshrl.u32 s5, $0x3;
	s16 =	sshrl.u32 s15, $0x3  }
0x25: {  	s17 =	sshrl.u32 s31, $0x3;
	s15 =	simm.s32 $0x9;
	s0 =	sadd.s32 s7, s14  }
0x26: {  	s2 =	sadd.s32 s7, s16;
	s18 =	sadd.s32 s7, s17;
	[dreg:$0x1a] =	wrdreg s0  }
0x27: {  	s16 =	simm.s32 $0x50A0;
	s0 =	sadd.s32 $0x78, s5;
	[dreg:$0x1b] =	wrdreg s2  }
0x28: {  	s17 =	simm.s32 $0x28;
	[dreg:$0x1c] =	wrdreg s18;
	s19 =	sshrl.u32 s0, $0x3  }
0x29: {  	s18 =	simm.s32 $0x4E200;
	s5 =	simm.s32 $0x8;
	s2 =	sadd.s32 s7, s19  }
0x2a: {  	s19 =	simm.s32 $0x50;
	[dreg:$0x1d] =	wrdreg s2;
	s2 =	sshrl.u32 s20, $0x3  }
0x2b: {  	v0 =	vimm.f32 $0.0e+00;
	vm0 =	vmmov $0x1;
	s20 =	simm.s32 $0x1;
	[dreg:$0x1f] =	wrdreg s2;
	s2 =	simm.s32 $0x2  }
.LBB2_1:
0x2c: {  	[smem:$0x7FA] =	sst s9  }
0x2d: {  	s8 =	rddreg [dreg:$0x2];
	s14 =	simm.s32 $0x7DF0  }
0x2e: {  	[tilespmem:s14], [sflag:$0x9] =	stream.linear.gather [hbm4b:s8+s4], $0x80, $0x38;
	[tilespmem:$0x1DE00] =	vst v63  }
0x2f: {  	_ =	swait.ge [sflag:s15], $0x80  }
0x30: {  	[sflag:s15] =	ssyncset.done $0x0  }
0x31: {  	s9 =	simm.s32 $0x240;
	s8 =	simm.s32 $0x0;
	[sflag:s15] =	ssyncadd.s32 $0xFFFFFF80  }
.LBB2_2:
0x32: {  	p0 =	sne.s32 s9, $0x57C0;
	[tilespmem:s8+$0x5120] =	vst v0  }
0x33: {  	[tilespmem:s8+$0x50A0] =	vst v0  }
0x34: {  	[tilespmem:s8+$0x50B0] =	vst v0  }
0x35: {  	[tilespmem:s8+$0x50C0] =	vst v0  }
.Ltmp0:
0x36: {  	[tilespmem:s8+$0x50D0] =	vst v0;
	(pc) =	sbr.rel @p0 .LBB2_2-.Ltmp0, $4  }
0x37: {  	[tilespmem:s8+$0x50E0] =	vst v0  }
0x38: {  	[tilespmem:s8+$0x50F0] =	vst v0  }
0x39: {  	[tilespmem:s8+$0x5100] =	vst v0  }
0x3a: {  	[tilespmem:s8+$0x5110] =	vst v0;
	s8 =	sshra.s32 s9, $0x2;
	s9 =	sadd.s32 $0x240, s9  }
0x3b: {  	[tilespmem:s8+$0x5120] =	vst v0  }
0x3c: {  	[tilespmem:s8+$0x50A0] =	vst v0  }
0x3d: {  	[tilespmem:s8+$0x50B0] =	vst v0  }
0x3e: {  	[tilespmem:s8+$0x50C0] =	vst v0  }
0x3f: {  	[tilespmem:s8+$0x50D0] =	vst v0  }
0x40: {  	[tilespmem:s8+$0x50E0] =	vst v0  }
0x41: {  	[tilespmem:s8+$0x50F0] =	vst v0  }
0x42: {  	[tilespmem:s8+$0x5100] =	vst v0  }
0x43: {  	[tilespmem:s8+$0x5110] =	vst v0;
	s9 =	rddreg [dreg:$0x5]  }
0x44: {  	[spmem:s9] =	stream.linear.scatter [tilespmem:s16], [sflag:$0x9], $0x1680, $0x38;
	[tilespmem:$0x1DE00] =	vst v63  }
0x45: {  	_ =	swait.ge [sflag:s15], $0x1680  }
0x46: {  	[sflag:s15] =	ssyncset.done $0x0  }
0x47: {  	s10 =	rddreg [dreg:$0x6];
	[sflag:s15] =	ssyncadd.s32 $0xFFFFE980  }
0x48: {  	[spmem:s10] =	stream.linear.scatter [tilespmem:s16], [sflag:$0x9], $0x1680, $0x38;
	[tilespmem:$0x1DE00] =	vst v63  }
0x49: {  	_ =	swait.ge [sflag:s15], $0x1680  }
0x4a: {  	[sflag:s15] =	ssyncset.done $0x0  }
0x4b: {  	s11 =	rddreg [dreg:$0x7];
	[sflag:s15] =	ssyncadd.s32 $0xFFFFE980  }
0x4c: {  	[spmem:s11] =	stream.linear.scatter [tilespmem:s16], [sflag:$0x9], $0x1680, $0x38;
	[tilespmem:$0x1DE00] =	vst v63  }
0x4d: {  	_ =	swait.ge [sflag:s15], $0x1680  }
0x4e: {  	[sflag:s15] =	ssyncset.done $0x0  }
0x4f: {  	s12 =	rddreg [dreg:$0x8];
	[sflag:s15] =	ssyncadd.s32 $0xFFFFE980  }
0x50: {  	[spmem:s12] =	stream.linear.scatter [tilespmem:s16], [sflag:$0x9], $0x1680, $0x38;
	[tilespmem:$0x1DE00] =	vst v63  }
0x51: {  	_ =	swait.ge [sflag:s15], $0x1680  }
0x52: {  	[sflag:s15] =	ssyncset.done $0x0  }
0x53: {  	s13 =	rddreg [dreg:$0x9];
	[sflag:s15] =	ssyncadd.s32 $0xFFFFE980  }
0x54: {  	[spmem:s13] =	stream.linear.scatter [tilespmem:s16], [sflag:$0x9], $0x1680, $0x38;
	[tilespmem:$0x1DE00] =	vst v63  }
0x55: {  	_ =	swait.ge [sflag:s15], $0x1680  }
0x56: {  	[sflag:s15] =	ssyncset.done $0x0  }
0x57: {  	s14 =	rddreg [dreg:$0xf];
	[sflag:s15] =	ssyncadd.s32 $0xFFFFE980  }
0x58: {  	[spmem:s14] =	stream.linear.scatter [tilespmem:s16], [sflag:$0x9], $0x1680, $0x38;
	[tilespmem:$0x1DE00] =	vst v63  }
0x59: {  	_ =	swait.ge [sflag:s15], $0x1680  }
0x5a: {  	[sflag:s15] =	ssyncset.done $0x0  }
0x5b: {  	s9 =	rddreg [dreg:$0x10];
	[sflag:s15] =	ssyncadd.s32 $0xFFFFE980  }
0x5c: {  	[spmem:s9] =	stream.linear.scatter [tilespmem:s16], [sflag:$0x9], $0x1680, $0x38;
	[tilespmem:$0x1DE00] =	vst v63  }
0x5d: {  	_ =	swait.ge [sflag:s15], $0x1680  }
0x5e: {  	[sflag:s15] =	ssyncset.done $0x0  }
0x5f: {  	s10 =	rddreg [dreg:$0x11];
	[sflag:s15] =	ssyncadd.s32 $0xFFFFE980  }
0x60: {  	[spmem:s10] =	stream.linear.scatter [tilespmem:s16], [sflag:$0x9], $0x1680, $0x38;
	[tilespmem:$0x1DE00] =	vst v63  }
0x61: {  	_ =	swait.ge [sflag:s15], $0x1680  }
0x62: {  	[sflag:s15] =	ssyncset.done $0x0  }
0x63: {  	s11 =	rddreg [dreg:$0x12];
	[sflag:s15] =	ssyncadd.s32 $0xFFFFE980  }
0x64: {  	[spmem:s11] =	stream.linear.scatter [tilespmem:s16], [sflag:$0x9], $0x1680, $0x38;
	[tilespmem:$0x1DE00] =	vst v63  }
0x65: {  	_ =	swait.ge [sflag:s15], $0x1680  }
0x66: {  	[sflag:s15] =	ssyncset.done $0x0  }
0x67: {  	s12 =	rddreg [dreg:$0x13];
	[sflag:s15] =	ssyncadd.s32 $0xFFFFE980  }
0x68: {  	[spmem:s12] =	stream.linear.scatter [tilespmem:s16], [sflag:$0x9], $0x1680, $0x38;
	[tilespmem:$0x1DE00] =	vst v63  }
0x69: {  	_ =	swait.ge [sflag:s15], $0x1680  }
0x6a: {  	[sflag:s15] =	ssyncset.done $0x0  }
0x6b: {  	s13 =	rddreg [dreg:$0x14];
	[sflag:s15] =	ssyncadd.s32 $0xFFFFE980  }
0x6c: {  	[spmem:s13] =	stream.linear.scatter [tilespmem:s16], [sflag:$0x9], $0x1680, $0x38;
	[tilespmem:$0x1DE00] =	vst v63  }
0x6d: {  	_ =	swait.ge [sflag:s15], $0x1680  }
0x6e: {  	[sflag:s15] =	ssyncset.done $0x0  }
0x6f: {  	s14 =	rddreg [dreg:$0x15];
	[sflag:s15] =	ssyncadd.s32 $0xFFFFE980  }
0x70: {  	[spmem:s14] =	stream.linear.scatter [tilespmem:s16], [sflag:$0x9], $0x1680, $0x38;
	[tilespmem:$0x1DE00] =	vst v63  }
0x71: {  	_ =	swait.ge [sflag:s15], $0x1680  }
0x72: {  	[sflag:s15] =	ssyncset.done $0x0  }
0x73: {  	s9 =	rddreg [dreg:$0x16];
	[sflag:s15] =	ssyncadd.s32 $0xFFFFE980  }
0x74: {  	[spmem:s9] =	stream.linear.scatter [tilespmem:s16], [sflag:$0x9], $0x1680, $0x38;
	[tilespmem:$0x1DE00] =	vst v63  }
0x75: {  	_ =	swait.ge [sflag:s15], $0x1680  }
0x76: {  	[sflag:s15] =	ssyncset.done $0x0  }
0x77: {  	s10 =	rddreg [dreg:$0x17];
	[sflag:s15] =	ssyncadd.s32 $0xFFFFE980  }
0x78: {  	[spmem:s10] =	stream.linear.scatter [tilespmem:s16], [sflag:$0x9], $0x1680, $0x38;
	[tilespmem:$0x1DE00] =	vst v63  }
0x79: {  	_ =	swait.ge [sflag:s15], $0x1680  }
0x7a: {  	[sflag:s15] =	ssyncset.done $0x0  }
0x7b: {  	s11 =	rddreg [dreg:$0x18];
	[sflag:s15] =	ssyncadd.s32 $0xFFFFE980  }
0x7c: {  	[spmem:s11] =	stream.linear.scatter [tilespmem:s16], [sflag:$0x9], $0x1680, $0x38;
	[tilespmem:$0x1DE00] =	vst v63  }
0x7d: {  	_ =	swait.ge [sflag:s15], $0x1680  }
0x7e: {  	[sflag:s15] =	ssyncset.done $0x0  }
0x7f: {  	s12 =	rddreg [dreg:$0x19];
	[sflag:s15] =	ssyncadd.s32 $0xFFFFE980  }
0x80: {  	[spmem:s12] =	stream.linear.scatter [tilespmem:s16], [sflag:$0x9], $0xE10, $0x38;
	[tilespmem:$0x1DE00] =	vst v63  }
0x81: {  	_ =	swait.ge [sflag:s15], $0xE10  }
0x82: {  	[sflag:s15] =	ssyncset.done $0x0  }
0x83: {  	[sflag:s15] =	ssyncadd.s32 $0xFFFFF1F0  }
0x84: {  	[bflag:$0x0] =	sbarrier.arrive $0xFFFF  }
0x85: {  	v1 =	vld [tilespmem:$0x7DF0]  }
0x86: {  	v2 =	vld [tilespmem:$0x7E00]  }
0x87: {  	v3 =	vld [tilespmem:$0x7E10]  }
0x88: {  	v4 =	vld [tilespmem:$0x7E20]  }
0x89: {  	v5 =	vld [tilespmem:$0x7E30]  }
0x8a: {  	v6 =	vld [tilespmem:$0x7E40]  }
0x8b: {  	v7 =	vld [tilespmem:$0x7E50];
	s13 =	rddreg [dreg:$0x1a]  }
0x8c: {  	v8 =	vld [tilespmem:$0x7E60];
	[tilespmem:s4], [sflag:$0x1] =	stream.strided.gather [hbm4b:s13+s17], $0x50, s18, s17, $0x38  }
0x8d: {  	s14 =	rddreg [dreg:$0x1b]  }
0x8e: {  	[tilespmem:s19], [sflag:$0x2] =	stream.strided.gather [hbm4b:s14+s17], $0x50, s18, s17, $0x38;
	[tilespmem:$0x1DE00] =	vst v63  }
0x8f: {  	_ =	swait.ge [sflag:s20], $0x50  }
0x90: {  	[sflag:s20] =	ssyncset.done $0x0  }
0x91: {  	s9 =	simm.s32 $0xA0;
	[sflag:s20] =	ssyncadd.s32 $0xFFFFFFB0  }
0x92: {  	[tilespmem:s9], [sflag:$0x3] =	stream.indirect.gather [hbm4b:s1+s21], $0x80, s4, s21, $0xb8;
	[tilespmem:$0x1DE00] =	vst v63  }
0x93: {  	s10 =	simm.s32 $0x14A0  }
0x94: {  	[tilespmem:s10], [sflag:$0x4] =	stream.indirect.gather [hbm4b:s6+s21], $0x80, s17, s21, $0xb8;
	[tilespmem:$0x1DE00] =	vst v63  }
0x95: {  	s11 =	simm.s32 $0xCA0  }
0x96: {  	[tilespmem:s11], [sflag:$0x3] =	stream.indirect.gather [hbm4b:s1+s24], $0x80, s21, s24, $0xb8;
	[tilespmem:$0x1DE00] =	vst v63  }
0x97: {  	s12 =	simm.s32 $0x40;
	s9 =	simm.s32 $0x20A0  }
0x98: {  	[tilespmem:s9], [sflag:$0x4] =	stream.indirect.gather [hbm4b:s6+s24], $0x80, s12, s24, $0xb8;
	[tilespmem:$0x1DE00] =	vst v63  }
0x99: {  	_ =	swait.ge [sflag:s29], $0xC00  }
0x9a: {  	[sflag:s29] =	ssyncset.done $0x0  }
0x9b: {  	[sflag:s29] =	ssyncadd.s32 $0xFFFFF400  }
0x9c: {  	_ =	swait.ge [sflag:s30], $0xC00  }
0x9d: {  	[sflag:s30] =	ssyncset.done $0x0  }
0x9e: {  	[sflag:s30] =	ssyncadd.s32 $0xFFFFF400  }
0x9f: {  	_ =	swait.ge [sflag:s29], $0x800  }
0xa0: {  	[sflag:s29] =	ssyncset.done $0x0  }
0xa1: {  	[sflag:s29] =	ssyncadd.s32 $0xFFFFF800  }
0xa2: {  	_ =	swait.ge [sflag:s30], $0x800  }
0xa3: {  	[sflag:s30] =	ssyncset.done $0x0  }
0xa4: {  	[sflag:s30] =	ssyncadd.s32 $0xFFFFF800  }
0xa5: {  	v9 =	vld [tilespmem:$0x28]  }
0xa6: {  	v10 =	vld [tilespmem:$0x38]  }
0xa7: {  	v11 =	vld [tilespmem:$0x40];
	_ =	sdelay $0x2  }
0xa8: {  	[tilespmem:$0x7DA0] =	vst v9  }
0xa9: {  	[tilespmem:$0x7DB0] =	vst v10  }
0xaa: {  	s13 =	rddreg [dreg:$0x1c];
	[tilespmem:$0x7DB8] =	vst v11  }
0xab: {  	[tilespmem:s4], [sflag:$0x1] =	stream.strided.gather [hbm4b:s13+s17], $0x50, s18, s17, $0x38;
	[tilespmem:$0x1DE00] =	vst v63  }
0xac: {  	_ =	swait.ge [sflag:s2], $0x50  }
0xad: {  	[sflag:s2] =	ssyncset.done $0x0  }
0xae: {  	s14 =	simm.s32 $0x28A0;
	[sflag:s2] =	ssyncadd.s32 $0xFFFFFFB0  }
0xaf: {  	[tilespmem:s14], [sflag:$0x5] =	stream.indirect.gather [hbm4b:s1+s21], $0x80, s19, s21, $0xb8;
	[tilespmem:$0x1DE00] =	vst v63  }
0xb0: {  	s10 =	simm.s32 $0x3CA0;
	s9 =	simm.s32 $0x78  }
0xb1: {  	[tilespmem:s10], [sflag:$0x6] =	stream.indirect.gather [hbm4b:s6+s21], $0x80, s9, s21, $0xb8;
	[tilespmem:$0x1DE00] =	vst v63  }
0xb2: {  	s11 =	simm.s32 $0x68;
	s12 =	simm.s32 $0x34A0  }
0xb3: {  	[tilespmem:s12], [sflag:$0x5] =	stream.indirect.gather [hbm4b:s1+s24], $0x80, s11, s24, $0xb8;
	[tilespmem:$0x1DE00] =	vst v63  }
0xb4: {  	s13 =	simm.s32 $0x90;
	s14 =	simm.s32 $0x48A0;
	s9 =	simm.s32 $0x120  }
0xb5: {  	[tilespmem:s14], [sflag:$0x6] =	stream.indirect.gather [hbm4b:s6+s24], $0x80, s13, s24, $0xb8;
	[tilespmem:$0x1DE00] =	vst v63  }
0xb6: {  	s10 =	simm.s32 $0x1520;
	v9 =	vld [tilespmem:s9+$0xFFFFFF80]  }
0xb7: {  	v10 =	vld [tilespmem:s10+$0xFFFFFF80]  }
0xb8: {  	v11 =	vld [tilespmem:s10+$0xFFFFFF90]  }
0xb9: {  	v12 =	vld [tilespmem:s9+$0xFFFFFF90]  }
0xba: {  	v13 =	vld [tilespmem:s10+$0xFFFFFFA0]  }
0xbb: {  	v14 =	vld [tilespmem:s9+$0xFFFFFFA0]  }
0xbc: {  	v15 =	vld [tilespmem:s9+$0xFFFFFFB0];
	v10 =	vadd.f32 v10, v9  }
0xbd: {  	v16 =	vld [tilespmem:s10+$0xFFFFFFB0]  }
0xbe: {  	v18 =	vld [tilespmem:s10+$0xFFFFFFC0];
	v11 =	vadd.f32 v11, v12;
	v17 =	vmul.f32 $2.000000030e-01, v10  }
0xbf: {  	v19 =	vld [tilespmem:s9+$0xFFFFFFC0]  }
0xc0: {  	v20 =	vld [tilespmem:s10+$0xFFFFFFD0];
	v13 =	vadd.f32 v13, v14;
	v10 =	vmax.f32 v10, v17;
	v17 =	vmul.f32 $2.000000030e-01, v11  }
0xc1: {  	v21 =	vld [tilespmem:s9+$0xFFFFFFD0];
	v10 =	vmul.f32 v10, v1  }
0xc2: {  	v22 =	vld [tilespmem:s10+$0xFFFFFFE0];
	v16 =	vadd.f32 v16, v15;
	v11 =	vmax.f32 v11, v17;
	v17 =	vmul.f32 $2.000000030e-01, v13  }
0xc3: {  	v23 =	vld [tilespmem:s9+$0xFFFFFFE0];
	v10 =	vadd.f32 $0.0e+00, v10;
	v11 =	vmul.f32 v11, v2  }
0xc4: {  	v24 =	vld [tilespmem:s10+$0xFFFFFFF0];
	v18 =	vadd.f32 v18, v19;
	v13 =	vmax.f32 v13, v17;
	v17 =	vmul.f32 $2.000000030e-01, v16  }
0xc5: {  	v10 =	vadd.f32 v11, v10;
	v11 =	vmul.f32 v13, v3;
	v13 =	vld [tilespmem:s9+$0xFFFFFFF0]  }
0xc6: {  	v20 =	vadd.f32 v20, v21;
	v16 =	vmax.f32 v16, v17;
	v17 =	vmul.f32 $2.000000030e-01, v18  }
0xc7: {  	v10 =	vadd.f32 v11, v10;
	v11 =	vmul.f32 v16, v4  }
0xc8: {  	v16 =	vmax.f32 v18, v17;
	v17 =	vmul.f32 $2.000000030e-01, v20;
	v18 =	vadd.f32 v22, v23  }
0xc9: {  	v10 =	vadd.f32 v11, v10;
	v11 =	vmul.f32 v16, v5  }
0xca: {  	v16 =	vmax.f32 v20, v17;
	v17 =	vmul.f32 $2.000000030e-01, v18;
	v50 =	vadd.f32 v24, v13  }
0xcb: {  	v10 =	vadd.f32 v11, v10;
	v11 =	vmul.f32 v16, v6  }
0xcc: {  	v16 =	vmax.f32 v18, v17;
	v17 =	vmul.f32 $2.000000030e-01, v50  }
0xcd: {  	v10 =	vadd.f32 v11, v10;
	v11 =	vmul.f32 v16, v7  }
0xce: {  	v16 =	vmax.f32 v50, v17  }
0xcf: {  	v10 =	vadd.f32 v11, v10;
	v11 =	vmul.f32 v16, v8;
	_ =	sdelay $0x1  }
0xd0: {  	v10 =	vadd.f32 v11, v10;
	_ =	sdelay $0x1  }
0xd1: {  	(xrf2) =	vadd.scan.msk.f32 $0xffff, v10;
	_ =	sdelay $0x9  }
0xd2: {  	v10, _, _ =	vpop (xrf2)  }
0xd3: {  	v10 =	vmul.f32 $1.442695020e+00, v10;
	_ =	sdelay $0x1  }
0xd4: {  	v10 =	vbroadcast v10, $0xF;
	_ =	sdelay $0x1  }
0xd5: {  	(erf) = vpow2.f32 v10;
	_ =	sdelay $0x8  }
0xd6: {  	v10 =	vpop (erf)  }
0xd7: {  	s11 =	simm.s32 $0x5130;
	v11 =	vmul.f32 v10, v13;
	v13 =	vnsel vm0, $0x0, v10  }
0xd8: {  	v9 =	vmul.f32 v10, v9;
	[tilespmem:s11+$0xFFFFFFF0] =	vst v13  }
0xd9: {  	v13 =	vmul.f32 v10, v14;
	[tilespmem:s11+$0xFFFFFFE0] =	vst v11  }
0xda: {  	v11 =	vmul.f32 v10, v19;
	[tilespmem:s11+$0xFFFFFF70] =	vst v9  }
0xdb: {  	v9 =	vmul.f32 v10, v15;
	[tilespmem:s11+$0xFFFFFF90] =	vst v13  }
0xdc: {  	v13 =	vmul.f32 v10, v23;
	[tilespmem:s11+$0xFFFFFFB0] =	vst v11  }
0xdd: {  	v11 =	vmul.f32 v10, v21;
	[tilespmem:s11+$0xFFFFFFA0] =	vst v9  }
0xde: {  	v9 =	vmul.f32 v10, v12;
	[tilespmem:s11+$0xFFFFFFD0] =	vst v13  }
0xdf: {  	[tilespmem:s11+$0xFFFFFFC0] =	vst v11  }
0xe0: {  	[tilespmem:s11+$0xFFFFFF80] =	vst v9  }
0xe1: {  	v10 =	vld [tilespmem:s9+$0x0]  }
0xe2: {  	v12 =	vld [tilespmem:s10+$0x0]  }
0xe3: {  	v13 =	vld [tilespmem:s10+$0x10]  }
0xe4: {  	v11 =	vld [tilespmem:s9+$0x10]  }
0xe5: {  	v14 =	vld [tilespmem:s10+$0x20]  }
0xe6: {  	v9 =	vld [tilespmem:s9+$0x20]  }
0xe7: {  	v15 =	vld [tilespmem:s10+$0x30];
	v16 =	vadd.f32 v12, v10  }
0xe8: {  	v12 =	vld [tilespmem:s9+$0x30]  }
0xe9: {  	v19 =	vld [tilespmem:s10+$0x40];
	v17 =	vadd.f32 v13, v11;
	v18 =	vmul.f32 $2.000000030e-01, v16  }
0xea: {  	v13 =	vld [tilespmem:s9+$0x40]  }
0xeb: {  	v52 =	vadd.f32 v14, v9;
	v51 =	vmul.f32 $2.000000030e-01, v17;
	v14 =	vmax.f32 v16, v18;
	v18 =	vld [tilespmem:s10+$0x50]  }
0xec: {  	v16 =	vmul.f32 v14, v1;
	v14 =	vld [tilespmem:s9+$0x50]  }
0xed: {  	v55 =	vld [tilespmem:s10+$0x60];
	v53 =	vmul.f32 $2.000000030e-01, v52;
	v17 =	vmax.f32 v17, v51;
	v54 =	vadd.f32 v15, v12  }
0xee: {  	v17 =	vmul.f32 v17, v2;
	v15 =	vld [tilespmem:s9+$0x60];
	v16 =	vadd.f32 $0.0e+00, v16  }
0xef: {  	v57 =	vld [tilespmem:s10+$0x70];
	v20 =	vmax.f32 v52, v53;
	v19 =	vadd.f32 v19, v13;
	v56 =	vmul.f32 $2.000000030e-01, v54  }
0xf0: {  	v20 =	vmul.f32 v20, v3;
	v17 =	vadd.f32 v17, v16;
	v16 =	vld [tilespmem:s9+$0x70]  }
0xf1: {  	v58 =	vmul.f32 $2.000000030e-01, v19;
	v21 =	vmax.f32 v54, v56;
	v18 =	vadd.f32 v18, v14  }
0xf2: {  	v21 =	vmul.f32 v21, v4;
	v17 =	vadd.f32 v20, v17  }
0xf3: {  	v19 =	vmax.f32 v19, v58;
	v60 =	vadd.f32 v55, v15;
	v59 =	vmul.f32 $2.000000030e-01, v18  }
0xf4: {  	v19 =	vmul.f32 v19, v5;
	v17 =	vadd.f32 v21, v17  }
0xf5: {  	v61 =	vmul.f32 $2.000000030e-01, v60;
	v18 =	vmax.f32 v18, v59;
	v62 =	vadd.f32 v57, v16  }
0xf6: {  	v17 =	vadd.f32 v19, v17;
	v18 =	vmul.f32 v18, v6  }
0xf7: {  	v19 =	vmax.f32 v60, v61;
	v63 =	vmul.f32 $2.000000030e-01, v62  }
0xf8: {  	v17 =	vadd.f32 v18, v17;
	v18 =	vmul.f32 v19, v7  }
0xf9: {  	v19 =	vmax.f32 v62, v63  }
0xfa: {  	v17 =	vadd.f32 v18, v17;
	v18 =	vmul.f32 v19, v8;
	_ =	sdelay $0x1  }
0xfb: {  	v17 =	vadd.f32 v18, v17;
	_ =	sdelay $0x1  }
0xfc: {  	(xrf2) =	vadd.scan.msk.f32 $0xffff, v17;
	_ =	sdelay $0x9  }
0xfd: {  	v17, _, _ =	vpop (xrf2)  }
0xfe: {  	v17 =	vmul.f32 $1.442695020e+00, v17;
	_ =	sdelay $0x1  }
0xff: {  	v17 =	vbroadcast v17, $0xF;
	_ =	sdelay $0x1  }
0x100: {  	s12 =	simm.s32 $0x0;
	s13 =	simm.s32 $0x5250;
	(erf) = vpow2.f32 v17  }
.LBB2_4:
0x101: {  	s12 =	sadd.s32 $0x2, s12;
	s10 =	sadd.s32 $0x100, s10;
	s9 =	sadd.s32 $0x100, s9  }
0x102: {  	p0 =	slt.u32 s12, $0x26;
	_ =	sdelay $0x6  }
0x103: {  	v17 =	vpop (erf)  }
0x104: {  	v10 =	vmul.f32 v17, v10;
	v11 =	vmul.f32 v17, v11;
	v18 =	vnsel vm0, $0x0, v17  }
0x105: {  	v9 =	vmul.f32 v17, v9;
	v12 =	vmul.f32 v17, v12;
	[tilespmem:s11+$0x80] =	vst v18  }
0x106: {  	[tilespmem:s11+$0x0] =	vst v10;
	v10 =	vmul.f32 v17, v13;
	v13 =	vmul.f32 v17, v14  }
0x107: {  	v14 =	vmul.f32 v17, v16;
	[tilespmem:s11+$0x10] =	vst v11;
	v11 =	vmul.f32 v17, v15  }
0x108: {  	[tilespmem:s11+$0x50] =	vst v13  }
0x109: {  	[tilespmem:s11+$0x30] =	vst v12  }
0x10a: {  	[tilespmem:s11+$0x70] =	vst v14  }
0x10b: {  	[tilespmem:s11+$0x40] =	vst v10  }
0x10c: {  	[tilespmem:s11+$0x20] =	vst v9  }
0x10d: {  	[tilespmem:s11+$0x60] =	vst v11;
	s11 =	smov.u32 s13;
	_ =	sdelay $0x1  }
0x10e: {  	v9 =	vld [tilespmem:s9+$0xFFFFFF80]  }
0x10f: {  	v10 =	vld [tilespmem:s10+$0xFFFFFF80]  }
0x110: {  	v11 =	vld [tilespmem:s10+$0xFFFFFF90]  }
0x111: {  	v12 =	vld [tilespmem:s9+$0xFFFFFF90]  }
0x112: {  	v13 =	vld [tilespmem:s10+$0xFFFFFFA0]  }
0x113: {  	v14 =	vld [tilespmem:s9+$0xFFFFFFA0]  }
0x114: {  	v10 =	vadd.f32 v10, v9;
	v15 =	vld [tilespmem:s9+$0xFFFFFFB0]  }
0x115: {  	v16 =	vld [tilespmem:s10+$0xFFFFFFB0]  }
0x116: {  	v17 =	vmul.f32 $2.000000030e-01, v10;
	v11 =	vadd.f32 v11, v12;
	v18 =	vld [tilespmem:s10+$0xFFFFFFC0]  }
0x117: {  	v19 =	vld [tilespmem:s9+$0xFFFFFFC0]  }
0x118: {  	v10 =	vmax.f32 v10, v17;
	v17 =	vmul.f32 $2.000000030e-01, v11;
	v13 =	vadd.f32 v13, v14;
	v20 =	vld [tilespmem:s10+$0xFFFFFFD0]  }
0x119: {  	v10 =	vmul.f32 v10, v1;
	v21 =	vld [tilespmem:s9+$0xFFFFFFD0]  }
0x11a: {  	v11 =	vmax.f32 v11, v17;
	v17 =	vmul.f32 $2.000000030e-01, v13;
	v16 =	vadd.f32 v16, v15;
	v22 =	vld [tilespmem:s10+$0xFFFFFFE0]  }
0x11b: {  	v10 =	vadd.f32 $0.0e+00, v10;
	v11 =	vmul.f32 v11, v2;
	v23 =	vld [tilespmem:s9+$0xFFFFFFE0]  }
0x11c: {  	v13 =	vmax.f32 v13, v17;
	v17 =	vmul.f32 $2.000000030e-01, v16;
	v18 =	vadd.f32 v18, v19;
	v24 =	vld [tilespmem:s10+$0xFFFFFFF0]  }
0x11d: {  	v10 =	vadd.f32 v11, v10;
	v11 =	vmul.f32 v13, v3;
	v13 =	vld [tilespmem:s9+$0xFFFFFFF0]  }
0x11e: {  	v16 =	vmax.f32 v16, v17;
	v17 =	vmul.f32 $2.000000030e-01, v18;
	v20 =	vadd.f32 v20, v21  }
0x11f: {  	v10 =	vadd.f32 v11, v10;
	v11 =	vmul.f32 v16, v4  }
0x120: {  	v16 =	vmax.f32 v18, v17;
	v17 =	vmul.f32 $2.000000030e-01, v20;
	v18 =	vadd.f32 v22, v23  }
0x121: {  	v10 =	vadd.f32 v11, v10;
	v11 =	vmul.f32 v16, v5  }
0x122: {  	v16 =	vmax.f32 v20, v17;
	v17 =	vmul.f32 $2.000000030e-01, v18;
	v20 =	vadd.f32 v24, v13  }
0x123: {  	v10 =	vadd.f32 v11, v10;
	v11 =	vmul.f32 v16, v6  }
0x124: {  	v16 =	vmax.f32 v18, v17;
	v17 =	vmul.f32 $2.000000030e-01, v20  }
0x125: {  	v10 =	vadd.f32 v11, v10;
	v11 =	vmul.f32 v16, v7  }
0x126: {  	v16 =	vmax.f32 v20, v17  }
0x127: {  	v10 =	vadd.f32 v11, v10;
	v11 =	vmul.f32 v16, v8;
	_ =	sdelay $0x1  }
0x128: {  	v10 =	vadd.f32 v11, v10;
	_ =	sdelay $0x1  }
0x129: {  	(xrf2) =	vadd.scan.msk.f32 $0xffff, v10;
	_ =	sdelay $0x9  }
0x12a: {  	v10, _, _ =	vpop (xrf2)  }
0x12b: {  	v10 =	vmul.f32 $1.442695020e+00, v10;
	_ =	sdelay $0x1  }
0x12c: {  	v10 =	vbroadcast v10, $0xF;
	_ =	sdelay $0x1  }
0x12d: {  	(erf) = vpow2.f32 v10;
	_ =	sdelay $0x8  }
0x12e: {  	v10 =	vpop (erf)  }
0x12f: {  	v9 =	vmul.f32 v10, v9;
	v11 =	vmul.f32 v10, v13;
	v13 =	vnsel vm0, $0x0, v10  }
0x130: {  	v14 =	vmul.f32 v10, v14;
	v16 =	vmul.f32 v10, v23;
	[tilespmem:s13+$0xFFFFFFF0] =	vst v13  }
0x131: {  	v12 =	vmul.f32 v10, v12;
	v13 =	vmul.f32 v10, v19;
	[tilespmem:s13+$0xFFFFFFE0] =	vst v11  }
0x132: {  	[tilespmem:s13+$0xFFFFFF70] =	vst v9;
	v9 =	vmul.f32 v10, v15;
	v10 =	vmul.f32 v10, v21  }
0x133: {  	[tilespmem:s13+$0xFFFFFF90] =	vst v14  }
0x134: {  	[tilespmem:s13+$0xFFFFFFB0] =	vst v13  }
0x135: {  	[tilespmem:s13+$0xFFFFFFA0] =	vst v9  }
0x136: {  	[tilespmem:s13+$0xFFFFFFD0] =	vst v16  }
0x137: {  	[tilespmem:s13+$0xFFFFFFC0] =	vst v10  }
0x138: {  	[tilespmem:s13+$0xFFFFFF80] =	vst v12  }
0x139: {  	v13 =	vld [tilespmem:s10+$0x10]  }
0x13a: {  	v10 =	vld [tilespmem:s9+$0x0]  }
0x13b: {  	v11 =	vld [tilespmem:s9+$0x10]  }
0x13c: {  	v14 =	vld [tilespmem:s10+$0x0]  }
0x13d: {  	v15 =	vld [tilespmem:s10+$0x20]  }
0x13e: {  	v9 =	vld [tilespmem:s9+$0x20]  }
0x13f: {  	v16 =	vld [tilespmem:s10+$0x30]  }
0x140: {  	v12 =	vld [tilespmem:s9+$0x30]  }
0x141: {  	v13 =	vadd.f32 v13, v11;
	v14 =	vadd.f32 v14, v10;
	_ =	sdelay $0x1  }
0x142: {  	v18 =	vmul.f32 $2.000000030e-01, v13;
	v17 =	vmul.f32 $2.000000030e-01, v14;
	v15 =	vadd.f32 v15, v9  }
0x143: {  	v19 =	vld [tilespmem:s10+$0x40]  }
0x144: {  	v18 =	vmax.f32 v13, v18;
	v20 =	vmul.f32 $2.000000030e-01, v15;
	v16 =	vadd.f32 v16, v12;
	v13 =	vld [tilespmem:s9+$0x40]  }
0x145: {  	v14 =	vmax.f32 v14, v17;
	v17 =	vmul.f32 v18, v2;
	v18 =	vld [tilespmem:s10+$0x50]  }
0x146: {  	v21 =	vmul.f32 v14, v1;
	v15 =	vmax.f32 v15, v20;
	v20 =	vmul.f32 $2.000000030e-01, v16;
	v14 =	vld [tilespmem:s9+$0x50]  }
0x147: {  	v22 =	vmul.f32 v15, v3;
	v23 =	vld [tilespmem:s10+$0x60]  }
0x148: {  	v21 =	vadd.f32 $0.0e+00, v21;
	v16 =	vmax.f32 v16, v20;
	v15 =	vld [tilespmem:s9+$0x60]  }
0x149: {  	v20 =	vmul.f32 v16, v4;
	v19 =	vadd.f32 v19, v13;
	v24 =	vld [tilespmem:s10+$0x70]  }
0x14a: {  	v17 =	vadd.f32 v17, v21;
	v16 =	vld [tilespmem:s9+$0x70]  }
0x14b: {  	v21 =	vmul.f32 $2.000000030e-01, v19;
	v18 =	vadd.f32 v18, v14  }
0x14c: {  	v17 =	vadd.f32 v22, v17  }
0x14d: {  	v19 =	vmax.f32 v19, v21;
	v21 =	vmul.f32 $2.000000030e-01, v18;
	v22 =	vadd.f32 v23, v15  }
0x14e: {  	v17 =	vadd.f32 v20, v17;
	v19 =	vmul.f32 v19, v5  }
0x14f: {  	v18 =	vmax.f32 v18, v21;
	v20 =	vmul.f32 $2.000000030e-01, v22;
	v21 =	vadd.f32 v24, v16  }
0x150: {  	v17 =	vadd.f32 v19, v17;
	v18 =	vmul.f32 v18, v6  }
0x151: {  	v19 =	vmax.f32 v22, v20;
	v20 =	vmul.f32 $2.000000030e-01, v21  }
0x152: {  	v17 =	vadd.f32 v18, v17;
	v18 =	vmul.f32 v19, v7  }
0x153: {  	v19 =	vmax.f32 v21, v20  }
0x154: {  	v17 =	vadd.f32 v18, v17;
	v18 =	vmul.f32 v19, v8;
	_ =	sdelay $0x1  }
0x155: {  	v17 =	vadd.f32 v18, v17;
	_ =	sdelay $0x1  }
0x156: {  	(xrf2) =	vadd.scan.msk.f32 $0xffff, v17;
	_ =	sdelay $0x9  }
0x157: {  	v17, _, _ =	vpop (xrf2)  }
.Ltmp1:
0x158: {  	v17 =	vmul.f32 $1.442695020e+00, v17;
	(pc) =	sbr.rel @p0 .LBB2_4-.Ltmp1, $3  }
0x159: {  	_ = 	snop  }
0x15a: {  	v17 =	vbroadcast v17, $0xF;
	_ =	sdelay $0x1  }
0x15b: {  	s13 =	sadd.s32 $0x120, s13;
	(erf) = vpow2.f32 v17  }
0x15c: {  	_ =	sdelay $0x7  }
0x15d: {  	v17 =	vpop (erf)  }
0x15e: {  	v10 =	vmul.f32 v17, v10;
	v18 =	vnsel vm0, $0x0, v17  }
0x15f: {  	v11 =	vmul.f32 v17, v11;
	[tilespmem:s11+$0x80] =	vst v18  }
0x160: {  	v12 =	vmul.f32 v17, v12;
	[tilespmem:s11+$0x0] =	vst v10  }
0x161: {  	v9 =	vmul.f32 v17, v9;
	[tilespmem:s11+$0x10] =	vst v11  }
0x162: {  	v10 =	vmul.f32 v17, v14;
	[tilespmem:s11+$0x30] =	vst v12  }
0x163: {  	v11 =	vmul.f32 v17, v16;
	[tilespmem:s11+$0x20] =	vst v9  }
0x164: {  	[tilespmem:s11+$0x50] =	vst v10;
	v10 =	vmul.f32 v17, v13  }
0x165: {  	[tilespmem:s11+$0x70] =	vst v11;
	v11 =	vmul.f32 v17, v15  }
0x166: {  	[tilespmem:s11+$0x40] =	vst v10  }
0x167: {  	s8 =	simm.s32 $0x7DA0;
	[tilespmem:s11+$0x60] =	vst v11  }
0x168: {  	[spmem:s3] =	stream.indirect.scatter.add.f32 [tilespmem:s16], [sflag:$0x7], $0x90, s8, s17, $0xb8;
	[tilespmem:$0x1DE00] =	vst v63  }
0x169: {  	_ =	swait.ge [sflag:s22], $0xC00  }
0x16a: {  	[sflag:s22] =	ssyncset.done $0x0  }
0x16b: {  	[sflag:s22] =	ssyncadd.s32 $0xFFFFF400  }
0x16c: {  	_ =	swait.ge [sflag:s23], $0xC00  }
0x16d: {  	[sflag:s23] =	ssyncset.done $0x0  }
0x16e: {  	[sflag:s23] =	ssyncadd.s32 $0xFFFFF400  }
0x16f: {  	_ =	swait.ge [sflag:s22], $0x800  }
0x170: {  	[sflag:s22] =	ssyncset.done $0x0  }
0x171: {  	[sflag:s22] =	ssyncadd.s32 $0xFFFFF800  }
0x172: {  	_ =	swait.ge [sflag:s23], $0x800  }
0x173: {  	[sflag:s23] =	ssyncset.done $0x0  }
0x174: {  	[sflag:s23] =	ssyncadd.s32 $0xFFFFF800  }
0x175: {  	v9 =	vld [tilespmem:$0x78]  }
0x176: {  	v10 =	vld [tilespmem:$0x88]  }
0x177: {  	v11 =	vld [tilespmem:$0x90];
	_ =	sdelay $0x2  }
0x178: {  	[tilespmem:$0x7DC8] =	vst v9  }
0x179: {  	[tilespmem:$0x7DD8] =	vst v10  }
0x17a: {  	s10 =	rddreg [dreg:$0x1d];
	[tilespmem:$0x7DE0] =	vst v11  }
0x17b: {  	[tilespmem:s19], [sflag:$0x2] =	stream.strided.gather [hbm4b:s10+s17], $0x50, s18, s17, $0x38;
	[tilespmem:$0x1DE00] =	vst v63  }
0x17c: {  	_ =	swait.ge [sflag:s20], $0x50  }
0x17d: {  	[sflag:s20] =	ssyncset.done $0x0  }
0x17e: {  	s11 =	simm.s32 $0xA0;
	[sflag:s20] =	ssyncadd.s32 $0xFFFFFFB0  }
0x17f: {  	[tilespmem:s11], [sflag:$0x3] =	stream.indirect.gather [hbm4b:s1+s21], $0x80, s4, s21, $0xb8;
	[tilespmem:$0x1DE00] =	vst v63  }
0x180: {  	s12 =	simm.s32 $0x14A0  }
0x181: {  	[tilespmem:s12], [sflag:$0x4] =	stream.indirect.gather [hbm4b:s6+s21], $0x80, s17, s21, $0xb8;
	[tilespmem:$0x1DE00] =	vst v63  }
0x182: {  	s13 =	simm.s32 $0xCA0  }
0x183: {  	[tilespmem:s13], [sflag:$0x3] =	stream.indirect.gather [hbm4b:s1+s24], $0x80, s21, s24, $0xb8;
	[tilespmem:$0x1DE00] =	vst v63  }
0x184: {  	s14 =	simm.s32 $0x40;
	s9 =	simm.s32 $0x20A0  }
0x185: {  	[tilespmem:s9], [sflag:$0x4] =	stream.indirect.gather [hbm4b:s6+s24], $0x80, s14, s24, $0xb8;
	[tilespmem:$0x1DE00] =	vst v63  }
0x186: {  	s9 =	simm.s32 $0x2920  }
0x187: {  	s10 =	simm.s32 $0x3D20;
	v9 =	vld [tilespmem:s9+$0xFFFFFF80]  }
0x188: {  	v10 =	vld [tilespmem:s10+$0xFFFFFF80]  }
0x189: {  	v11 =	vld [tilespmem:s10+$0xFFFFFF90]  }
0x18a: {  	v12 =	vld [tilespmem:s9+$0xFFFFFF90]  }
0x18b: {  	v13 =	vld [tilespmem:s10+$0xFFFFFFA0]  }
0x18c: {  	v14 =	vld [tilespmem:s9+$0xFFFFFFA0]  }
0x18d: {  	v15 =	vld [tilespmem:s9+$0xFFFFFFB0];
	v10 =	vadd.f32 v10, v9  }
0x18e: {  	v16 =	vld [tilespmem:s10+$0xFFFFFFB0]  }
0x18f: {  	v18 =	vld [tilespmem:s10+$0xFFFFFFC0];
	v11 =	vadd.f32 v11, v12;
	v17 =	vmul.f32 $2.000000030e-01, v10  }
0x190: {  	v19 =	vld [tilespmem:s9+$0xFFFFFFC0]  }
0x191: {  	v20 =	vld [tilespmem:s10+$0xFFFFFFD0];
	v13 =	vadd.f32 v13, v14;
	v10 =	vmax.f32 v10, v17;
	v17 =	vmul.f32 $2.000000030e-01, v11  }
0x192: {  	v21 =	vld [tilespmem:s9+$0xFFFFFFD0];
	v10 =	vmul.f32 v10, v1  }
0x193: {  	v22 =	vld [tilespmem:s10+$0xFFFFFFE0];
	v16 =	vadd.f32 v16, v15;
	v11 =	vmax.f32 v11, v17;
	v17 =	vmul.f32 $2.000000030e-01, v13  }
0x194: {  	v23 =	vld [tilespmem:s9+$0xFFFFFFE0];
	v10 =	vadd.f32 $0.0e+00, v10;
	v11 =	vmul.f32 v11, v2  }
0x195: {  	v24 =	vld [tilespmem:s10+$0xFFFFFFF0];
	v18 =	vadd.f32 v18, v19;
	v13 =	vmax.f32 v13, v17;
	v17 =	vmul.f32 $2.000000030e-01, v16  }
0x196: {  	v10 =	vadd.f32 v11, v10;
	v11 =	vmul.f32 v13, v3;
	v13 =	vld [tilespmem:s9+$0xFFFFFFF0]  }
0x197: {  	v20 =	vadd.f32 v20, v21;
	v16 =	vmax.f32 v16, v17;
	v17 =	vmul.f32 $2.000000030e-01, v18  }
0x198: {  	v10 =	vadd.f32 v11, v10;
	v11 =	vmul.f32 v16, v4  }
0x199: {  	v16 =	vmax.f32 v18, v17;
	v17 =	vmul.f32 $2.000000030e-01, v20;
	v18 =	vadd.f32 v22, v23  }
0x19a: {  	v10 =	vadd.f32 v11, v10;
	v11 =	vmul.f32 v16, v5  }
0x19b: {  	v16 =	vmax.f32 v20, v17;
	v17 =	vmul.f32 $2.000000030e-01, v18;
	v50 =	vadd.f32 v24, v13  }
0x19c: {  	v10 =	vadd.f32 v11, v10;
	v11 =	vmul.f32 v16, v6  }
0x19d: {  	v16 =	vmax.f32 v18, v17;
	v17 =	vmul.f32 $2.000000030e-01, v50  }
0x19e: {  	v10 =	vadd.f32 v11, v10;
	v11 =	vmul.f32 v16, v7  }
0x19f: {  	v16 =	vmax.f32 v50, v17  }
0x1a0: {  	v10 =	vadd.f32 v11, v10;
	v11 =	vmul.f32 v16, v8;
	_ =	sdelay $0x1  }
0x1a1: {  	v10 =	vadd.f32 v11, v10;
	_ =	sdelay $0x1  }
0x1a2: {  	(xrf2) =	vadd.scan.msk.f32 $0xffff, v10;
	_ =	sdelay $0x9  }
0x1a3: {  	v10, _, _ =	vpop (xrf2)  }
0x1a4: {  	v10 =	vmul.f32 $1.442695020e+00, v10;
	_ =	sdelay $0x1  }
0x1a5: {  	v10 =	vbroadcast v10, $0xF;
	_ =	sdelay $0x1  }
0x1a6: {  	(erf) = vpow2.f32 v10;
	_ =	sdelay $0x8  }
0x1a7: {  	v10 =	vpop (erf)  }
0x1a8: {  	s11 =	simm.s32 $0x67B0;
	v11 =	vmul.f32 v10, v13;
	v13 =	vnsel vm0, $0x0, v10  }
0x1a9: {  	v9 =	vmul.f32 v10, v9;
	[tilespmem:s11+$0xFFFFFFF0] =	vst v13  }
0x1aa: {  	v13 =	vmul.f32 v10, v14;
	[tilespmem:s11+$0xFFFFFFE0] =	vst v11  }
0x1ab: {  	v11 =	vmul.f32 v10, v19;
	[tilespmem:s11+$0xFFFFFF70] =	vst v9  }
0x1ac: {  	v9 =	vmul.f32 v10, v15;
	[tilespmem:s11+$0xFFFFFF90] =	vst v13  }
0x1ad: {  	v13 =	vmul.f32 v10, v23;
	[tilespmem:s11+$0xFFFFFFB0] =	vst v11  }
0x1ae: {  	v11 =	vmul.f32 v10, v21;
	[tilespmem:s11+$0xFFFFFFA0] =	vst v9  }
0x1af: {  	v9 =	vmul.f32 v10, v12;
	[tilespmem:s11+$0xFFFFFFD0] =	vst v13  }
0x1b0: {  	[tilespmem:s11+$0xFFFFFFC0] =	vst v11  }
0x1b1: {  	[tilespmem:s11+$0xFFFFFF80] =	vst v9  }
0x1b2: {  	v10 =	vld [tilespmem:s9+$0x0]  }
0x1b3: {  	v12 =	vld [tilespmem:s10+$0x0]  }
0x1b4: {  	v13 =	vld [tilespmem:s10+$0x10]  }
0x1b5: {  	v11 =	vld [tilespmem:s9+$0x10]  }
0x1b6: {  	v14 =	vld [tilespmem:s10+$0x20]  }
0x1b7: {  	v9 =	vld [tilespmem:s9+$0x20]  }
0x1b8: {  	v15 =	vld [tilespmem:s10+$0x30];
	v16 =	vadd.f32 v12, v10  }
0x1b9: {  	v12 =	vld [tilespmem:s9+$0x30]  }
0x1ba: {  	v19 =	vld [tilespmem:s10+$0x40];
	v17 =	vadd.f32 v13, v11;
	v18 =	vmul.f32 $2.000000030e-01, v16  }
0x1bb: {  	v13 =	vld [tilespmem:s9+$0x40]  }
0x1bc: {  	v52 =	vadd.f32 v14, v9;
	v51 =	vmul.f32 $2.000000030e-01, v17;
	v14 =	vmax.f32 v16, v18;
	v18 =	vld [tilespmem:s10+$0x50]  }
0x1bd: {  	v16 =	vmul.f32 v14, v1;
	v14 =	vld [tilespmem:s9+$0x50]  }
0x1be: {  	v55 =	vld [tilespmem:s10+$0x60];
	v53 =	vmul.f32 $2.000000030e-01, v52;
	v17 =	vmax.f32 v17, v51;
	v54 =	vadd.f32 v15, v12  }
0x1bf: {  	v17 =	vmul.f32 v17, v2;
	v15 =	vld [tilespmem:s9+$0x60];
	v16 =	vadd.f32 $0.0e+00, v16  }
0x1c0: {  	v57 =	vld [tilespmem:s10+$0x70];
	v20 =	vmax.f32 v52, v53;
	v19 =	vadd.f32 v19, v13;
	v56 =	vmul.f32 $2.000000030e-01, v54  }
0x1c1: {  	v20 =	vmul.f32 v20, v3;
	v17 =	vadd.f32 v17, v16;
	v16 =	vld [tilespmem:s9+$0x70]  }
0x1c2: {  	v58 =	vmul.f32 $2.000000030e-01, v19;
	v21 =	vmax.f32 v54, v56;
	v18 =	vadd.f32 v18, v14  }
0x1c3: {  	v21 =	vmul.f32 v21, v4;
	v17 =	vadd.f32 v20, v17  }
0x1c4: {  	v19 =	vmax.f32 v19, v58;
	v60 =	vadd.f32 v55, v15;
	v59 =	vmul.f32 $2.000000030e-01, v18  }
0x1c5: {  	v19 =	vmul.f32 v19, v5;
	v17 =	vadd.f32 v21, v17  }
0x1c6: {  	v61 =	vmul.f32 $2.000000030e-01, v60;
	v18 =	vmax.f32 v18, v59;
	v62 =	vadd.f32 v57, v16  }
0x1c7: {  	v17 =	vadd.f32 v19, v17;
	v18 =	vmul.f32 v18, v6  }
0x1c8: {  	v19 =	vmax.f32 v60, v61;
	v63 =	vmul.f32 $2.000000030e-01, v62  }
0x1c9: {  	v17 =	vadd.f32 v18, v17;
	v18 =	vmul.f32 v19, v7  }
0x1ca: {  	v19 =	vmax.f32 v62, v63  }
0x1cb: {  	v17 =	vadd.f32 v18, v17;
	v18 =	vmul.f32 v19, v8;
	_ =	sdelay $0x1  }
0x1cc: {  	v17 =	vadd.f32 v18, v17;
	_ =	sdelay $0x1  }
0x1cd: {  	(xrf2) =	vadd.scan.msk.f32 $0xffff, v17;
	_ =	sdelay $0x9  }
0x1ce: {  	v17, _, _ =	vpop (xrf2)  }
0x1cf: {  	v17 =	vmul.f32 $1.442695020e+00, v17;
	_ =	sdelay $0x1  }
0x1d0: {  	v17 =	vbroadcast v17, $0xF;
	_ =	sdelay $0x1  }
0x1d1: {  	s12 =	simm.s32 $0x0;
	s13 =	simm.s32 $0x68D0;
	(erf) = vpow2.f32 v17  }
.LBB2_6:
0x1d2: {  	s12 =	sadd.s32 $0x2, s12;
	s10 =	sadd.s32 $0x100, s10;
	s9 =	sadd.s32 $0x100, s9  }
0x1d3: {  	p0 =	slt.u32 s12, $0x26;
	_ =	sdelay $0x6  }
0x1d4: {  	v17 =	vpop (erf)  }
0x1d5: {  	v10 =	vmul.f32 v17, v10;
	v11 =	vmul.f32 v17, v11;
	v18 =	vnsel vm0, $0x0, v17  }
0x1d6: {  	v9 =	vmul.f32 v17, v9;
	v12 =	vmul.f32 v17, v12;
	[tilespmem:s11+$0x80] =	vst v18  }
0x1d7: {  	[tilespmem:s11+$0x0] =	vst v10;
	v10 =	vmul.f32 v17, v13;
	v13 =	vmul.f32 v17, v14  }
0x1d8: {  	v14 =	vmul.f32 v17, v16;
	[tilespmem:s11+$0x10] =	vst v11;
	v11 =	vmul.f32 v17, v15  }
0x1d9: {  	[tilespmem:s11+$0x50] =	vst v13  }
0x1da: {  	[tilespmem:s11+$0x30] =	vst v12  }
0x1db: {  	[tilespmem:s11+$0x70] =	vst v14  }
0x1dc: {  	[tilespmem:s11+$0x40] =	vst v10  }
0x1dd: {  	[tilespmem:s11+$0x20] =	vst v9  }
0x1de: {  	[tilespmem:s11+$0x60] =	vst v11;
	s11 =	smov.u32 s13;
	_ =	sdelay $0x1  }
0x1df: {  	v9 =	vld [tilespmem:s9+$0xFFFFFF80]  }
0x1e0: {  	v10 =	vld [tilespmem:s10+$0xFFFFFF80]  }
0x1e1: {  	v11 =	vld [tilespmem:s10+$0xFFFFFF90]  }
0x1e2: {  	v12 =	vld [tilespmem:s9+$0xFFFFFF90]  }
0x1e3: {  	v13 =	vld [tilespmem:s10+$0xFFFFFFA0]  }
0x1e4: {  	v14 =	vld [tilespmem:s9+$0xFFFFFFA0]  }
0x1e5: {  	v10 =	vadd.f32 v10, v9;
	v15 =	vld [tilespmem:s9+$0xFFFFFFB0]  }
0x1e6: {  	v16 =	vld [tilespmem:s10+$0xFFFFFFB0]  }
0x1e7: {  	v17 =	vmul.f32 $2.000000030e-01, v10;
	v11 =	vadd.f32 v11, v12;
	v18 =	vld [tilespmem:s10+$0xFFFFFFC0]  }
0x1e8: {  	v19 =	vld [tilespmem:s9+$0xFFFFFFC0]  }
0x1e9: {  	v10 =	vmax.f32 v10, v17;
	v17 =	vmul.f32 $2.000000030e-01, v11;
	v13 =	vadd.f32 v13, v14;
	v20 =	vld [tilespmem:s10+$0xFFFFFFD0]  }
0x1ea: {  	v10 =	vmul.f32 v10, v1;
	v21 =	vld [tilespmem:s9+$0xFFFFFFD0]  }
0x1eb: {  	v11 =	vmax.f32 v11, v17;
	v17 =	vmul.f32 $2.000000030e-01, v13;
	v16 =	vadd.f32 v16, v15;
	v22 =	vld [tilespmem:s10+$0xFFFFFFE0]  }
0x1ec: {  	v10 =	vadd.f32 $0.0e+00, v10;
	v11 =	vmul.f32 v11, v2;
	v23 =	vld [tilespmem:s9+$0xFFFFFFE0]  }
0x1ed: {  	v13 =	vmax.f32 v13, v17;
	v17 =	vmul.f32 $2.000000030e-01, v16;
	v18 =	vadd.f32 v18, v19;
	v24 =	vld [tilespmem:s10+$0xFFFFFFF0]  }
0x1ee: {  	v10 =	vadd.f32 v11, v10;
	v11 =	vmul.f32 v13, v3;
	v13 =	vld [tilespmem:s9+$0xFFFFFFF0]  }
0x1ef: {  	v16 =	vmax.f32 v16, v17;
	v17 =	vmul.f32 $2.000000030e-01, v18;
	v20 =	vadd.f32 v20, v21  }
0x1f0: {  	v10 =	vadd.f32 v11, v10;
	v11 =	vmul.f32 v16, v4  }
0x1f1: {  	v16 =	vmax.f32 v18, v17;
	v17 =	vmul.f32 $2.000000030e-01, v20;
	v18 =	vadd.f32 v22, v23  }
0x1f2: {  	v10 =	vadd.f32 v11, v10;
	v11 =	vmul.f32 v16, v5  }
0x1f3: {  	v16 =	vmax.f32 v20, v17;
	v17 =	vmul.f32 $2.000000030e-01, v18;
	v20 =	vadd.f32 v24, v13  }
0x1f4: {  	v10 =	vadd.f32 v11, v10;
	v11 =	vmul.f32 v16, v6  }
0x1f5: {  	v16 =	vmax.f32 v18, v17;
	v17 =	vmul.f32 $2.000000030e-01, v20  }
0x1f6: {  	v10 =	vadd.f32 v11, v10;
	v11 =	vmul.f32 v16, v7  }
0x1f7: {  	v16 =	vmax.f32 v20, v17  }
0x1f8: {  	v10 =	vadd.f32 v11, v10;
	v11 =	vmul.f32 v16, v8;
	_ =	sdelay $0x1  }
0x1f9: {  	v10 =	vadd.f32 v11, v10;
	_ =	sdelay $0x1  }
0x1fa: {  	(xrf2) =	vadd.scan.msk.f32 $0xffff, v10;
	_ =	sdelay $0x9  }
0x1fb: {  	v10, _, _ =	vpop (xrf2)  }
0x1fc: {  	v10 =	vmul.f32 $1.442695020e+00, v10;
	_ =	sdelay $0x1  }
0x1fd: {  	v10 =	vbroadcast v10, $0xF;
	_ =	sdelay $0x1  }
0x1fe: {  	(erf) = vpow2.f32 v10;
	_ =	sdelay $0x8  }
0x1ff: {  	v10 =	vpop (erf)  }
0x200: {  	v9 =	vmul.f32 v10, v9;
	v11 =	vmul.f32 v10, v13;
	v13 =	vnsel vm0, $0x0, v10  }
0x201: {  	v14 =	vmul.f32 v10, v14;
	v16 =	vmul.f32 v10, v23;
	[tilespmem:s13+$0xFFFFFFF0] =	vst v13  }
0x202: {  	v12 =	vmul.f32 v10, v12;
	v13 =	vmul.f32 v10, v19;
	[tilespmem:s13+$0xFFFFFFE0] =	vst v11  }
0x203: {  	[tilespmem:s13+$0xFFFFFF70] =	vst v9;
	v9 =	vmul.f32 v10, v15;
	v10 =	vmul.f32 v10, v21  }
0x204: {  	[tilespmem:s13+$0xFFFFFF90] =	vst v14  }
0x205: {  	[tilespmem:s13+$0xFFFFFFB0] =	vst v13  }
0x206: {  	[tilespmem:s13+$0xFFFFFFA0] =	vst v9  }
0x207: {  	[tilespmem:s13+$0xFFFFFFD0] =	vst v16  }
0x208: {  	[tilespmem:s13+$0xFFFFFFC0] =	vst v10  }
0x209: {  	[tilespmem:s13+$0xFFFFFF80] =	vst v12  }
0x20a: {  	v13 =	vld [tilespmem:s10+$0x10]  }
0x20b: {  	v10 =	vld [tilespmem:s9+$0x0]  }
0x20c: {  	v11 =	vld [tilespmem:s9+$0x10]  }
0x20d: {  	v14 =	vld [tilespmem:s10+$0x0]  }
0x20e: {  	v15 =	vld [tilespmem:s10+$0x20]  }
0x20f: {  	v9 =	vld [tilespmem:s9+$0x20]  }
0x210: {  	v16 =	vld [tilespmem:s10+$0x30]  }
0x211: {  	v12 =	vld [tilespmem:s9+$0x30]  }
0x212: {  	v13 =	vadd.f32 v13, v11;
	v14 =	vadd.f32 v14, v10;
	_ =	sdelay $0x1  }
0x213: {  	v18 =	vmul.f32 $2.000000030e-01, v13;
	v17 =	vmul.f32 $2.000000030e-01, v14;
	v15 =	vadd.f32 v15, v9  }
0x214: {  	v19 =	vld [tilespmem:s10+$0x40]  }
0x215: {  	v18 =	vmax.f32 v13, v18;
	v20 =	vmul.f32 $2.000000030e-01, v15;
	v16 =	vadd.f32 v16, v12;
	v13 =	vld [tilespmem:s9+$0x40]  }
0x216: {  	v14 =	vmax.f32 v14, v17;
	v17 =	vmul.f32 v18, v2;
	v18 =	vld [tilespmem:s10+$0x50]  }
0x217: {  	v21 =	vmul.f32 v14, v1;
	v15 =	vmax.f32 v15, v20;
	v20 =	vmul.f32 $2.000000030e-01, v16;
	v14 =	vld [tilespmem:s9+$0x50]  }
0x218: {  	v22 =	vmul.f32 v15, v3;
	v23 =	vld [tilespmem:s10+$0x60]  }
0x219: {  	v21 =	vadd.f32 $0.0e+00, v21;
	v16 =	vmax.f32 v16, v20;
	v15 =	vld [tilespmem:s9+$0x60]  }
0x21a: {  	v20 =	vmul.f32 v16, v4;
	v19 =	vadd.f32 v19, v13;
	v24 =	vld [tilespmem:s10+$0x70]  }
0x21b: {  	v17 =	vadd.f32 v17, v21;
	v16 =	vld [tilespmem:s9+$0x70]  }
0x21c: {  	v21 =	vmul.f32 $2.000000030e-01, v19;
	v18 =	vadd.f32 v18, v14  }
0x21d: {  	v17 =	vadd.f32 v22, v17  }
0x21e: {  	v19 =	vmax.f32 v19, v21;
	v21 =	vmul.f32 $2.000000030e-01, v18;
	v22 =	vadd.f32 v23, v15  }
0x21f: {  	v17 =	vadd.f32 v20, v17;
	v19 =	vmul.f32 v19, v5  }
0x220: {  	v18 =	vmax.f32 v18, v21;
	v20 =	vmul.f32 $2.000000030e-01, v22;
	v21 =	vadd.f32 v24, v16  }
0x221: {  	v17 =	vadd.f32 v19, v17;
	v18 =	vmul.f32 v18, v6  }
0x222: {  	v19 =	vmax.f32 v22, v20;
	v20 =	vmul.f32 $2.000000030e-01, v21  }
0x223: {  	v17 =	vadd.f32 v18, v17;
	v18 =	vmul.f32 v19, v7  }
0x224: {  	v19 =	vmax.f32 v21, v20  }
0x225: {  	v17 =	vadd.f32 v18, v17;
	v18 =	vmul.f32 v19, v8;
	_ =	sdelay $0x1  }
0x226: {  	v17 =	vadd.f32 v18, v17;
	_ =	sdelay $0x1  }
0x227: {  	(xrf2) =	vadd.scan.msk.f32 $0xffff, v17;
	_ =	sdelay $0x9  }
0x228: {  	v17, _, _ =	vpop (xrf2)  }
.Ltmp2:
0x229: {  	v17 =	vmul.f32 $1.442695020e+00, v17;
	(pc) =	sbr.rel @p0 .LBB2_6-.Ltmp2, $3  }
0x22a: {  	_ = 	snop  }
0x22b: {  	v17 =	vbroadcast v17, $0xF;
	_ =	sdelay $0x1  }
0x22c: {  	s13 =	sadd.s32 $0x120, s13;
	(erf) = vpow2.f32 v17  }
0x22d: {  	_ =	sdelay $0x7  }
0x22e: {  	v17 =	vpop (erf)  }
0x22f: {  	v10 =	vmul.f32 v17, v10;
	v18 =	vnsel vm0, $0x0, v17  }
0x230: {  	v11 =	vmul.f32 v17, v11;
	[tilespmem:s11+$0x80] =	vst v18  }
0x231: {  	v12 =	vmul.f32 v17, v12;
	[tilespmem:s11+$0x0] =	vst v10  }
0x232: {  	v9 =	vmul.f32 v17, v9;
	[tilespmem:s11+$0x10] =	vst v11  }
0x233: {  	v10 =	vmul.f32 v17, v14;
	[tilespmem:s11+$0x30] =	vst v12  }
0x234: {  	v11 =	vmul.f32 v17, v16;
	[tilespmem:s11+$0x20] =	vst v9  }
0x235: {  	[tilespmem:s11+$0x50] =	vst v10;
	v10 =	vmul.f32 v17, v13  }
0x236: {  	[tilespmem:s11+$0x70] =	vst v11;
	v11 =	vmul.f32 v17, v15  }
0x237: {  	[tilespmem:s11+$0x40] =	vst v10  }
0x238: {  	s9 =	simm.s32 $0x1;
	[tilespmem:s11+$0x60] =	vst v11  }
0x239: {  	[spmem:s3] =	stream.indirect.scatter.add.f32 [tilespmem:s26], [sflag:$0x8], $0x90, s25, s17, $0xb8;
	[tilespmem:$0x1DE00] =	vst v63  }
.LBB2_8:
0x23a: {  	_ =	swait.ge [sflag:s29], $0xC00  }
0x23b: {  	[sflag:s29] =	ssyncset.done $0x0  }
0x23c: {  	[sflag:s29] =	ssyncadd.s32 $0xFFFFF400  }
0x23d: {  	_ =	swait.ge [sflag:s30], $0xC00  }
0x23e: {  	[sflag:s30] =	ssyncset.done $0x0  }
0x23f: {  	[sflag:s30] =	ssyncadd.s32 $0xFFFFF400  }
0x240: {  	_ =	swait.ge [sflag:s29], $0x800  }
0x241: {  	[sflag:s29] =	ssyncset.done $0x0  }
0x242: {  	[sflag:s29] =	ssyncadd.s32 $0xFFFFF800  }
0x243: {  	_ =	swait.ge [sflag:s30], $0x800  }
0x244: {  	[sflag:s30] =	ssyncset.done $0x0  }
0x245: {  	[sflag:s30] =	ssyncadd.s32 $0xFFFFF800  }
0x246: {  	_ =	swait.ge [sflag:s28], $0x1680  }
0x247: {  	[sflag:s28] =	ssyncset.done $0x0  }
0x248: {  	[sflag:s28] =	ssyncadd.s32 $0xFFFFE980  }
0x249: {  	v9 =	vld [tilespmem:$0x28]  }
0x24a: {  	v10 =	vld [tilespmem:$0x38]  }
0x24b: {  	v11 =	vld [tilespmem:$0x40]  }
0x24c: {  	s10 =	smul.u32 $0x50, s9;
	_ =	sdelay $0x1  }
0x24d: {  	s8 =	sadd.s32 s10, s31;
	[tilespmem:$0x7DA0] =	vst v9  }
0x24e: {  	s8 =	sshrl.u32 s8, $0x3;
	[tilespmem:$0x7DB0] =	vst v10  }
0x24f: {  	s8 =	sadd.s32 s7, s8;
	[tilespmem:$0x7DB8] =	vst v11  }
0x250: {  	[tilespmem:s4], [sflag:$0x1] =	stream.strided.gather [hbm4b:s8+s17], $0x50, s18, s17, $0x38;
	[tilespmem:$0x1DE00] =	vst v63  }
0x251: {  	_ =	swait.ge [sflag:s2], $0x50  }
0x252: {  	[sflag:s2] =	ssyncset.done $0x0  }
0x253: {  	s13 =	simm.s32 $0x28A0;
	[sflag:s2] =	ssyncadd.s32 $0xFFFFFFB0  }
0x254: {  	[tilespmem:s13], [sflag:$0x5] =	stream.indirect.gather [hbm4b:s1+s21], $0x80, s19, s21, $0xb8;
	[tilespmem:$0x1DE00] =	vst v63  }
0x255: {  	s14 =	simm.s32 $0x78;
	s11 =	simm.s32 $0x3CA0  }
0x256: {  	[tilespmem:s11], [sflag:$0x6] =	stream.indirect.gather [hbm4b:s6+s21], $0x80, s14, s21, $0xb8;
	[tilespmem:$0x1DE00] =	vst v63  }
0x257: {  	s12 =	simm.s32 $0x34A0;
	s11 =	simm.s32 $0x68  }
0x258: {  	[tilespmem:s12], [sflag:$0x5] =	stream.indirect.gather [hbm4b:s1+s24], $0x80, s11, s24, $0xb8;
	[tilespmem:$0x1DE00] =	vst v63  }
0x259: {  	s13 =	simm.s32 $0x90;
	s14 =	simm.s32 $0x48A0;
	s11 =	simm.s32 $0x120  }
0x25a: {  	[tilespmem:s14], [sflag:$0x6] =	stream.indirect.gather [hbm4b:s6+s24], $0x80, s13, s24, $0xb8;
	[tilespmem:$0x1DE00] =	vst v63  }
0x25b: {  	s12 =	simm.s32 $0x1520;
	v9 =	vld [tilespmem:s11+$0xFFFFFF80]  }
0x25c: {  	v10 =	vld [tilespmem:s12+$0xFFFFFF80]  }
0x25d: {  	v11 =	vld [tilespmem:s12+$0xFFFFFF90]  }
0x25e: {  	v12 =	vld [tilespmem:s11+$0xFFFFFF90]  }
0x25f: {  	v13 =	vld [tilespmem:s12+$0xFFFFFFA0]  }
0x260: {  	v14 =	vld [tilespmem:s11+$0xFFFFFFA0]  }
0x261: {  	v15 =	vld [tilespmem:s11+$0xFFFFFFB0];
	v10 =	vadd.f32 v10, v9  }
0x262: {  	v16 =	vld [tilespmem:s12+$0xFFFFFFB0]  }
0x263: {  	v18 =	vld [tilespmem:s12+$0xFFFFFFC0];
	v11 =	vadd.f32 v11, v12;
	v17 =	vmul.f32 $2.000000030e-01, v10  }
0x264: {  	v19 =	vld [tilespmem:s11+$0xFFFFFFC0]  }
0x265: {  	v20 =	vld [tilespmem:s12+$0xFFFFFFD0];
	v13 =	vadd.f32 v13, v14;
	v10 =	vmax.f32 v10, v17;
	v17 =	vmul.f32 $2.000000030e-01, v11  }
0x266: {  	v21 =	vld [tilespmem:s11+$0xFFFFFFD0];
	v10 =	vmul.f32 v10, v1  }
0x267: {  	v22 =	vld [tilespmem:s12+$0xFFFFFFE0];
	v16 =	vadd.f32 v16, v15;
	v11 =	vmax.f32 v11, v17;
	v17 =	vmul.f32 $2.000000030e-01, v13  }
0x268: {  	v23 =	vld [tilespmem:s11+$0xFFFFFFE0];
	v10 =	vadd.f32 $0.0e+00, v10;
	v11 =	vmul.f32 v11, v2  }
0x269: {  	v24 =	vld [tilespmem:s12+$0xFFFFFFF0];
	v18 =	vadd.f32 v18, v19;
	v13 =	vmax.f32 v13, v17;
	v17 =	vmul.f32 $2.000000030e-01, v16  }
0x26a: {  	v10 =	vadd.f32 v11, v10;
	v11 =	vmul.f32 v13, v3;
	v13 =	vld [tilespmem:s11+$0xFFFFFFF0]  }
0x26b: {  	v20 =	vadd.f32 v20, v21;
	v16 =	vmax.f32 v16, v17;
	v17 =	vmul.f32 $2.000000030e-01, v18  }
0x26c: {  	v10 =	vadd.f32 v11, v10;
	v11 =	vmul.f32 v16, v4  }
0x26d: {  	v16 =	vmax.f32 v18, v17;
	v17 =	vmul.f32 $2.000000030e-01, v20;
	v18 =	vadd.f32 v22, v23  }
0x26e: {  	v10 =	vadd.f32 v11, v10;
	v11 =	vmul.f32 v16, v5  }
0x26f: {  	v16 =	vmax.f32 v20, v17;
	v17 =	vmul.f32 $2.000000030e-01, v18;
	v50 =	vadd.f32 v24, v13  }
0x270: {  	v10 =	vadd.f32 v11, v10;
	v11 =	vmul.f32 v16, v6  }
0x271: {  	v16 =	vmax.f32 v18, v17;
	v17 =	vmul.f32 $2.000000030e-01, v50  }
0x272: {  	v10 =	vadd.f32 v11, v10;
	v11 =	vmul.f32 v16, v7  }
0x273: {  	v16 =	vmax.f32 v50, v17  }
0x274: {  	v10 =	vadd.f32 v11, v10;
	v11 =	vmul.f32 v16, v8;
	_ =	sdelay $0x1  }
0x275: {  	v10 =	vadd.f32 v11, v10;
	_ =	sdelay $0x1  }
0x276: {  	(xrf2) =	vadd.scan.msk.f32 $0xffff, v10;
	_ =	sdelay $0x9  }
0x277: {  	v10, _, _ =	vpop (xrf2)  }
0x278: {  	v10 =	vmul.f32 $1.442695020e+00, v10;
	_ =	sdelay $0x1  }
0x279: {  	v10 =	vbroadcast v10, $0xF;
	_ =	sdelay $0x1  }
0x27a: {  	(erf) = vpow2.f32 v10;
	_ =	sdelay $0x8  }
0x27b: {  	v10 =	vpop (erf)  }
0x27c: {  	s13 =	simm.s32 $0x5130;
	v11 =	vmul.f32 v10, v13;
	v13 =	vnsel vm0, $0x0, v10  }
0x27d: {  	v9 =	vmul.f32 v10, v9;
	[tilespmem:s13+$0xFFFFFFF0] =	vst v13  }
0x27e: {  	v13 =	vmul.f32 v10, v14;
	[tilespmem:s13+$0xFFFFFFE0] =	vst v11  }
0x27f: {  	v11 =	vmul.f32 v10, v19;
	[tilespmem:s13+$0xFFFFFF70] =	vst v9  }
0x280: {  	v9 =	vmul.f32 v10, v15;
	[tilespmem:s13+$0xFFFFFF90] =	vst v13  }
0x281: {  	v13 =	vmul.f32 v10, v23;
	[tilespmem:s13+$0xFFFFFFB0] =	vst v11  }
0x282: {  	v11 =	vmul.f32 v10, v21;
	[tilespmem:s13+$0xFFFFFFA0] =	vst v9  }
0x283: {  	v9 =	vmul.f32 v10, v12;
	[tilespmem:s13+$0xFFFFFFD0] =	vst v13  }
0x284: {  	[tilespmem:s13+$0xFFFFFFC0] =	vst v11  }
0x285: {  	[tilespmem:s13+$0xFFFFFF80] =	vst v9  }
0x286: {  	v10 =	vld [tilespmem:s11+$0x0]  }
0x287: {  	v12 =	vld [tilespmem:s12+$0x0]  }
0x288: {  	v13 =	vld [tilespmem:s12+$0x10]  }
0x289: {  	v11 =	vld [tilespmem:s11+$0x10]  }
0x28a: {  	v14 =	vld [tilespmem:s12+$0x20]  }
0x28b: {  	v9 =	vld [tilespmem:s11+$0x20]  }
0x28c: {  	v15 =	vld [tilespmem:s12+$0x30];
	v16 =	vadd.f32 v12, v10  }
0x28d: {  	v12 =	vld [tilespmem:s11+$0x30]  }
0x28e: {  	v19 =	vld [tilespmem:s12+$0x40];
	v17 =	vadd.f32 v13, v11;
	v18 =	vmul.f32 $2.000000030e-01, v16  }
0x28f: {  	v13 =	vld [tilespmem:s11+$0x40]  }
0x290: {  	v52 =	vadd.f32 v14, v9;
	v51 =	vmul.f32 $2.000000030e-01, v17;
	v14 =	vmax.f32 v16, v18;
	v18 =	vld [tilespmem:s12+$0x50]  }
0x291: {  	v16 =	vmul.f32 v14, v1;
	v14 =	vld [tilespmem:s11+$0x50]  }
0x292: {  	v55 =	vld [tilespmem:s12+$0x60];
	v53 =	vmul.f32 $2.000000030e-01, v52;
	v17 =	vmax.f32 v17, v51;
	v54 =	vadd.f32 v15, v12  }
0x293: {  	v17 =	vmul.f32 v17, v2;
	v15 =	vld [tilespmem:s11+$0x60];
	v16 =	vadd.f32 $0.0e+00, v16  }
0x294: {  	v57 =	vld [tilespmem:s12+$0x70];
	v20 =	vmax.f32 v52, v53;
	v19 =	vadd.f32 v19, v13;
	v56 =	vmul.f32 $2.000000030e-01, v54  }
0x295: {  	v20 =	vmul.f32 v20, v3;
	v17 =	vadd.f32 v17, v16;
	v16 =	vld [tilespmem:s11+$0x70]  }
0x296: {  	v58 =	vmul.f32 $2.000000030e-01, v19;
	v21 =	vmax.f32 v54, v56;
	v18 =	vadd.f32 v18, v14  }
0x297: {  	v21 =	vmul.f32 v21, v4;
	v17 =	vadd.f32 v20, v17  }
0x298: {  	v19 =	vmax.f32 v19, v58;
	v60 =	vadd.f32 v55, v15;
	v59 =	vmul.f32 $2.000000030e-01, v18  }
0x299: {  	v19 =	vmul.f32 v19, v5;
	v17 =	vadd.f32 v21, v17  }
0x29a: {  	v61 =	vmul.f32 $2.000000030e-01, v60;
	v18 =	vmax.f32 v18, v59;
	v62 =	vadd.f32 v57, v16  }
0x29b: {  	v17 =	vadd.f32 v19, v17;
	v18 =	vmul.f32 v18, v6  }
0x29c: {  	v19 =	vmax.f32 v60, v61;
	v63 =	vmul.f32 $2.000000030e-01, v62  }
0x29d: {  	v17 =	vadd.f32 v18, v17;
	v18 =	vmul.f32 v19, v7  }
0x29e: {  	v19 =	vmax.f32 v62, v63  }
0x29f: {  	v17 =	vadd.f32 v18, v17;
	v18 =	vmul.f32 v19, v8;
	_ =	sdelay $0x1  }
0x2a0: {  	v17 =	vadd.f32 v18, v17;
	_ =	sdelay $0x1  }
0x2a1: {  	(xrf2) =	vadd.scan.msk.f32 $0xffff, v17;
	_ =	sdelay $0x9  }
0x2a2: {  	v17, _, _ =	vpop (xrf2)  }
0x2a3: {  	v17 =	vmul.f32 $1.442695020e+00, v17;
	_ =	sdelay $0x1  }
0x2a4: {  	v17 =	vbroadcast v17, $0xF;
	_ =	sdelay $0x1  }
0x2a5: {  	s8 =	simm.s32 $0x5250;
	s14 =	simm.s32 $0x0;
	(erf) = vpow2.f32 v17  }
.LBB2_9:
0x2a6: {  	s14 =	sadd.s32 $0x2, s14;
	s12 =	sadd.s32 $0x100, s12;
	s11 =	sadd.s32 $0x100, s11  }
0x2a7: {  	p0 =	slt.u32 s14, $0x26;
	_ =	sdelay $0x6  }
0x2a8: {  	v17 =	vpop (erf)  }
0x2a9: {  	v10 =	vmul.f32 v17, v10;
	v11 =	vmul.f32 v17, v11;
	v18 =	vnsel vm0, $0x0, v17  }
0x2aa: {  	v9 =	vmul.f32 v17, v9;
	v12 =	vmul.f32 v17, v12;
	[tilespmem:s13+$0x80] =	vst v18  }
0x2ab: {  	[tilespmem:s13+$0x0] =	vst v10;
	v10 =	vmul.f32 v17, v13;
	v13 =	vmul.f32 v17, v14  }
0x2ac: {  	v14 =	vmul.f32 v17, v16;
	[tilespmem:s13+$0x10] =	vst v11;
	v11 =	vmul.f32 v17, v15  }
0x2ad: {  	[tilespmem:s13+$0x50] =	vst v13  }
0x2ae: {  	[tilespmem:s13+$0x30] =	vst v12  }
0x2af: {  	[tilespmem:s13+$0x70] =	vst v14  }
0x2b0: {  	[tilespmem:s13+$0x40] =	vst v10  }
0x2b1: {  	[tilespmem:s13+$0x20] =	vst v9  }
0x2b2: {  	[tilespmem:s13+$0x60] =	vst v11;
	s13 =	smov.u32 s8;
	_ =	sdelay $0x1  }
0x2b3: {  	v9 =	vld [tilespmem:s11+$0xFFFFFF80]  }
0x2b4: {  	v10 =	vld [tilespmem:s12+$0xFFFFFF80]  }
0x2b5: {  	v11 =	vld [tilespmem:s12+$0xFFFFFF90]  }
0x2b6: {  	v12 =	vld [tilespmem:s11+$0xFFFFFF90]  }
0x2b7: {  	v13 =	vld [tilespmem:s12+$0xFFFFFFA0]  }
0x2b8: {  	v14 =	vld [tilespmem:s11+$0xFFFFFFA0]  }
0x2b9: {  	v10 =	vadd.f32 v10, v9;
	v15 =	vld [tilespmem:s11+$0xFFFFFFB0]  }
0x2ba: {  	v16 =	vld [tilespmem:s12+$0xFFFFFFB0]  }
0x2bb: {  	v17 =	vmul.f32 $2.000000030e-01, v10;
	v11 =	vadd.f32 v11, v12;
	v18 =	vld [tilespmem:s12+$0xFFFFFFC0]  }
0x2bc: {  	v19 =	vld [tilespmem:s11+$0xFFFFFFC0]  }
0x2bd: {  	v10 =	vmax.f32 v10, v17;
	v17 =	vmul.f32 $2.000000030e-01, v11;
	v13 =	vadd.f32 v13, v14;
	v20 =	vld [tilespmem:s12+$0xFFFFFFD0]  }
0x2be: {  	v10 =	vmul.f32 v10, v1;
	v21 =	vld [tilespmem:s11+$0xFFFFFFD0]  }
0x2bf: {  	v11 =	vmax.f32 v11, v17;
	v17 =	vmul.f32 $2.000000030e-01, v13;
	v16 =	vadd.f32 v16, v15;
	v22 =	vld [tilespmem:s12+$0xFFFFFFE0]  }
0x2c0: {  	v10 =	vadd.f32 $0.0e+00, v10;
	v11 =	vmul.f32 v11, v2;
	v23 =	vld [tilespmem:s11+$0xFFFFFFE0]  }
0x2c1: {  	v13 =	vmax.f32 v13, v17;
	v17 =	vmul.f32 $2.000000030e-01, v16;
	v18 =	vadd.f32 v18, v19;
	v24 =	vld [tilespmem:s12+$0xFFFFFFF0]  }
0x2c2: {  	v10 =	vadd.f32 v11, v10;
	v11 =	vmul.f32 v13, v3;
	v13 =	vld [tilespmem:s11+$0xFFFFFFF0]  }
0x2c3: {  	v16 =	vmax.f32 v16, v17;
	v17 =	vmul.f32 $2.000000030e-01, v18;
	v20 =	vadd.f32 v20, v21  }
0x2c4: {  	v10 =	vadd.f32 v11, v10;
	v11 =	vmul.f32 v16, v4  }
0x2c5: {  	v16 =	vmax.f32 v18, v17;
	v17 =	vmul.f32 $2.000000030e-01, v20;
	v18 =	vadd.f32 v22, v23  }
0x2c6: {  	v10 =	vadd.f32 v11, v10;
	v11 =	vmul.f32 v16, v5  }
0x2c7: {  	v16 =	vmax.f32 v20, v17;
	v17 =	vmul.f32 $2.000000030e-01, v18;
	v20 =	vadd.f32 v24, v13  }
0x2c8: {  	v10 =	vadd.f32 v11, v10;
	v11 =	vmul.f32 v16, v6  }
0x2c9: {  	v16 =	vmax.f32 v18, v17;
	v17 =	vmul.f32 $2.000000030e-01, v20  }
0x2ca: {  	v10 =	vadd.f32 v11, v10;
	v11 =	vmul.f32 v16, v7  }
0x2cb: {  	v16 =	vmax.f32 v20, v17  }
0x2cc: {  	v10 =	vadd.f32 v11, v10;
	v11 =	vmul.f32 v16, v8;
	_ =	sdelay $0x1  }
0x2cd: {  	v10 =	vadd.f32 v11, v10;
	_ =	sdelay $0x1  }
0x2ce: {  	(xrf2) =	vadd.scan.msk.f32 $0xffff, v10;
	_ =	sdelay $0x9  }
0x2cf: {  	v10, _, _ =	vpop (xrf2)  }
0x2d0: {  	v10 =	vmul.f32 $1.442695020e+00, v10;
	_ =	sdelay $0x1  }
0x2d1: {  	v10 =	vbroadcast v10, $0xF;
	_ =	sdelay $0x1  }
0x2d2: {  	(erf) = vpow2.f32 v10;
	_ =	sdelay $0x8  }
0x2d3: {  	v10 =	vpop (erf)  }
0x2d4: {  	v9 =	vmul.f32 v10, v9;
	v11 =	vmul.f32 v10, v13;
	v13 =	vnsel vm0, $0x0, v10  }
0x2d5: {  	v14 =	vmul.f32 v10, v14;
	v16 =	vmul.f32 v10, v23;
	[tilespmem:s8+$0xFFFFFFF0] =	vst v13  }
0x2d6: {  	v12 =	vmul.f32 v10, v12;
	v13 =	vmul.f32 v10, v19;
	[tilespmem:s8+$0xFFFFFFE0] =	vst v11  }
0x2d7: {  	[tilespmem:s8+$0xFFFFFF70] =	vst v9;
	v9 =	vmul.f32 v10, v15;
	v10 =	vmul.f32 v10, v21  }
0x2d8: {  	[tilespmem:s8+$0xFFFFFF90] =	vst v14  }
0x2d9: {  	[tilespmem:s8+$0xFFFFFFB0] =	vst v13  }
0x2da: {  	[tilespmem:s8+$0xFFFFFFA0] =	vst v9  }
0x2db: {  	[tilespmem:s8+$0xFFFFFFD0] =	vst v16  }
0x2dc: {  	[tilespmem:s8+$0xFFFFFFC0] =	vst v10  }
0x2dd: {  	[tilespmem:s8+$0xFFFFFF80] =	vst v12  }
0x2de: {  	v13 =	vld [tilespmem:s12+$0x10]  }
0x2df: {  	v10 =	vld [tilespmem:s11+$0x0]  }
0x2e0: {  	v11 =	vld [tilespmem:s11+$0x10]  }
0x2e1: {  	v14 =	vld [tilespmem:s12+$0x0]  }
0x2e2: {  	v15 =	vld [tilespmem:s12+$0x20]  }
0x2e3: {  	v9 =	vld [tilespmem:s11+$0x20]  }
0x2e4: {  	v16 =	vld [tilespmem:s12+$0x30]  }
0x2e5: {  	v12 =	vld [tilespmem:s11+$0x30]  }
0x2e6: {  	v13 =	vadd.f32 v13, v11;
	v14 =	vadd.f32 v14, v10;
	_ =	sdelay $0x1  }
0x2e7: {  	v18 =	vmul.f32 $2.000000030e-01, v13;
	v17 =	vmul.f32 $2.000000030e-01, v14;
	v15 =	vadd.f32 v15, v9  }
0x2e8: {  	v19 =	vld [tilespmem:s12+$0x40]  }
0x2e9: {  	v18 =	vmax.f32 v13, v18;
	v20 =	vmul.f32 $2.000000030e-01, v15;
	v16 =	vadd.f32 v16, v12;
	v13 =	vld [tilespmem:s11+$0x40]  }
0x2ea: {  	v14 =	vmax.f32 v14, v17;
	v17 =	vmul.f32 v18, v2;
	v18 =	vld [tilespmem:s12+$0x50]  }
0x2eb: {  	v21 =	vmul.f32 v14, v1;
	v15 =	vmax.f32 v15, v20;
	v20 =	vmul.f32 $2.000000030e-01, v16;
	v14 =	vld [tilespmem:s11+$0x50]  }
0x2ec: {  	v22 =	vmul.f32 v15, v3;
	v23 =	vld [tilespmem:s12+$0x60]  }
0x2ed: {  	v21 =	vadd.f32 $0.0e+00, v21;
	v16 =	vmax.f32 v16, v20;
	v15 =	vld [tilespmem:s11+$0x60]  }
0x2ee: {  	v20 =	vmul.f32 v16, v4;
	v19 =	vadd.f32 v19, v13;
	v24 =	vld [tilespmem:s12+$0x70]  }
0x2ef: {  	v17 =	vadd.f32 v17, v21;
	v16 =	vld [tilespmem:s11+$0x70]  }
0x2f0: {  	v21 =	vmul.f32 $2.000000030e-01, v19;
	v18 =	vadd.f32 v18, v14  }
0x2f1: {  	v17 =	vadd.f32 v22, v17  }
0x2f2: {  	v19 =	vmax.f32 v19, v21;
	v21 =	vmul.f32 $2.000000030e-01, v18;
	v22 =	vadd.f32 v23, v15  }
0x2f3: {  	v17 =	vadd.f32 v20, v17;
	v19 =	vmul.f32 v19, v5  }
0x2f4: {  	v18 =	vmax.f32 v18, v21;
	v20 =	vmul.f32 $2.000000030e-01, v22;
	v21 =	vadd.f32 v24, v16  }
0x2f5: {  	v17 =	vadd.f32 v19, v17;
	v18 =	vmul.f32 v18, v6  }
0x2f6: {  	v19 =	vmax.f32 v22, v20;
	v20 =	vmul.f32 $2.000000030e-01, v21  }
0x2f7: {  	v17 =	vadd.f32 v18, v17;
	v18 =	vmul.f32 v19, v7  }
0x2f8: {  	v19 =	vmax.f32 v21, v20  }
0x2f9: {  	v17 =	vadd.f32 v18, v17;
	v18 =	vmul.f32 v19, v8;
	_ =	sdelay $0x1  }
0x2fa: {  	v17 =	vadd.f32 v18, v17;
	_ =	sdelay $0x1  }
0x2fb: {  	(xrf2) =	vadd.scan.msk.f32 $0xffff, v17;
	_ =	sdelay $0x9  }
0x2fc: {  	v17, _, _ =	vpop (xrf2)  }
.Ltmp3:
0x2fd: {  	v17 =	vmul.f32 $1.442695020e+00, v17;
	(pc) =	sbr.rel @p0 .LBB2_9-.Ltmp3, $3  }
0x2fe: {  	_ = 	snop  }
0x2ff: {  	v17 =	vbroadcast v17, $0xF;
	_ =	sdelay $0x1  }
0x300: {  	s8 =	sadd.s32 $0x120, s8;
	(erf) = vpow2.f32 v17  }
0x301: {  	_ =	sdelay $0x7  }
0x302: {  	v17 =	vpop (erf)  }
0x303: {  	v10 =	vmul.f32 v17, v10;
	v18 =	vnsel vm0, $0x0, v17  }
0x304: {  	v11 =	vmul.f32 v17, v11;
	[tilespmem:s13+$0x80] =	vst v18  }
0x305: {  	v12 =	vmul.f32 v17, v12;
	[tilespmem:s13+$0x0] =	vst v10  }
0x306: {  	v9 =	vmul.f32 v17, v9;
	[tilespmem:s13+$0x10] =	vst v11  }
0x307: {  	v10 =	vmul.f32 v17, v14;
	[tilespmem:s13+$0x30] =	vst v12  }
0x308: {  	v11 =	vmul.f32 v17, v16;
	[tilespmem:s13+$0x20] =	vst v9  }
0x309: {  	[tilespmem:s13+$0x50] =	vst v10;
	v10 =	vmul.f32 v17, v13  }
0x30a: {  	[tilespmem:s13+$0x70] =	vst v11;
	v11 =	vmul.f32 v17, v15  }
0x30b: {  	[tilespmem:s13+$0x40] =	vst v10  }
0x30c: {  	s8 =	simm.s32 $0x7DA0;
	[tilespmem:s13+$0x60] =	vst v11  }
0x30d: {  	[spmem:s3] =	stream.indirect.scatter.add.f32 [tilespmem:s16], [sflag:$0x7], $0x90, s8, s17, $0xb8;
	[tilespmem:$0x1DE00] =	vst v63  }
0x30e: {  	_ =	swait.ge [sflag:s22], $0xC00  }
0x30f: {  	[sflag:s22] =	ssyncset.done $0x0  }
0x310: {  	[sflag:s22] =	ssyncadd.s32 $0xFFFFF400  }
0x311: {  	_ =	swait.ge [sflag:s23], $0xC00  }
0x312: {  	[sflag:s23] =	ssyncset.done $0x0  }
0x313: {  	[sflag:s23] =	ssyncadd.s32 $0xFFFFF400  }
0x314: {  	_ =	swait.ge [sflag:s22], $0x800  }
0x315: {  	[sflag:s22] =	ssyncset.done $0x0  }
0x316: {  	[sflag:s22] =	ssyncadd.s32 $0xFFFFF800  }
0x317: {  	_ =	swait.ge [sflag:s23], $0x800  }
0x318: {  	[sflag:s23] =	ssyncset.done $0x0  }
0x319: {  	[sflag:s23] =	ssyncadd.s32 $0xFFFFF800  }
0x31a: {  	_ =	swait.ge [sflag:s5], $0x1680  }
0x31b: {  	[sflag:s5] =	ssyncset.done $0x0  }
0x31c: {  	[sflag:s5] =	ssyncadd.s32 $0xFFFFE980  }
0x31d: {  	v9 =	vld [tilespmem:$0x78]  }
0x31e: {  	v10 =	vld [tilespmem:$0x88]  }
0x31f: {  	v11 =	vld [tilespmem:$0x90];
	_ =	sdelay $0x2  }
0x320: {  	s14 =	sadd.s32 s10, s0;
	[tilespmem:$0x7DC8] =	vst v9  }
0x321: {  	s8 =	sshrl.u32 s14, $0x3;
	[tilespmem:$0x7DD8] =	vst v10  }
0x322: {  	s8 =	sadd.s32 s7, s8;
	[tilespmem:$0x7DE0] =	vst v11  }
0x323: {  	[tilespmem:s19], [sflag:$0x2] =	stream.strided.gather [hbm4b:s8+s17], $0x50, s18, s17, $0x38;
	[tilespmem:$0x1DE00] =	vst v63  }
0x324: {  	_ =	swait.ge [sflag:s20], $0x50  }
0x325: {  	[sflag:s20] =	ssyncset.done $0x0  }
0x326: {  	s10 =	simm.s32 $0xA0;
	[sflag:s20] =	ssyncadd.s32 $0xFFFFFFB0  }
0x327: {  	[tilespmem:s10], [sflag:$0x3] =	stream.indirect.gather [hbm4b:s1+s21], $0x80, s4, s21, $0xb8;
	[tilespmem:$0x1DE00] =	vst v63  }
0x328: {  	s11 =	simm.s32 $0x14A0  }
0x329: {  	[tilespmem:s11], [sflag:$0x4] =	stream.indirect.gather [hbm4b:s6+s21], $0x80, s17, s21, $0xb8;
	[tilespmem:$0x1DE00] =	vst v63  }
0x32a: {  	s12 =	simm.s32 $0xCA0  }
0x32b: {  	[tilespmem:s12], [sflag:$0x3] =	stream.indirect.gather [hbm4b:s1+s24], $0x80, s21, s24, $0xb8;
	[tilespmem:$0x1DE00] =	vst v63  }
0x32c: {  	s13 =	simm.s32 $0x40;
	s14 =	simm.s32 $0x20A0;
	s10 =	simm.s32 $0x2920  }
0x32d: {  	[tilespmem:s14], [sflag:$0x4] =	stream.indirect.gather [hbm4b:s6+s24], $0x80, s13, s24, $0xb8;
	[tilespmem:$0x1DE00] =	vst v63  }
0x32e: {  	s11 =	simm.s32 $0x3D20;
	v9 =	vld [tilespmem:s10+$0xFFFFFF80]  }
0x32f: {  	v10 =	vld [tilespmem:s11+$0xFFFFFF80]  }
0x330: {  	v11 =	vld [tilespmem:s11+$0xFFFFFF90]  }
0x331: {  	v12 =	vld [tilespmem:s10+$0xFFFFFF90]  }
0x332: {  	v13 =	vld [tilespmem:s11+$0xFFFFFFA0]  }
0x333: {  	v14 =	vld [tilespmem:s10+$0xFFFFFFA0]  }
0x334: {  	v15 =	vld [tilespmem:s10+$0xFFFFFFB0];
	v10 =	vadd.f32 v10, v9  }
0x335: {  	v16 =	vld [tilespmem:s11+$0xFFFFFFB0]  }
0x336: {  	v18 =	vld [tilespmem:s11+$0xFFFFFFC0];
	v11 =	vadd.f32 v11, v12;
	v17 =	vmul.f32 $2.000000030e-01, v10  }
0x337: {  	v19 =	vld [tilespmem:s10+$0xFFFFFFC0]  }
0x338: {  	v20 =	vld [tilespmem:s11+$0xFFFFFFD0];
	v13 =	vadd.f32 v13, v14;
	v10 =	vmax.f32 v10, v17;
	v17 =	vmul.f32 $2.000000030e-01, v11  }
0x339: {  	v21 =	vld [tilespmem:s10+$0xFFFFFFD0];
	v10 =	vmul.f32 v10, v1  }
0x33a: {  	v22 =	vld [tilespmem:s11+$0xFFFFFFE0];
	v16 =	vadd.f32 v16, v15;
	v11 =	vmax.f32 v11, v17;
	v17 =	vmul.f32 $2.000000030e-01, v13  }
0x33b: {  	v23 =	vld [tilespmem:s10+$0xFFFFFFE0];
	v10 =	vadd.f32 $0.0e+00, v10;
	v11 =	vmul.f32 v11, v2  }
0x33c: {  	v24 =	vld [tilespmem:s11+$0xFFFFFFF0];
	v18 =	vadd.f32 v18, v19;
	v13 =	vmax.f32 v13, v17;
	v17 =	vmul.f32 $2.000000030e-01, v16  }
0x33d: {  	v10 =	vadd.f32 v11, v10;
	v11 =	vmul.f32 v13, v3;
	v13 =	vld [tilespmem:s10+$0xFFFFFFF0]  }
0x33e: {  	v20 =	vadd.f32 v20, v21;
	v16 =	vmax.f32 v16, v17;
	v17 =	vmul.f32 $2.000000030e-01, v18  }
0x33f: {  	v10 =	vadd.f32 v11, v10;
	v11 =	vmul.f32 v16, v4  }
0x340: {  	v16 =	vmax.f32 v18, v17;
	v17 =	vmul.f32 $2.000000030e-01, v20;
	v18 =	vadd.f32 v22, v23  }
0x341: {  	v10 =	vadd.f32 v11, v10;
	v11 =	vmul.f32 v16, v5  }
0x342: {  	v16 =	vmax.f32 v20, v17;
	v17 =	vmul.f32 $2.000000030e-01, v18;
	v50 =	vadd.f32 v24, v13  }
0x343: {  	v10 =	vadd.f32 v11, v10;
	v11 =	vmul.f32 v16, v6  }
0x344: {  	v16 =	vmax.f32 v18, v17;
	v17 =	vmul.f32 $2.000000030e-01, v50  }
0x345: {  	v10 =	vadd.f32 v11, v10;
	v11 =	vmul.f32 v16, v7  }
0x346: {  	v16 =	vmax.f32 v50, v17  }
0x347: {  	v10 =	vadd.f32 v11, v10;
	v11 =	vmul.f32 v16, v8;
	_ =	sdelay $0x1  }
0x348: {  	v10 =	vadd.f32 v11, v10;
	_ =	sdelay $0x1  }
0x349: {  	(xrf2) =	vadd.scan.msk.f32 $0xffff, v10;
	_ =	sdelay $0x9  }
0x34a: {  	v10, _, _ =	vpop (xrf2)  }
0x34b: {  	v10 =	vmul.f32 $1.442695020e+00, v10;
	_ =	sdelay $0x1  }
0x34c: {  	v10 =	vbroadcast v10, $0xF;
	_ =	sdelay $0x1  }
0x34d: {  	(erf) = vpow2.f32 v10;
	_ =	sdelay $0x8  }
0x34e: {  	v10 =	vpop (erf)  }
0x34f: {  	s12 =	simm.s32 $0x67B0;
	v11 =	vmul.f32 v10, v13;
	v13 =	vnsel vm0, $0x0, v10  }
0x350: {  	v9 =	vmul.f32 v10, v9;
	[tilespmem:s12+$0xFFFFFFF0] =	vst v13  }
0x351: {  	v13 =	vmul.f32 v10, v14;
	[tilespmem:s12+$0xFFFFFFE0] =	vst v11  }
0x352: {  	v11 =	vmul.f32 v10, v19;
	[tilespmem:s12+$0xFFFFFF70] =	vst v9  }
0x353: {  	v9 =	vmul.f32 v10, v15;
	[tilespmem:s12+$0xFFFFFF90] =	vst v13  }
0x354: {  	v13 =	vmul.f32 v10, v23;
	[tilespmem:s12+$0xFFFFFFB0] =	vst v11  }
0x355: {  	v11 =	vmul.f32 v10, v21;
	[tilespmem:s12+$0xFFFFFFA0] =	vst v9  }
0x356: {  	v9 =	vmul.f32 v10, v12;
	[tilespmem:s12+$0xFFFFFFD0] =	vst v13  }
0x357: {  	[tilespmem:s12+$0xFFFFFFC0] =	vst v11  }
0x358: {  	[tilespmem:s12+$0xFFFFFF80] =	vst v9  }
0x359: {  	v10 =	vld [tilespmem:s10+$0x0]  }
0x35a: {  	v12 =	vld [tilespmem:s11+$0x0]  }
0x35b: {  	v13 =	vld [tilespmem:s11+$0x10]  }
0x35c: {  	v11 =	vld [tilespmem:s10+$0x10]  }
0x35d: {  	v14 =	vld [tilespmem:s11+$0x20]  }
0x35e: {  	v9 =	vld [tilespmem:s10+$0x20]  }
0x35f: {  	v15 =	vld [tilespmem:s11+$0x30];
	v16 =	vadd.f32 v12, v10  }
0x360: {  	v12 =	vld [tilespmem:s10+$0x30]  }
0x361: {  	v19 =	vld [tilespmem:s11+$0x40];
	v17 =	vadd.f32 v13, v11;
	v18 =	vmul.f32 $2.000000030e-01, v16  }
0x362: {  	v13 =	vld [tilespmem:s10+$0x40]  }
0x363: {  	v52 =	vadd.f32 v14, v9;
	v51 =	vmul.f32 $2.000000030e-01, v17;
	v14 =	vmax.f32 v16, v18;
	v18 =	vld [tilespmem:s11+$0x50]  }
0x364: {  	v16 =	vmul.f32 v14, v1;
	v14 =	vld [tilespmem:s10+$0x50]  }
0x365: {  	v55 =	vld [tilespmem:s11+$0x60];
	v53 =	vmul.f32 $2.000000030e-01, v52;
	v17 =	vmax.f32 v17, v51;
	v54 =	vadd.f32 v15, v12  }
0x366: {  	v17 =	vmul.f32 v17, v2;
	v15 =	vld [tilespmem:s10+$0x60];
	v16 =	vadd.f32 $0.0e+00, v16  }
0x367: {  	v57 =	vld [tilespmem:s11+$0x70];
	v20 =	vmax.f32 v52, v53;
	v19 =	vadd.f32 v19, v13;
	v56 =	vmul.f32 $2.000000030e-01, v54  }
0x368: {  	v20 =	vmul.f32 v20, v3;
	v17 =	vadd.f32 v17, v16;
	v16 =	vld [tilespmem:s10+$0x70]  }
0x369: {  	v58 =	vmul.f32 $2.000000030e-01, v19;
	v21 =	vmax.f32 v54, v56;
	v18 =	vadd.f32 v18, v14  }
0x36a: {  	v21 =	vmul.f32 v21, v4;
	v17 =	vadd.f32 v20, v17  }
0x36b: {  	v19 =	vmax.f32 v19, v58;
	v60 =	vadd.f32 v55, v15;
	v59 =	vmul.f32 $2.000000030e-01, v18  }
0x36c: {  	v19 =	vmul.f32 v19, v5;
	v17 =	vadd.f32 v21, v17  }
0x36d: {  	v61 =	vmul.f32 $2.000000030e-01, v60;
	v18 =	vmax.f32 v18, v59;
	v62 =	vadd.f32 v57, v16  }
0x36e: {  	v17 =	vadd.f32 v19, v17;
	v18 =	vmul.f32 v18, v6  }
0x36f: {  	v19 =	vmax.f32 v60, v61;
	v63 =	vmul.f32 $2.000000030e-01, v62  }
0x370: {  	v17 =	vadd.f32 v18, v17;
	v18 =	vmul.f32 v19, v7  }
0x371: {  	v19 =	vmax.f32 v62, v63  }
0x372: {  	v17 =	vadd.f32 v18, v17;
	v18 =	vmul.f32 v19, v8;
	_ =	sdelay $0x1  }
0x373: {  	v17 =	vadd.f32 v18, v17;
	_ =	sdelay $0x1  }
0x374: {  	(xrf2) =	vadd.scan.msk.f32 $0xffff, v17;
	_ =	sdelay $0x9  }
0x375: {  	v17, _, _ =	vpop (xrf2)  }
0x376: {  	v17 =	vmul.f32 $1.442695020e+00, v17;
	_ =	sdelay $0x1  }
0x377: {  	v17 =	vbroadcast v17, $0xF;
	_ =	sdelay $0x1  }
0x378: {  	s8 =	simm.s32 $0x68D0;
	s13 =	simm.s32 $0x0;
	(erf) = vpow2.f32 v17  }
.LBB2_11:
0x379: {  	s13 =	sadd.s32 $0x2, s13;
	s11 =	sadd.s32 $0x100, s11;
	s10 =	sadd.s32 $0x100, s10  }
0x37a: {  	p0 =	slt.u32 s13, $0x26;
	_ =	sdelay $0x6  }
0x37b: {  	v17 =	vpop (erf)  }
0x37c: {  	v10 =	vmul.f32 v17, v10;
	v11 =	vmul.f32 v17, v11;
	v18 =	vnsel vm0, $0x0, v17  }
0x37d: {  	v9 =	vmul.f32 v17, v9;
	v12 =	vmul.f32 v17, v12;
	[tilespmem:s12+$0x80] =	vst v18  }
0x37e: {  	[tilespmem:s12+$0x0] =	vst v10;
	v10 =	vmul.f32 v17, v13;
	v13 =	vmul.f32 v17, v14  }
0x37f: {  	v14 =	vmul.f32 v17, v16;
	[tilespmem:s12+$0x10] =	vst v11;
	v11 =	vmul.f32 v17, v15  }
0x380: {  	[tilespmem:s12+$0x50] =	vst v13  }
0x381: {  	[tilespmem:s12+$0x30] =	vst v12  }
0x382: {  	[tilespmem:s12+$0x70] =	vst v14  }
0x383: {  	[tilespmem:s12+$0x40] =	vst v10  }
0x384: {  	[tilespmem:s12+$0x20] =	vst v9  }
0x385: {  	[tilespmem:s12+$0x60] =	vst v11;
	s12 =	smov.u32 s8;
	_ =	sdelay $0x1  }
0x386: {  	v9 =	vld [tilespmem:s10+$0xFFFFFF80]  }
0x387: {  	v10 =	vld [tilespmem:s11+$0xFFFFFF80]  }
0x388: {  	v11 =	vld [tilespmem:s11+$0xFFFFFF90]  }
0x389: {  	v12 =	vld [tilespmem:s10+$0xFFFFFF90]  }
0x38a: {  	v13 =	vld [tilespmem:s11+$0xFFFFFFA0]  }
0x38b: {  	v14 =	vld [tilespmem:s10+$0xFFFFFFA0]  }
0x38c: {  	v10 =	vadd.f32 v10, v9;
	v15 =	vld [tilespmem:s10+$0xFFFFFFB0]  }
0x38d: {  	v16 =	vld [tilespmem:s11+$0xFFFFFFB0]  }
0x38e: {  	v17 =	vmul.f32 $2.000000030e-01, v10;
	v11 =	vadd.f32 v11, v12;
	v18 =	vld [tilespmem:s11+$0xFFFFFFC0]  }
0x38f: {  	v19 =	vld [tilespmem:s10+$0xFFFFFFC0]  }
0x390: {  	v10 =	vmax.f32 v10, v17;
	v17 =	vmul.f32 $2.000000030e-01, v11;
	v13 =	vadd.f32 v13, v14;
	v20 =	vld [tilespmem:s11+$0xFFFFFFD0]  }
0x391: {  	v10 =	vmul.f32 v10, v1;
	v21 =	vld [tilespmem:s10+$0xFFFFFFD0]  }
0x392: {  	v11 =	vmax.f32 v11, v17;
	v17 =	vmul.f32 $2.000000030e-01, v13;
	v16 =	vadd.f32 v16, v15;
	v22 =	vld [tilespmem:s11+$0xFFFFFFE0]  }
0x393: {  	v10 =	vadd.f32 $0.0e+00, v10;
	v11 =	vmul.f32 v11, v2;
	v23 =	vld [tilespmem:s10+$0xFFFFFFE0]  }
0x394: {  	v13 =	vmax.f32 v13, v17;
	v17 =	vmul.f32 $2.000000030e-01, v16;
	v18 =	vadd.f32 v18, v19;
	v24 =	vld [tilespmem:s11+$0xFFFFFFF0]  }
0x395: {  	v10 =	vadd.f32 v11, v10;
	v11 =	vmul.f32 v13, v3;
	v13 =	vld [tilespmem:s10+$0xFFFFFFF0]  }
0x396: {  	v16 =	vmax.f32 v16, v17;
	v17 =	vmul.f32 $2.000000030e-01, v18;
	v20 =	vadd.f32 v20, v21  }
0x397: {  	v10 =	vadd.f32 v11, v10;
	v11 =	vmul.f32 v16, v4  }
0x398: {  	v16 =	vmax.f32 v18, v17;
	v17 =	vmul.f32 $2.000000030e-01, v20;
	v18 =	vadd.f32 v22, v23  }
0x399: {  	v10 =	vadd.f32 v11, v10;
	v11 =	vmul.f32 v16, v5  }
0x39a: {  	v16 =	vmax.f32 v20, v17;
	v17 =	vmul.f32 $2.000000030e-01, v18;
	v20 =	vadd.f32 v24, v13  }
0x39b: {  	v10 =	vadd.f32 v11, v10;
	v11 =	vmul.f32 v16, v6  }
0x39c: {  	v16 =	vmax.f32 v18, v17;
	v17 =	vmul.f32 $2.000000030e-01, v20  }
0x39d: {  	v10 =	vadd.f32 v11, v10;
	v11 =	vmul.f32 v16, v7  }
0x39e: {  	v16 =	vmax.f32 v20, v17  }
0x39f: {  	v10 =	vadd.f32 v11, v10;
	v11 =	vmul.f32 v16, v8;
	_ =	sdelay $0x1  }
0x3a0: {  	v10 =	vadd.f32 v11, v10;
	_ =	sdelay $0x1  }
0x3a1: {  	(xrf2) =	vadd.scan.msk.f32 $0xffff, v10;
	_ =	sdelay $0x9  }
0x3a2: {  	v10, _, _ =	vpop (xrf2)  }
0x3a3: {  	v10 =	vmul.f32 $1.442695020e+00, v10;
	_ =	sdelay $0x1  }
0x3a4: {  	v10 =	vbroadcast v10, $0xF;
	_ =	sdelay $0x1  }
0x3a5: {  	(erf) = vpow2.f32 v10;
	_ =	sdelay $0x8  }
0x3a6: {  	v10 =	vpop (erf)  }
0x3a7: {  	v9 =	vmul.f32 v10, v9;
	v11 =	vmul.f32 v10, v13;
	v13 =	vnsel vm0, $0x0, v10  }
0x3a8: {  	v14 =	vmul.f32 v10, v14;
	v16 =	vmul.f32 v10, v23;
	[tilespmem:s8+$0xFFFFFFF0] =	vst v13  }
0x3a9: {  	v12 =	vmul.f32 v10, v12;
	v13 =	vmul.f32 v10, v19;
	[tilespmem:s8+$0xFFFFFFE0] =	vst v11  }
0x3aa: {  	[tilespmem:s8+$0xFFFFFF70] =	vst v9;
	v9 =	vmul.f32 v10, v15;
	v10 =	vmul.f32 v10, v21  }
0x3ab: {  	[tilespmem:s8+$0xFFFFFF90] =	vst v14  }
0x3ac: {  	[tilespmem:s8+$0xFFFFFFB0] =	vst v13  }
0x3ad: {  	[tilespmem:s8+$0xFFFFFFA0] =	vst v9  }
0x3ae: {  	[tilespmem:s8+$0xFFFFFFD0] =	vst v16  }
0x3af: {  	[tilespmem:s8+$0xFFFFFFC0] =	vst v10  }
0x3b0: {  	[tilespmem:s8+$0xFFFFFF80] =	vst v12  }
0x3b1: {  	v13 =	vld [tilespmem:s11+$0x10]  }
0x3b2: {  	v10 =	vld [tilespmem:s10+$0x0]  }
0x3b3: {  	v11 =	vld [tilespmem:s10+$0x10]  }
0x3b4: {  	v14 =	vld [tilespmem:s11+$0x0]  }
0x3b5: {  	v15 =	vld [tilespmem:s11+$0x20]  }
0x3b6: {  	v9 =	vld [tilespmem:s10+$0x20]  }
0x3b7: {  	v16 =	vld [tilespmem:s11+$0x30]  }
0x3b8: {  	v12 =	vld [tilespmem:s10+$0x30]  }
0x3b9: {  	v13 =	vadd.f32 v13, v11;
	v14 =	vadd.f32 v14, v10;
	_ =	sdelay $0x1  }
0x3ba: {  	v18 =	vmul.f32 $2.000000030e-01, v13;
	v17 =	vmul.f32 $2.000000030e-01, v14;
	v15 =	vadd.f32 v15, v9  }
0x3bb: {  	v19 =	vld [tilespmem:s11+$0x40]  }
0x3bc: {  	v18 =	vmax.f32 v13, v18;
	v20 =	vmul.f32 $2.000000030e-01, v15;
	v16 =	vadd.f32 v16, v12;
	v13 =	vld [tilespmem:s10+$0x40]  }
0x3bd: {  	v14 =	vmax.f32 v14, v17;
	v17 =	vmul.f32 v18, v2;
	v18 =	vld [tilespmem:s11+$0x50]  }
0x3be: {  	v21 =	vmul.f32 v14, v1;
	v15 =	vmax.f32 v15, v20;
	v20 =	vmul.f32 $2.000000030e-01, v16;
	v14 =	vld [tilespmem:s10+$0x50]  }
0x3bf: {  	v22 =	vmul.f32 v15, v3;
	v23 =	vld [tilespmem:s11+$0x60]  }
0x3c0: {  	v21 =	vadd.f32 $0.0e+00, v21;
	v16 =	vmax.f32 v16, v20;
	v15 =	vld [tilespmem:s10+$0x60]  }
0x3c1: {  	v20 =	vmul.f32 v16, v4;
	v19 =	vadd.f32 v19, v13;
	v24 =	vld [tilespmem:s11+$0x70]  }
0x3c2: {  	v17 =	vadd.f32 v17, v21;
	v16 =	vld [tilespmem:s10+$0x70]  }
0x3c3: {  	v21 =	vmul.f32 $2.000000030e-01, v19;
	v18 =	vadd.f32 v18, v14  }
0x3c4: {  	v17 =	vadd.f32 v22, v17  }
0x3c5: {  	v19 =	vmax.f32 v19, v21;
	v21 =	vmul.f32 $2.000000030e-01, v18;
	v22 =	vadd.f32 v23, v15  }
0x3c6: {  	v17 =	vadd.f32 v20, v17;
	v19 =	vmul.f32 v19, v5  }
0x3c7: {  	v18 =	vmax.f32 v18, v21;
	v20 =	vmul.f32 $2.000000030e-01, v22;
	v21 =	vadd.f32 v24, v16  }
0x3c8: {  	v17 =	vadd.f32 v19, v17;
	v18 =	vmul.f32 v18, v6  }
0x3c9: {  	v19 =	vmax.f32 v22, v20;
	v20 =	vmul.f32 $2.000000030e-01, v21  }
0x3ca: {  	v17 =	vadd.f32 v18, v17;
	v18 =	vmul.f32 v19, v7  }
0x3cb: {  	v19 =	vmax.f32 v21, v20  }
0x3cc: {  	v17 =	vadd.f32 v18, v17;
	v18 =	vmul.f32 v19, v8;
	_ =	sdelay $0x1  }
0x3cd: {  	v17 =	vadd.f32 v18, v17;
	_ =	sdelay $0x1  }
0x3ce: {  	(xrf2) =	vadd.scan.msk.f32 $0xffff, v17;
	_ =	sdelay $0x9  }
0x3cf: {  	v17, _, _ =	vpop (xrf2)  }
.Ltmp4:
0x3d0: {  	v17 =	vmul.f32 $1.442695020e+00, v17;
	(pc) =	sbr.rel @p0 .LBB2_11-.Ltmp4, $3  }
0x3d1: {  	_ = 	snop  }
0x3d2: {  	v17 =	vbroadcast v17, $0xF;
	_ =	sdelay $0x1  }
0x3d3: {  	s8 =	sadd.s32 $0x120, s8;
	(erf) = vpow2.f32 v17  }
0x3d4: {  	_ =	sdelay $0x7  }
0x3d5: {  	v17 =	vpop (erf)  }
0x3d6: {  	v10 =	vmul.f32 v17, v10;
	v18 =	vnsel vm0, $0x0, v17  }
0x3d7: {  	v11 =	vmul.f32 v17, v11;
	[tilespmem:s12+$0x80] =	vst v18  }
0x3d8: {  	v12 =	vmul.f32 v17, v12;
	[tilespmem:s12+$0x0] =	vst v10  }
0x3d9: {  	v9 =	vmul.f32 v17, v9;
	[tilespmem:s12+$0x10] =	vst v11  }
0x3da: {  	s9 =	sadd.s32 $0x1, s9;
	v10 =	vmul.f32 v17, v14;
	[tilespmem:s12+$0x30] =	vst v12  }
0x3db: {  	p0 =	sne.s32 s9, $0x7C;
	v11 =	vmul.f32 v17, v16;
	[tilespmem:s12+$0x20] =	vst v9  }
.Ltmp5:
0x3dc: {  	[tilespmem:s12+$0x50] =	vst v10;
	v10 =	vmul.f32 v17, v13;
	(pc) =	sbr.rel @p0 .LBB2_8-.Ltmp5, $4  }
0x3dd: {  	[tilespmem:s12+$0x70] =	vst v11;
	v11 =	vmul.f32 v17, v15  }
0x3de: {  	[tilespmem:s12+$0x40] =	vst v10  }
0x3df: {  	[tilespmem:s12+$0x60] =	vst v11  }
0x3e0: {  	[spmem:s3] =	stream.indirect.scatter.add.f32 [tilespmem:s26], [sflag:$0x8], $0x90, s25, s17, $0xb8;
	[tilespmem:$0x1DE00] =	vst v63  }
0x3e1: {  	_ =	swait.ge [sflag:s29], $0xC00  }
0x3e2: {  	[sflag:s29] =	ssyncset.done $0x0  }
0x3e3: {  	[sflag:s29] =	ssyncadd.s32 $0xFFFFF400  }
0x3e4: {  	_ =	swait.ge [sflag:s30], $0xC00  }
0x3e5: {  	[sflag:s30] =	ssyncset.done $0x0  }
0x3e6: {  	[sflag:s30] =	ssyncadd.s32 $0xFFFFF400  }
0x3e7: {  	_ =	swait.ge [sflag:s29], $0x800  }
0x3e8: {  	[sflag:s29] =	ssyncset.done $0x0  }
0x3e9: {  	[sflag:s29] =	ssyncadd.s32 $0xFFFFF800  }
0x3ea: {  	_ =	swait.ge [sflag:s30], $0x800  }
0x3eb: {  	[sflag:s30] =	ssyncset.done $0x0  }
0x3ec: {  	[sflag:s30] =	ssyncadd.s32 $0xFFFFF800  }
0x3ed: {  	_ =	swait.ge [sflag:s28], $0x1680  }
0x3ee: {  	[sflag:s28] =	ssyncset.done $0x0  }
0x3ef: {  	[sflag:s28] =	ssyncadd.s32 $0xFFFFE980  }
0x3f0: {  	v9 =	vld [tilespmem:$0x28]  }
0x3f1: {  	v10 =	vld [tilespmem:$0x38]  }
0x3f2: {  	v11 =	vld [tilespmem:$0x40];
	_ =	sdelay $0x2  }
0x3f3: {  	[tilespmem:$0x7DA0] =	vst v9  }
0x3f4: {  	[tilespmem:$0x7DB0] =	vst v10  }
0x3f5: {  	[tilespmem:$0x7DB8] =	vst v11  }
0x3f6: {  	_ =	swait.ge [sflag:s2], $0x50  }
0x3f7: {  	[sflag:s2] =	ssyncset.done $0x0  }
0x3f8: {  	s8 =	simm.s32 $0x28A0;
	[sflag:s2] =	ssyncadd.s32 $0xFFFFFFB0  }
0x3f9: {  	[tilespmem:s8], [sflag:$0x5] =	stream.indirect.gather [hbm4b:s1+s21], $0x80, s19, s21, $0xb8;
	[tilespmem:$0x1DE00] =	vst v63  }
0x3fa: {  	s10 =	simm.s32 $0x78;
	s9 =	simm.s32 $0x3CA0  }
0x3fb: {  	[tilespmem:s9], [sflag:$0x6] =	stream.indirect.gather [hbm4b:s6+s21], $0x80, s10, s21, $0xb8;
	[tilespmem:$0x1DE00] =	vst v63  }
0x3fc: {  	s11 =	simm.s32 $0x68;
	s12 =	simm.s32 $0x34A0  }
0x3fd: {  	[tilespmem:s12], [sflag:$0x5] =	stream.indirect.gather [hbm4b:s1+s24], $0x80, s11, s24, $0xb8;
	[tilespmem:$0x1DE00] =	vst v63  }
0x3fe: {  	s13 =	simm.s32 $0x90;
	s14 =	simm.s32 $0x48A0;
	s9 =	simm.s32 $0x120  }
0x3ff: {  	[tilespmem:s14], [sflag:$0x6] =	stream.indirect.gather [hbm4b:s6+s24], $0x80, s13, s24, $0xb8;
	[tilespmem:$0x1DE00] =	vst v63  }
0x400: {  	s10 =	simm.s32 $0x1520;
	v9 =	vld [tilespmem:s9+$0xFFFFFF80]  }
0x401: {  	v10 =	vld [tilespmem:s10+$0xFFFFFF80]  }
0x402: {  	v11 =	vld [tilespmem:s10+$0xFFFFFF90]  }
0x403: {  	v12 =	vld [tilespmem:s9+$0xFFFFFF90]  }
0x404: {  	v13 =	vld [tilespmem:s10+$0xFFFFFFA0]  }
0x405: {  	v14 =	vld [tilespmem:s9+$0xFFFFFFA0]  }
0x406: {  	v15 =	vld [tilespmem:s9+$0xFFFFFFB0];
	v10 =	vadd.f32 v10, v9  }
0x407: {  	v16 =	vld [tilespmem:s10+$0xFFFFFFB0]  }
0x408: {  	v18 =	vld [tilespmem:s10+$0xFFFFFFC0];
	v11 =	vadd.f32 v11, v12;
	v17 =	vmul.f32 $2.000000030e-01, v10  }
0x409: {  	v19 =	vld [tilespmem:s9+$0xFFFFFFC0]  }
0x40a: {  	v20 =	vld [tilespmem:s10+$0xFFFFFFD0];
	v13 =	vadd.f32 v13, v14;
	v10 =	vmax.f32 v10, v17;
	v17 =	vmul.f32 $2.000000030e-01, v11  }
0x40b: {  	v21 =	vld [tilespmem:s9+$0xFFFFFFD0];
	v10 =	vmul.f32 v10, v1  }
0x40c: {  	v22 =	vld [tilespmem:s10+$0xFFFFFFE0];
	v16 =	vadd.f32 v16, v15;
	v11 =	vmax.f32 v11, v17;
	v17 =	vmul.f32 $2.000000030e-01, v13  }
0x40d: {  	v23 =	vld [tilespmem:s9+$0xFFFFFFE0];
	v10 =	vadd.f32 $0.0e+00, v10;
	v11 =	vmul.f32 v11, v2  }
0x40e: {  	v24 =	vld [tilespmem:s10+$0xFFFFFFF0];
	v18 =	vadd.f32 v18, v19;
	v13 =	vmax.f32 v13, v17;
	v17 =	vmul.f32 $2.000000030e-01, v16  }
0x40f: {  	v10 =	vadd.f32 v11, v10;
	v11 =	vmul.f32 v13, v3;
	v13 =	vld [tilespmem:s9+$0xFFFFFFF0]  }
0x410: {  	v20 =	vadd.f32 v20, v21;
	v16 =	vmax.f32 v16, v17;
	v17 =	vmul.f32 $2.000000030e-01, v18  }
0x411: {  	v10 =	vadd.f32 v11, v10;
	v11 =	vmul.f32 v16, v4  }
0x412: {  	v16 =	vmax.f32 v18, v17;
	v17 =	vmul.f32 $2.000000030e-01, v20;
	v18 =	vadd.f32 v22, v23  }
0x413: {  	v10 =	vadd.f32 v11, v10;
	v11 =	vmul.f32 v16, v5  }
0x414: {  	v16 =	vmax.f32 v20, v17;
	v17 =	vmul.f32 $2.000000030e-01, v18;
	v50 =	vadd.f32 v24, v13  }
0x415: {  	v10 =	vadd.f32 v11, v10;
	v11 =	vmul.f32 v16, v6  }
0x416: {  	v16 =	vmax.f32 v18, v17;
	v17 =	vmul.f32 $2.000000030e-01, v50  }
0x417: {  	v10 =	vadd.f32 v11, v10;
	v11 =	vmul.f32 v16, v7  }
0x418: {  	v16 =	vmax.f32 v50, v17  }
0x419: {  	v10 =	vadd.f32 v11, v10;
	v11 =	vmul.f32 v16, v8;
	_ =	sdelay $0x1  }
0x41a: {  	v10 =	vadd.f32 v11, v10;
	_ =	sdelay $0x1  }
0x41b: {  	(xrf2) =	vadd.scan.msk.f32 $0xffff, v10;
	_ =	sdelay $0x9  }
0x41c: {  	v10, _, _ =	vpop (xrf2)  }
0x41d: {  	v10 =	vmul.f32 $1.442695020e+00, v10;
	_ =	sdelay $0x1  }
0x41e: {  	v10 =	vbroadcast v10, $0xF;
	_ =	sdelay $0x1  }
0x41f: {  	(erf) = vpow2.f32 v10;
	_ =	sdelay $0x8  }
0x420: {  	v10 =	vpop (erf)  }
0x421: {  	s11 =	simm.s32 $0x5130;
	v11 =	vmul.f32 v10, v13;
	v13 =	vnsel vm0, $0x0, v10  }
0x422: {  	v9 =	vmul.f32 v10, v9;
	[tilespmem:s11+$0xFFFFFFF0] =	vst v13  }
0x423: {  	v13 =	vmul.f32 v10, v14;
	[tilespmem:s11+$0xFFFFFFE0] =	vst v11  }
0x424: {  	v11 =	vmul.f32 v10, v19;
	[tilespmem:s11+$0xFFFFFF70] =	vst v9  }
0x425: {  	v9 =	vmul.f32 v10, v15;
	[tilespmem:s11+$0xFFFFFF90] =	vst v13  }
0x426: {  	v13 =	vmul.f32 v10, v23;
	[tilespmem:s11+$0xFFFFFFB0] =	vst v11  }
0x427: {  	v11 =	vmul.f32 v10, v21;
	[tilespmem:s11+$0xFFFFFFA0] =	vst v9  }
0x428: {  	v9 =	vmul.f32 v10, v12;
	[tilespmem:s11+$0xFFFFFFD0] =	vst v13  }
0x429: {  	[tilespmem:s11+$0xFFFFFFC0] =	vst v11  }
0x42a: {  	[tilespmem:s11+$0xFFFFFF80] =	vst v9  }
0x42b: {  	v10 =	vld [tilespmem:s9+$0x0]  }
0x42c: {  	v12 =	vld [tilespmem:s10+$0x0]  }
0x42d: {  	v13 =	vld [tilespmem:s10+$0x10]  }
0x42e: {  	v11 =	vld [tilespmem:s9+$0x10]  }
0x42f: {  	v14 =	vld [tilespmem:s10+$0x20]  }
0x430: {  	v9 =	vld [tilespmem:s9+$0x20]  }
0x431: {  	v15 =	vld [tilespmem:s10+$0x30];
	v16 =	vadd.f32 v12, v10  }
0x432: {  	v12 =	vld [tilespmem:s9+$0x30]  }
0x433: {  	v19 =	vld [tilespmem:s10+$0x40];
	v17 =	vadd.f32 v13, v11;
	v18 =	vmul.f32 $2.000000030e-01, v16  }
0x434: {  	v13 =	vld [tilespmem:s9+$0x40]  }
0x435: {  	v52 =	vadd.f32 v14, v9;
	v51 =	vmul.f32 $2.000000030e-01, v17;
	v14 =	vmax.f32 v16, v18;
	v18 =	vld [tilespmem:s10+$0x50]  }
0x436: {  	v16 =	vmul.f32 v14, v1;
	v14 =	vld [tilespmem:s9+$0x50]  }
0x437: {  	v55 =	vld [tilespmem:s10+$0x60];
	v53 =	vmul.f32 $2.000000030e-01, v52;
	v17 =	vmax.f32 v17, v51;
	v54 =	vadd.f32 v15, v12  }
0x438: {  	v17 =	vmul.f32 v17, v2;
	v15 =	vld [tilespmem:s9+$0x60];
	v16 =	vadd.f32 $0.0e+00, v16  }
0x439: {  	v57 =	vld [tilespmem:s10+$0x70];
	v20 =	vmax.f32 v52, v53;
	v19 =	vadd.f32 v19, v13;
	v56 =	vmul.f32 $2.000000030e-01, v54  }
0x43a: {  	v20 =	vmul.f32 v20, v3;
	v17 =	vadd.f32 v17, v16;
	v16 =	vld [tilespmem:s9+$0x70]  }
0x43b: {  	v58 =	vmul.f32 $2.000000030e-01, v19;
	v21 =	vmax.f32 v54, v56;
	v18 =	vadd.f32 v18, v14  }
0x43c: {  	v21 =	vmul.f32 v21, v4;
	v17 =	vadd.f32 v20, v17  }
0x43d: {  	v19 =	vmax.f32 v19, v58;
	v60 =	vadd.f32 v55, v15;
	v59 =	vmul.f32 $2.000000030e-01, v18  }
0x43e: {  	v19 =	vmul.f32 v19, v5;
	v17 =	vadd.f32 v21, v17  }
0x43f: {  	v61 =	vmul.f32 $2.000000030e-01, v60;
	v18 =	vmax.f32 v18, v59;
	v62 =	vadd.f32 v57, v16  }
0x440: {  	v17 =	vadd.f32 v19, v17;
	v18 =	vmul.f32 v18, v6  }
0x441: {  	v19 =	vmax.f32 v60, v61;
	v63 =	vmul.f32 $2.000000030e-01, v62  }
0x442: {  	v17 =	vadd.f32 v18, v17;
	v18 =	vmul.f32 v19, v7  }
0x443: {  	v19 =	vmax.f32 v62, v63  }
0x444: {  	v17 =	vadd.f32 v18, v17;
	v18 =	vmul.f32 v19, v8;
	_ =	sdelay $0x1  }
0x445: {  	v17 =	vadd.f32 v18, v17;
	_ =	sdelay $0x1  }
0x446: {  	(xrf2) =	vadd.scan.msk.f32 $0xffff, v17;
	_ =	sdelay $0x9  }
0x447: {  	v17, _, _ =	vpop (xrf2)  }
0x448: {  	v17 =	vmul.f32 $1.442695020e+00, v17;
	_ =	sdelay $0x1  }
0x449: {  	v17 =	vbroadcast v17, $0xF;
	_ =	sdelay $0x1  }
0x44a: {  	s8 =	simm.s32 $0x5250;
	s12 =	simm.s32 $0x0;
	(erf) = vpow2.f32 v17  }
.LBB2_14:
0x44b: {  	s12 =	sadd.s32 $0x2, s12;
	s10 =	sadd.s32 $0x100, s10;
	s9 =	sadd.s32 $0x100, s9  }
0x44c: {  	p0 =	slt.u32 s12, $0x26;
	_ =	sdelay $0x6  }
0x44d: {  	v17 =	vpop (erf)  }
0x44e: {  	v10 =	vmul.f32 v17, v10;
	v11 =	vmul.f32 v17, v11;
	v18 =	vnsel vm0, $0x0, v17  }
0x44f: {  	v9 =	vmul.f32 v17, v9;
	v12 =	vmul.f32 v17, v12;
	[tilespmem:s11+$0x80] =	vst v18  }
0x450: {  	[tilespmem:s11+$0x0] =	vst v10;
	v10 =	vmul.f32 v17, v13;
	v13 =	vmul.f32 v17, v14  }
0x451: {  	v14 =	vmul.f32 v17, v16;
	[tilespmem:s11+$0x10] =	vst v11;
	v11 =	vmul.f32 v17, v15  }
0x452: {  	[tilespmem:s11+$0x50] =	vst v13  }
0x453: {  	[tilespmem:s11+$0x30] =	vst v12  }
0x454: {  	[tilespmem:s11+$0x70] =	vst v14  }
0x455: {  	[tilespmem:s11+$0x40] =	vst v10  }
0x456: {  	[tilespmem:s11+$0x20] =	vst v9  }
0x457: {  	[tilespmem:s11+$0x60] =	vst v11;
	s11 =	smov.u32 s8;
	_ =	sdelay $0x1  }
0x458: {  	v9 =	vld [tilespmem:s9+$0xFFFFFF80]  }
0x459: {  	v10 =	vld [tilespmem:s10+$0xFFFFFF80]  }
0x45a: {  	v11 =	vld [tilespmem:s10+$0xFFFFFF90]  }
0x45b: {  	v12 =	vld [tilespmem:s9+$0xFFFFFF90]  }
0x45c: {  	v13 =	vld [tilespmem:s10+$0xFFFFFFA0]  }
0x45d: {  	v14 =	vld [tilespmem:s9+$0xFFFFFFA0]  }
0x45e: {  	v10 =	vadd.f32 v10, v9;
	v15 =	vld [tilespmem:s9+$0xFFFFFFB0]  }
0x45f: {  	v16 =	vld [tilespmem:s10+$0xFFFFFFB0]  }
0x460: {  	v17 =	vmul.f32 $2.000000030e-01, v10;
	v11 =	vadd.f32 v11, v12;
	v18 =	vld [tilespmem:s10+$0xFFFFFFC0]  }
0x461: {  	v19 =	vld [tilespmem:s9+$0xFFFFFFC0]  }
0x462: {  	v10 =	vmax.f32 v10, v17;
	v17 =	vmul.f32 $2.000000030e-01, v11;
	v13 =	vadd.f32 v13, v14;
	v20 =	vld [tilespmem:s10+$0xFFFFFFD0]  }
0x463: {  	v10 =	vmul.f32 v10, v1;
	v21 =	vld [tilespmem:s9+$0xFFFFFFD0]  }
0x464: {  	v11 =	vmax.f32 v11, v17;
	v17 =	vmul.f32 $2.000000030e-01, v13;
	v16 =	vadd.f32 v16, v15;
	v22 =	vld [tilespmem:s10+$0xFFFFFFE0]  }
0x465: {  	v10 =	vadd.f32 $0.0e+00, v10;
	v11 =	vmul.f32 v11, v2;
	v23 =	vld [tilespmem:s9+$0xFFFFFFE0]  }
0x466: {  	v13 =	vmax.f32 v13, v17;
	v17 =	vmul.f32 $2.000000030e-01, v16;
	v18 =	vadd.f32 v18, v19;
	v24 =	vld [tilespmem:s10+$0xFFFFFFF0]  }
0x467: {  	v10 =	vadd.f32 v11, v10;
	v11 =	vmul.f32 v13, v3;
	v13 =	vld [tilespmem:s9+$0xFFFFFFF0]  }
0x468: {  	v16 =	vmax.f32 v16, v17;
	v17 =	vmul.f32 $2.000000030e-01, v18;
	v20 =	vadd.f32 v20, v21  }
0x469: {  	v10 =	vadd.f32 v11, v10;
	v11 =	vmul.f32 v16, v4  }
0x46a: {  	v16 =	vmax.f32 v18, v17;
	v17 =	vmul.f32 $2.000000030e-01, v20;
	v18 =	vadd.f32 v22, v23  }
0x46b: {  	v10 =	vadd.f32 v11, v10;
	v11 =	vmul.f32 v16, v5  }
0x46c: {  	v16 =	vmax.f32 v20, v17;
	v17 =	vmul.f32 $2.000000030e-01, v18;
	v20 =	vadd.f32 v24, v13  }
0x46d: {  	v10 =	vadd.f32 v11, v10;
	v11 =	vmul.f32 v16, v6  }
0x46e: {  	v16 =	vmax.f32 v18, v17;
	v17 =	vmul.f32 $2.000000030e-01, v20  }
0x46f: {  	v10 =	vadd.f32 v11, v10;
	v11 =	vmul.f32 v16, v7  }
0x470: {  	v16 =	vmax.f32 v20, v17  }
0x471: {  	v10 =	vadd.f32 v11, v10;
	v11 =	vmul.f32 v16, v8;
	_ =	sdelay $0x1  }
0x472: {  	v10 =	vadd.f32 v11, v10;
	_ =	sdelay $0x1  }
0x473: {  	(xrf2) =	vadd.scan.msk.f32 $0xffff, v10;
	_ =	sdelay $0x9  }
0x474: {  	v10, _, _ =	vpop (xrf2)  }
0x475: {  	v10 =	vmul.f32 $1.442695020e+00, v10;
	_ =	sdelay $0x1  }
0x476: {  	v10 =	vbroadcast v10, $0xF;
	_ =	sdelay $0x1  }
0x477: {  	(erf) = vpow2.f32 v10;
	_ =	sdelay $0x8  }
0x478: {  	v10 =	vpop (erf)  }
0x479: {  	v9 =	vmul.f32 v10, v9;
	v11 =	vmul.f32 v10, v13;
	v13 =	vnsel vm0, $0x0, v10  }
0x47a: {  	v14 =	vmul.f32 v10, v14;
	v16 =	vmul.f32 v10, v23;
	[tilespmem:s8+$0xFFFFFFF0] =	vst v13  }
0x47b: {  	v12 =	vmul.f32 v10, v12;
	v13 =	vmul.f32 v10, v19;
	[tilespmem:s8+$0xFFFFFFE0] =	vst v11  }
0x47c: {  	[tilespmem:s8+$0xFFFFFF70] =	vst v9;
	v9 =	vmul.f32 v10, v15;
	v10 =	vmul.f32 v10, v21  }
0x47d: {  	[tilespmem:s8+$0xFFFFFF90] =	vst v14  }
0x47e: {  	[tilespmem:s8+$0xFFFFFFB0] =	vst v13  }
0x47f: {  	[tilespmem:s8+$0xFFFFFFA0] =	vst v9  }
0x480: {  	[tilespmem:s8+$0xFFFFFFD0] =	vst v16  }
0x481: {  	[tilespmem:s8+$0xFFFFFFC0] =	vst v10  }
0x482: {  	[tilespmem:s8+$0xFFFFFF80] =	vst v12  }
0x483: {  	v13 =	vld [tilespmem:s10+$0x10]  }
0x484: {  	v10 =	vld [tilespmem:s9+$0x0]  }
0x485: {  	v11 =	vld [tilespmem:s9+$0x10]  }
0x486: {  	v14 =	vld [tilespmem:s10+$0x0]  }
0x487: {  	v15 =	vld [tilespmem:s10+$0x20]  }
0x488: {  	v9 =	vld [tilespmem:s9+$0x20]  }
0x489: {  	v16 =	vld [tilespmem:s10+$0x30]  }
0x48a: {  	v12 =	vld [tilespmem:s9+$0x30]  }
0x48b: {  	v13 =	vadd.f32 v13, v11;
	v14 =	vadd.f32 v14, v10;
	_ =	sdelay $0x1  }
0x48c: {  	v18 =	vmul.f32 $2.000000030e-01, v13;
	v17 =	vmul.f32 $2.000000030e-01, v14;
	v15 =	vadd.f32 v15, v9  }
0x48d: {  	v19 =	vld [tilespmem:s10+$0x40]  }
0x48e: {  	v18 =	vmax.f32 v13, v18;
	v20 =	vmul.f32 $2.000000030e-01, v15;
	v16 =	vadd.f32 v16, v12;
	v13 =	vld [tilespmem:s9+$0x40]  }
0x48f: {  	v14 =	vmax.f32 v14, v17;
	v17 =	vmul.f32 v18, v2;
	v18 =	vld [tilespmem:s10+$0x50]  }
0x490: {  	v21 =	vmul.f32 v14, v1;
	v15 =	vmax.f32 v15, v20;
	v20 =	vmul.f32 $2.000000030e-01, v16;
	v14 =	vld [tilespmem:s9+$0x50]  }
0x491: {  	v22 =	vmul.f32 v15, v3;
	v23 =	vld [tilespmem:s10+$0x60]  }
0x492: {  	v21 =	vadd.f32 $0.0e+00, v21;
	v16 =	vmax.f32 v16, v20;
	v15 =	vld [tilespmem:s9+$0x60]  }
0x493: {  	v20 =	vmul.f32 v16, v4;
	v19 =	vadd.f32 v19, v13;
	v24 =	vld [tilespmem:s10+$0x70]  }
0x494: {  	v17 =	vadd.f32 v17, v21;
	v16 =	vld [tilespmem:s9+$0x70]  }
0x495: {  	v21 =	vmul.f32 $2.000000030e-01, v19;
	v18 =	vadd.f32 v18, v14  }
0x496: {  	v17 =	vadd.f32 v22, v17  }
0x497: {  	v19 =	vmax.f32 v19, v21;
	v21 =	vmul.f32 $2.000000030e-01, v18;
	v22 =	vadd.f32 v23, v15  }
0x498: {  	v17 =	vadd.f32 v20, v17;
	v19 =	vmul.f32 v19, v5  }
0x499: {  	v18 =	vmax.f32 v18, v21;
	v20 =	vmul.f32 $2.000000030e-01, v22;
	v21 =	vadd.f32 v24, v16  }
0x49a: {  	v17 =	vadd.f32 v19, v17;
	v18 =	vmul.f32 v18, v6  }
0x49b: {  	v19 =	vmax.f32 v22, v20;
	v20 =	vmul.f32 $2.000000030e-01, v21  }
0x49c: {  	v17 =	vadd.f32 v18, v17;
	v18 =	vmul.f32 v19, v7  }
0x49d: {  	v19 =	vmax.f32 v21, v20  }
0x49e: {  	v17 =	vadd.f32 v18, v17;
	v18 =	vmul.f32 v19, v8;
	_ =	sdelay $0x1  }
0x49f: {  	v17 =	vadd.f32 v18, v17;
	_ =	sdelay $0x1  }
0x4a0: {  	(xrf2) =	vadd.scan.msk.f32 $0xffff, v17;
	_ =	sdelay $0x9  }
0x4a1: {  	v17, _, _ =	vpop (xrf2)  }
.Ltmp6:
0x4a2: {  	v17 =	vmul.f32 $1.442695020e+00, v17;
	(pc) =	sbr.rel @p0 .LBB2_14-.Ltmp6, $3  }
0x4a3: {  	_ = 	snop  }
0x4a4: {  	v17 =	vbroadcast v17, $0xF;
	_ =	sdelay $0x1  }
0x4a5: {  	s8 =	sadd.s32 $0x120, s8;
	(erf) = vpow2.f32 v17  }
0x4a6: {  	_ =	sdelay $0x7  }
0x4a7: {  	v17 =	vpop (erf)  }
0x4a8: {  	v10 =	vmul.f32 v17, v10;
	v18 =	vnsel vm0, $0x0, v17  }
0x4a9: {  	v11 =	vmul.f32 v17, v11;
	[tilespmem:s11+$0x80] =	vst v18  }
0x4aa: {  	v12 =	vmul.f32 v17, v12;
	[tilespmem:s11+$0x0] =	vst v10  }
0x4ab: {  	v9 =	vmul.f32 v17, v9;
	[tilespmem:s11+$0x10] =	vst v11  }
0x4ac: {  	v10 =	vmul.f32 v17, v14;
	[tilespmem:s11+$0x30] =	vst v12  }
0x4ad: {  	v11 =	vmul.f32 v17, v16;
	[tilespmem:s11+$0x20] =	vst v9  }
0x4ae: {  	[tilespmem:s11+$0x50] =	vst v10;
	v10 =	vmul.f32 v17, v13  }
0x4af: {  	[tilespmem:s11+$0x70] =	vst v11;
	v11 =	vmul.f32 v17, v15  }
0x4b0: {  	[tilespmem:s11+$0x40] =	vst v10  }
0x4b1: {  	s8 =	simm.s32 $0x7DA0;
	[tilespmem:s11+$0x60] =	vst v11  }
0x4b2: {  	[spmem:s3] =	stream.indirect.scatter.add.f32 [tilespmem:s16], [sflag:$0x7], $0x90, s8, s17, $0xb8;
	[tilespmem:$0x1DE00] =	vst v63  }
0x4b3: {  	_ =	swait.ge [sflag:s22], $0xC00  }
0x4b4: {  	[sflag:s22] =	ssyncset.done $0x0  }
0x4b5: {  	[sflag:s22] =	ssyncadd.s32 $0xFFFFF400  }
0x4b6: {  	_ =	swait.ge [sflag:s23], $0xC00  }
0x4b7: {  	[sflag:s23] =	ssyncset.done $0x0  }
0x4b8: {  	[sflag:s23] =	ssyncadd.s32 $0xFFFFF400  }
0x4b9: {  	_ =	swait.ge [sflag:s22], $0x800  }
0x4ba: {  	[sflag:s22] =	ssyncset.done $0x0  }
0x4bb: {  	[sflag:s22] =	ssyncadd.s32 $0xFFFFF800  }
0x4bc: {  	_ =	swait.ge [sflag:s23], $0x800  }
0x4bd: {  	[sflag:s23] =	ssyncset.done $0x0  }
0x4be: {  	[sflag:s23] =	ssyncadd.s32 $0xFFFFF800  }
0x4bf: {  	_ =	swait.ge [sflag:s5], $0x1680  }
0x4c0: {  	[sflag:s5] =	ssyncset.done $0x0  }
0x4c1: {  	[sflag:s5] =	ssyncadd.s32 $0xFFFFE980  }
0x4c2: {  	v9 =	vld [tilespmem:$0x78]  }
0x4c3: {  	v10 =	vld [tilespmem:$0x88]  }
0x4c4: {  	v11 =	vld [tilespmem:$0x90];
	_ =	sdelay $0x2  }
0x4c5: {  	[tilespmem:$0x7DC8] =	vst v9  }
0x4c6: {  	[tilespmem:$0x7DD8] =	vst v10  }
0x4c7: {  	s9 =	simm.s32 $0x2920;
	[tilespmem:$0x7DE0] =	vst v11  }
0x4c8: {  	s10 =	simm.s32 $0x3D20;
	v9 =	vld [tilespmem:s9+$0xFFFFFF80]  }
0x4c9: {  	v10 =	vld [tilespmem:s10+$0xFFFFFF80]  }
0x4ca: {  	v11 =	vld [tilespmem:s10+$0xFFFFFF90]  }
0x4cb: {  	v12 =	vld [tilespmem:s9+$0xFFFFFF90]  }
0x4cc: {  	v13 =	vld [tilespmem:s10+$0xFFFFFFA0]  }
0x4cd: {  	v14 =	vld [tilespmem:s9+$0xFFFFFFA0]  }
0x4ce: {  	v15 =	vld [tilespmem:s9+$0xFFFFFFB0];
	v10 =	vadd.f32 v10, v9  }
0x4cf: {  	v16 =	vld [tilespmem:s10+$0xFFFFFFB0]  }
0x4d0: {  	v18 =	vld [tilespmem:s10+$0xFFFFFFC0];
	v11 =	vadd.f32 v11, v12;
	v17 =	vmul.f32 $2.000000030e-01, v10  }
0x4d1: {  	v19 =	vld [tilespmem:s9+$0xFFFFFFC0]  }
0x4d2: {  	v20 =	vld [tilespmem:s10+$0xFFFFFFD0];
	v13 =	vadd.f32 v13, v14;
	v10 =	vmax.f32 v10, v17;
	v17 =	vmul.f32 $2.000000030e-01, v11  }
0x4d3: {  	v21 =	vld [tilespmem:s9+$0xFFFFFFD0];
	v10 =	vmul.f32 v10, v1  }
0x4d4: {  	v22 =	vld [tilespmem:s10+$0xFFFFFFE0];
	v16 =	vadd.f32 v16, v15;
	v11 =	vmax.f32 v11, v17;
	v17 =	vmul.f32 $2.000000030e-01, v13  }
0x4d5: {  	v23 =	vld [tilespmem:s9+$0xFFFFFFE0];
	v10 =	vadd.f32 $0.0e+00, v10;
	v11 =	vmul.f32 v11, v2  }
0x4d6: {  	v24 =	vld [tilespmem:s10+$0xFFFFFFF0];
	v18 =	vadd.f32 v18, v19;
	v13 =	vmax.f32 v13, v17;
	v17 =	vmul.f32 $2.000000030e-01, v16  }
0x4d7: {  	v10 =	vadd.f32 v11, v10;
	v11 =	vmul.f32 v13, v3;
	v13 =	vld [tilespmem:s9+$0xFFFFFFF0]  }
0x4d8: {  	v20 =	vadd.f32 v20, v21;
	v16 =	vmax.f32 v16, v17;
	v17 =	vmul.f32 $2.000000030e-01, v18  }
0x4d9: {  	v10 =	vadd.f32 v11, v10;
	v11 =	vmul.f32 v16, v4  }
0x4da: {  	v16 =	vmax.f32 v18, v17;
	v17 =	vmul.f32 $2.000000030e-01, v20;
	v18 =	vadd.f32 v22, v23  }
0x4db: {  	v10 =	vadd.f32 v11, v10;
	v11 =	vmul.f32 v16, v5  }
0x4dc: {  	v16 =	vmax.f32 v20, v17;
	v17 =	vmul.f32 $2.000000030e-01, v18;
	v50 =	vadd.f32 v24, v13  }
0x4dd: {  	v10 =	vadd.f32 v11, v10;
	v11 =	vmul.f32 v16, v6  }
0x4de: {  	v16 =	vmax.f32 v18, v17;
	v17 =	vmul.f32 $2.000000030e-01, v50  }
0x4df: {  	v10 =	vadd.f32 v11, v10;
	v11 =	vmul.f32 v16, v7  }
0x4e0: {  	v16 =	vmax.f32 v50, v17  }
0x4e1: {  	v10 =	vadd.f32 v11, v10;
	v11 =	vmul.f32 v16, v8;
	_ =	sdelay $0x1  }
0x4e2: {  	v10 =	vadd.f32 v11, v10;
	_ =	sdelay $0x1  }
0x4e3: {  	(xrf2) =	vadd.scan.msk.f32 $0xffff, v10;
	_ =	sdelay $0x9  }
0x4e4: {  	v10, _, _ =	vpop (xrf2)  }
0x4e5: {  	v10 =	vmul.f32 $1.442695020e+00, v10;
	_ =	sdelay $0x1  }
0x4e6: {  	v10 =	vbroadcast v10, $0xF;
	_ =	sdelay $0x1  }
0x4e7: {  	(erf) = vpow2.f32 v10;
	_ =	sdelay $0x8  }
0x4e8: {  	v10 =	vpop (erf)  }
0x4e9: {  	s11 =	simm.s32 $0x67B0;
	v11 =	vmul.f32 v10, v13;
	v13 =	vnsel vm0, $0x0, v10  }
0x4ea: {  	v9 =	vmul.f32 v10, v9;
	[tilespmem:s11+$0xFFFFFFF0] =	vst v13  }
0x4eb: {  	v13 =	vmul.f32 v10, v14;
	[tilespmem:s11+$0xFFFFFFE0] =	vst v11  }
0x4ec: {  	v11 =	vmul.f32 v10, v19;
	[tilespmem:s11+$0xFFFFFF70] =	vst v9  }
0x4ed: {  	v9 =	vmul.f32 v10, v15;
	[tilespmem:s11+$0xFFFFFF90] =	vst v13  }
0x4ee: {  	v13 =	vmul.f32 v10, v23;
	[tilespmem:s11+$0xFFFFFFB0] =	vst v11  }
0x4ef: {  	v11 =	vmul.f32 v10, v21;
	[tilespmem:s11+$0xFFFFFFA0] =	vst v9  }
0x4f0: {  	v9 =	vmul.f32 v10, v12;
	[tilespmem:s11+$0xFFFFFFD0] =	vst v13  }
0x4f1: {  	[tilespmem:s11+$0xFFFFFFC0] =	vst v11  }
0x4f2: {  	[tilespmem:s11+$0xFFFFFF80] =	vst v9  }
0x4f3: {  	v10 =	vld [tilespmem:s9+$0x0]  }
0x4f4: {  	v12 =	vld [tilespmem:s10+$0x0]  }
0x4f5: {  	v13 =	vld [tilespmem:s10+$0x10]  }
0x4f6: {  	v11 =	vld [tilespmem:s9+$0x10]  }
0x4f7: {  	v14 =	vld [tilespmem:s10+$0x20]  }
0x4f8: {  	v9 =	vld [tilespmem:s9+$0x20]  }
0x4f9: {  	v15 =	vld [tilespmem:s10+$0x30];
	v16 =	vadd.f32 v12, v10  }
0x4fa: {  	v12 =	vld [tilespmem:s9+$0x30]  }
0x4fb: {  	v19 =	vld [tilespmem:s10+$0x40];
	v17 =	vadd.f32 v13, v11;
	v18 =	vmul.f32 $2.000000030e-01, v16  }
0x4fc: {  	v13 =	vld [tilespmem:s9+$0x40]  }
0x4fd: {  	v52 =	vadd.f32 v14, v9;
	v51 =	vmul.f32 $2.000000030e-01, v17;
	v14 =	vmax.f32 v16, v18;
	v18 =	vld [tilespmem:s10+$0x50]  }
0x4fe: {  	v16 =	vmul.f32 v14, v1;
	v14 =	vld [tilespmem:s9+$0x50]  }
0x4ff: {  	v55 =	vld [tilespmem:s10+$0x60];
	v53 =	vmul.f32 $2.000000030e-01, v52;
	v17 =	vmax.f32 v17, v51;
	v54 =	vadd.f32 v15, v12  }
0x500: {  	v17 =	vmul.f32 v17, v2;
	v15 =	vld [tilespmem:s9+$0x60];
	v16 =	vadd.f32 $0.0e+00, v16  }
0x501: {  	v57 =	vld [tilespmem:s10+$0x70];
	v20 =	vmax.f32 v52, v53;
	v19 =	vadd.f32 v19, v13;
	v56 =	vmul.f32 $2.000000030e-01, v54  }
0x502: {  	v20 =	vmul.f32 v20, v3;
	v17 =	vadd.f32 v17, v16;
	v16 =	vld [tilespmem:s9+$0x70]  }
0x503: {  	v58 =	vmul.f32 $2.000000030e-01, v19;
	v21 =	vmax.f32 v54, v56;
	v18 =	vadd.f32 v18, v14  }
0x504: {  	v21 =	vmul.f32 v21, v4;
	v17 =	vadd.f32 v20, v17  }
0x505: {  	v19 =	vmax.f32 v19, v58;
	v60 =	vadd.f32 v55, v15;
	v59 =	vmul.f32 $2.000000030e-01, v18  }
0x506: {  	v19 =	vmul.f32 v19, v5;
	v17 =	vadd.f32 v21, v17  }
0x507: {  	v61 =	vmul.f32 $2.000000030e-01, v60;
	v18 =	vmax.f32 v18, v59;
	v62 =	vadd.f32 v57, v16  }
0x508: {  	v17 =	vadd.f32 v19, v17;
	v18 =	vmul.f32 v18, v6  }
0x509: {  	v19 =	vmax.f32 v60, v61;
	v63 =	vmul.f32 $2.000000030e-01, v62  }
0x50a: {  	v17 =	vadd.f32 v18, v17;
	v18 =	vmul.f32 v19, v7  }
0x50b: {  	v19 =	vmax.f32 v62, v63  }
0x50c: {  	v17 =	vadd.f32 v18, v17;
	v18 =	vmul.f32 v19, v8;
	_ =	sdelay $0x1  }
0x50d: {  	v17 =	vadd.f32 v18, v17;
	_ =	sdelay $0x1  }
0x50e: {  	(xrf2) =	vadd.scan.msk.f32 $0xffff, v17;
	_ =	sdelay $0x9  }
0x50f: {  	v17, _, _ =	vpop (xrf2)  }
0x510: {  	v17 =	vmul.f32 $1.442695020e+00, v17;
	_ =	sdelay $0x1  }
0x511: {  	v17 =	vbroadcast v17, $0xF;
	_ =	sdelay $0x1  }
0x512: {  	s12 =	simm.s32 $0x0;
	s8 =	simm.s32 $0x68D0;
	(erf) = vpow2.f32 v17  }
.LBB2_16:
0x513: {  	s12 =	sadd.s32 $0x2, s12;
	s10 =	sadd.s32 $0x100, s10;
	s9 =	sadd.s32 $0x100, s9  }
0x514: {  	p0 =	slt.u32 s12, $0x26;
	_ =	sdelay $0x6  }
0x515: {  	v17 =	vpop (erf)  }
0x516: {  	v10 =	vmul.f32 v17, v10;
	v11 =	vmul.f32 v17, v11;
	v18 =	vnsel vm0, $0x0, v17  }
0x517: {  	v9 =	vmul.f32 v17, v9;
	v12 =	vmul.f32 v17, v12;
	[tilespmem:s11+$0x80] =	vst v18  }
0x518: {  	[tilespmem:s11+$0x0] =	vst v10;
	v10 =	vmul.f32 v17, v13;
	v13 =	vmul.f32 v17, v14  }
0x519: {  	v14 =	vmul.f32 v17, v16;
	[tilespmem:s11+$0x10] =	vst v11;
	v11 =	vmul.f32 v17, v15  }
0x51a: {  	[tilespmem:s11+$0x50] =	vst v13  }
0x51b: {  	[tilespmem:s11+$0x30] =	vst v12  }
0x51c: {  	[tilespmem:s11+$0x70] =	vst v14  }
0x51d: {  	[tilespmem:s11+$0x40] =	vst v10  }
0x51e: {  	[tilespmem:s11+$0x20] =	vst v9  }
0x51f: {  	[tilespmem:s11+$0x60] =	vst v11;
	s11 =	smov.u32 s8;
	_ =	sdelay $0x1  }
0x520: {  	v9 =	vld [tilespmem:s9+$0xFFFFFF80]  }
0x521: {  	v10 =	vld [tilespmem:s10+$0xFFFFFF80]  }
0x522: {  	v11 =	vld [tilespmem:s10+$0xFFFFFF90]  }
0x523: {  	v12 =	vld [tilespmem:s9+$0xFFFFFF90]  }
0x524: {  	v13 =	vld [tilespmem:s10+$0xFFFFFFA0]  }
0x525: {  	v14 =	vld [tilespmem:s9+$0xFFFFFFA0]  }
0x526: {  	v10 =	vadd.f32 v10, v9;
	v15 =	vld [tilespmem:s9+$0xFFFFFFB0]  }
0x527: {  	v16 =	vld [tilespmem:s10+$0xFFFFFFB0]  }
0x528: {  	v17 =	vmul.f32 $2.000000030e-01, v10;
	v11 =	vadd.f32 v11, v12;
	v18 =	vld [tilespmem:s10+$0xFFFFFFC0]  }
0x529: {  	v19 =	vld [tilespmem:s9+$0xFFFFFFC0]  }
0x52a: {  	v10 =	vmax.f32 v10, v17;
	v17 =	vmul.f32 $2.000000030e-01, v11;
	v13 =	vadd.f32 v13, v14;
	v20 =	vld [tilespmem:s10+$0xFFFFFFD0]  }
0x52b: {  	v10 =	vmul.f32 v10, v1;
	v21 =	vld [tilespmem:s9+$0xFFFFFFD0]  }
0x52c: {  	v11 =	vmax.f32 v11, v17;
	v17 =	vmul.f32 $2.000000030e-01, v13;
	v16 =	vadd.f32 v16, v15;
	v22 =	vld [tilespmem:s10+$0xFFFFFFE0]  }
0x52d: {  	v10 =	vadd.f32 $0.0e+00, v10;
	v11 =	vmul.f32 v11, v2;
	v23 =	vld [tilespmem:s9+$0xFFFFFFE0]  }
0x52e: {  	v13 =	vmax.f32 v13, v17;
	v17 =	vmul.f32 $2.000000030e-01, v16;
	v18 =	vadd.f32 v18, v19;
	v24 =	vld [tilespmem:s10+$0xFFFFFFF0]  }
0x52f: {  	v10 =	vadd.f32 v11, v10;
	v11 =	vmul.f32 v13, v3;
	v13 =	vld [tilespmem:s9+$0xFFFFFFF0]  }
0x530: {  	v16 =	vmax.f32 v16, v17;
	v17 =	vmul.f32 $2.000000030e-01, v18;
	v20 =	vadd.f32 v20, v21  }
0x531: {  	v10 =	vadd.f32 v11, v10;
	v11 =	vmul.f32 v16, v4  }
0x532: {  	v16 =	vmax.f32 v18, v17;
	v17 =	vmul.f32 $2.000000030e-01, v20;
	v18 =	vadd.f32 v22, v23  }
0x533: {  	v10 =	vadd.f32 v11, v10;
	v11 =	vmul.f32 v16, v5  }
0x534: {  	v16 =	vmax.f32 v20, v17;
	v17 =	vmul.f32 $2.000000030e-01, v18;
	v20 =	vadd.f32 v24, v13  }
0x535: {  	v10 =	vadd.f32 v11, v10;
	v11 =	vmul.f32 v16, v6  }
0x536: {  	v16 =	vmax.f32 v18, v17;
	v17 =	vmul.f32 $2.000000030e-01, v20  }
0x537: {  	v10 =	vadd.f32 v11, v10;
	v11 =	vmul.f32 v16, v7  }
0x538: {  	v16 =	vmax.f32 v20, v17  }
0x539: {  	v10 =	vadd.f32 v11, v10;
	v11 =	vmul.f32 v16, v8;
	_ =	sdelay $0x1  }
0x53a: {  	v10 =	vadd.f32 v11, v10;
	_ =	sdelay $0x1  }
0x53b: {  	(xrf2) =	vadd.scan.msk.f32 $0xffff, v10;
	_ =	sdelay $0x9  }
0x53c: {  	v10, _, _ =	vpop (xrf2)  }
0x53d: {  	v10 =	vmul.f32 $1.442695020e+00, v10;
	_ =	sdelay $0x1  }
0x53e: {  	v10 =	vbroadcast v10, $0xF;
	_ =	sdelay $0x1  }
0x53f: {  	(erf) = vpow2.f32 v10;
	_ =	sdelay $0x8  }
0x540: {  	v10 =	vpop (erf)  }
0x541: {  	v9 =	vmul.f32 v10, v9;
	v11 =	vmul.f32 v10, v13;
	v13 =	vnsel vm0, $0x0, v10  }
0x542: {  	v14 =	vmul.f32 v10, v14;
	v16 =	vmul.f32 v10, v23;
	[tilespmem:s8+$0xFFFFFFF0] =	vst v13  }
0x543: {  	v12 =	vmul.f32 v10, v12;
	v13 =	vmul.f32 v10, v19;
	[tilespmem:s8+$0xFFFFFFE0] =	vst v11  }
0x544: {  	[tilespmem:s8+$0xFFFFFF70] =	vst v9;
	v9 =	vmul.f32 v10, v15;
	v10 =	vmul.f32 v10, v21  }
0x545: {  	[tilespmem:s8+$0xFFFFFF90] =	vst v14  }
0x546: {  	[tilespmem:s8+$0xFFFFFFB0] =	vst v13  }
0x547: {  	[tilespmem:s8+$0xFFFFFFA0] =	vst v9  }
0x548: {  	[tilespmem:s8+$0xFFFFFFD0] =	vst v16  }
0x549: {  	[tilespmem:s8+$0xFFFFFFC0] =	vst v10  }
0x54a: {  	[tilespmem:s8+$0xFFFFFF80] =	vst v12  }
0x54b: {  	v13 =	vld [tilespmem:s10+$0x10]  }
0x54c: {  	v10 =	vld [tilespmem:s9+$0x0]  }
0x54d: {  	v11 =	vld [tilespmem:s9+$0x10]  }
0x54e: {  	v14 =	vld [tilespmem:s10+$0x0]  }
0x54f: {  	v15 =	vld [tilespmem:s10+$0x20]  }
0x550: {  	v9 =	vld [tilespmem:s9+$0x20]  }
0x551: {  	v16 =	vld [tilespmem:s10+$0x30]  }
0x552: {  	v12 =	vld [tilespmem:s9+$0x30]  }
0x553: {  	v13 =	vadd.f32 v13, v11;
	v14 =	vadd.f32 v14, v10;
	_ =	sdelay $0x1  }
0x554: {  	v18 =	vmul.f32 $2.000000030e-01, v13;
	v17 =	vmul.f32 $2.000000030e-01, v14;
	v15 =	vadd.f32 v15, v9  }
0x555: {  	v19 =	vld [tilespmem:s10+$0x40]  }
0x556: {  	v18 =	vmax.f32 v13, v18;
	v20 =	vmul.f32 $2.000000030e-01, v15;
	v16 =	vadd.f32 v16, v12;
	v13 =	vld [tilespmem:s9+$0x40]  }
0x557: {  	v14 =	vmax.f32 v14, v17;
	v17 =	vmul.f32 v18, v2;
	v18 =	vld [tilespmem:s10+$0x50]  }
0x558: {  	v21 =	vmul.f32 v14, v1;
	v15 =	vmax.f32 v15, v20;
	v20 =	vmul.f32 $2.000000030e-01, v16;
	v14 =	vld [tilespmem:s9+$0x50]  }
0x559: {  	v22 =	vmul.f32 v15, v3;
	v23 =	vld [tilespmem:s10+$0x60]  }
0x55a: {  	v21 =	vadd.f32 $0.0e+00, v21;
	v16 =	vmax.f32 v16, v20;
	v15 =	vld [tilespmem:s9+$0x60]  }
0x55b: {  	v20 =	vmul.f32 v16, v4;
	v19 =	vadd.f32 v19, v13;
	v24 =	vld [tilespmem:s10+$0x70]  }
0x55c: {  	v17 =	vadd.f32 v17, v21;
	v16 =	vld [tilespmem:s9+$0x70]  }
0x55d: {  	v21 =	vmul.f32 $2.000000030e-01, v19;
	v18 =	vadd.f32 v18, v14  }
0x55e: {  	v17 =	vadd.f32 v22, v17  }
0x55f: {  	v19 =	vmax.f32 v19, v21;
	v21 =	vmul.f32 $2.000000030e-01, v18;
	v22 =	vadd.f32 v23, v15  }
0x560: {  	v17 =	vadd.f32 v20, v17;
	v19 =	vmul.f32 v19, v5  }
0x561: {  	v18 =	vmax.f32 v18, v21;
	v20 =	vmul.f32 $2.000000030e-01, v22;
	v21 =	vadd.f32 v24, v16  }
0x562: {  	v17 =	vadd.f32 v19, v17;
	v18 =	vmul.f32 v18, v6  }
0x563: {  	v19 =	vmax.f32 v22, v20;
	v20 =	vmul.f32 $2.000000030e-01, v21  }
0x564: {  	v17 =	vadd.f32 v18, v17;
	v18 =	vmul.f32 v19, v7  }
0x565: {  	v19 =	vmax.f32 v21, v20  }
0x566: {  	v17 =	vadd.f32 v18, v17;
	v18 =	vmul.f32 v19, v8;
	_ =	sdelay $0x1  }
0x567: {  	v17 =	vadd.f32 v18, v17;
	_ =	sdelay $0x1  }
0x568: {  	(xrf2) =	vadd.scan.msk.f32 $0xffff, v17;
	_ =	sdelay $0x9  }
0x569: {  	v17, _, _ =	vpop (xrf2)  }
.Ltmp7:
0x56a: {  	v17 =	vmul.f32 $1.442695020e+00, v17;
	(pc) =	sbr.rel @p0 .LBB2_16-.Ltmp7, $3  }
0x56b: {  	_ = 	snop  }
0x56c: {  	v17 =	vbroadcast v17, $0xF;
	_ =	sdelay $0x1  }
0x56d: {  	s8 =	sadd.s32 $0x120, s8;
	(erf) = vpow2.f32 v17  }
0x56e: {  	_ =	sdelay $0x7  }
0x56f: {  	v1 =	vpop (erf)  }
0x570: {  	v2 =	vmul.f32 v1, v10;
	v3 =	vnsel vm0, $0x0, v1  }
0x571: {  	v4 =	vmul.f32 v1, v11;
	[tilespmem:s11+$0x80] =	vst v3  }
0x572: {  	v63 =	vmul.f32 v1, v16;
	[tilespmem:s11+$0x0] =	vst v2  }
0x573: {  	v3 =	vmul.f32 v1, v12;
	[tilespmem:s11+$0x10] =	vst v4  }
0x574: {  	v2 =	vmul.f32 v1, v14;
	[tilespmem:s11+$0x70] =	vst v63  }
0x575: {  	[tilespmem:s11+$0x30] =	vst v3;
	v3 =	vmul.f32 v1, v9  }
0x576: {  	[tilespmem:s11+$0x50] =	vst v2;
	v2 =	vmul.f32 v1, v13  }
0x577: {  	v1 =	vmul.f32 v1, v15;
	[tilespmem:s11+$0x20] =	vst v3  }
0x578: {  	[tilespmem:s11+$0x40] =	vst v2  }
0x579: {  	[tilespmem:s11+$0x60] =	vst v1  }
0x57a: {  	[spmem:s3] =	stream.indirect.scatter.add.f32 [tilespmem:s26], [sflag:$0x8], $0x90, s25, s17, $0xb8;
	[tilespmem:$0x1DE00] =	vst v63  }
0x57b: {  	_ =	swait.ge [sflag:s28], $0x1680  }
0x57c: {  	[sflag:s28] =	ssyncset.done $0x0  }
0x57d: {  	[sflag:s28] =	ssyncadd.s32 $0xFFFFE980  }
0x57e: {  	_ =	swait.ge [sflag:s5], $0x1680  }
0x57f: {  	[sflag:s5] =	ssyncset.done $0x0  }
0x580: {  	[sflag:s5] =	ssyncadd.s32 $0xFFFFE980  }
0x581: {  	s8 =	stileid.u32;
	[bflag:$0x0] =	sbarrier.arrive $0xFFFF  }
0x582: {  	s8 =	sshll.u32 s8, $0x6;
	s9 =	rddreg [dreg:$0x5]  }
0x583: {  	s8 =	sor.u32 $0x1C09, s8;
	s10 =	rddreg [dreg:$0xa];
	s9 =	sshrl.u32 s9, $0x3  }
0x584: {  	[hbm:s10], [sflag:s8] =	dma.local [spmem:s9], $0x8CA  }
0x585: {  	_ =	swait.ge [sflag:s15], $0x8CA  }
0x586: {  	[sflag:s15] =	ssyncset.done $0x0;
	s13 =	rddreg [dreg:$0xb]  }
0x587: {  	s14 =	rddreg [dreg:$0x1f];
	[sflag:s15] =	ssyncadd.s32 $0xFFFFF736  }
0x588: {  	[hbm:s13], [sflag:s8] =	dma.local [spmem:s14], $0x8CA  }
0x589: {  	_ =	swait.ge [sflag:s15], $0x8CA  }
0x58a: {  	s12 =	sld [smem:$0x7FB]  }
0x58b: {  	[sflag:s15] =	ssyncset.done $0x0  }
0x58c: {  	s11 =	rddreg [dreg:$0xc];
	[sflag:s15] =	ssyncadd.s32 $0xFFFFF736  }
0x58d: {  	[hbm:s11], [sflag:s8] =	dma.local [spmem:s12], $0x8CA  }
0x58e: {  	_ =	swait.ge [sflag:s15], $0x8CA  }
0x58f: {  	s14 =	sld [smem:$0x7FC]  }
0x590: {  	[sflag:s15] =	ssyncset.done $0x0  }
0x591: {  	s13 =	rddreg [dreg:$0xd];
	[sflag:s15] =	ssyncadd.s32 $0xFFFFF736  }
0x592: {  	[hbm:s13], [sflag:s8] =	dma.local [spmem:s14], $0x8CA  }
0x593: {  	_ =	swait.ge [sflag:s15], $0x8CA  }
0x594: {  	s12 =	sld [smem:$0x7FD]  }
0x595: {  	[sflag:s15] =	ssyncset.done $0x0  }
0x596: {  	s11 =	rddreg [dreg:$0xe];
	[sflag:s15] =	ssyncadd.s32 $0xFFFFF736  }
0x597: {  	[hbm:s11], [sflag:s8] =	dma.local [spmem:s12], $0x8CA  }
0x598: {  	_ =	swait.ge [sflag:s15], $0x8CA  }
0x599: {  	s13 =	sld [smem:$0x7FA];
	_ =	sdelay $0x2  }
0x59a: {  	s14 =	rddreg [dreg:$0x1e];
	s9 =	sadd.s32 $0x1, s13  }
0x59b: {  	p0 =	sne.s32 s9, s14  }
.Ltmp8:
0x59c: {  	_ = 	snop;
	(pc) =	sbr.rel @p0 .LBB2_1-.Ltmp8, $3  }
0x59d: {  	_ =	sdelay $0x1  }
0x59e: {  	[sflag:s15] =	ssyncset.done $0x0  }
0x59f: {  	[sflag:s15] =	ssyncadd.s32 $0xFFFFF736  }
0x5a0: {  	_ =	sfence.sel $0x180000  }
0x5a1: {  	[bflag:$0x0] =	sbarrier.arrive $0xFFFF  }
0x5a2: {  	_ =	strace $0x90000047  }
0x5a3: {  	s0 =	stileid.u32;
	[bflag:$0x2] =	sbarrier.arrive $0xFFFF  }
0x5a4: {  	p0 =	sne.s32 s0, $0x0;
	s0 =	rddreg [dreg:$0x4]  }
0x5a5: {  	s0 =	sadd.s32 @!p0 $0x100000, s0  }
0x5a6: {  	[sflag:s0] =	ssyncadd.tile.s32 @!p0 $0x1;
	_ =	shalt  }
.Lfunc_end2:
_tile_overlayer_lowered:
.L_overlay_start_2:
0x5a7: {  	(tag) =	ssettag $0x2  }
0x5a8: {  	s0 =	rddreg [dreg:$0x0];
	s2 =	stileid.u32  }
0x5a9: {  	s1 =	rddreg [dreg:$0x1];
	p0 =	sne.s32 s2, $0x0  }
0x5aa: {  	s3 =	rddreg [dreg:$0x2];
	[bflag:$0x3] =	sbarrier.arrive $0xFFFF;
	s2 =	simm.s32 @!p0 $0x1C09  }
0x5ab: {  	[timem:s3], [sflag:s2] =	dma.local @!p0 [hbm:s0], s1  }
0x5ac: {  	s0 =	simm.s32 @!p0 $0x9  }
0x5ad: {  	_ =	swait.ge @!p0 [sflag:s0], s1  }
0x5ae: {  	s1 =	ssub.s32 @!p0 $0x0, s1;
	[sflag:s0] =	ssyncset.done @!p0 $0x0  }
0x5af: {  	[sflag:s0] =	ssyncadd.s32 @!p0 s1  }
0x5b0: {  	[bflag:$0x3] =	sbarrier.arrive $0xFFFF  }
0x5b1: {  	_ =	shalt  }

</sc_bundles>
